<compile_context>
chip_gen: v7x
topology: tpu7x:2x2x1
jax: 0.10.2.dev20260603
libtpu: 0.0.44.dev20260713+nightly
codegen_flags: <defaults>
</compile_context>

<pallas_src>
import functools

import jax
import jax.numpy as jnp
from jax import lax
from jax.experimental import pallas as pl
from jax.experimental.pallas import tpu as pltpu
from jax.experimental.pallas import tpu_sc as plsc

VOCAB = 1000000
EMB = 128
ENC = 128
HID = 128
B = 1024
L = 50
NSPLIT = 2
BH = B // NSPLIT
BH_BITS = 9

_CH = 80


def _sc_gather(table, xflat):
    info = plsc.get_sparse_core_info()
    nw = info.num_cores * info.num_subcores
    num_cores = info.num_cores
    n_rows = BH * L
    b_per_w = n_rows // nw
    n_ch = b_per_w // _CH
    mesh = plsc.VectorSubcoreMesh(core_axis_name="c", subcore_axis_name="s")

    @functools.partial(
        pl.kernel,
        out_type=jax.ShapeDtypeStruct((n_rows, EMB), jnp.float32),
        mesh=mesh,
        scratch_types=[
            pltpu.VMEM((n_ch, _CH), jnp.int32),
            pltpu.VMEM((n_ch, _CH), jnp.int32),
            pltpu.VMEM((_CH, EMB), jnp.float32),
            pltpu.VMEM((_CH, EMB), jnp.float32),
            pltpu.SemaphoreType.DMA,
            pltpu.SemaphoreType.DMA,
            pltpu.SemaphoreType.DMA,
            pltpu.SemaphoreType.DMA,
            pltpu.SemaphoreType.DMA,
        ],
    )
    def k(table_hbm, x_hbm, out_hbm, addr_v, idx_v, rows0, rows1,
          asem, g0, g1, o0, o1):
        wid = lax.axis_index("s") * num_cores + lax.axis_index("c")
        base = wid * b_per_w
        lanes = lax.iota(jnp.int32, 16)
        for i in range(b_per_w // 16):
            kv = (base + i * 16) + lanes
            lpos = jax.lax.shift_right_logical(kv, BH_BITS)
            bpos = jax.lax.bitwise_and(kv, BH - 1)
            addr_v[(i * 16) // _CH, pl.ds((i * 16) % _CH, 16)] = \
                bpos * L + lpos
        ah = [pltpu.async_copy(x_hbm.at[addr_v.at[j]], idx_v.at[j], asem)
              for j in range(n_ch)]
        rows = (rows0, rows1)
        gsem = (g0, g1)
        osem = (o0, o1)
        gh = [None, None]
        oh = [None, None]
        for j in range(n_ch + 1):
            s = j % 2
            if j < n_ch:
                if oh[s] is not None:
                    oh[s].wait()
                    oh[s] = None
                ah[j].wait()
                gh[s] = pltpu.async_copy(
                    table_hbm.at[idx_v.at[j]], rows[s], gsem[s]
                )
            if j >= 1:
                p = (j - 1) % 2
                gh[p].wait()
                oh[p] = pltpu.async_copy(
                    rows[p], out_hbm.at[pl.ds(base + (j - 1) * _CH, _CH)], osem[p]
                )
        for p in range(2):
            if oh[p] is not None:
                oh[p].wait()

    return k(table, xflat)




def _rnn_kernel(emb_ref, wc_ref, bc_ref, wif_ref, bif_ref, whf_ref, bhf_ref,
                wib_ref, bib_ref, whb_ref, bhb_ref, out_ref,
                h_ref, m_ref):
    f32 = jnp.float32
    wc = wc_ref[...]
    a_f = lax.dot_general(wc, wif_ref[...], (((0,), (1,)), ((), ())),
                          preferred_element_type=f32)
    a_b = lax.dot_general(wc, wib_ref[...], (((0,), (1,)), ((), ())),
                          preferred_element_type=f32)
    c_f = lax.dot_general(bc_ref[...], wif_ref[...], (((1,), (1,)), ((), ())),
                          preferred_element_type=f32) + bif_ref[...]
    c_b = lax.dot_general(bc_ref[...], wib_ref[...], (((1,), (1,)), ((), ())),
                          preferred_element_type=f32) + bib_ref[...]
    whf_t = lax.transpose(whf_ref[...], (1, 0))
    whb_t = lax.transpose(whb_ref[...], (1, 0))
    bhf = bhf_ref[...]
    bhb = bhb_ref[...]
    brz_f = c_f[:, :2 * HID] + bhf[:, :2 * HID]
    brz_b = c_b[:, :2 * HID] + bhb[:, :2 * HID]
    cn_f = c_f[:, 2 * HID:]
    cn_b = c_b[:, 2 * HID:]
    bhn_f = bhf[:, 2 * HID:]
    bhn_b = bhb[:, 2 * HID:]

    h_ref[...] = jnp.zeros((BH, 2 * HID), f32)
    m_ref[...] = jnp.full((BH, 2 * HID), -jnp.inf, f32)

    def gates(gi_d, gh_d, h_d, brz, cn, bhn):
        s = gi_d[:, :2 * HID] + gh_d[:, :2 * HID] + brz
        r = 0.5 * jnp.tanh(0.5 * s[:, :HID]) + 0.5
        z = 0.5 * jnp.tanh(0.5 * s[:, HID:]) + 0.5
        n = jnp.tanh((gi_d[:, 2 * HID:] + cn) + r * (gh_d[:, 2 * HID:] + bhn))
        return n + z * (h_d - n)

    def substep(t):
        gi_f = lax.dot_general(emb_ref[t], a_f, (((1,), (0,)), ((), ())),
                               preferred_element_type=f32)
        gi_b = lax.dot_general(emb_ref[L - 1 - t], a_b,
                               (((1,), (0,)), ((), ())),
                               preferred_element_type=f32)
        hc = h_ref[...]
        gh_f = lax.dot_general(hc[:, :HID], whf_t, (((1,), (0,)), ((), ())),
                               preferred_element_type=f32)
        gh_b = lax.dot_general(hc[:, HID:], whb_t, (((1,), (0,)), ((), ())),
                               preferred_element_type=f32)
        h_f = gates(gi_f, gh_f, hc[:, :HID], brz_f, cn_f, bhn_f)
        h_b = gates(gi_b, gh_b, hc[:, HID:], brz_b, cn_b, bhn_b)
        h_ref[:, :HID] = h_f
        h_ref[:, HID:] = h_b
        m_ref[:, :HID] = jnp.maximum(m_ref[:, :HID], h_f)
        m_ref[:, HID:] = jnp.maximum(m_ref[:, HID:], h_b)

    def step(t, _):
        substep(2 * t)
        substep(2 * t + 1)
        return 0

    lax.fori_loop(0, L // 2, step, 0)
    out_ref[...] = m_ref[...]


def _tc_rnn(emb, wc, bc, wif, bif, whf, bhf, wib, bib, whb, bhb):
    return pl.pallas_call(
        _rnn_kernel,
        out_shape=jax.ShapeDtypeStruct((BH, 2 * HID), jnp.float32),
        scratch_shapes=[
            pltpu.VMEM((BH, 2 * HID), jnp.float32),
            pltpu.VMEM((BH, 2 * HID), jnp.float32),
        ],
    )(emb, wc, bc, wif, bif, whf, bhf, wib, bib, whb, bhb)


def kernel(x, table, W_c, b_c, W_ih_f, W_hh_f, b_ih_f, b_hh_f,
           W_ih_b, W_hh_b, b_ih_b, b_hh_b):
    weights = (
        W_c, b_c.reshape(1, ENC),
        W_ih_f, b_ih_f.reshape(1, 3 * HID), W_hh_f, b_hh_f.reshape(1, 3 * HID),
        W_ih_b, b_ih_b.reshape(1, 3 * HID), W_hh_b, b_hh_b.reshape(1, 3 * HID),
    )
    outs = []
    for m in range(NSPLIT):
        xflat = x[m * BH:(m + 1) * BH].reshape(-1)
        emb = _sc_gather(table, xflat).reshape(L, BH, EMB)
        outs.append(_tc_rnn(emb, *weights))
    return jnp.concatenate(outs, axis=0)

# --- scband reference (transcript-rebuilt; emitter-appended) ---
"""Pipeline reference for scband-batch-program-encoder-10153302688334 (READ-ONLY COPY).

The authoritative reference and input builder live on the scoring server;
editing this copy changes nothing except your own understanding.
"""

import jax, jax.numpy as jnp
import numpy as np

VOCAB = 1000000
EMB = 128
ENC = 128
HID = 128
B = 1024
L = 50


def setup_inputs(seed: int = 0) -> dict:
    key = jax.random.key(seed)
    ks = jax.random.split(key, 13)
    x = jax.random.randint(ks[0], (B, L), 0, VOCAB - 1, dtype=jnp.int32)
    table = jax.random.normal(ks[1], (VOCAB, EMB), dtype=jnp.float32) * 0.02
    W_c = jax.random.normal(ks[2], (ENC, EMB), dtype=jnp.float32) * 0.05
    b_c = jax.random.normal(ks[3], (ENC,), dtype=jnp.float32) * 0.01
    W_ih_f = jax.random.normal(ks[4], (3 * HID, ENC), dtype=jnp.float32) * 0.05
    W_hh_f = jax.random.normal(ks[5], (3 * HID, HID), dtype=jnp.float32) * 0.05
    b_ih_f = jax.random.normal(ks[6], (3 * HID,), dtype=jnp.float32) * 0.01
    b_hh_f = jax.random.normal(ks[7], (3 * HID,), dtype=jnp.float32) * 0.01
    W_ih_b = jax.random.normal(ks[8], (3 * HID, ENC), dtype=jnp.float32) * 0.05
    W_hh_b = jax.random.normal(ks[9], (3 * HID, HID), dtype=jnp.float32) * 0.05
    b_ih_b = jax.random.normal(ks[10], (3 * HID,), dtype=jnp.float32) * 0.01
    b_hh_b = jax.random.normal(ks[11], (3 * HID,), dtype=jnp.float32) * 0.01
    return {"x": x, "table": table, "W_c": W_c, "b_c": b_c,
            "W_ih_f": W_ih_f, "W_hh_f": W_hh_f, "b_ih_f": b_ih_f, "b_hh_f": b_hh_f,
            "W_ih_b": W_ih_b, "W_hh_b": W_hh_b, "b_ih_b": b_ih_b, "b_hh_b": b_hh_b}


def _gru_direction(x_seq, W_ih, W_hh, b_ih, b_hh):
    # x_seq: [L, B, ENC] -> ys: [L, B, HID]
    H = W_hh.shape[1]

    def step(h, x_t):
        gi = x_t @ W_ih.T + b_ih
        gh = h @ W_hh.T + b_hh
        i_r, i_z, i_n = jnp.split(gi, 3, axis=-1)
        h_r, h_z, h_n = jnp.split(gh, 3, axis=-1)
        r = jax.nn.sigmoid(i_r + h_r)
        z = jax.nn.sigmoid(i_z + h_z)
        n = jnp.tanh(i_n + r * h_n)
        h_new = (1.0 - z) * n + z * h
        return h_new, h_new

    h0 = jnp.zeros((x_seq.shape[1], H), dtype=x_seq.dtype)
    _, ys = jax.lax.scan(step, h0, x_seq)
    return ys


def reference(x, table, W_c, b_c, W_ih_f, W_hh_f, b_ih_f, b_hh_f, W_ih_b, W_hh_b, b_ih_b, b_hh_b):
    # BatchTreeEncoder on depth-1 trees: per-statement encoding = W_c(embedding(token)),
    # node_list max-reduce over a single level is the identity.
    emb = jnp.take(table, x, axis=0)                 # [B, L, EMB]  gather from embedding table
    enc = emb @ W_c.T + b_c                          # [B, L, ENC]  statement encodings
    # bidirectional single-layer GRU, batch_first
    x_t = jnp.transpose(enc, (1, 0, 2))              # [L, B, ENC]
    out_f = _gru_direction(x_t, W_ih_f, W_hh_f, b_ih_f, b_hh_f)
    out_b = _gru_direction(x_t[::-1], W_ih_b, W_hh_b, b_ih_b, b_hh_b)[::-1]
    gru_out = jnp.concatenate([out_f, out_b], axis=-1)   # [L, B, 2H]
    gru_out = jnp.transpose(gru_out, (1, 0, 2))          # [B, L, 2H]
    # max_pool1d over full time dimension == max over seq
    return jnp.max(gru_out, axis=1)                      # [B, 2H]

if __name__ == "__main__":
    import jax
    _d = setup_inputs()
    print(jax.jit(kernel)(*tuple(_d.values())))

</pallas_src>

<mosaic_0001>
#map = affine_map<(d0, d1) -> (0, 0)>
#map1 = affine_map<(d0, d1) -> (0)>
module attributes {stable_mosaic.version = 14 : i64} {
  func.func @k(%arg0: i32, %arg1: i32, %arg2: memref<1000000x128xf32, #tpu.memory_space<hbm>>, %arg3: memref<25600xi32, #tpu.memory_space<hbm>>, %arg4: memref<25600x128xf32, #tpu.memory_space<hbm>>, %arg5: memref<10x80xi32, #tpu.memory_space<vmem>>, %arg6: memref<10x80xi32, #tpu.memory_space<vmem>>, %arg7: memref<80x128xf32, #tpu.memory_space<vmem>>, %arg8: memref<80x128xf32, #tpu.memory_space<vmem>>, %arg9: memref<!tpu.dma_semaphore, #tpu.memory_space<semaphore_mem>>, %arg10: memref<!tpu.dma_semaphore, #tpu.memory_space<semaphore_mem>>, %arg11: memref<!tpu.dma_semaphore, #tpu.memory_space<semaphore_mem>>, %arg12: memref<!tpu.dma_semaphore, #tpu.memory_space<semaphore_mem>>, %arg13: memref<!tpu.dma_semaphore, #tpu.memory_space<semaphore_mem>>) attributes {dimension_semantics = [#tpu.dimension_semantics<core_parallel>, #tpu.dimension_semantics<subcore_parallel>], iteration_bounds = array<i64: 2, 16>, scalar_prefetch = 0 : i64, scratch_operands = 9 : i64, tpu.core_type = #tpu.core_type<sc_vector_subcore>, window_params = [{transform_indices = #map}, {transform_indices = #map1}, {transform_indices = #map}]} {
    %mul3A = arith.constant 2 : i32
    %mul3A_0 = arith.muli %arg1, %mul3A : i32
    %add3A = arith.addi %mul3A_0, %arg0 : i32
    %mul3A_1 = arith.constant 800 : i32
    %mul3A_2 = arith.muli %add3A, %mul3A_1 : i32
    %iota3A = tpu.iota {dimensions = array<i32: 0>} : vector<16xi32>
    %add3A_3 = arith.constant 0 : i32
    %add3A_4 = arith.addi %mul3A_2, %add3A_3 : i32
    %add3A_5 = vector.broadcast %add3A_4 : i32 to vector<16xi32>
    %add3A_6 = arith.addi %add3A_5, %iota3A : vector<16xi32>
    %shift_right_logical3A = arith.constant 9 : i32
    %shift_right_logical3A_7 = vector.broadcast %shift_right_logical3A : i32 to vector<16xi32>
    %shift_right_logical3A_8 = arith.shrui %add3A_6, %shift_right_logical3A_7 : vector<16xi32>
    %and3A = arith.constant 511 : i32
    %and3A_9 = vector.broadcast %and3A : i32 to vector<16xi32>
    %and3A_10 = arith.andi %add3A_6, %and3A_9 : vector<16xi32>
    %mul3A_11 = arith.constant 50 : i32
    %mul3A_12 = vector.broadcast %mul3A_11 : i32 to vector<16xi32>
    %mul3A_13 = arith.muli %and3A_10, %mul3A_12 : vector<16xi32>
    %add3A_14 = arith.addi %mul3A_13, %shift_right_logical3A_8 : vector<16xi32>
    %swap3A = arith.constant 0 : i32
    %swap3A_15 = arith.index_cast %swap3A : i32 to index
    %swap3A_16 = arith.constant 0 : index
    %swap3A_17 = tpu.vector_load %arg5[%swap3A_15, %swap3A_16] {strides = array<i32>} : memref<10x80xi32, #tpu.memory_space<vmem>>, vector<1x16xi32>,
    %swap3A_18 = vector.shape_cast %swap3A_17 : vector<1x16xi32> to vector<16xi32>
    %swap3A_19 = vector.shape_cast %add3A_14 : vector<16xi32> to vector<1x16xi32>
    tpu.vector_store %arg5[%swap3A_15, %swap3A_16], %swap3A_19 {strides = array<i32>} : memref<10x80xi32, #tpu.memory_space<vmem>>, vector<1x16xi32>,
    %add3A_20 = arith.constant 16 : i32
    %add3A_21 = arith.addi %mul3A_2, %add3A_20 : i32
    %add3A_22 = vector.broadcast %add3A_21 : i32 to vector<16xi32>
    %add3A_23 = arith.addi %add3A_22, %iota3A : vector<16xi32>
    %shift_right_logical3A_24 = arith.constant 9 : i32
    %shift_right_logical3A_25 = vector.broadcast %shift_right_logical3A_24 : i32 to vector<16xi32>
    %shift_right_logical3A_26 = arith.shrui %add3A_23, %shift_right_logical3A_25 : vector<16xi32>
    %and3A_27 = arith.constant 511 : i32
    %and3A_28 = vector.broadcast %and3A_27 : i32 to vector<16xi32>
    %and3A_29 = arith.andi %add3A_23, %and3A_28 : vector<16xi32>
    %mul3A_30 = arith.constant 50 : i32
    %mul3A_31 = vector.broadcast %mul3A_30 : i32 to vector<16xi32>
    %mul3A_32 = arith.muli %and3A_29, %mul3A_31 : vector<16xi32>
    %add3A_33 = arith.addi %mul3A_32, %shift_right_logical3A_26 : vector<16xi32>
    %swap3A_34 = arith.constant 0 : i32
    %swap3A_35 = arith.index_cast %swap3A_34 : i32 to index
    %swap3A_36 = arith.constant 16 : index
    %swap3A_37 = tpu.vector_load %arg5[%swap3A_35, %swap3A_36] {strides = array<i32>} : memref<10x80xi32, #tpu.memory_space<vmem>>, vector<1x16xi32>,
    %swap3A_38 = vector.shape_cast %swap3A_37 : vector<1x16xi32> to vector<16xi32>
    %swap3A_39 = vector.shape_cast %add3A_33 : vector<16xi32> to vector<1x16xi32>
    tpu.vector_store %arg5[%swap3A_35, %swap3A_36], %swap3A_39 {strides = array<i32>} : memref<10x80xi32, #tpu.memory_space<vmem>>, vector<1x16xi32>,
    %add3A_40 = arith.constant 32 : i32
    %add3A_41 = arith.addi %mul3A_2, %add3A_40 : i32
    %add3A_42 = vector.broadcast %add3A_41 : i32 to vector<16xi32>
    %add3A_43 = arith.addi %add3A_42, %iota3A : vector<16xi32>
    %shift_right_logical3A_44 = arith.constant 9 : i32
    %shift_right_logical3A_45 = vector.broadcast %shift_right_logical3A_44 : i32 to vector<16xi32>
    %shift_right_logical3A_46 = arith.shrui %add3A_43, %shift_right_logical3A_45 : vector<16xi32>
    %and3A_47 = arith.constant 511 : i32
    %and3A_48 = vector.broadcast %and3A_47 : i32 to vector<16xi32>
    %and3A_49 = arith.andi %add3A_43, %and3A_48 : vector<16xi32>
    %mul3A_50 = arith.constant 50 : i32
    %mul3A_51 = vector.broadcast %mul3A_50 : i32 to vector<16xi32>
    %mul3A_52 = arith.muli %and3A_49, %mul3A_51 : vector<16xi32>
    %add3A_53 = arith.addi %mul3A_52, %shift_right_logical3A_46 : vector<16xi32>
    %swap3A_54 = arith.constant 0 : i32
    %swap3A_55 = arith.index_cast %swap3A_54 : i32 to index
    %swap3A_56 = arith.constant 32 : index
    %swap3A_57 = tpu.vector_load %arg5[%swap3A_55, %swap3A_56] {strides = array<i32>} : memref<10x80xi32, #tpu.memory_space<vmem>>, vector<1x16xi32>,
    %swap3A_58 = vector.shape_cast %swap3A_57 : vector<1x16xi32> to vector<16xi32>
    %swap3A_59 = vector.shape_cast %add3A_53 : vector<16xi32> to vector<1x16xi32>
    tpu.vector_store %arg5[%swap3A_55, %swap3A_56], %swap3A_59 {strides = array<i32>} : memref<10x80xi32, #tpu.memory_space<vmem>>, vector<1x16xi32>,
    %add3A_60 = arith.constant 48 : i32
    %add3A_61 = arith.addi %mul3A_2, %add3A_60 : i32
    %add3A_62 = vector.broadcast %add3A_61 : i32 to vector<16xi32>
    %add3A_63 = arith.addi %add3A_62, %iota3A : vector<16xi32>
    %shift_right_logical3A_64 = arith.constant 9 : i32
    %shift_right_logical3A_65 = vector.broadcast %shift_right_logical3A_64 : i32 to vector<16xi32>
    %shift_right_logical3A_66 = arith.shrui %add3A_63, %shift_right_logical3A_65 : vector<16xi32>
    %and3A_67 = arith.constant 511 : i32
    %and3A_68 = vector.broadcast %and3A_67 : i32 to vector<16xi32>
    %and3A_69 = arith.andi %add3A_63, %and3A_68 : vector<16xi32>
    %mul3A_70 = arith.constant 50 : i32
    %mul3A_71 = vector.broadcast %mul3A_70 : i32 to vector<16xi32>
    %mul3A_72 = arith.muli %and3A_69, %mul3A_71 : vector<16xi32>
    %add3A_73 = arith.addi %mul3A_72, %shift_right_logical3A_66 : vector<16xi32>
    %swap3A_74 = arith.constant 0 : i32
    %swap3A_75 = arith.index_cast %swap3A_74 : i32 to index
    %swap3A_76 = arith.constant 48 : index
    %swap3A_77 = tpu.vector_load %arg5[%swap3A_75, %swap3A_76] {strides = array<i32>} : memref<10x80xi32, #tpu.memory_space<vmem>>, vector<1x16xi32>,
    %swap3A_78 = vector.shape_cast %swap3A_77 : vector<1x16xi32> to vector<16xi32>
    %swap3A_79 = vector.shape_cast %add3A_73 : vector<16xi32> to vector<1x16xi32>
    tpu.vector_store %arg5[%swap3A_75, %swap3A_76], %swap3A_79 {strides = array<i32>} : memref<10x80xi32, #tpu.memory_space<vmem>>, vector<1x16xi32>,
    %add3A_80 = arith.constant 64 : i32
    %add3A_81 = arith.addi %mul3A_2, %add3A_80 : i32
    %add3A_82 = vector.broadcast %add3A_81 : i32 to vector<16xi32>
    %add3A_83 = arith.addi %add3A_82, %iota3A : vector<16xi32>
    %shift_right_logical3A_84 = arith.constant 9 : i32
    %shift_right_logical3A_85 = vector.broadcast %shift_right_logical3A_84 : i32 to vector<16xi32>
    %shift_right_logical3A_86 = arith.shrui %add3A_83, %shift_right_logical3A_85 : vector<16xi32>
    %and3A_87 = arith.constant 511 : i32
    %and3A_88 = vector.broadcast %and3A_87 : i32 to vector<16xi32>
    %and3A_89 = arith.andi %add3A_83, %and3A_88 : vector<16xi32>
    %mul3A_90 = arith.constant 50 : i32
    %mul3A_91 = vector.broadcast %mul3A_90 : i32 to vector<16xi32>
    %mul3A_92 = arith.muli %and3A_89, %mul3A_91 : vector<16xi32>
    %add3A_93 = arith.addi %mul3A_92, %shift_right_logical3A_86 : vector<16xi32>
    %swap3A_94 = arith.constant 0 : i32
    %swap3A_95 = arith.index_cast %swap3A_94 : i32 to index
    %swap3A_96 = arith.constant 64 : index
    %swap3A_97 = tpu.vector_load %arg5[%swap3A_95, %swap3A_96] {strides = array<i32>} : memref<10x80xi32, #tpu.memory_space<vmem>>, vector<1x16xi32>,
    %swap3A_98 = vector.shape_cast %swap3A_97 : vector<1x16xi32> to vector<16xi32>
    %swap3A_99 = vector.shape_cast %add3A_93 : vector<16xi32> to vector<1x16xi32>
    tpu.vector_store %arg5[%swap3A_95, %swap3A_96], %swap3A_99 {strides = array<i32>} : memref<10x80xi32, #tpu.memory_space<vmem>>, vector<1x16xi32>,
    %add3A_100 = arith.constant 80 : i32
    %add3A_101 = arith.addi %mul3A_2, %add3A_100 : i32
    %add3A_102 = vector.broadcast %add3A_101 : i32 to vector<16xi32>
    %add3A_103 = arith.addi %add3A_102, %iota3A : vector<16xi32>
    %shift_right_logical3A_104 = arith.constant 9 : i32
    %shift_right_logical3A_105 = vector.broadcast %shift_right_logical3A_104 : i32 to vector<16xi32>
    %shift_right_logical3A_106 = arith.shrui %add3A_103, %shift_right_logical3A_105 : vector<16xi32>
    %and3A_107 = arith.constant 511 : i32
    %and3A_108 = vector.broadcast %and3A_107 : i32 to vector<16xi32>
    %and3A_109 = arith.andi %add3A_103, %and3A_108 : vector<16xi32>
    %mul3A_110 = arith.constant 50 : i32
    %mul3A_111 = vector.broadcast %mul3A_110 : i32 to vector<16xi32>
    %mul3A_112 = arith.muli %and3A_109, %mul3A_111 : vector<16xi32>
    %add3A_113 = arith.addi %mul3A_112, %shift_right_logical3A_106 : vector<16xi32>
    %swap3A_114 = arith.constant 1 : i32
    %swap3A_115 = arith.index_cast %swap3A_114 : i32 to index
    %swap3A_116 = arith.constant 0 : index
    %swap3A_117 = tpu.vector_load %arg5[%swap3A_115, %swap3A_116] {strides = array<i32>} : memref<10x80xi32, #tpu.memory_space<vmem>>, vector<1x16xi32>,
    %swap3A_118 = vector.shape_cast %swap3A_117 : vector<1x16xi32> to vector<16xi32>
    %swap3A_119 = vector.shape_cast %add3A_113 : vector<16xi32> to vector<1x16xi32>
    tpu.vector_store %arg5[%swap3A_115, %swap3A_116], %swap3A_119 {strides = array<i32>} : memref<10x80xi32, #tpu.memory_space<vmem>>, vector<1x16xi32>,
    %add3A_120 = arith.constant 96 : i32
    %add3A_121 = arith.addi %mul3A_2, %add3A_120 : i32
    %add3A_122 = vector.broadcast %add3A_121 : i32 to vector<16xi32>
    %add3A_123 = arith.addi %add3A_122, %iota3A : vector<16xi32>
    %shift_right_logical3A_124 = arith.constant 9 : i32
    %shift_right_logical3A_125 = vector.broadcast %shift_right_logical3A_124 : i32 to vector<16xi32>
    %shift_right_logical3A_126 = arith.shrui %add3A_123, %shift_right_logical3A_125 : vector<16xi32>
    %and3A_127 = arith.constant 511 : i32
    %and3A_128 = vector.broadcast %and3A_127 : i32 to vector<16xi32>
    %and3A_129 = arith.andi %add3A_123, %and3A_128 : vector<16xi32>
    %mul3A_130 = arith.constant 50 : i32
    %mul3A_131 = vector.broadcast %mul3A_130 : i32 to vector<16xi32>
    %mul3A_132 = arith.muli %and3A_129, %mul3A_131 : vector<16xi32>
    %add3A_133 = arith.addi %mul3A_132, %shift_right_logical3A_126 : vector<16xi32>
    %swap3A_134 = arith.constant 1 : i32
    %swap3A_135 = arith.index_cast %swap3A_134 : i32 to index
    %swap3A_136 = arith.constant 16 : index
    %swap3A_137 = tpu.vector_load %arg5[%swap3A_135, %swap3A_136] {strides = array<i32>} : memref<10x80xi32, #tpu.memory_space<vmem>>, vector<1x16xi32>,
    %swap3A_138 = vector.shape_cast %swap3A_137 : vector<1x16xi32> to vector<16xi32>
    %swap3A_139 = vector.shape_cast %add3A_133 : vector<16xi32> to vector<1x16xi32>
    tpu.vector_store %arg5[%swap3A_135, %swap3A_136], %swap3A_139 {strides = array<i32>} : memref<10x80xi32, #tpu.memory_space<vmem>>, vector<1x16xi32>,
    %add3A_140 = arith.constant 112 : i32
    %add3A_141 = arith.addi %mul3A_2, %add3A_140 : i32
    %add3A_142 = vector.broadcast %add3A_141 : i32 to vector<16xi32>
    %add3A_143 = arith.addi %add3A_142, %iota3A : vector<16xi32>
    %shift_right_logical3A_144 = arith.constant 9 : i32
    %shift_right_logical3A_145 = vector.broadcast %shift_right_logical3A_144 : i32 to vector<16xi32>
    %shift_right_logical3A_146 = arith.shrui %add3A_143, %shift_right_logical3A_145 : vector<16xi32>
    %and3A_147 = arith.constant 511 : i32
    %and3A_148 = vector.broadcast %and3A_147 : i32 to vector<16xi32>
    %and3A_149 = arith.andi %add3A_143, %and3A_148 : vector<16xi32>
    %mul3A_150 = arith.constant 50 : i32
    %mul3A_151 = vector.broadcast %mul3A_150 : i32 to vector<16xi32>
    %mul3A_152 = arith.muli %and3A_149, %mul3A_151 : vector<16xi32>
    %add3A_153 = arith.addi %mul3A_152, %shift_right_logical3A_146 : vector<16xi32>
    %swap3A_154 = arith.constant 1 : i32
    %swap3A_155 = arith.index_cast %swap3A_154 : i32 to index
    %swap3A_156 = arith.constant 32 : index
    %swap3A_157 = tpu.vector_load %arg5[%swap3A_155, %swap3A_156] {strides = array<i32>} : memref<10x80xi32, #tpu.memory_space<vmem>>, vector<1x16xi32>,
    %swap3A_158 = vector.shape_cast %swap3A_157 : vector<1x16xi32> to vector<16xi32>
    %swap3A_159 = vector.shape_cast %add3A_153 : vector<16xi32> to vector<1x16xi32>
    tpu.vector_store %arg5[%swap3A_155, %swap3A_156], %swap3A_159 {strides = array<i32>} : memref<10x80xi32, #tpu.memory_space<vmem>>, vector<1x16xi32>,
    %add3A_160 = arith.constant 128 : i32
    %add3A_161 = arith.addi %mul3A_2, %add3A_160 : i32
    %add3A_162 = vector.broadcast %add3A_161 : i32 to vector<16xi32>
    %add3A_163 = arith.addi %add3A_162, %iota3A : vector<16xi32>
    %shift_right_logical3A_164 = arith.constant 9 : i32
    %shift_right_logical3A_165 = vector.broadcast %shift_right_logical3A_164 : i32 to vector<16xi32>
    %shift_right_logical3A_166 = arith.shrui %add3A_163, %shift_right_logical3A_165 : vector<16xi32>
    %and3A_167 = arith.constant 511 : i32
    %and3A_168 = vector.broadcast %and3A_167 : i32 to vector<16xi32>
    %and3A_169 = arith.andi %add3A_163, %and3A_168 : vector<16xi32>
    %mul3A_170 = arith.constant 50 : i32
    %mul3A_171 = vector.broadcast %mul3A_170 : i32 to vector<16xi32>
    %mul3A_172 = arith.muli %and3A_169, %mul3A_171 : vector<16xi32>
    %add3A_173 = arith.addi %mul3A_172, %shift_right_logical3A_166 : vector<16xi32>
    %swap3A_174 = arith.constant 1 : i32
    %swap3A_175 = arith.index_cast %swap3A_174 : i32 to index
    %swap3A_176 = arith.constant 48 : index
    %swap3A_177 = tpu.vector_load %arg5[%swap3A_175, %swap3A_176] {strides = array<i32>} : memref<10x80xi32, #tpu.memory_space<vmem>>, vector<1x16xi32>,
    %swap3A_178 = vector.shape_cast %swap3A_177 : vector<1x16xi32> to vector<16xi32>
    %swap3A_179 = vector.shape_cast %add3A_173 : vector<16xi32> to vector<1x16xi32>
    tpu.vector_store %arg5[%swap3A_175, %swap3A_176], %swap3A_179 {strides = array<i32>} : memref<10x80xi32, #tpu.memory_space<vmem>>, vector<1x16xi32>,
    %add3A_180 = arith.constant 144 : i32
    %add3A_181 = arith.addi %mul3A_2, %add3A_180 : i32
    %add3A_182 = vector.broadcast %add3A_181 : i32 to vector<16xi32>
    %add3A_183 = arith.addi %add3A_182, %iota3A : vector<16xi32>
    %shift_right_logical3A_184 = arith.constant 9 : i32
    %shift_right_logical3A_185 = vector.broadcast %shift_right_logical3A_184 : i32 to vector<16xi32>
    %shift_right_logical3A_186 = arith.shrui %add3A_183, %shift_right_logical3A_185 : vector<16xi32>
    %and3A_187 = arith.constant 511 : i32
    %and3A_188 = vector.broadcast %and3A_187 : i32 to vector<16xi32>
    %and3A_189 = arith.andi %add3A_183, %and3A_188 : vector<16xi32>
    %mul3A_190 = arith.constant 50 : i32
    %mul3A_191 = vector.broadcast %mul3A_190 : i32 to vector<16xi32>
    %mul3A_192 = arith.muli %and3A_189, %mul3A_191 : vector<16xi32>
    %add3A_193 = arith.addi %mul3A_192, %shift_right_logical3A_186 : vector<16xi32>
    %swap3A_194 = arith.constant 1 : i32
    %swap3A_195 = arith.index_cast %swap3A_194 : i32 to index
    %swap3A_196 = arith.constant 64 : index
    %swap3A_197 = tpu.vector_load %arg5[%swap3A_195, %swap3A_196] {strides = array<i32>} : memref<10x80xi32, #tpu.memory_space<vmem>>, vector<1x16xi32>,
    %swap3A_198 = vector.shape_cast %swap3A_197 : vector<1x16xi32> to vector<16xi32>
    %swap3A_199 = vector.shape_cast %add3A_193 : vector<16xi32> to vector<1x16xi32>
    tpu.vector_store %arg5[%swap3A_195, %swap3A_196], %swap3A_199 {strides = array<i32>} : memref<10x80xi32, #tpu.memory_space<vmem>>, vector<1x16xi32>,
    %add3A_200 = arith.constant 160 : i32
    %add3A_201 = arith.addi %mul3A_2, %add3A_200 : i32
    %add3A_202 = vector.broadcast %add3A_201 : i32 to vector<16xi32>
    %add3A_203 = arith.addi %add3A_202, %iota3A : vector<16xi32>
    %shift_right_logical3A_204 = arith.constant 9 : i32
    %shift_right_logical3A_205 = vector.broadcast %shift_right_logical3A_204 : i32 to vector<16xi32>
    %shift_right_logical3A_206 = arith.shrui %add3A_203, %shift_right_logical3A_205 : vector<16xi32>
    %and3A_207 = arith.constant 511 : i32
    %and3A_208 = vector.broadcast %and3A_207 : i32 to vector<16xi32>
    %and3A_209 = arith.andi %add3A_203, %and3A_208 : vector<16xi32>
    %mul3A_210 = arith.constant 50 : i32
    %mul3A_211 = vector.broadcast %mul3A_210 : i32 to vector<16xi32>
    %mul3A_212 = arith.muli %and3A_209, %mul3A_211 : vector<16xi32>
    %add3A_213 = arith.addi %mul3A_212, %shift_right_logical3A_206 : vector<16xi32>
    %swap3A_214 = arith.constant 2 : i32
    %swap3A_215 = arith.index_cast %swap3A_214 : i32 to index
    %swap3A_216 = arith.constant 0 : index
    %swap3A_217 = tpu.vector_load %arg5[%swap3A_215, %swap3A_216] {strides = array<i32>} : memref<10x80xi32, #tpu.memory_space<vmem>>, vector<1x16xi32>,
    %swap3A_218 = vector.shape_cast %swap3A_217 : vector<1x16xi32> to vector<16xi32>
    %swap3A_219 = vector.shape_cast %add3A_213 : vector<16xi32> to vector<1x16xi32>
    tpu.vector_store %arg5[%swap3A_215, %swap3A_216], %swap3A_219 {strides = array<i32>} : memref<10x80xi32, #tpu.memory_space<vmem>>, vector<1x16xi32>,
    %add3A_220 = arith.constant 176 : i32
    %add3A_221 = arith.addi %mul3A_2, %add3A_220 : i32
    %add3A_222 = vector.broadcast %add3A_221 : i32 to vector<16xi32>
    %add3A_223 = arith.addi %add3A_222, %iota3A : vector<16xi32>
    %shift_right_logical3A_224 = arith.constant 9 : i32
    %shift_right_logical3A_225 = vector.broadcast %shift_right_logical3A_224 : i32 to vector<16xi32>
    %shift_right_logical3A_226 = arith.shrui %add3A_223, %shift_right_logical3A_225 : vector<16xi32>
    %and3A_227 = arith.constant 511 : i32
    %and3A_228 = vector.broadcast %and3A_227 : i32 to vector<16xi32>
    %and3A_229 = arith.andi %add3A_223, %and3A_228 : vector<16xi32>
    %mul3A_230 = arith.constant 50 : i32
    %mul3A_231 = vector.broadcast %mul3A_230 : i32 to vector<16xi32>
    %mul3A_232 = arith.muli %and3A_229, %mul3A_231 : vector<16xi32>
    %add3A_233 = arith.addi %mul3A_232, %shift_right_logical3A_226 : vector<16xi32>
    %swap3A_234 = arith.constant 2 : i32
    %swap3A_235 = arith.index_cast %swap3A_234 : i32 to index
    %swap3A_236 = arith.constant 16 : index
    %swap3A_237 = tpu.vector_load %arg5[%swap3A_235, %swap3A_236] {strides = array<i32>} : memref<10x80xi32, #tpu.memory_space<vmem>>, vector<1x16xi32>,
    %swap3A_238 = vector.shape_cast %swap3A_237 : vector<1x16xi32> to vector<16xi32>
    %swap3A_239 = vector.shape_cast %add3A_233 : vector<16xi32> to vector<1x16xi32>
    tpu.vector_store %arg5[%swap3A_235, %swap3A_236], %swap3A_239 {strides = array<i32>} : memref<10x80xi32, #tpu.memory_space<vmem>>, vector<1x16xi32>,
    %add3A_240 = arith.constant 192 : i32
    %add3A_241 = arith.addi %mul3A_2, %add3A_240 : i32
    %add3A_242 = vector.broadcast %add3A_241 : i32 to vector<16xi32>
    %add3A_243 = arith.addi %add3A_242, %iota3A : vector<16xi32>
    %shift_right_logical3A_244 = arith.constant 9 : i32
    %shift_right_logical3A_245 = vector.broadcast %shift_right_logical3A_244 : i32 to vector<16xi32>
    %shift_right_logical3A_246 = arith.shrui %add3A_243, %shift_right_logical3A_245 : vector<16xi32>
    %and3A_247 = arith.constant 511 : i32
    %and3A_248 = vector.broadcast %and3A_247 : i32 to vector<16xi32>
    %and3A_249 = arith.andi %add3A_243, %and3A_248 : vector<16xi32>
    %mul3A_250 = arith.constant 50 : i32
    %mul3A_251 = vector.broadcast %mul3A_250 : i32 to vector<16xi32>
    %mul3A_252 = arith.muli %and3A_249, %mul3A_251 : vector<16xi32>
    %add3A_253 = arith.addi %mul3A_252, %shift_right_logical3A_246 : vector<16xi32>
    %swap3A_254 = arith.constant 2 : i32
    %swap3A_255 = arith.index_cast %swap3A_254 : i32 to index
    %swap3A_256 = arith.constant 32 : index
    %swap3A_257 = tpu.vector_load %arg5[%swap3A_255, %swap3A_256] {strides = array<i32>} : memref<10x80xi32, #tpu.memory_space<vmem>>, vector<1x16xi32>,
    %swap3A_258 = vector.shape_cast %swap3A_257 : vector<1x16xi32> to vector<16xi32>
    %swap3A_259 = vector.shape_cast %add3A_253 : vector<16xi32> to vector<1x16xi32>
    tpu.vector_store %arg5[%swap3A_255, %swap3A_256], %swap3A_259 {strides = array<i32>} : memref<10x80xi32, #tpu.memory_space<vmem>>, vector<1x16xi32>,
    %add3A_260 = arith.constant 208 : i32
    %add3A_261 = arith.addi %mul3A_2, %add3A_260 : i32
    %add3A_262 = vector.broadcast %add3A_261 : i32 to vector<16xi32>
    %add3A_263 = arith.addi %add3A_262, %iota3A : vector<16xi32>
    %shift_right_logical3A_264 = arith.constant 9 : i32
    %shift_right_logical3A_265 = vector.broadcast %shift_right_logical3A_264 : i32 to vector<16xi32>
    %shift_right_logical3A_266 = arith.shrui %add3A_263, %shift_right_logical3A_265 : vector<16xi32>
    %and3A_267 = arith.constant 511 : i32
    %and3A_268 = vector.broadcast %and3A_267 : i32 to vector<16xi32>
    %and3A_269 = arith.andi %add3A_263, %and3A_268 : vector<16xi32>
    %mul3A_270 = arith.constant 50 : i32
    %mul3A_271 = vector.broadcast %mul3A_270 : i32 to vector<16xi32>
    %mul3A_272 = arith.muli %and3A_269, %mul3A_271 : vector<16xi32>
    %add3A_273 = arith.addi %mul3A_272, %shift_right_logical3A_266 : vector<16xi32>
    %swap3A_274 = arith.constant 2 : i32
    %swap3A_275 = arith.index_cast %swap3A_274 : i32 to index
    %swap3A_276 = arith.constant 48 : index
    %swap3A_277 = tpu.vector_load %arg5[%swap3A_275, %swap3A_276] {strides = array<i32>} : memref<10x80xi32, #tpu.memory_space<vmem>>, vector<1x16xi32>,
    %swap3A_278 = vector.shape_cast %swap3A_277 : vector<1x16xi32> to vector<16xi32>
    %swap3A_279 = vector.shape_cast %add3A_273 : vector<16xi32> to vector<1x16xi32>
    tpu.vector_store %arg5[%swap3A_275, %swap3A_276], %swap3A_279 {strides = array<i32>} : memref<10x80xi32, #tpu.memory_space<vmem>>, vector<1x16xi32>,
    %add3A_280 = arith.constant 224 : i32
    %add3A_281 = arith.addi %mul3A_2, %add3A_280 : i32
    %add3A_282 = vector.broadcast %add3A_281 : i32 to vector<16xi32>
    %add3A_283 = arith.addi %add3A_282, %iota3A : vector<16xi32>
    %shift_right_logical3A_284 = arith.constant 9 : i32
    %shift_right_logical3A_285 = vector.broadcast %shift_right_logical3A_284 : i32 to vector<16xi32>
    %shift_right_logical3A_286 = arith.shrui %add3A_283, %shift_right_logical3A_285 : vector<16xi32>
    %and3A_287 = arith.constant 511 : i32
    %and3A_288 = vector.broadcast %and3A_287 : i32 to vector<16xi32>
    %and3A_289 = arith.andi %add3A_283, %and3A_288 : vector<16xi32>
    %mul3A_290 = arith.constant 50 : i32
    %mul3A_291 = vector.broadcast %mul3A_290 : i32 to vector<16xi32>
    %mul3A_292 = arith.muli %and3A_289, %mul3A_291 : vector<16xi32>
    %add3A_293 = arith.addi %mul3A_292, %shift_right_logical3A_286 : vector<16xi32>
    %swap3A_294 = arith.constant 2 : i32
    %swap3A_295 = arith.index_cast %swap3A_294 : i32 to index
    %swap3A_296 = arith.constant 64 : index
    %swap3A_297 = tpu.vector_load %arg5[%swap3A_295, %swap3A_296] {strides = array<i32>} : memref<10x80xi32, #tpu.memory_space<vmem>>, vector<1x16xi32>,
    %swap3A_298 = vector.shape_cast %swap3A_297 : vector<1x16xi32> to vector<16xi32>
    %swap3A_299 = vector.shape_cast %add3A_293 : vector<16xi32> to vector<1x16xi32>
    tpu.vector_store %arg5[%swap3A_295, %swap3A_296], %swap3A_299 {strides = array<i32>} : memref<10x80xi32, #tpu.memory_space<vmem>>, vector<1x16xi32>,
    %add3A_300 = arith.constant 240 : i32
    %add3A_301 = arith.addi %mul3A_2, %add3A_300 : i32
    %add3A_302 = vector.broadcast %add3A_301 : i32 to vector<16xi32>
    %add3A_303 = arith.addi %add3A_302, %iota3A : vector<16xi32>
    %shift_right_logical3A_304 = arith.constant 9 : i32
    %shift_right_logical3A_305 = vector.broadcast %shift_right_logical3A_304 : i32 to vector<16xi32>
    %shift_right_logical3A_306 = arith.shrui %add3A_303, %shift_right_logical3A_305 : vector<16xi32>
    %and3A_307 = arith.constant 511 : i32
    %and3A_308 = vector.broadcast %and3A_307 : i32 to vector<16xi32>
    %and3A_309 = arith.andi %add3A_303, %and3A_308 : vector<16xi32>
    %mul3A_310 = arith.constant 50 : i32
    %mul3A_311 = vector.broadcast %mul3A_310 : i32 to vector<16xi32>
    %mul3A_312 = arith.muli %and3A_309, %mul3A_311 : vector<16xi32>
    %add3A_313 = arith.addi %mul3A_312, %shift_right_logical3A_306 : vector<16xi32>
    %swap3A_314 = arith.constant 3 : i32
    %swap3A_315 = arith.index_cast %swap3A_314 : i32 to index
    %swap3A_316 = arith.constant 0 : index
    %swap3A_317 = tpu.vector_load %arg5[%swap3A_315, %swap3A_316] {strides = array<i32>} : memref<10x80xi32, #tpu.memory_space<vmem>>, vector<1x16xi32>,
    %swap3A_318 = vector.shape_cast %swap3A_317 : vector<1x16xi32> to vector<16xi32>
    %swap3A_319 = vector.shape_cast %add3A_313 : vector<16xi32> to vector<1x16xi32>
    tpu.vector_store %arg5[%swap3A_315, %swap3A_316], %swap3A_319 {strides = array<i32>} : memref<10x80xi32, #tpu.memory_space<vmem>>, vector<1x16xi32>,
    %add3A_320 = arith.constant 256 : i32
    %add3A_321 = arith.addi %mul3A_2, %add3A_320 : i32
    %add3A_322 = vector.broadcast %add3A_321 : i32 to vector<16xi32>
    %add3A_323 = arith.addi %add3A_322, %iota3A : vector<16xi32>
    %shift_right_logical3A_324 = arith.constant 9 : i32
    %shift_right_logical3A_325 = vector.broadcast %shift_right_logical3A_324 : i32 to vector<16xi32>
    %shift_right_logical3A_326 = arith.shrui %add3A_323, %shift_right_logical3A_325 : vector<16xi32>
    %and3A_327 = arith.constant 511 : i32
    %and3A_328 = vector.broadcast %and3A_327 : i32 to vector<16xi32>
    %and3A_329 = arith.andi %add3A_323, %and3A_328 : vector<16xi32>
    %mul3A_330 = arith.constant 50 : i32
    %mul3A_331 = vector.broadcast %mul3A_330 : i32 to vector<16xi32>
    %mul3A_332 = arith.muli %and3A_329, %mul3A_331 : vector<16xi32>
    %add3A_333 = arith.addi %mul3A_332, %shift_right_logical3A_326 : vector<16xi32>
    %swap3A_334 = arith.constant 3 : i32
    %swap3A_335 = arith.index_cast %swap3A_334 : i32 to index
    %swap3A_336 = arith.constant 16 : index
    %swap3A_337 = tpu.vector_load %arg5[%swap3A_335, %swap3A_336] {strides = array<i32>} : memref<10x80xi32, #tpu.memory_space<vmem>>, vector<1x16xi32>,
    %swap3A_338 = vector.shape_cast %swap3A_337 : vector<1x16xi32> to vector<16xi32>
    %swap3A_339 = vector.shape_cast %add3A_333 : vector<16xi32> to vector<1x16xi32>
    tpu.vector_store %arg5[%swap3A_335, %swap3A_336], %swap3A_339 {strides = array<i32>} : memref<10x80xi32, #tpu.memory_space<vmem>>, vector<1x16xi32>,
    %add3A_340 = arith.constant 272 : i32
    %add3A_341 = arith.addi %mul3A_2, %add3A_340 : i32
    %add3A_342 = vector.broadcast %add3A_341 : i32 to vector<16xi32>
    %add3A_343 = arith.addi %add3A_342, %iota3A : vector<16xi32>
    %shift_right_logical3A_344 = arith.constant 9 : i32
    %shift_right_logical3A_345 = vector.broadcast %shift_right_logical3A_344 : i32 to vector<16xi32>
    %shift_right_logical3A_346 = arith.shrui %add3A_343, %shift_right_logical3A_345 : vector<16xi32>
    %and3A_347 = arith.constant 511 : i32
    %and3A_348 = vector.broadcast %and3A_347 : i32 to vector<16xi32>
    %and3A_349 = arith.andi %add3A_343, %and3A_348 : vector<16xi32>
    %mul3A_350 = arith.constant 50 : i32
    %mul3A_351 = vector.broadcast %mul3A_350 : i32 to vector<16xi32>
    %mul3A_352 = arith.muli %and3A_349, %mul3A_351 : vector<16xi32>
    %add3A_353 = arith.addi %mul3A_352, %shift_right_logical3A_346 : vector<16xi32>
    %swap3A_354 = arith.constant 3 : i32
    %swap3A_355 = arith.index_cast %swap3A_354 : i32 to index
    %swap3A_356 = arith.constant 32 : index
    %swap3A_357 = tpu.vector_load %arg5[%swap3A_355, %swap3A_356] {strides = array<i32>} : memref<10x80xi32, #tpu.memory_space<vmem>>, vector<1x16xi32>,
    %swap3A_358 = vector.shape_cast %swap3A_357 : vector<1x16xi32> to vector<16xi32>
    %swap3A_359 = vector.shape_cast %add3A_353 : vector<16xi32> to vector<1x16xi32>
    tpu.vector_store %arg5[%swap3A_355, %swap3A_356], %swap3A_359 {strides = array<i32>} : memref<10x80xi32, #tpu.memory_space<vmem>>, vector<1x16xi32>,
    %add3A_360 = arith.constant 288 : i32
    %add3A_361 = arith.addi %mul3A_2, %add3A_360 : i32
    %add3A_362 = vector.broadcast %add3A_361 : i32 to vector<16xi32>
    %add3A_363 = arith.addi %add3A_362, %iota3A : vector<16xi32>
    %shift_right_logical3A_364 = arith.constant 9 : i32
    %shift_right_logical3A_365 = vector.broadcast %shift_right_logical3A_364 : i32 to vector<16xi32>
    %shift_right_logical3A_366 = arith.shrui %add3A_363, %shift_right_logical3A_365 : vector<16xi32>
    %and3A_367 = arith.constant 511 : i32
    %and3A_368 = vector.broadcast %and3A_367 : i32 to vector<16xi32>
    %and3A_369 = arith.andi %add3A_363, %and3A_368 : vector<16xi32>
    %mul3A_370 = arith.constant 50 : i32
    %mul3A_371 = vector.broadcast %mul3A_370 : i32 to vector<16xi32>
    %mul3A_372 = arith.muli %and3A_369, %mul3A_371 : vector<16xi32>
    %add3A_373 = arith.addi %mul3A_372, %shift_right_logical3A_366 : vector<16xi32>
    %swap3A_374 = arith.constant 3 : i32
    %swap3A_375 = arith.index_cast %swap3A_374 : i32 to index
    %swap3A_376 = arith.constant 48 : index
    %swap3A_377 = tpu.vector_load %arg5[%swap3A_375, %swap3A_376] {strides = array<i32>} : memref<10x80xi32, #tpu.memory_space<vmem>>, vector<1x16xi32>,
    %swap3A_378 = vector.shape_cast %swap3A_377 : vector<1x16xi32> to vector<16xi32>
    %swap3A_379 = vector.shape_cast %add3A_373 : vector<16xi32> to vector<1x16xi32>
    tpu.vector_store %arg5[%swap3A_375, %swap3A_376], %swap3A_379 {strides = array<i32>} : memref<10x80xi32, #tpu.memory_space<vmem>>, vector<1x16xi32>,
    %add3A_380 = arith.constant 304 : i32
    %add3A_381 = arith.addi %mul3A_2, %add3A_380 : i32
    %add3A_382 = vector.broadcast %add3A_381 : i32 to vector<16xi32>
    %add3A_383 = arith.addi %add3A_382, %iota3A : vector<16xi32>
    %shift_right_logical3A_384 = arith.constant 9 : i32
    %shift_right_logical3A_385 = vector.broadcast %shift_right_logical3A_384 : i32 to vector<16xi32>
    %shift_right_logical3A_386 = arith.shrui %add3A_383, %shift_right_logical3A_385 : vector<16xi32>
    %and3A_387 = arith.constant 511 : i32
    %and3A_388 = vector.broadcast %and3A_387 : i32 to vector<16xi32>
    %and3A_389 = arith.andi %add3A_383, %and3A_388 : vector<16xi32>
    %mul3A_390 = arith.constant 50 : i32
    %mul3A_391 = vector.broadcast %mul3A_390 : i32 to vector<16xi32>
    %mul3A_392 = arith.muli %and3A_389, %mul3A_391 : vector<16xi32>
    %add3A_393 = arith.addi %mul3A_392, %shift_right_logical3A_386 : vector<16xi32>
    %swap3A_394 = arith.constant 3 : i32
    %swap3A_395 = arith.index_cast %swap3A_394 : i32 to index
    %swap3A_396 = arith.constant 64 : index
    %swap3A_397 = tpu.vector_load %arg5[%swap3A_395, %swap3A_396] {strides = array<i32>} : memref<10x80xi32, #tpu.memory_space<vmem>>, vector<1x16xi32>,
    %swap3A_398 = vector.shape_cast %swap3A_397 : vector<1x16xi32> to vector<16xi32>
    %swap3A_399 = vector.shape_cast %add3A_393 : vector<16xi32> to vector<1x16xi32>
    tpu.vector_store %arg5[%swap3A_395, %swap3A_396], %swap3A_399 {strides = array<i32>} : memref<10x80xi32, #tpu.memory_space<vmem>>, vector<1x16xi32>,
    %add3A_400 = arith.constant 320 : i32
    %add3A_401 = arith.addi %mul3A_2, %add3A_400 : i32
    %add3A_402 = vector.broadcast %add3A_401 : i32 to vector<16xi32>
    %add3A_403 = arith.addi %add3A_402, %iota3A : vector<16xi32>
    %shift_right_logical3A_404 = arith.constant 9 : i32
    %shift_right_logical3A_405 = vector.broadcast %shift_right_logical3A_404 : i32 to vector<16xi32>
    %shift_right_logical3A_406 = arith.shrui %add3A_403, %shift_right_logical3A_405 : vector<16xi32>
    %and3A_407 = arith.constant 511 : i32
    %and3A_408 = vector.broadcast %and3A_407 : i32 to vector<16xi32>
    %and3A_409 = arith.andi %add3A_403, %and3A_408 : vector<16xi32>
    %mul3A_410 = arith.constant 50 : i32
    %mul3A_411 = vector.broadcast %mul3A_410 : i32 to vector<16xi32>
    %mul3A_412 = arith.muli %and3A_409, %mul3A_411 : vector<16xi32>
    %add3A_413 = arith.addi %mul3A_412, %shift_right_logical3A_406 : vector<16xi32>
    %swap3A_414 = arith.constant 4 : i32
    %swap3A_415 = arith.index_cast %swap3A_414 : i32 to index
    %swap3A_416 = arith.constant 0 : index
    %swap3A_417 = tpu.vector_load %arg5[%swap3A_415, %swap3A_416] {strides = array<i32>} : memref<10x80xi32, #tpu.memory_space<vmem>>, vector<1x16xi32>,
    %swap3A_418 = vector.shape_cast %swap3A_417 : vector<1x16xi32> to vector<16xi32>
    %swap3A_419 = vector.shape_cast %add3A_413 : vector<16xi32> to vector<1x16xi32>
    tpu.vector_store %arg5[%swap3A_415, %swap3A_416], %swap3A_419 {strides = array<i32>} : memref<10x80xi32, #tpu.memory_space<vmem>>, vector<1x16xi32>,
    %add3A_420 = arith.constant 336 : i32
    %add3A_421 = arith.addi %mul3A_2, %add3A_420 : i32
    %add3A_422 = vector.broadcast %add3A_421 : i32 to vector<16xi32>
    %add3A_423 = arith.addi %add3A_422, %iota3A : vector<16xi32>
    %shift_right_logical3A_424 = arith.constant 9 : i32
    %shift_right_logical3A_425 = vector.broadcast %shift_right_logical3A_424 : i32 to vector<16xi32>
    %shift_right_logical3A_426 = arith.shrui %add3A_423, %shift_right_logical3A_425 : vector<16xi32>
    %and3A_427 = arith.constant 511 : i32
    %and3A_428 = vector.broadcast %and3A_427 : i32 to vector<16xi32>
    %and3A_429 = arith.andi %add3A_423, %and3A_428 : vector<16xi32>
    %mul3A_430 = arith.constant 50 : i32
    %mul3A_431 = vector.broadcast %mul3A_430 : i32 to vector<16xi32>
    %mul3A_432 = arith.muli %and3A_429, %mul3A_431 : vector<16xi32>
    %add3A_433 = arith.addi %mul3A_432, %shift_right_logical3A_426 : vector<16xi32>
    %swap3A_434 = arith.constant 4 : i32
    %swap3A_435 = arith.index_cast %swap3A_434 : i32 to index
    %swap3A_436 = arith.constant 16 : index
    %swap3A_437 = tpu.vector_load %arg5[%swap3A_435, %swap3A_436] {strides = array<i32>} : memref<10x80xi32, #tpu.memory_space<vmem>>, vector<1x16xi32>,
    %swap3A_438 = vector.shape_cast %swap3A_437 : vector<1x16xi32> to vector<16xi32>
    %swap3A_439 = vector.shape_cast %add3A_433 : vector<16xi32> to vector<1x16xi32>
    tpu.vector_store %arg5[%swap3A_435, %swap3A_436], %swap3A_439 {strides = array<i32>} : memref<10x80xi32, #tpu.memory_space<vmem>>, vector<1x16xi32>,
    %add3A_440 = arith.constant 352 : i32
    %add3A_441 = arith.addi %mul3A_2, %add3A_440 : i32
    %add3A_442 = vector.broadcast %add3A_441 : i32 to vector<16xi32>
    %add3A_443 = arith.addi %add3A_442, %iota3A : vector<16xi32>
    %shift_right_logical3A_444 = arith.constant 9 : i32
    %shift_right_logical3A_445 = vector.broadcast %shift_right_logical3A_444 : i32 to vector<16xi32>
    %shift_right_logical3A_446 = arith.shrui %add3A_443, %shift_right_logical3A_445 : vector<16xi32>
    %and3A_447 = arith.constant 511 : i32
    %and3A_448 = vector.broadcast %and3A_447 : i32 to vector<16xi32>
    %and3A_449 = arith.andi %add3A_443, %and3A_448 : vector<16xi32>
    %mul3A_450 = arith.constant 50 : i32
    %mul3A_451 = vector.broadcast %mul3A_450 : i32 to vector<16xi32>
    %mul3A_452 = arith.muli %and3A_449, %mul3A_451 : vector<16xi32>
    %add3A_453 = arith.addi %mul3A_452, %shift_right_logical3A_446 : vector<16xi32>
    %swap3A_454 = arith.constant 4 : i32
    %swap3A_455 = arith.index_cast %swap3A_454 : i32 to index
    %swap3A_456 = arith.constant 32 : index
    %swap3A_457 = tpu.vector_load %arg5[%swap3A_455, %swap3A_456] {strides = array<i32>} : memref<10x80xi32, #tpu.memory_space<vmem>>, vector<1x16xi32>,
    %swap3A_458 = vector.shape_cast %swap3A_457 : vector<1x16xi32> to vector<16xi32>
    %swap3A_459 = vector.shape_cast %add3A_453 : vector<16xi32> to vector<1x16xi32>
    tpu.vector_store %arg5[%swap3A_455, %swap3A_456], %swap3A_459 {strides = array<i32>} : memref<10x80xi32, #tpu.memory_space<vmem>>, vector<1x16xi32>,
    %add3A_460 = arith.constant 368 : i32
    %add3A_461 = arith.addi %mul3A_2, %add3A_460 : i32
    %add3A_462 = vector.broadcast %add3A_461 : i32 to vector<16xi32>
    %add3A_463 = arith.addi %add3A_462, %iota3A : vector<16xi32>
    %shift_right_logical3A_464 = arith.constant 9 : i32
    %shift_right_logical3A_465 = vector.broadcast %shift_right_logical3A_464 : i32 to vector<16xi32>
    %shift_right_logical3A_466 = arith.shrui %add3A_463, %shift_right_logical3A_465 : vector<16xi32>
    %and3A_467 = arith.constant 511 : i32
    %and3A_468 = vector.broadcast %and3A_467 : i32 to vector<16xi32>
    %and3A_469 = arith.andi %add3A_463, %and3A_468 : vector<16xi32>
    %mul3A_470 = arith.constant 50 : i32
    %mul3A_471 = vector.broadcast %mul3A_470 : i32 to vector<16xi32>
    %mul3A_472 = arith.muli %and3A_469, %mul3A_471 : vector<16xi32>
    %add3A_473 = arith.addi %mul3A_472, %shift_right_logical3A_466 : vector<16xi32>
    %swap3A_474 = arith.constant 4 : i32
    %swap3A_475 = arith.index_cast %swap3A_474 : i32 to index
    %swap3A_476 = arith.constant 48 : index
    %swap3A_477 = tpu.vector_load %arg5[%swap3A_475, %swap3A_476] {strides = array<i32>} : memref<10x80xi32, #tpu.memory_space<vmem>>, vector<1x16xi32>,
    %swap3A_478 = vector.shape_cast %swap3A_477 : vector<1x16xi32> to vector<16xi32>
    %swap3A_479 = vector.shape_cast %add3A_473 : vector<16xi32> to vector<1x16xi32>
    tpu.vector_store %arg5[%swap3A_475, %swap3A_476], %swap3A_479 {strides = array<i32>} : memref<10x80xi32, #tpu.memory_space<vmem>>, vector<1x16xi32>,
    %add3A_480 = arith.constant 384 : i32
    %add3A_481 = arith.addi %mul3A_2, %add3A_480 : i32
    %add3A_482 = vector.broadcast %add3A_481 : i32 to vector<16xi32>
    %add3A_483 = arith.addi %add3A_482, %iota3A : vector<16xi32>
    %shift_right_logical3A_484 = arith.constant 9 : i32
    %shift_right_logical3A_485 = vector.broadcast %shift_right_logical3A_484 : i32 to vector<16xi32>
    %shift_right_logical3A_486 = arith.shrui %add3A_483, %shift_right_logical3A_485 : vector<16xi32>
    %and3A_487 = arith.constant 511 : i32
    %and3A_488 = vector.broadcast %and3A_487 : i32 to vector<16xi32>
    %and3A_489 = arith.andi %add3A_483, %and3A_488 : vector<16xi32>
    %mul3A_490 = arith.constant 50 : i32
    %mul3A_491 = vector.broadcast %mul3A_490 : i32 to vector<16xi32>
    %mul3A_492 = arith.muli %and3A_489, %mul3A_491 : vector<16xi32>
    %add3A_493 = arith.addi %mul3A_492, %shift_right_logical3A_486 : vector<16xi32>
    %swap3A_494 = arith.constant 4 : i32
    %swap3A_495 = arith.index_cast %swap3A_494 : i32 to index
    %swap3A_496 = arith.constant 64 : index
    %swap3A_497 = tpu.vector_load %arg5[%swap3A_495, %swap3A_496] {strides = array<i32>} : memref<10x80xi32, #tpu.memory_space<vmem>>, vector<1x16xi32>,
    %swap3A_498 = vector.shape_cast %swap3A_497 : vector<1x16xi32> to vector<16xi32>
    %swap3A_499 = vector.shape_cast %add3A_493 : vector<16xi32> to vector<1x16xi32>
    tpu.vector_store %arg5[%swap3A_495, %swap3A_496], %swap3A_499 {strides = array<i32>} : memref<10x80xi32, #tpu.memory_space<vmem>>, vector<1x16xi32>,
    %add3A_500 = arith.constant 400 : i32
    %add3A_501 = arith.addi %mul3A_2, %add3A_500 : i32
    %add3A_502 = vector.broadcast %add3A_501 : i32 to vector<16xi32>
    %add3A_503 = arith.addi %add3A_502, %iota3A : vector<16xi32>
    %shift_right_logical3A_504 = arith.constant 9 : i32
    %shift_right_logical3A_505 = vector.broadcast %shift_right_logical3A_504 : i32 to vector<16xi32>
    %shift_right_logical3A_506 = arith.shrui %add3A_503, %shift_right_logical3A_505 : vector<16xi32>
    %and3A_507 = arith.constant 511 : i32
    %and3A_508 = vector.broadcast %and3A_507 : i32 to vector<16xi32>
    %and3A_509 = arith.andi %add3A_503, %and3A_508 : vector<16xi32>
    %mul3A_510 = arith.constant 50 : i32
    %mul3A_511 = vector.broadcast %mul3A_510 : i32 to vector<16xi32>
    %mul3A_512 = arith.muli %and3A_509, %mul3A_511 : vector<16xi32>
    %add3A_513 = arith.addi %mul3A_512, %shift_right_logical3A_506 : vector<16xi32>
    %swap3A_514 = arith.constant 5 : i32
    %swap3A_515 = arith.index_cast %swap3A_514 : i32 to index
    %swap3A_516 = arith.constant 0 : index
    %swap3A_517 = tpu.vector_load %arg5[%swap3A_515, %swap3A_516] {strides = array<i32>} : memref<10x80xi32, #tpu.memory_space<vmem>>, vector<1x16xi32>,
    %swap3A_518 = vector.shape_cast %swap3A_517 : vector<1x16xi32> to vector<16xi32>
    %swap3A_519 = vector.shape_cast %add3A_513 : vector<16xi32> to vector<1x16xi32>
    tpu.vector_store %arg5[%swap3A_515, %swap3A_516], %swap3A_519 {strides = array<i32>} : memref<10x80xi32, #tpu.memory_space<vmem>>, vector<1x16xi32>,
    %add3A_520 = arith.constant 416 : i32
    %add3A_521 = arith.addi %mul3A_2, %add3A_520 : i32
    %add3A_522 = vector.broadcast %add3A_521 : i32 to vector<16xi32>
    %add3A_523 = arith.addi %add3A_522, %iota3A : vector<16xi32>
    %shift_right_logical3A_524 = arith.constant 9 : i32
    %shift_right_logical3A_525 = vector.broadcast %shift_right_logical3A_524 : i32 to vector<16xi32>
    %shift_right_logical3A_526 = arith.shrui %add3A_523, %shift_right_logical3A_525 : vector<16xi32>
    %and3A_527 = arith.constant 511 : i32
    %and3A_528 = vector.broadcast %and3A_527 : i32 to vector<16xi32>
    %and3A_529 = arith.andi %add3A_523, %and3A_528 : vector<16xi32>
    %mul3A_530 = arith.constant 50 : i32
    %mul3A_531 = vector.broadcast %mul3A_530 : i32 to vector<16xi32>
    %mul3A_532 = arith.muli %and3A_529, %mul3A_531 : vector<16xi32>
    %add3A_533 = arith.addi %mul3A_532, %shift_right_logical3A_526 : vector<16xi32>
    %swap3A_534 = arith.constant 5 : i32
    %swap3A_535 = arith.index_cast %swap3A_534 : i32 to index
    %swap3A_536 = arith.constant 16 : index
    %swap3A_537 = tpu.vector_load %arg5[%swap3A_535, %swap3A_536] {strides = array<i32>} : memref<10x80xi32, #tpu.memory_space<vmem>>, vector<1x16xi32>,
    %swap3A_538 = vector.shape_cast %swap3A_537 : vector<1x16xi32> to vector<16xi32>
    %swap3A_539 = vector.shape_cast %add3A_533 : vector<16xi32> to vector<1x16xi32>
    tpu.vector_store %arg5[%swap3A_535, %swap3A_536], %swap3A_539 {strides = array<i32>} : memref<10x80xi32, #tpu.memory_space<vmem>>, vector<1x16xi32>,
    %add3A_540 = arith.constant 432 : i32
    %add3A_541 = arith.addi %mul3A_2, %add3A_540 : i32
    %add3A_542 = vector.broadcast %add3A_541 : i32 to vector<16xi32>
    %add3A_543 = arith.addi %add3A_542, %iota3A : vector<16xi32>
    %shift_right_logical3A_544 = arith.constant 9 : i32
    %shift_right_logical3A_545 = vector.broadcast %shift_right_logical3A_544 : i32 to vector<16xi32>
    %shift_right_logical3A_546 = arith.shrui %add3A_543, %shift_right_logical3A_545 : vector<16xi32>
    %and3A_547 = arith.constant 511 : i32
    %and3A_548 = vector.broadcast %and3A_547 : i32 to vector<16xi32>
    %and3A_549 = arith.andi %add3A_543, %and3A_548 : vector<16xi32>
    %mul3A_550 = arith.constant 50 : i32
    %mul3A_551 = vector.broadcast %mul3A_550 : i32 to vector<16xi32>
    %mul3A_552 = arith.muli %and3A_549, %mul3A_551 : vector<16xi32>
    %add3A_553 = arith.addi %mul3A_552, %shift_right_logical3A_546 : vector<16xi32>
    %swap3A_554 = arith.constant 5 : i32
    %swap3A_555 = arith.index_cast %swap3A_554 : i32 to index
    %swap3A_556 = arith.constant 32 : index
    %swap3A_557 = tpu.vector_load %arg5[%swap3A_555, %swap3A_556] {strides = array<i32>} : memref<10x80xi32, #tpu.memory_space<vmem>>, vector<1x16xi32>,
    %swap3A_558 = vector.shape_cast %swap3A_557 : vector<1x16xi32> to vector<16xi32>
    %swap3A_559 = vector.shape_cast %add3A_553 : vector<16xi32> to vector<1x16xi32>
    tpu.vector_store %arg5[%swap3A_555, %swap3A_556], %swap3A_559 {strides = array<i32>} : memref<10x80xi32, #tpu.memory_space<vmem>>, vector<1x16xi32>,
    %add3A_560 = arith.constant 448 : i32
    %add3A_561 = arith.addi %mul3A_2, %add3A_560 : i32
    %add3A_562 = vector.broadcast %add3A_561 : i32 to vector<16xi32>
    %add3A_563 = arith.addi %add3A_562, %iota3A : vector<16xi32>
    %shift_right_logical3A_564 = arith.constant 9 : i32
    %shift_right_logical3A_565 = vector.broadcast %shift_right_logical3A_564 : i32 to vector<16xi32>
    %shift_right_logical3A_566 = arith.shrui %add3A_563, %shift_right_logical3A_565 : vector<16xi32>
    %and3A_567 = arith.constant 511 : i32
    %and3A_568 = vector.broadcast %and3A_567 : i32 to vector<16xi32>
    %and3A_569 = arith.andi %add3A_563, %and3A_568 : vector<16xi32>
    %mul3A_570 = arith.constant 50 : i32
    %mul3A_571 = vector.broadcast %mul3A_570 : i32 to vector<16xi32>
    %mul3A_572 = arith.muli %and3A_569, %mul3A_571 : vector<16xi32>
    %add3A_573 = arith.addi %mul3A_572, %shift_right_logical3A_566 : vector<16xi32>
    %swap3A_574 = arith.constant 5 : i32
    %swap3A_575 = arith.index_cast %swap3A_574 : i32 to index
    %swap3A_576 = arith.constant 48 : index
    %swap3A_577 = tpu.vector_load %arg5[%swap3A_575, %swap3A_576] {strides = array<i32>} : memref<10x80xi32, #tpu.memory_space<vmem>>, vector<1x16xi32>,
    %swap3A_578 = vector.shape_cast %swap3A_577 : vector<1x16xi32> to vector<16xi32>
    %swap3A_579 = vector.shape_cast %add3A_573 : vector<16xi32> to vector<1x16xi32>
    tpu.vector_store %arg5[%swap3A_575, %swap3A_576], %swap3A_579 {strides = array<i32>} : memref<10x80xi32, #tpu.memory_space<vmem>>, vector<1x16xi32>,
    %add3A_580 = arith.constant 464 : i32
    %add3A_581 = arith.addi %mul3A_2, %add3A_580 : i32
    %add3A_582 = vector.broadcast %add3A_581 : i32 to vector<16xi32>
    %add3A_583 = arith.addi %add3A_582, %iota3A : vector<16xi32>
    %shift_right_logical3A_584 = arith.constant 9 : i32
    %shift_right_logical3A_585 = vector.broadcast %shift_right_logical3A_584 : i32 to vector<16xi32>
    %shift_right_logical3A_586 = arith.shrui %add3A_583, %shift_right_logical3A_585 : vector<16xi32>
    %and3A_587 = arith.constant 511 : i32
    %and3A_588 = vector.broadcast %and3A_587 : i32 to vector<16xi32>
    %and3A_589 = arith.andi %add3A_583, %and3A_588 : vector<16xi32>
    %mul3A_590 = arith.constant 50 : i32
    %mul3A_591 = vector.broadcast %mul3A_590 : i32 to vector<16xi32>
    %mul3A_592 = arith.muli %and3A_589, %mul3A_591 : vector<16xi32>
    %add3A_593 = arith.addi %mul3A_592, %shift_right_logical3A_586 : vector<16xi32>
    %swap3A_594 = arith.constant 5 : i32
    %swap3A_595 = arith.index_cast %swap3A_594 : i32 to index
    %swap3A_596 = arith.constant 64 : index
    %swap3A_597 = tpu.vector_load %arg5[%swap3A_595, %swap3A_596] {strides = array<i32>} : memref<10x80xi32, #tpu.memory_space<vmem>>, vector<1x16xi32>,
    %swap3A_598 = vector.shape_cast %swap3A_597 : vector<1x16xi32> to vector<16xi32>
    %swap3A_599 = vector.shape_cast %add3A_593 : vector<16xi32> to vector<1x16xi32>
    tpu.vector_store %arg5[%swap3A_595, %swap3A_596], %swap3A_599 {strides = array<i32>} : memref<10x80xi32, #tpu.memory_space<vmem>>, vector<1x16xi32>,
    %add3A_600 = arith.constant 480 : i32
    %add3A_601 = arith.addi %mul3A_2, %add3A_600 : i32
    %add3A_602 = vector.broadcast %add3A_601 : i32 to vector<16xi32>
    %add3A_603 = arith.addi %add3A_602, %iota3A : vector<16xi32>
    %shift_right_logical3A_604 = arith.constant 9 : i32
    %shift_right_logical3A_605 = vector.broadcast %shift_right_logical3A_604 : i32 to vector<16xi32>
    %shift_right_logical3A_606 = arith.shrui %add3A_603, %shift_right_logical3A_605 : vector<16xi32>
    %and3A_607 = arith.constant 511 : i32
    %and3A_608 = vector.broadcast %and3A_607 : i32 to vector<16xi32>
    %and3A_609 = arith.andi %add3A_603, %and3A_608 : vector<16xi32>
    %mul3A_610 = arith.constant 50 : i32
    %mul3A_611 = vector.broadcast %mul3A_610 : i32 to vector<16xi32>
    %mul3A_612 = arith.muli %and3A_609, %mul3A_611 : vector<16xi32>
    %add3A_613 = arith.addi %mul3A_612, %shift_right_logical3A_606 : vector<16xi32>
    %swap3A_614 = arith.constant 6 : i32
    %swap3A_615 = arith.index_cast %swap3A_614 : i32 to index
    %swap3A_616 = arith.constant 0 : index
    %swap3A_617 = tpu.vector_load %arg5[%swap3A_615, %swap3A_616] {strides = array<i32>} : memref<10x80xi32, #tpu.memory_space<vmem>>, vector<1x16xi32>,
    %swap3A_618 = vector.shape_cast %swap3A_617 : vector<1x16xi32> to vector<16xi32>
    %swap3A_619 = vector.shape_cast %add3A_613 : vector<16xi32> to vector<1x16xi32>
    tpu.vector_store %arg5[%swap3A_615, %swap3A_616], %swap3A_619 {strides = array<i32>} : memref<10x80xi32, #tpu.memory_space<vmem>>, vector<1x16xi32>,
    %add3A_620 = arith.constant 496 : i32
    %add3A_621 = arith.addi %mul3A_2, %add3A_620 : i32
    %add3A_622 = vector.broadcast %add3A_621 : i32 to vector<16xi32>
    %add3A_623 = arith.addi %add3A_622, %iota3A : vector<16xi32>
    %shift_right_logical3A_624 = arith.constant 9 : i32
    %shift_right_logical3A_625 = vector.broadcast %shift_right_logical3A_624 : i32 to vector<16xi32>
    %shift_right_logical3A_626 = arith.shrui %add3A_623, %shift_right_logical3A_625 : vector<16xi32>
    %and3A_627 = arith.constant 511 : i32
    %and3A_628 = vector.broadcast %and3A_627 : i32 to vector<16xi32>
    %and3A_629 = arith.andi %add3A_623, %and3A_628 : vector<16xi32>
    %mul3A_630 = arith.constant 50 : i32
    %mul3A_631 = vector.broadcast %mul3A_630 : i32 to vector<16xi32>
    %mul3A_632 = arith.muli %and3A_629, %mul3A_631 : vector<16xi32>
    %add3A_633 = arith.addi %mul3A_632, %shift_right_logical3A_626 : vector<16xi32>
    %swap3A_634 = arith.constant 6 : i32
    %swap3A_635 = arith.index_cast %swap3A_634 : i32 to index
    %swap3A_636 = arith.constant 16 : index
    %swap3A_637 = tpu.vector_load %arg5[%swap3A_635, %swap3A_636] {strides = array<i32>} : memref<10x80xi32, #tpu.memory_space<vmem>>, vector<1x16xi32>,
    %swap3A_638 = vector.shape_cast %swap3A_637 : vector<1x16xi32> to vector<16xi32>
    %swap3A_639 = vector.shape_cast %add3A_633 : vector<16xi32> to vector<1x16xi32>
    tpu.vector_store %arg5[%swap3A_635, %swap3A_636], %swap3A_639 {strides = array<i32>} : memref<10x80xi32, #tpu.memory_space<vmem>>, vector<1x16xi32>,
    %add3A_640 = arith.constant 512 : i32
    %add3A_641 = arith.addi %mul3A_2, %add3A_640 : i32
    %add3A_642 = vector.broadcast %add3A_641 : i32 to vector<16xi32>
    %add3A_643 = arith.addi %add3A_642, %iota3A : vector<16xi32>
    %shift_right_logical3A_644 = arith.constant 9 : i32
    %shift_right_logical3A_645 = vector.broadcast %shift_right_logical3A_644 : i32 to vector<16xi32>
    %shift_right_logical3A_646 = arith.shrui %add3A_643, %shift_right_logical3A_645 : vector<16xi32>
    %and3A_647 = arith.constant 511 : i32
    %and3A_648 = vector.broadcast %and3A_647 : i32 to vector<16xi32>
    %and3A_649 = arith.andi %add3A_643, %and3A_648 : vector<16xi32>
    %mul3A_650 = arith.constant 50 : i32
    %mul3A_651 = vector.broadcast %mul3A_650 : i32 to vector<16xi32>
    %mul3A_652 = arith.muli %and3A_649, %mul3A_651 : vector<16xi32>
    %add3A_653 = arith.addi %mul3A_652, %shift_right_logical3A_646 : vector<16xi32>
    %swap3A_654 = arith.constant 6 : i32
    %swap3A_655 = arith.index_cast %swap3A_654 : i32 to index
    %swap3A_656 = arith.constant 32 : index
    %swap3A_657 = tpu.vector_load %arg5[%swap3A_655, %swap3A_656] {strides = array<i32>} : memref<10x80xi32, #tpu.memory_space<vmem>>, vector<1x16xi32>,
    %swap3A_658 = vector.shape_cast %swap3A_657 : vector<1x16xi32> to vector<16xi32>
    %swap3A_659 = vector.shape_cast %add3A_653 : vector<16xi32> to vector<1x16xi32>
    tpu.vector_store %arg5[%swap3A_655, %swap3A_656], %swap3A_659 {strides = array<i32>} : memref<10x80xi32, #tpu.memory_space<vmem>>, vector<1x16xi32>,
    %add3A_660 = arith.constant 528 : i32
    %add3A_661 = arith.addi %mul3A_2, %add3A_660 : i32
    %add3A_662 = vector.broadcast %add3A_661 : i32 to vector<16xi32>
    %add3A_663 = arith.addi %add3A_662, %iota3A : vector<16xi32>
    %shift_right_logical3A_664 = arith.constant 9 : i32
    %shift_right_logical3A_665 = vector.broadcast %shift_right_logical3A_664 : i32 to vector<16xi32>
    %shift_right_logical3A_666 = arith.shrui %add3A_663, %shift_right_logical3A_665 : vector<16xi32>
    %and3A_667 = arith.constant 511 : i32
    %and3A_668 = vector.broadcast %and3A_667 : i32 to vector<16xi32>
    %and3A_669 = arith.andi %add3A_663, %and3A_668 : vector<16xi32>
    %mul3A_670 = arith.constant 50 : i32
    %mul3A_671 = vector.broadcast %mul3A_670 : i32 to vector<16xi32>
    %mul3A_672 = arith.muli %and3A_669, %mul3A_671 : vector<16xi32>
    %add3A_673 = arith.addi %mul3A_672, %shift_right_logical3A_666 : vector<16xi32>
    %swap3A_674 = arith.constant 6 : i32
    %swap3A_675 = arith.index_cast %swap3A_674 : i32 to index
    %swap3A_676 = arith.constant 48 : index
    %swap3A_677 = tpu.vector_load %arg5[%swap3A_675, %swap3A_676] {strides = array<i32>} : memref<10x80xi32, #tpu.memory_space<vmem>>, vector<1x16xi32>,
    %swap3A_678 = vector.shape_cast %swap3A_677 : vector<1x16xi32> to vector<16xi32>
    %swap3A_679 = vector.shape_cast %add3A_673 : vector<16xi32> to vector<1x16xi32>
    tpu.vector_store %arg5[%swap3A_675, %swap3A_676], %swap3A_679 {strides = array<i32>} : memref<10x80xi32, #tpu.memory_space<vmem>>, vector<1x16xi32>,
    %add3A_680 = arith.constant 544 : i32
    %add3A_681 = arith.addi %mul3A_2, %add3A_680 : i32
    %add3A_682 = vector.broadcast %add3A_681 : i32 to vector<16xi32>
    %add3A_683 = arith.addi %add3A_682, %iota3A : vector<16xi32>
    %shift_right_logical3A_684 = arith.constant 9 : i32
    %shift_right_logical3A_685 = vector.broadcast %shift_right_logical3A_684 : i32 to vector<16xi32>
    %shift_right_logical3A_686 = arith.shrui %add3A_683, %shift_right_logical3A_685 : vector<16xi32>
    %and3A_687 = arith.constant 511 : i32
    %and3A_688 = vector.broadcast %and3A_687 : i32 to vector<16xi32>
    %and3A_689 = arith.andi %add3A_683, %and3A_688 : vector<16xi32>
    %mul3A_690 = arith.constant 50 : i32
    %mul3A_691 = vector.broadcast %mul3A_690 : i32 to vector<16xi32>
    %mul3A_692 = arith.muli %and3A_689, %mul3A_691 : vector<16xi32>
    %add3A_693 = arith.addi %mul3A_692, %shift_right_logical3A_686 : vector<16xi32>
    %swap3A_694 = arith.constant 6 : i32
    %swap3A_695 = arith.index_cast %swap3A_694 : i32 to index
    %swap3A_696 = arith.constant 64 : index
    %swap3A_697 = tpu.vector_load %arg5[%swap3A_695, %swap3A_696] {strides = array<i32>} : memref<10x80xi32, #tpu.memory_space<vmem>>, vector<1x16xi32>,
    %swap3A_698 = vector.shape_cast %swap3A_697 : vector<1x16xi32> to vector<16xi32>
    %swap3A_699 = vector.shape_cast %add3A_693 : vector<16xi32> to vector<1x16xi32>
    tpu.vector_store %arg5[%swap3A_695, %swap3A_696], %swap3A_699 {strides = array<i32>} : memref<10x80xi32, #tpu.memory_space<vmem>>, vector<1x16xi32>,
    %add3A_700 = arith.constant 560 : i32
    %add3A_701 = arith.addi %mul3A_2, %add3A_700 : i32
    %add3A_702 = vector.broadcast %add3A_701 : i32 to vector<16xi32>
    %add3A_703 = arith.addi %add3A_702, %iota3A : vector<16xi32>
    %shift_right_logical3A_704 = arith.constant 9 : i32
    %shift_right_logical3A_705 = vector.broadcast %shift_right_logical3A_704 : i32 to vector<16xi32>
    %shift_right_logical3A_706 = arith.shrui %add3A_703, %shift_right_logical3A_705 : vector<16xi32>
    %and3A_707 = arith.constant 511 : i32
    %and3A_708 = vector.broadcast %and3A_707 : i32 to vector<16xi32>
    %and3A_709 = arith.andi %add3A_703, %and3A_708 : vector<16xi32>
    %mul3A_710 = arith.constant 50 : i32
    %mul3A_711 = vector.broadcast %mul3A_710 : i32 to vector<16xi32>
    %mul3A_712 = arith.muli %and3A_709, %mul3A_711 : vector<16xi32>
    %add3A_713 = arith.addi %mul3A_712, %shift_right_logical3A_706 : vector<16xi32>
    %swap3A_714 = arith.constant 7 : i32
    %swap3A_715 = arith.index_cast %swap3A_714 : i32 to index
    %swap3A_716 = arith.constant 0 : index
    %swap3A_717 = tpu.vector_load %arg5[%swap3A_715, %swap3A_716] {strides = array<i32>} : memref<10x80xi32, #tpu.memory_space<vmem>>, vector<1x16xi32>,
    %swap3A_718 = vector.shape_cast %swap3A_717 : vector<1x16xi32> to vector<16xi32>
    %swap3A_719 = vector.shape_cast %add3A_713 : vector<16xi32> to vector<1x16xi32>
    tpu.vector_store %arg5[%swap3A_715, %swap3A_716], %swap3A_719 {strides = array<i32>} : memref<10x80xi32, #tpu.memory_space<vmem>>, vector<1x16xi32>,
    %add3A_720 = arith.constant 576 : i32
    %add3A_721 = arith.addi %mul3A_2, %add3A_720 : i32
    %add3A_722 = vector.broadcast %add3A_721 : i32 to vector<16xi32>
    %add3A_723 = arith.addi %add3A_722, %iota3A : vector<16xi32>
    %shift_right_logical3A_724 = arith.constant 9 : i32
    %shift_right_logical3A_725 = vector.broadcast %shift_right_logical3A_724 : i32 to vector<16xi32>
    %shift_right_logical3A_726 = arith.shrui %add3A_723, %shift_right_logical3A_725 : vector<16xi32>
    %and3A_727 = arith.constant 511 : i32
    %and3A_728 = vector.broadcast %and3A_727 : i32 to vector<16xi32>
    %and3A_729 = arith.andi %add3A_723, %and3A_728 : vector<16xi32>
    %mul3A_730 = arith.constant 50 : i32
    %mul3A_731 = vector.broadcast %mul3A_730 : i32 to vector<16xi32>
    %mul3A_732 = arith.muli %and3A_729, %mul3A_731 : vector<16xi32>
    %add3A_733 = arith.addi %mul3A_732, %shift_right_logical3A_726 : vector<16xi32>
    %swap3A_734 = arith.constant 7 : i32
    %swap3A_735 = arith.index_cast %swap3A_734 : i32 to index
    %swap3A_736 = arith.constant 16 : index
    %swap3A_737 = tpu.vector_load %arg5[%swap3A_735, %swap3A_736] {strides = array<i32>} : memref<10x80xi32, #tpu.memory_space<vmem>>, vector<1x16xi32>,
    %swap3A_738 = vector.shape_cast %swap3A_737 : vector<1x16xi32> to vector<16xi32>
    %swap3A_739 = vector.shape_cast %add3A_733 : vector<16xi32> to vector<1x16xi32>
    tpu.vector_store %arg5[%swap3A_735, %swap3A_736], %swap3A_739 {strides = array<i32>} : memref<10x80xi32, #tpu.memory_space<vmem>>, vector<1x16xi32>,
    %add3A_740 = arith.constant 592 : i32
    %add3A_741 = arith.addi %mul3A_2, %add3A_740 : i32
    %add3A_742 = vector.broadcast %add3A_741 : i32 to vector<16xi32>
    %add3A_743 = arith.addi %add3A_742, %iota3A : vector<16xi32>
    %shift_right_logical3A_744 = arith.constant 9 : i32
    %shift_right_logical3A_745 = vector.broadcast %shift_right_logical3A_744 : i32 to vector<16xi32>
    %shift_right_logical3A_746 = arith.shrui %add3A_743, %shift_right_logical3A_745 : vector<16xi32>
    %and3A_747 = arith.constant 511 : i32
    %and3A_748 = vector.broadcast %and3A_747 : i32 to vector<16xi32>
    %and3A_749 = arith.andi %add3A_743, %and3A_748 : vector<16xi32>
    %mul3A_750 = arith.constant 50 : i32
    %mul3A_751 = vector.broadcast %mul3A_750 : i32 to vector<16xi32>
    %mul3A_752 = arith.muli %and3A_749, %mul3A_751 : vector<16xi32>
    %add3A_753 = arith.addi %mul3A_752, %shift_right_logical3A_746 : vector<16xi32>
    %swap3A_754 = arith.constant 7 : i32
    %swap3A_755 = arith.index_cast %swap3A_754 : i32 to index
    %swap3A_756 = arith.constant 32 : index
    %swap3A_757 = tpu.vector_load %arg5[%swap3A_755, %swap3A_756] {strides = array<i32>} : memref<10x80xi32, #tpu.memory_space<vmem>>, vector<1x16xi32>,
    %swap3A_758 = vector.shape_cast %swap3A_757 : vector<1x16xi32> to vector<16xi32>
    %swap3A_759 = vector.shape_cast %add3A_753 : vector<16xi32> to vector<1x16xi32>
    tpu.vector_store %arg5[%swap3A_755, %swap3A_756], %swap3A_759 {strides = array<i32>} : memref<10x80xi32, #tpu.memory_space<vmem>>, vector<1x16xi32>,
    %add3A_760 = arith.constant 608 : i32
    %add3A_761 = arith.addi %mul3A_2, %add3A_760 : i32
    %add3A_762 = vector.broadcast %add3A_761 : i32 to vector<16xi32>
    %add3A_763 = arith.addi %add3A_762, %iota3A : vector<16xi32>
    %shift_right_logical3A_764 = arith.constant 9 : i32
    %shift_right_logical3A_765 = vector.broadcast %shift_right_logical3A_764 : i32 to vector<16xi32>
    %shift_right_logical3A_766 = arith.shrui %add3A_763, %shift_right_logical3A_765 : vector<16xi32>
    %and3A_767 = arith.constant 511 : i32
    %and3A_768 = vector.broadcast %and3A_767 : i32 to vector<16xi32>
    %and3A_769 = arith.andi %add3A_763, %and3A_768 : vector<16xi32>
    %mul3A_770 = arith.constant 50 : i32
    %mul3A_771 = vector.broadcast %mul3A_770 : i32 to vector<16xi32>
    %mul3A_772 = arith.muli %and3A_769, %mul3A_771 : vector<16xi32>
    %add3A_773 = arith.addi %mul3A_772, %shift_right_logical3A_766 : vector<16xi32>
    %swap3A_774 = arith.constant 7 : i32
    %swap3A_775 = arith.index_cast %swap3A_774 : i32 to index
    %swap3A_776 = arith.constant 48 : index
    %swap3A_777 = tpu.vector_load %arg5[%swap3A_775, %swap3A_776] {strides = array<i32>} : memref<10x80xi32, #tpu.memory_space<vmem>>, vector<1x16xi32>,
    %swap3A_778 = vector.shape_cast %swap3A_777 : vector<1x16xi32> to vector<16xi32>
    %swap3A_779 = vector.shape_cast %add3A_773 : vector<16xi32> to vector<1x16xi32>
    tpu.vector_store %arg5[%swap3A_775, %swap3A_776], %swap3A_779 {strides = array<i32>} : memref<10x80xi32, #tpu.memory_space<vmem>>, vector<1x16xi32>,
    %add3A_780 = arith.constant 624 : i32
    %add3A_781 = arith.addi %mul3A_2, %add3A_780 : i32
    %add3A_782 = vector.broadcast %add3A_781 : i32 to vector<16xi32>
    %add3A_783 = arith.addi %add3A_782, %iota3A : vector<16xi32>
    %shift_right_logical3A_784 = arith.constant 9 : i32
    %shift_right_logical3A_785 = vector.broadcast %shift_right_logical3A_784 : i32 to vector<16xi32>
    %shift_right_logical3A_786 = arith.shrui %add3A_783, %shift_right_logical3A_785 : vector<16xi32>
    %and3A_787 = arith.constant 511 : i32
    %and3A_788 = vector.broadcast %and3A_787 : i32 to vector<16xi32>
    %and3A_789 = arith.andi %add3A_783, %and3A_788 : vector<16xi32>
    %mul3A_790 = arith.constant 50 : i32
    %mul3A_791 = vector.broadcast %mul3A_790 : i32 to vector<16xi32>
    %mul3A_792 = arith.muli %and3A_789, %mul3A_791 : vector<16xi32>
    %add3A_793 = arith.addi %mul3A_792, %shift_right_logical3A_786 : vector<16xi32>
    %swap3A_794 = arith.constant 7 : i32
    %swap3A_795 = arith.index_cast %swap3A_794 : i32 to index
    %swap3A_796 = arith.constant 64 : index
    %swap3A_797 = tpu.vector_load %arg5[%swap3A_795, %swap3A_796] {strides = array<i32>} : memref<10x80xi32, #tpu.memory_space<vmem>>, vector<1x16xi32>,
    %swap3A_798 = vector.shape_cast %swap3A_797 : vector<1x16xi32> to vector<16xi32>
    %swap3A_799 = vector.shape_cast %add3A_793 : vector<16xi32> to vector<1x16xi32>
    tpu.vector_store %arg5[%swap3A_795, %swap3A_796], %swap3A_799 {strides = array<i32>} : memref<10x80xi32, #tpu.memory_space<vmem>>, vector<1x16xi32>,
    %add3A_800 = arith.constant 640 : i32
    %add3A_801 = arith.addi %mul3A_2, %add3A_800 : i32
    %add3A_802 = vector.broadcast %add3A_801 : i32 to vector<16xi32>
    %add3A_803 = arith.addi %add3A_802, %iota3A : vector<16xi32>
    %shift_right_logical3A_804 = arith.constant 9 : i32
    %shift_right_logical3A_805 = vector.broadcast %shift_right_logical3A_804 : i32 to vector<16xi32>
    %shift_right_logical3A_806 = arith.shrui %add3A_803, %shift_right_logical3A_805 : vector<16xi32>
    %and3A_807 = arith.constant 511 : i32
    %and3A_808 = vector.broadcast %and3A_807 : i32 to vector<16xi32>
    %and3A_809 = arith.andi %add3A_803, %and3A_808 : vector<16xi32>
    %mul3A_810 = arith.constant 50 : i32
    %mul3A_811 = vector.broadcast %mul3A_810 : i32 to vector<16xi32>
    %mul3A_812 = arith.muli %and3A_809, %mul3A_811 : vector<16xi32>
    %add3A_813 = arith.addi %mul3A_812, %shift_right_logical3A_806 : vector<16xi32>
    %swap3A_814 = arith.constant 8 : i32
    %swap3A_815 = arith.index_cast %swap3A_814 : i32 to index
    %swap3A_816 = arith.constant 0 : index
    %swap3A_817 = tpu.vector_load %arg5[%swap3A_815, %swap3A_816] {strides = array<i32>} : memref<10x80xi32, #tpu.memory_space<vmem>>, vector<1x16xi32>,
    %swap3A_818 = vector.shape_cast %swap3A_817 : vector<1x16xi32> to vector<16xi32>
    %swap3A_819 = vector.shape_cast %add3A_813 : vector<16xi32> to vector<1x16xi32>
    tpu.vector_store %arg5[%swap3A_815, %swap3A_816], %swap3A_819 {strides = array<i32>} : memref<10x80xi32, #tpu.memory_space<vmem>>, vector<1x16xi32>,
    %add3A_820 = arith.constant 656 : i32
    %add3A_821 = arith.addi %mul3A_2, %add3A_820 : i32
    %add3A_822 = vector.broadcast %add3A_821 : i32 to vector<16xi32>
    %add3A_823 = arith.addi %add3A_822, %iota3A : vector<16xi32>
    %shift_right_logical3A_824 = arith.constant 9 : i32
    %shift_right_logical3A_825 = vector.broadcast %shift_right_logical3A_824 : i32 to vector<16xi32>
    %shift_right_logical3A_826 = arith.shrui %add3A_823, %shift_right_logical3A_825 : vector<16xi32>
    %and3A_827 = arith.constant 511 : i32
    %and3A_828 = vector.broadcast %and3A_827 : i32 to vector<16xi32>
    %and3A_829 = arith.andi %add3A_823, %and3A_828 : vector<16xi32>
    %mul3A_830 = arith.constant 50 : i32
    %mul3A_831 = vector.broadcast %mul3A_830 : i32 to vector<16xi32>
    %mul3A_832 = arith.muli %and3A_829, %mul3A_831 : vector<16xi32>
    %add3A_833 = arith.addi %mul3A_832, %shift_right_logical3A_826 : vector<16xi32>
    %swap3A_834 = arith.constant 8 : i32
    %swap3A_835 = arith.index_cast %swap3A_834 : i32 to index
    %swap3A_836 = arith.constant 16 : index
    %swap3A_837 = tpu.vector_load %arg5[%swap3A_835, %swap3A_836] {strides = array<i32>} : memref<10x80xi32, #tpu.memory_space<vmem>>, vector<1x16xi32>,
    %swap3A_838 = vector.shape_cast %swap3A_837 : vector<1x16xi32> to vector<16xi32>
    %swap3A_839 = vector.shape_cast %add3A_833 : vector<16xi32> to vector<1x16xi32>
    tpu.vector_store %arg5[%swap3A_835, %swap3A_836], %swap3A_839 {strides = array<i32>} : memref<10x80xi32, #tpu.memory_space<vmem>>, vector<1x16xi32>,
    %add3A_840 = arith.constant 672 : i32
    %add3A_841 = arith.addi %mul3A_2, %add3A_840 : i32
    %add3A_842 = vector.broadcast %add3A_841 : i32 to vector<16xi32>
    %add3A_843 = arith.addi %add3A_842, %iota3A : vector<16xi32>
    %shift_right_logical3A_844 = arith.constant 9 : i32
    %shift_right_logical3A_845 = vector.broadcast %shift_right_logical3A_844 : i32 to vector<16xi32>
    %shift_right_logical3A_846 = arith.shrui %add3A_843, %shift_right_logical3A_845 : vector<16xi32>
    %and3A_847 = arith.constant 511 : i32
    %and3A_848 = vector.broadcast %and3A_847 : i32 to vector<16xi32>
    %and3A_849 = arith.andi %add3A_843, %and3A_848 : vector<16xi32>
    %mul3A_850 = arith.constant 50 : i32
    %mul3A_851 = vector.broadcast %mul3A_850 : i32 to vector<16xi32>
    %mul3A_852 = arith.muli %and3A_849, %mul3A_851 : vector<16xi32>
    %add3A_853 = arith.addi %mul3A_852, %shift_right_logical3A_846 : vector<16xi32>
    %swap3A_854 = arith.constant 8 : i32
    %swap3A_855 = arith.index_cast %swap3A_854 : i32 to index
    %swap3A_856 = arith.constant 32 : index
    %swap3A_857 = tpu.vector_load %arg5[%swap3A_855, %swap3A_856] {strides = array<i32>} : memref<10x80xi32, #tpu.memory_space<vmem>>, vector<1x16xi32>,
    %swap3A_858 = vector.shape_cast %swap3A_857 : vector<1x16xi32> to vector<16xi32>
    %swap3A_859 = vector.shape_cast %add3A_853 : vector<16xi32> to vector<1x16xi32>
    tpu.vector_store %arg5[%swap3A_855, %swap3A_856], %swap3A_859 {strides = array<i32>} : memref<10x80xi32, #tpu.memory_space<vmem>>, vector<1x16xi32>,
    %add3A_860 = arith.constant 688 : i32
    %add3A_861 = arith.addi %mul3A_2, %add3A_860 : i32
    %add3A_862 = vector.broadcast %add3A_861 : i32 to vector<16xi32>
    %add3A_863 = arith.addi %add3A_862, %iota3A : vector<16xi32>
    %shift_right_logical3A_864 = arith.constant 9 : i32
    %shift_right_logical3A_865 = vector.broadcast %shift_right_logical3A_864 : i32 to vector<16xi32>
    %shift_right_logical3A_866 = arith.shrui %add3A_863, %shift_right_logical3A_865 : vector<16xi32>
    %and3A_867 = arith.constant 511 : i32
    %and3A_868 = vector.broadcast %and3A_867 : i32 to vector<16xi32>
    %and3A_869 = arith.andi %add3A_863, %and3A_868 : vector<16xi32>
    %mul3A_870 = arith.constant 50 : i32
    %mul3A_871 = vector.broadcast %mul3A_870 : i32 to vector<16xi32>
    %mul3A_872 = arith.muli %and3A_869, %mul3A_871 : vector<16xi32>
    %add3A_873 = arith.addi %mul3A_872, %shift_right_logical3A_866 : vector<16xi32>
    %swap3A_874 = arith.constant 8 : i32
    %swap3A_875 = arith.index_cast %swap3A_874 : i32 to index
    %swap3A_876 = arith.constant 48 : index
    %swap3A_877 = tpu.vector_load %arg5[%swap3A_875, %swap3A_876] {strides = array<i32>} : memref<10x80xi32, #tpu.memory_space<vmem>>, vector<1x16xi32>,
    %swap3A_878 = vector.shape_cast %swap3A_877 : vector<1x16xi32> to vector<16xi32>
    %swap3A_879 = vector.shape_cast %add3A_873 : vector<16xi32> to vector<1x16xi32>
    tpu.vector_store %arg5[%swap3A_875, %swap3A_876], %swap3A_879 {strides = array<i32>} : memref<10x80xi32, #tpu.memory_space<vmem>>, vector<1x16xi32>,
    %add3A_880 = arith.constant 704 : i32
    %add3A_881 = arith.addi %mul3A_2, %add3A_880 : i32
    %add3A_882 = vector.broadcast %add3A_881 : i32 to vector<16xi32>
    %add3A_883 = arith.addi %add3A_882, %iota3A : vector<16xi32>
    %shift_right_logical3A_884 = arith.constant 9 : i32
    %shift_right_logical3A_885 = vector.broadcast %shift_right_logical3A_884 : i32 to vector<16xi32>
    %shift_right_logical3A_886 = arith.shrui %add3A_883, %shift_right_logical3A_885 : vector<16xi32>
    %and3A_887 = arith.constant 511 : i32
    %and3A_888 = vector.broadcast %and3A_887 : i32 to vector<16xi32>
    %and3A_889 = arith.andi %add3A_883, %and3A_888 : vector<16xi32>
    %mul3A_890 = arith.constant 50 : i32
    %mul3A_891 = vector.broadcast %mul3A_890 : i32 to vector<16xi32>
    %mul3A_892 = arith.muli %and3A_889, %mul3A_891 : vector<16xi32>
    %add3A_893 = arith.addi %mul3A_892, %shift_right_logical3A_886 : vector<16xi32>
    %swap3A_894 = arith.constant 8 : i32
    %swap3A_895 = arith.index_cast %swap3A_894 : i32 to index
    %swap3A_896 = arith.constant 64 : index
    %swap3A_897 = tpu.vector_load %arg5[%swap3A_895, %swap3A_896] {strides = array<i32>} : memref<10x80xi32, #tpu.memory_space<vmem>>, vector<1x16xi32>,
    %swap3A_898 = vector.shape_cast %swap3A_897 : vector<1x16xi32> to vector<16xi32>
    %swap3A_899 = vector.shape_cast %add3A_893 : vector<16xi32> to vector<1x16xi32>
    tpu.vector_store %arg5[%swap3A_895, %swap3A_896], %swap3A_899 {strides = array<i32>} : memref<10x80xi32, #tpu.memory_space<vmem>>, vector<1x16xi32>,
    %add3A_900 = arith.constant 720 : i32
    %add3A_901 = arith.addi %mul3A_2, %add3A_900 : i32
    %add3A_902 = vector.broadcast %add3A_901 : i32 to vector<16xi32>
    %add3A_903 = arith.addi %add3A_902, %iota3A : vector<16xi32>
    %shift_right_logical3A_904 = arith.constant 9 : i32
    %shift_right_logical3A_905 = vector.broadcast %shift_right_logical3A_904 : i32 to vector<16xi32>
    %shift_right_logical3A_906 = arith.shrui %add3A_903, %shift_right_logical3A_905 : vector<16xi32>
    %and3A_907 = arith.constant 511 : i32
    %and3A_908 = vector.broadcast %and3A_907 : i32 to vector<16xi32>
    %and3A_909 = arith.andi %add3A_903, %and3A_908 : vector<16xi32>
    %mul3A_910 = arith.constant 50 : i32
    %mul3A_911 = vector.broadcast %mul3A_910 : i32 to vector<16xi32>
    %mul3A_912 = arith.muli %and3A_909, %mul3A_911 : vector<16xi32>
    %add3A_913 = arith.addi %mul3A_912, %shift_right_logical3A_906 : vector<16xi32>
    %swap3A_914 = arith.constant 9 : i32
    %swap3A_915 = arith.index_cast %swap3A_914 : i32 to index
    %swap3A_916 = arith.constant 0 : index
    %swap3A_917 = tpu.vector_load %arg5[%swap3A_915, %swap3A_916] {strides = array<i32>} : memref<10x80xi32, #tpu.memory_space<vmem>>, vector<1x16xi32>,
    %swap3A_918 = vector.shape_cast %swap3A_917 : vector<1x16xi32> to vector<16xi32>
    %swap3A_919 = vector.shape_cast %add3A_913 : vector<16xi32> to vector<1x16xi32>
    tpu.vector_store %arg5[%swap3A_915, %swap3A_916], %swap3A_919 {strides = array<i32>} : memref<10x80xi32, #tpu.memory_space<vmem>>, vector<1x16xi32>,
    %add3A_920 = arith.constant 736 : i32
    %add3A_921 = arith.addi %mul3A_2, %add3A_920 : i32
    %add3A_922 = vector.broadcast %add3A_921 : i32 to vector<16xi32>
    %add3A_923 = arith.addi %add3A_922, %iota3A : vector<16xi32>
    %shift_right_logical3A_924 = arith.constant 9 : i32
    %shift_right_logical3A_925 = vector.broadcast %shift_right_logical3A_924 : i32 to vector<16xi32>
    %shift_right_logical3A_926 = arith.shrui %add3A_923, %shift_right_logical3A_925 : vector<16xi32>
    %and3A_927 = arith.constant 511 : i32
    %and3A_928 = vector.broadcast %and3A_927 : i32 to vector<16xi32>
    %and3A_929 = arith.andi %add3A_923, %and3A_928 : vector<16xi32>
    %mul3A_930 = arith.constant 50 : i32
    %mul3A_931 = vector.broadcast %mul3A_930 : i32 to vector<16xi32>
    %mul3A_932 = arith.muli %and3A_929, %mul3A_931 : vector<16xi32>
    %add3A_933 = arith.addi %mul3A_932, %shift_right_logical3A_926 : vector<16xi32>
    %swap3A_934 = arith.constant 9 : i32
    %swap3A_935 = arith.index_cast %swap3A_934 : i32 to index
    %swap3A_936 = arith.constant 16 : index
    %swap3A_937 = tpu.vector_load %arg5[%swap3A_935, %swap3A_936] {strides = array<i32>} : memref<10x80xi32, #tpu.memory_space<vmem>>, vector<1x16xi32>,
    %swap3A_938 = vector.shape_cast %swap3A_937 : vector<1x16xi32> to vector<16xi32>
    %swap3A_939 = vector.shape_cast %add3A_933 : vector<16xi32> to vector<1x16xi32>
    tpu.vector_store %arg5[%swap3A_935, %swap3A_936], %swap3A_939 {strides = array<i32>} : memref<10x80xi32, #tpu.memory_space<vmem>>, vector<1x16xi32>,
    %add3A_940 = arith.constant 752 : i32
    %add3A_941 = arith.addi %mul3A_2, %add3A_940 : i32
    %add3A_942 = vector.broadcast %add3A_941 : i32 to vector<16xi32>
    %add3A_943 = arith.addi %add3A_942, %iota3A : vector<16xi32>
    %shift_right_logical3A_944 = arith.constant 9 : i32
    %shift_right_logical3A_945 = vector.broadcast %shift_right_logical3A_944 : i32 to vector<16xi32>
    %shift_right_logical3A_946 = arith.shrui %add3A_943, %shift_right_logical3A_945 : vector<16xi32>
    %and3A_947 = arith.constant 511 : i32
    %and3A_948 = vector.broadcast %and3A_947 : i32 to vector<16xi32>
    %and3A_949 = arith.andi %add3A_943, %and3A_948 : vector<16xi32>
    %mul3A_950 = arith.constant 50 : i32
    %mul3A_951 = vector.broadcast %mul3A_950 : i32 to vector<16xi32>
    %mul3A_952 = arith.muli %and3A_949, %mul3A_951 : vector<16xi32>
    %add3A_953 = arith.addi %mul3A_952, %shift_right_logical3A_946 : vector<16xi32>
    %swap3A_954 = arith.constant 9 : i32
    %swap3A_955 = arith.index_cast %swap3A_954 : i32 to index
    %swap3A_956 = arith.constant 32 : index
    %swap3A_957 = tpu.vector_load %arg5[%swap3A_955, %swap3A_956] {strides = array<i32>} : memref<10x80xi32, #tpu.memory_space<vmem>>, vector<1x16xi32>,
    %swap3A_958 = vector.shape_cast %swap3A_957 : vector<1x16xi32> to vector<16xi32>
    %swap3A_959 = vector.shape_cast %add3A_953 : vector<16xi32> to vector<1x16xi32>
    tpu.vector_store %arg5[%swap3A_955, %swap3A_956], %swap3A_959 {strides = array<i32>} : memref<10x80xi32, #tpu.memory_space<vmem>>, vector<1x16xi32>,
    %add3A_960 = arith.constant 768 : i32
    %add3A_961 = arith.addi %mul3A_2, %add3A_960 : i32
    %add3A_962 = vector.broadcast %add3A_961 : i32 to vector<16xi32>
    %add3A_963 = arith.addi %add3A_962, %iota3A : vector<16xi32>
    %shift_right_logical3A_964 = arith.constant 9 : i32
    %shift_right_logical3A_965 = vector.broadcast %shift_right_logical3A_964 : i32 to vector<16xi32>
    %shift_right_logical3A_966 = arith.shrui %add3A_963, %shift_right_logical3A_965 : vector<16xi32>
    %and3A_967 = arith.constant 511 : i32
    %and3A_968 = vector.broadcast %and3A_967 : i32 to vector<16xi32>
    %and3A_969 = arith.andi %add3A_963, %and3A_968 : vector<16xi32>
    %mul3A_970 = arith.constant 50 : i32
    %mul3A_971 = vector.broadcast %mul3A_970 : i32 to vector<16xi32>
    %mul3A_972 = arith.muli %and3A_969, %mul3A_971 : vector<16xi32>
    %add3A_973 = arith.addi %mul3A_972, %shift_right_logical3A_966 : vector<16xi32>
    %swap3A_974 = arith.constant 9 : i32
    %swap3A_975 = arith.index_cast %swap3A_974 : i32 to index
    %swap3A_976 = arith.constant 48 : index
    %swap3A_977 = tpu.vector_load %arg5[%swap3A_975, %swap3A_976] {strides = array<i32>} : memref<10x80xi32, #tpu.memory_space<vmem>>, vector<1x16xi32>,
    %swap3A_978 = vector.shape_cast %swap3A_977 : vector<1x16xi32> to vector<16xi32>
    %swap3A_979 = vector.shape_cast %add3A_973 : vector<16xi32> to vector<1x16xi32>
    tpu.vector_store %arg5[%swap3A_975, %swap3A_976], %swap3A_979 {strides = array<i32>} : memref<10x80xi32, #tpu.memory_space<vmem>>, vector<1x16xi32>,
    %add3A_980 = arith.constant 784 : i32
    %add3A_981 = arith.addi %mul3A_2, %add3A_980 : i32
    %add3A_982 = vector.broadcast %add3A_981 : i32 to vector<16xi32>
    %add3A_983 = arith.addi %add3A_982, %iota3A : vector<16xi32>
    %shift_right_logical3A_984 = arith.constant 9 : i32
    %shift_right_logical3A_985 = vector.broadcast %shift_right_logical3A_984 : i32 to vector<16xi32>
    %shift_right_logical3A_986 = arith.shrui %add3A_983, %shift_right_logical3A_985 : vector<16xi32>
    %and3A_987 = arith.constant 511 : i32
    %and3A_988 = vector.broadcast %and3A_987 : i32 to vector<16xi32>
    %and3A_989 = arith.andi %add3A_983, %and3A_988 : vector<16xi32>
    %mul3A_990 = arith.constant 50 : i32
    %mul3A_991 = vector.broadcast %mul3A_990 : i32 to vector<16xi32>
    %mul3A_992 = arith.muli %and3A_989, %mul3A_991 : vector<16xi32>
    %add3A_993 = arith.addi %mul3A_992, %shift_right_logical3A_986 : vector<16xi32>
    %swap3A_994 = arith.constant 9 : i32
    %swap3A_995 = arith.index_cast %swap3A_994 : i32 to index
    %swap3A_996 = arith.constant 64 : index
    %swap3A_997 = tpu.vector_load %arg5[%swap3A_995, %swap3A_996] {strides = array<i32>} : memref<10x80xi32, #tpu.memory_space<vmem>>, vector<1x16xi32>,
    %swap3A_998 = vector.shape_cast %swap3A_997 : vector<1x16xi32> to vector<16xi32>
    %swap3A_999 = vector.shape_cast %add3A_993 : vector<16xi32> to vector<1x16xi32>
    tpu.vector_store %arg5[%swap3A_995, %swap3A_996], %swap3A_999 {strides = array<i32>} : memref<10x80xi32, #tpu.memory_space<vmem>>, vector<1x16xi32>,
    %dma_start3A = arith.constant 0 : i32
    %dma_start3A_1000 = arith.constant 0 : i32
    %dma_start3A_1001 = arith.constant 0 : i32
    %dma_start3A_1002 = tpu.memref_slice %arg6[%dma_start3A_1000, %dma_start3A_1001] : memref<10x80xi32, #tpu.memory_space<vmem>> -> memref<1x80xi32, #tpu.memory_space<vmem>>
    %dma_start3A_1003 = tpu.memref_squeeze %dma_start3A_1002 : memref<1x80xi32, #tpu.memory_space<vmem>> -> memref<80xi32, #tpu.memory_space<vmem>>
    %dma_start3A_1004 = arith.constant 0 : i32
    %dma_start3A_1005 = tpu.memref_slice %arg5[%dma_start3A, %dma_start3A_1004] : memref<10x80xi32, #tpu.memory_space<vmem>> -> memref<1x80xi32, #tpu.memory_space<vmem>>
    %dma_start3A_1006 = tpu.memref_squeeze %dma_start3A_1005 : memref<1x80xi32, #tpu.memory_space<vmem>> -> memref<80xi32, #tpu.memory_space<vmem>>
    %dma_start3A_1007 = arith.constant 0 : i32
    %dma_start3A_1008 = tpu.memref_slice %arg3[%dma_start3A_1007] : memref<25600xi32, #tpu.memory_space<hbm>> -> memref<25600xi32, #tpu.memory_space<hbm>>
    tpu.enqueue_indirect_dma source(%dma_start3A_1008 : memref<25600xi32, #tpu.memory_space<hbm>>) target(%dma_start3A_1003 : memref<80xi32, #tpu.memory_space<vmem>>) offsets(%dma_start3A_1006 : memref<80xi32, #tpu.memory_space<vmem>>) semaphore(%arg9 : memref<!tpu.dma_semaphore, #tpu.memory_space<semaphore_mem>>)
    %dma_start3A_1009 = arith.constant 1 : i32
    %dma_start3A_1010 = arith.constant 1 : i32
    %dma_start3A_1011 = arith.constant 0 : i32
    %dma_start3A_1012 = tpu.memref_slice %arg6[%dma_start3A_1010, %dma_start3A_1011] : memref<10x80xi32, #tpu.memory_space<vmem>> -> memref<1x80xi32, #tpu.memory_space<vmem>>
    %dma_start3A_1013 = tpu.memref_squeeze %dma_start3A_1012 : memref<1x80xi32, #tpu.memory_space<vmem>> -> memref<80xi32, #tpu.memory_space<vmem>>
    %dma_start3A_1014 = arith.constant 0 : i32
    %dma_start3A_1015 = tpu.memref_slice %arg5[%dma_start3A_1009, %dma_start3A_1014] : memref<10x80xi32, #tpu.memory_space<vmem>> -> memref<1x80xi32, #tpu.memory_space<vmem>>
    %dma_start3A_1016 = tpu.memref_squeeze %dma_start3A_1015 : memref<1x80xi32, #tpu.memory_space<vmem>> -> memref<80xi32, #tpu.memory_space<vmem>>
    %dma_start3A_1017 = arith.constant 0 : i32
    %dma_start3A_1018 = tpu.memref_slice %arg3[%dma_start3A_1017] : memref<25600xi32, #tpu.memory_space<hbm>> -> memref<25600xi32, #tpu.memory_space<hbm>>
    tpu.enqueue_indirect_dma source(%dma_start3A_1018 : memref<25600xi32, #tpu.memory_space<hbm>>) target(%dma_start3A_1013 : memref<80xi32, #tpu.memory_space<vmem>>) offsets(%dma_start3A_1016 : memref<80xi32, #tpu.memory_space<vmem>>) semaphore(%arg9 : memref<!tpu.dma_semaphore, #tpu.memory_space<semaphore_mem>>)
    %dma_start3A_1019 = arith.constant 2 : i32
    %dma_start3A_1020 = arith.constant 2 : i32
    %dma_start3A_1021 = arith.constant 0 : i32
    %dma_start3A_1022 = tpu.memref_slice %arg6[%dma_start3A_1020, %dma_start3A_1021] : memref<10x80xi32, #tpu.memory_space<vmem>> -> memref<1x80xi32, #tpu.memory_space<vmem>>
    %dma_start3A_1023 = tpu.memref_squeeze %dma_start3A_1022 : memref<1x80xi32, #tpu.memory_space<vmem>> -> memref<80xi32, #tpu.memory_space<vmem>>
    %dma_start3A_1024 = arith.constant 0 : i32
    %dma_start3A_1025 = tpu.memref_slice %arg5[%dma_start3A_1019, %dma_start3A_1024] : memref<10x80xi32, #tpu.memory_space<vmem>> -> memref<1x80xi32, #tpu.memory_space<vmem>>
    %dma_start3A_1026 = tpu.memref_squeeze %dma_start3A_1025 : memref<1x80xi32, #tpu.memory_space<vmem>> -> memref<80xi32, #tpu.memory_space<vmem>>
    %dma_start3A_1027 = arith.constant 0 : i32
    %dma_start3A_1028 = tpu.memref_slice %arg3[%dma_start3A_1027] : memref<25600xi32, #tpu.memory_space<hbm>> -> memref<25600xi32, #tpu.memory_space<hbm>>
    tpu.enqueue_indirect_dma source(%dma_start3A_1028 : memref<25600xi32, #tpu.memory_space<hbm>>) target(%dma_start3A_1023 : memref<80xi32, #tpu.memory_space<vmem>>) offsets(%dma_start3A_1026 : memref<80xi32, #tpu.memory_space<vmem>>) semaphore(%arg9 : memref<!tpu.dma_semaphore, #tpu.memory_space<semaphore_mem>>)
    %dma_start3A_1029 = arith.constant 3 : i32
    %dma_start3A_1030 = arith.constant 3 : i32
    %dma_start3A_1031 = arith.constant 0 : i32
    %dma_start3A_1032 = tpu.memref_slice %arg6[%dma_start3A_1030, %dma_start3A_1031] : memref<10x80xi32, #tpu.memory_space<vmem>> -> memref<1x80xi32, #tpu.memory_space<vmem>>
    %dma_start3A_1033 = tpu.memref_squeeze %dma_start3A_1032 : memref<1x80xi32, #tpu.memory_space<vmem>> -> memref<80xi32, #tpu.memory_space<vmem>>
    %dma_start3A_1034 = arith.constant 0 : i32
    %dma_start3A_1035 = tpu.memref_slice %arg5[%dma_start3A_1029, %dma_start3A_1034] : memref<10x80xi32, #tpu.memory_space<vmem>> -> memref<1x80xi32, #tpu.memory_space<vmem>>
    %dma_start3A_1036 = tpu.memref_squeeze %dma_start3A_1035 : memref<1x80xi32, #tpu.memory_space<vmem>> -> memref<80xi32, #tpu.memory_space<vmem>>
    %dma_start3A_1037 = arith.constant 0 : i32
    %dma_start3A_1038 = tpu.memref_slice %arg3[%dma_start3A_1037] : memref<25600xi32, #tpu.memory_space<hbm>> -> memref<25600xi32, #tpu.memory_space<hbm>>
    tpu.enqueue_indirect_dma source(%dma_start3A_1038 : memref<25600xi32, #tpu.memory_space<hbm>>) target(%dma_start3A_1033 : memref<80xi32, #tpu.memory_space<vmem>>) offsets(%dma_start3A_1036 : memref<80xi32, #tpu.memory_space<vmem>>) semaphore(%arg9 : memref<!tpu.dma_semaphore, #tpu.memory_space<semaphore_mem>>)
    %dma_start3A_1039 = arith.constant 4 : i32
    %dma_start3A_1040 = arith.constant 4 : i32
    %dma_start3A_1041 = arith.constant 0 : i32
    %dma_start3A_1042 = tpu.memref_slice %arg6[%dma_start3A_1040, %dma_start3A_1041] : memref<10x80xi32, #tpu.memory_space<vmem>> -> memref<1x80xi32, #tpu.memory_space<vmem>>
    %dma_start3A_1043 = tpu.memref_squeeze %dma_start3A_1042 : memref<1x80xi32, #tpu.memory_space<vmem>> -> memref<80xi32, #tpu.memory_space<vmem>>
    %dma_start3A_1044 = arith.constant 0 : i32
    %dma_start3A_1045 = tpu.memref_slice %arg5[%dma_start3A_1039, %dma_start3A_1044] : memref<10x80xi32, #tpu.memory_space<vmem>> -> memref<1x80xi32, #tpu.memory_space<vmem>>
    %dma_start3A_1046 = tpu.memref_squeeze %dma_start3A_1045 : memref<1x80xi32, #tpu.memory_space<vmem>> -> memref<80xi32, #tpu.memory_space<vmem>>
    %dma_start3A_1047 = arith.constant 0 : i32
    %dma_start3A_1048 = tpu.memref_slice %arg3[%dma_start3A_1047] : memref<25600xi32, #tpu.memory_space<hbm>> -> memref<25600xi32, #tpu.memory_space<hbm>>
    tpu.enqueue_indirect_dma source(%dma_start3A_1048 : memref<25600xi32, #tpu.memory_space<hbm>>) target(%dma_start3A_1043 : memref<80xi32, #tpu.memory_space<vmem>>) offsets(%dma_start3A_1046 : memref<80xi32, #tpu.memory_space<vmem>>) semaphore(%arg9 : memref<!tpu.dma_semaphore, #tpu.memory_space<semaphore_mem>>)
    %dma_start3A_1049 = arith.constant 5 : i32
    %dma_start3A_1050 = arith.constant 5 : i32
    %dma_start3A_1051 = arith.constant 0 : i32
    %dma_start3A_1052 = tpu.memref_slice %arg6[%dma_start3A_1050, %dma_start3A_1051] : memref<10x80xi32, #tpu.memory_space<vmem>> -> memref<1x80xi32, #tpu.memory_space<vmem>>
    %dma_start3A_1053 = tpu.memref_squeeze %dma_start3A_1052 : memref<1x80xi32, #tpu.memory_space<vmem>> -> memref<80xi32, #tpu.memory_space<vmem>>
    %dma_start3A_1054 = arith.constant 0 : i32
    %dma_start3A_1055 = tpu.memref_slice %arg5[%dma_start3A_1049, %dma_start3A_1054] : memref<10x80xi32, #tpu.memory_space<vmem>> -> memref<1x80xi32, #tpu.memory_space<vmem>>
    %dma_start3A_1056 = tpu.memref_squeeze %dma_start3A_1055 : memref<1x80xi32, #tpu.memory_space<vmem>> -> memref<80xi32, #tpu.memory_space<vmem>>
    %dma_start3A_1057 = arith.constant 0 : i32
    %dma_start3A_1058 = tpu.memref_slice %arg3[%dma_start3A_1057] : memref<25600xi32, #tpu.memory_space<hbm>> -> memref<25600xi32, #tpu.memory_space<hbm>>
    tpu.enqueue_indirect_dma source(%dma_start3A_1058 : memref<25600xi32, #tpu.memory_space<hbm>>) target(%dma_start3A_1053 : memref<80xi32, #tpu.memory_space<vmem>>) offsets(%dma_start3A_1056 : memref<80xi32, #tpu.memory_space<vmem>>) semaphore(%arg9 : memref<!tpu.dma_semaphore, #tpu.memory_space<semaphore_mem>>)
    %dma_start3A_1059 = arith.constant 6 : i32
    %dma_start3A_1060 = arith.constant 6 : i32
    %dma_start3A_1061 = arith.constant 0 : i32
    %dma_start3A_1062 = tpu.memref_slice %arg6[%dma_start3A_1060, %dma_start3A_1061] : memref<10x80xi32, #tpu.memory_space<vmem>> -> memref<1x80xi32, #tpu.memory_space<vmem>>
    %dma_start3A_1063 = tpu.memref_squeeze %dma_start3A_1062 : memref<1x80xi32, #tpu.memory_space<vmem>> -> memref<80xi32, #tpu.memory_space<vmem>>
    %dma_start3A_1064 = arith.constant 0 : i32
    %dma_start3A_1065 = tpu.memref_slice %arg5[%dma_start3A_1059, %dma_start3A_1064] : memref<10x80xi32, #tpu.memory_space<vmem>> -> memref<1x80xi32, #tpu.memory_space<vmem>>
    %dma_start3A_1066 = tpu.memref_squeeze %dma_start3A_1065 : memref<1x80xi32, #tpu.memory_space<vmem>> -> memref<80xi32, #tpu.memory_space<vmem>>
    %dma_start3A_1067 = arith.constant 0 : i32
    %dma_start3A_1068 = tpu.memref_slice %arg3[%dma_start3A_1067] : memref<25600xi32, #tpu.memory_space<hbm>> -> memref<25600xi32, #tpu.memory_space<hbm>>
    tpu.enqueue_indirect_dma source(%dma_start3A_1068 : memref<25600xi32, #tpu.memory_space<hbm>>) target(%dma_start3A_1063 : memref<80xi32, #tpu.memory_space<vmem>>) offsets(%dma_start3A_1066 : memref<80xi32, #tpu.memory_space<vmem>>) semaphore(%arg9 : memref<!tpu.dma_semaphore, #tpu.memory_space<semaphore_mem>>)
    %dma_start3A_1069 = arith.constant 7 : i32
    %dma_start3A_1070 = arith.constant 7 : i32
    %dma_start3A_1071 = arith.constant 0 : i32
    %dma_start3A_1072 = tpu.memref_slice %arg6[%dma_start3A_1070, %dma_start3A_1071] : memref<10x80xi32, #tpu.memory_space<vmem>> -> memref<1x80xi32, #tpu.memory_space<vmem>>
    %dma_start3A_1073 = tpu.memref_squeeze %dma_start3A_1072 : memref<1x80xi32, #tpu.memory_space<vmem>> -> memref<80xi32, #tpu.memory_space<vmem>>
    %dma_start3A_1074 = arith.constant 0 : i32
    %dma_start3A_1075 = tpu.memref_slice %arg5[%dma_start3A_1069, %dma_start3A_1074] : memref<10x80xi32, #tpu.memory_space<vmem>> -> memref<1x80xi32, #tpu.memory_space<vmem>>
    %dma_start3A_1076 = tpu.memref_squeeze %dma_start3A_1075 : memref<1x80xi32, #tpu.memory_space<vmem>> -> memref<80xi32, #tpu.memory_space<vmem>>
    %dma_start3A_1077 = arith.constant 0 : i32
    %dma_start3A_1078 = tpu.memref_slice %arg3[%dma_start3A_1077] : memref<25600xi32, #tpu.memory_space<hbm>> -> memref<25600xi32, #tpu.memory_space<hbm>>
    tpu.enqueue_indirect_dma source(%dma_start3A_1078 : memref<25600xi32, #tpu.memory_space<hbm>>) target(%dma_start3A_1073 : memref<80xi32, #tpu.memory_space<vmem>>) offsets(%dma_start3A_1076 : memref<80xi32, #tpu.memory_space<vmem>>) semaphore(%arg9 : memref<!tpu.dma_semaphore, #tpu.memory_space<semaphore_mem>>)
    %dma_start3A_1079 = arith.constant 8 : i32
    %dma_start3A_1080 = arith.constant 8 : i32
    %dma_start3A_1081 = arith.constant 0 : i32
    %dma_start3A_1082 = tpu.memref_slice %arg6[%dma_start3A_1080, %dma_start3A_1081] : memref<10x80xi32, #tpu.memory_space<vmem>> -> memref<1x80xi32, #tpu.memory_space<vmem>>
    %dma_start3A_1083 = tpu.memref_squeeze %dma_start3A_1082 : memref<1x80xi32, #tpu.memory_space<vmem>> -> memref<80xi32, #tpu.memory_space<vmem>>
    %dma_start3A_1084 = arith.constant 0 : i32
    %dma_start3A_1085 = tpu.memref_slice %arg5[%dma_start3A_1079, %dma_start3A_1084] : memref<10x80xi32, #tpu.memory_space<vmem>> -> memref<1x80xi32, #tpu.memory_space<vmem>>
    %dma_start3A_1086 = tpu.memref_squeeze %dma_start3A_1085 : memref<1x80xi32, #tpu.memory_space<vmem>> -> memref<80xi32, #tpu.memory_space<vmem>>
    %dma_start3A_1087 = arith.constant 0 : i32
    %dma_start3A_1088 = tpu.memref_slice %arg3[%dma_start3A_1087] : memref<25600xi32, #tpu.memory_space<hbm>> -> memref<25600xi32, #tpu.memory_space<hbm>>
    tpu.enqueue_indirect_dma source(%dma_start3A_1088 : memref<25600xi32, #tpu.memory_space<hbm>>) target(%dma_start3A_1083 : memref<80xi32, #tpu.memory_space<vmem>>) offsets(%dma_start3A_1086 : memref<80xi32, #tpu.memory_space<vmem>>) semaphore(%arg9 : memref<!tpu.dma_semaphore, #tpu.memory_space<semaphore_mem>>)
    %dma_start3A_1089 = arith.constant 9 : i32
    %dma_start3A_1090 = arith.constant 9 : i32
    %dma_start3A_1091 = arith.constant 0 : i32
    %dma_start3A_1092 = tpu.memref_slice %arg6[%dma_start3A_1090, %dma_start3A_1091] : memref<10x80xi32, #tpu.memory_space<vmem>> -> memref<1x80xi32, #tpu.memory_space<vmem>>
    %dma_start3A_1093 = tpu.memref_squeeze %dma_start3A_1092 : memref<1x80xi32, #tpu.memory_space<vmem>> -> memref<80xi32, #tpu.memory_space<vmem>>
    %dma_start3A_1094 = arith.constant 0 : i32
    %dma_start3A_1095 = tpu.memref_slice %arg5[%dma_start3A_1089, %dma_start3A_1094] : memref<10x80xi32, #tpu.memory_space<vmem>> -> memref<1x80xi32, #tpu.memory_space<vmem>>
    %dma_start3A_1096 = tpu.memref_squeeze %dma_start3A_1095 : memref<1x80xi32, #tpu.memory_space<vmem>> -> memref<80xi32, #tpu.memory_space<vmem>>
    %dma_start3A_1097 = arith.constant 0 : i32
    %dma_start3A_1098 = tpu.memref_slice %arg3[%dma_start3A_1097] : memref<25600xi32, #tpu.memory_space<hbm>> -> memref<25600xi32, #tpu.memory_space<hbm>>
    tpu.enqueue_indirect_dma source(%dma_start3A_1098 : memref<25600xi32, #tpu.memory_space<hbm>>) target(%dma_start3A_1093 : memref<80xi32, #tpu.memory_space<vmem>>) offsets(%dma_start3A_1096 : memref<80xi32, #tpu.memory_space<vmem>>) semaphore(%arg9 : memref<!tpu.dma_semaphore, #tpu.memory_space<semaphore_mem>>)
    %dma_wait3A = arith.constant 0 : i32
    %dma_wait3A_1099 = arith.constant 0 : i32
    %dma_wait3A_1100 = arith.constant 0 : i32
    %dma_wait3A_1101 = tpu.memref_slice %arg6[%dma_wait3A_1099, %dma_wait3A_1100] : memref<10x80xi32, #tpu.memory_space<vmem>> -> memref<1x80xi32, #tpu.memory_space<vmem>>
    %dma_wait3A_1102 = tpu.memref_squeeze %dma_wait3A_1101 : memref<1x80xi32, #tpu.memory_space<vmem>> -> memref<80xi32, #tpu.memory_space<vmem>>
    %dma_wait3A_1103 = arith.constant 0 : i32
    %dma_wait3A_1104 = tpu.memref_slice %arg5[%dma_wait3A, %dma_wait3A_1103] : memref<10x80xi32, #tpu.memory_space<vmem>> -> memref<1x80xi32, #tpu.memory_space<vmem>>
    %dma_wait3A_1105 = tpu.memref_squeeze %dma_wait3A_1104 : memref<1x80xi32, #tpu.memory_space<vmem>> -> memref<80xi32, #tpu.memory_space<vmem>>
    %dma_wait3A_1106 = arith.constant 0 : i32
    %dma_wait3A_1107 = tpu.memref_slice %arg3[%dma_wait3A_1106] : memref<25600xi32, #tpu.memory_space<hbm>> -> memref<25600xi32, #tpu.memory_space<hbm>>
    tpu.wait_indirect_dma semaphore(%arg9 : memref<!tpu.dma_semaphore, #tpu.memory_space<semaphore_mem>>) src(%dma_wait3A_1107 : memref<25600xi32, #tpu.memory_space<hbm>>) dst(%dma_wait3A_1102 : memref<80xi32, #tpu.memory_space<vmem>>)
    %dma_start3A_1108 = arith.constant 0 : i32
    %dma_start3A_1109 = arith.constant 0 : i32
    %dma_start3A_1110 = tpu.memref_slice %arg6[%dma_start3A_1108, %dma_start3A_1109] : memref<10x80xi32, #tpu.memory_space<vmem>> -> memref<1x80xi32, #tpu.memory_space<vmem>>
    %dma_start3A_1111 = tpu.memref_squeeze %dma_start3A_1110 : memref<1x80xi32, #tpu.memory_space<vmem>> -> memref<80xi32, #tpu.memory_space<vmem>>
    %dma_start3A_1112 = arith.constant 0 : i32
    %dma_start3A_1113 = arith.constant 0 : i32
    %dma_start3A_1114 = tpu.memref_slice %arg2[%dma_start3A_1112, %dma_start3A_1113] : memref<1000000x128xf32, #tpu.memory_space<hbm>> -> memref<1000000x128xf32, #tpu.memory_space<hbm>>
    tpu.enqueue_indirect_dma source(%dma_start3A_1114 : memref<1000000x128xf32, #tpu.memory_space<hbm>>) target(%arg7 : memref<80x128xf32, #tpu.memory_space<vmem>>) offsets(%dma_start3A_1111 : memref<80xi32, #tpu.memory_space<vmem>>) semaphore(%arg10 : memref<!tpu.dma_semaphore, #tpu.memory_space<semaphore_mem>>)
    %dma_wait3A_1115 = arith.constant 1 : i32
    %dma_wait3A_1116 = arith.constant 1 : i32
    %dma_wait3A_1117 = arith.constant 0 : i32
    %dma_wait3A_1118 = tpu.memref_slice %arg6[%dma_wait3A_1116, %dma_wait3A_1117] : memref<10x80xi32, #tpu.memory_space<vmem>> -> memref<1x80xi32, #tpu.memory_space<vmem>>
    %dma_wait3A_1119 = tpu.memref_squeeze %dma_wait3A_1118 : memref<1x80xi32, #tpu.memory_space<vmem>> -> memref<80xi32, #tpu.memory_space<vmem>>
    %dma_wait3A_1120 = arith.constant 0 : i32
    %dma_wait3A_1121 = tpu.memref_slice %arg5[%dma_wait3A_1115, %dma_wait3A_1120] : memref<10x80xi32, #tpu.memory_space<vmem>> -> memref<1x80xi32, #tpu.memory_space<vmem>>
    %dma_wait3A_1122 = tpu.memref_squeeze %dma_wait3A_1121 : memref<1x80xi32, #tpu.memory_space<vmem>> -> memref<80xi32, #tpu.memory_space<vmem>>
    %dma_wait3A_1123 = arith.constant 0 : i32
    %dma_wait3A_1124 = tpu.memref_slice %arg3[%dma_wait3A_1123] : memref<25600xi32, #tpu.memory_space<hbm>> -> memref<25600xi32, #tpu.memory_space<hbm>>
    tpu.wait_indirect_dma semaphore(%arg9 : memref<!tpu.dma_semaphore, #tpu.memory_space<semaphore_mem>>) src(%dma_wait3A_1124 : memref<25600xi32, #tpu.memory_space<hbm>>) dst(%dma_wait3A_1119 : memref<80xi32, #tpu.memory_space<vmem>>)
    %dma_start3A_1125 = arith.constant 1 : i32
    %dma_start3A_1126 = arith.constant 0 : i32
    %dma_start3A_1127 = tpu.memref_slice %arg6[%dma_start3A_1125, %dma_start3A_1126] : memref<10x80xi32, #tpu.memory_space<vmem>> -> memref<1x80xi32, #tpu.memory_space<vmem>>
    %dma_start3A_1128 = tpu.memref_squeeze %dma_start3A_1127 : memref<1x80xi32, #tpu.memory_space<vmem>> -> memref<80xi32, #tpu.memory_space<vmem>>
    %dma_start3A_1129 = arith.constant 0 : i32
    %dma_start3A_1130 = arith.constant 0 : i32
    %dma_start3A_1131 = tpu.memref_slice %arg2[%dma_start3A_1129, %dma_start3A_1130] : memref<1000000x128xf32, #tpu.memory_space<hbm>> -> memref<1000000x128xf32, #tpu.memory_space<hbm>>
    tpu.enqueue_indirect_dma source(%dma_start3A_1131 : memref<1000000x128xf32, #tpu.memory_space<hbm>>) target(%arg8 : memref<80x128xf32, #tpu.memory_space<vmem>>) offsets(%dma_start3A_1128 : memref<80xi32, #tpu.memory_space<vmem>>) semaphore(%arg11 : memref<!tpu.dma_semaphore, #tpu.memory_space<semaphore_mem>>)
    %dma_wait3A_1132 = arith.constant 0 : i32
    %dma_wait3A_1133 = arith.constant 0 : i32
    %dma_wait3A_1134 = tpu.memref_slice %arg6[%dma_wait3A_1132, %dma_wait3A_1133] : memref<10x80xi32, #tpu.memory_space<vmem>> -> memref<1x80xi32, #tpu.memory_space<vmem>>
    %dma_wait3A_1135 = tpu.memref_squeeze %dma_wait3A_1134 : memref<1x80xi32, #tpu.memory_space<vmem>> -> memref<80xi32, #tpu.memory_space<vmem>>
    %dma_wait3A_1136 = arith.constant 0 : i32
    %dma_wait3A_1137 = arith.constant 0 : i32
    %dma_wait3A_1138 = tpu.memref_slice %arg2[%dma_wait3A_1136, %dma_wait3A_1137] : memref<1000000x128xf32, #tpu.memory_space<hbm>> -> memref<1000000x128xf32, #tpu.memory_space<hbm>>
    tpu.wait_indirect_dma semaphore(%arg10 : memref<!tpu.dma_semaphore, #tpu.memory_space<semaphore_mem>>) src(%dma_wait3A_1138 : memref<1000000x128xf32, #tpu.memory_space<hbm>>) dst(%arg7 : memref<80x128xf32, #tpu.memory_space<vmem>>)
    %add3A_1139 = arith.constant 0 : i32
    %add3A_1140 = arith.addi %mul3A_2, %add3A_1139 : i32
    %dma_start3A_1141 = arith.constant 0 : i32
    %dma_start3A_1142 = tpu.memref_slice %arg4[%add3A_1140, %dma_start3A_1141] : memref<25600x128xf32, #tpu.memory_space<hbm>> -> memref<80x128xf32, #tpu.memory_space<hbm>>
    %dma_start3A_1143 = arith.constant 0 : i32
    %dma_start3A_1144 = tpu.memref_slice %arg4[%add3A_1140, %dma_start3A_1143] : memref<25600x128xf32, #tpu.memory_space<hbm>> -> memref<80x128xf32, #tpu.memory_space<hbm>>
    tpu.enqueue_dma source(%arg7 : memref<80x128xf32, #tpu.memory_space<vmem>>) target(%dma_start3A_1144 : memref<80x128xf32, #tpu.memory_space<hbm>>) target_semaphore(%arg12 : memref<!tpu.dma_semaphore, #tpu.memory_space<semaphore_mem>>)
    %dma_wait3A_1145 = arith.constant 0 : i32
    %dma_wait3A_1146 = tpu.memref_slice %arg4[%add3A_1140, %dma_wait3A_1145] : memref<25600x128xf32, #tpu.memory_space<hbm>> -> memref<80x128xf32, #tpu.memory_space<hbm>>
    %dma_wait3A_1147 = arith.constant 0 : i32
    %dma_wait3A_1148 = tpu.memref_slice %arg4[%add3A_1140, %dma_wait3A_1147] : memref<25600x128xf32, #tpu.memory_space<hbm>> -> memref<80x128xf32, #tpu.memory_space<hbm>>
    tpu.wait_dma2 semaphore(%arg12 : memref<!tpu.dma_semaphore, #tpu.memory_space<semaphore_mem>>) src(%arg7 : memref<80x128xf32, #tpu.memory_space<vmem>>) dst(%dma_wait3A_1148 : memref<80x128xf32, #tpu.memory_space<hbm>>)
    %dma_wait3A_1149 = arith.constant 2 : i32
    %dma_wait3A_1150 = arith.constant 2 : i32
    %dma_wait3A_1151 = arith.constant 0 : i32
    %dma_wait3A_1152 = tpu.memref_slice %arg6[%dma_wait3A_1150, %dma_wait3A_1151] : memref<10x80xi32, #tpu.memory_space<vmem>> -> memref<1x80xi32, #tpu.memory_space<vmem>>
    %dma_wait3A_1153 = tpu.memref_squeeze %dma_wait3A_1152 : memref<1x80xi32, #tpu.memory_space<vmem>> -> memref<80xi32, #tpu.memory_space<vmem>>
    %dma_wait3A_1154 = arith.constant 0 : i32
    %dma_wait3A_1155 = tpu.memref_slice %arg5[%dma_wait3A_1149, %dma_wait3A_1154] : memref<10x80xi32, #tpu.memory_space<vmem>> -> memref<1x80xi32, #tpu.memory_space<vmem>>
    %dma_wait3A_1156 = tpu.memref_squeeze %dma_wait3A_1155 : memref<1x80xi32, #tpu.memory_space<vmem>> -> memref<80xi32, #tpu.memory_space<vmem>>
    %dma_wait3A_1157 = arith.constant 0 : i32
    %dma_wait3A_1158 = tpu.memref_slice %arg3[%dma_wait3A_1157] : memref<25600xi32, #tpu.memory_space<hbm>> -> memref<25600xi32, #tpu.memory_space<hbm>>
    tpu.wait_indirect_dma semaphore(%arg9 : memref<!tpu.dma_semaphore, #tpu.memory_space<semaphore_mem>>) src(%dma_wait3A_1158 : memref<25600xi32, #tpu.memory_space<hbm>>) dst(%dma_wait3A_1153 : memref<80xi32, #tpu.memory_space<vmem>>)
    %dma_start3A_1159 = arith.constant 2 : i32
    %dma_start3A_1160 = arith.constant 0 : i32
    %dma_start3A_1161 = tpu.memref_slice %arg6[%dma_start3A_1159, %dma_start3A_1160] : memref<10x80xi32, #tpu.memory_space<vmem>> -> memref<1x80xi32, #tpu.memory_space<vmem>>
    %dma_start3A_1162 = tpu.memref_squeeze %dma_start3A_1161 : memref<1x80xi32, #tpu.memory_space<vmem>> -> memref<80xi32, #tpu.memory_space<vmem>>
    %dma_start3A_1163 = arith.constant 0 : i32
    %dma_start3A_1164 = arith.constant 0 : i32
    %dma_start3A_1165 = tpu.memref_slice %arg2[%dma_start3A_1163, %dma_start3A_1164] : memref<1000000x128xf32, #tpu.memory_space<hbm>> -> memref<1000000x128xf32, #tpu.memory_space<hbm>>
    tpu.enqueue_indirect_dma source(%dma_start3A_1165 : memref<1000000x128xf32, #tpu.memory_space<hbm>>) target(%arg7 : memref<80x128xf32, #tpu.memory_space<vmem>>) offsets(%dma_start3A_1162 : memref<80xi32, #tpu.memory_space<vmem>>) semaphore(%arg10 : memref<!tpu.dma_semaphore, #tpu.memory_space<semaphore_mem>>)
    %dma_wait3A_1166 = arith.constant 1 : i32
    %dma_wait3A_1167 = arith.constant 0 : i32
    %dma_wait3A_1168 = tpu.memref_slice %arg6[%dma_wait3A_1166, %dma_wait3A_1167] : memref<10x80xi32, #tpu.memory_space<vmem>> -> memref<1x80xi32, #tpu.memory_space<vmem>>
    %dma_wait3A_1169 = tpu.memref_squeeze %dma_wait3A_1168 : memref<1x80xi32, #tpu.memory_space<vmem>> -> memref<80xi32, #tpu.memory_space<vmem>>
    %dma_wait3A_1170 = arith.constant 0 : i32
    %dma_wait3A_1171 = arith.constant 0 : i32
    %dma_wait3A_1172 = tpu.memref_slice %arg2[%dma_wait3A_1170, %dma_wait3A_1171] : memref<1000000x128xf32, #tpu.memory_space<hbm>> -> memref<1000000x128xf32, #tpu.memory_space<hbm>>
    tpu.wait_indirect_dma semaphore(%arg11 : memref<!tpu.dma_semaphore, #tpu.memory_space<semaphore_mem>>) src(%dma_wait3A_1172 : memref<1000000x128xf32, #tpu.memory_space<hbm>>) dst(%arg8 : memref<80x128xf32, #tpu.memory_space<vmem>>)
    %add3A_1173 = arith.constant 80 : i32
    %add3A_1174 = arith.addi %mul3A_2, %add3A_1173 : i32
    %dma_start3A_1175 = arith.constant 0 : i32
    %dma_start3A_1176 = tpu.memref_slice %arg4[%add3A_1174, %dma_start3A_1175] : memref<25600x128xf32, #tpu.memory_space<hbm>> -> memref<80x128xf32, #tpu.memory_space<hbm>>
    %dma_start3A_1177 = arith.constant 0 : i32
    %dma_start3A_1178 = tpu.memref_slice %arg4[%add3A_1174, %dma_start3A_1177] : memref<25600x128xf32, #tpu.memory_space<hbm>> -> memref<80x128xf32, #tpu.memory_space<hbm>>
    tpu.enqueue_dma source(%arg8 : memref<80x128xf32, #tpu.memory_space<vmem>>) target(%dma_start3A_1178 : memref<80x128xf32, #tpu.memory_space<hbm>>) target_semaphore(%arg13 : memref<!tpu.dma_semaphore, #tpu.memory_space<semaphore_mem>>)
    %dma_wait3A_1179 = arith.constant 0 : i32
    %dma_wait3A_1180 = tpu.memref_slice %arg4[%add3A_1174, %dma_wait3A_1179] : memref<25600x128xf32, #tpu.memory_space<hbm>> -> memref<80x128xf32, #tpu.memory_space<hbm>>
    %dma_wait3A_1181 = arith.constant 0 : i32
    %dma_wait3A_1182 = tpu.memref_slice %arg4[%add3A_1174, %dma_wait3A_1181] : memref<25600x128xf32, #tpu.memory_space<hbm>> -> memref<80x128xf32, #tpu.memory_space<hbm>>
    tpu.wait_dma2 semaphore(%arg13 : memref<!tpu.dma_semaphore, #tpu.memory_space<semaphore_mem>>) src(%arg8 : memref<80x128xf32, #tpu.memory_space<vmem>>) dst(%dma_wait3A_1182 : memref<80x128xf32, #tpu.memory_space<hbm>>)
    %dma_wait3A_1183 = arith.constant 3 : i32
    %dma_wait3A_1184 = arith.constant 3 : i32
    %dma_wait3A_1185 = arith.constant 0 : i32
    %dma_wait3A_1186 = tpu.memref_slice %arg6[%dma_wait3A_1184, %dma_wait3A_1185] : memref<10x80xi32, #tpu.memory_space<vmem>> -> memref<1x80xi32, #tpu.memory_space<vmem>>
    %dma_wait3A_1187 = tpu.memref_squeeze %dma_wait3A_1186 : memref<1x80xi32, #tpu.memory_space<vmem>> -> memref<80xi32, #tpu.memory_space<vmem>>
    %dma_wait3A_1188 = arith.constant 0 : i32
    %dma_wait3A_1189 = tpu.memref_slice %arg5[%dma_wait3A_1183, %dma_wait3A_1188] : memref<10x80xi32, #tpu.memory_space<vmem>> -> memref<1x80xi32, #tpu.memory_space<vmem>>
    %dma_wait3A_1190 = tpu.memref_squeeze %dma_wait3A_1189 : memref<1x80xi32, #tpu.memory_space<vmem>> -> memref<80xi32, #tpu.memory_space<vmem>>
    %dma_wait3A_1191 = arith.constant 0 : i32
    %dma_wait3A_1192 = tpu.memref_slice %arg3[%dma_wait3A_1191] : memref<25600xi32, #tpu.memory_space<hbm>> -> memref<25600xi32, #tpu.memory_space<hbm>>
    tpu.wait_indirect_dma semaphore(%arg9 : memref<!tpu.dma_semaphore, #tpu.memory_space<semaphore_mem>>) src(%dma_wait3A_1192 : memref<25600xi32, #tpu.memory_space<hbm>>) dst(%dma_wait3A_1187 : memref<80xi32, #tpu.memory_space<vmem>>)
    %dma_start3A_1193 = arith.constant 3 : i32
    %dma_start3A_1194 = arith.constant 0 : i32
    %dma_start3A_1195 = tpu.memref_slice %arg6[%dma_start3A_1193, %dma_start3A_1194] : memref<10x80xi32, #tpu.memory_space<vmem>> -> memref<1x80xi32, #tpu.memory_space<vmem>>
    %dma_start3A_1196 = tpu.memref_squeeze %dma_start3A_1195 : memref<1x80xi32, #tpu.memory_space<vmem>> -> memref<80xi32, #tpu.memory_space<vmem>>
    %dma_start3A_1197 = arith.constant 0 : i32
    %dma_start3A_1198 = arith.constant 0 : i32
    %dma_start3A_1199 = tpu.memref_slice %arg2[%dma_start3A_1197, %dma_start3A_1198] : memref<1000000x128xf32, #tpu.memory_space<hbm>> -> memref<1000000x128xf32, #tpu.memory_space<hbm>>
    tpu.enqueue_indirect_dma source(%dma_start3A_1199 : memref<1000000x128xf32, #tpu.memory_space<hbm>>) target(%arg8 : memref<80x128xf32, #tpu.memory_space<vmem>>) offsets(%dma_start3A_1196 : memref<80xi32, #tpu.memory_space<vmem>>) semaphore(%arg11 : memref<!tpu.dma_semaphore, #tpu.memory_space<semaphore_mem>>)
    %dma_wait3A_1200 = arith.constant 2 : i32
    %dma_wait3A_1201 = arith.constant 0 : i32
    %dma_wait3A_1202 = tpu.memref_slice %arg6[%dma_wait3A_1200, %dma_wait3A_1201] : memref<10x80xi32, #tpu.memory_space<vmem>> -> memref<1x80xi32, #tpu.memory_space<vmem>>
    %dma_wait3A_1203 = tpu.memref_squeeze %dma_wait3A_1202 : memref<1x80xi32, #tpu.memory_space<vmem>> -> memref<80xi32, #tpu.memory_space<vmem>>
    %dma_wait3A_1204 = arith.constant 0 : i32
    %dma_wait3A_1205 = arith.constant 0 : i32
    %dma_wait3A_1206 = tpu.memref_slice %arg2[%dma_wait3A_1204, %dma_wait3A_1205] : memref<1000000x128xf32, #tpu.memory_space<hbm>> -> memref<1000000x128xf32, #tpu.memory_space<hbm>>
    tpu.wait_indirect_dma semaphore(%arg10 : memref<!tpu.dma_semaphore, #tpu.memory_space<semaphore_mem>>) src(%dma_wait3A_1206 : memref<1000000x128xf32, #tpu.memory_space<hbm>>) dst(%arg7 : memref<80x128xf32, #tpu.memory_space<vmem>>)
    %add3A_1207 = arith.constant 160 : i32
    %add3A_1208 = arith.addi %mul3A_2, %add3A_1207 : i32
    %dma_start3A_1209 = arith.constant 0 : i32
    %dma_start3A_1210 = tpu.memref_slice %arg4[%add3A_1208, %dma_start3A_1209] : memref<25600x128xf32, #tpu.memory_space<hbm>> -> memref<80x128xf32, #tpu.memory_space<hbm>>
    %dma_start3A_1211 = arith.constant 0 : i32
    %dma_start3A_1212 = tpu.memref_slice %arg4[%add3A_1208, %dma_start3A_1211] : memref<25600x128xf32, #tpu.memory_space<hbm>> -> memref<80x128xf32, #tpu.memory_space<hbm>>
    tpu.enqueue_dma source(%arg7 : memref<80x128xf32, #tpu.memory_space<vmem>>) target(%dma_start3A_1212 : memref<80x128xf32, #tpu.memory_space<hbm>>) target_semaphore(%arg12 : memref<!tpu.dma_semaphore, #tpu.memory_space<semaphore_mem>>)
    %dma_wait3A_1213 = arith.constant 0 : i32
    %dma_wait3A_1214 = tpu.memref_slice %arg4[%add3A_1208, %dma_wait3A_1213] : memref<25600x128xf32, #tpu.memory_space<hbm>> -> memref<80x128xf32, #tpu.memory_space<hbm>>
    %dma_wait3A_1215 = arith.constant 0 : i32
    %dma_wait3A_1216 = tpu.memref_slice %arg4[%add3A_1208, %dma_wait3A_1215] : memref<25600x128xf32, #tpu.memory_space<hbm>> -> memref<80x128xf32, #tpu.memory_space<hbm>>
    tpu.wait_dma2 semaphore(%arg12 : memref<!tpu.dma_semaphore, #tpu.memory_space<semaphore_mem>>) src(%arg7 : memref<80x128xf32, #tpu.memory_space<vmem>>) dst(%dma_wait3A_1216 : memref<80x128xf32, #tpu.memory_space<hbm>>)
    %dma_wait3A_1217 = arith.constant 4 : i32
    %dma_wait3A_1218 = arith.constant 4 : i32
    %dma_wait3A_1219 = arith.constant 0 : i32
    %dma_wait3A_1220 = tpu.memref_slice %arg6[%dma_wait3A_1218, %dma_wait3A_1219] : memref<10x80xi32, #tpu.memory_space<vmem>> -> memref<1x80xi32, #tpu.memory_space<vmem>>
    %dma_wait3A_1221 = tpu.memref_squeeze %dma_wait3A_1220 : memref<1x80xi32, #tpu.memory_space<vmem>> -> memref<80xi32, #tpu.memory_space<vmem>>
    %dma_wait3A_1222 = arith.constant 0 : i32
    %dma_wait3A_1223 = tpu.memref_slice %arg5[%dma_wait3A_1217, %dma_wait3A_1222] : memref<10x80xi32, #tpu.memory_space<vmem>> -> memref<1x80xi32, #tpu.memory_space<vmem>>
    %dma_wait3A_1224 = tpu.memref_squeeze %dma_wait3A_1223 : memref<1x80xi32, #tpu.memory_space<vmem>> -> memref<80xi32, #tpu.memory_space<vmem>>
    %dma_wait3A_1225 = arith.constant 0 : i32
    %dma_wait3A_1226 = tpu.memref_slice %arg3[%dma_wait3A_1225] : memref<25600xi32, #tpu.memory_space<hbm>> -> memref<25600xi32, #tpu.memory_space<hbm>>
    tpu.wait_indirect_dma semaphore(%arg9 : memref<!tpu.dma_semaphore, #tpu.memory_space<semaphore_mem>>) src(%dma_wait3A_1226 : memref<25600xi32, #tpu.memory_space<hbm>>) dst(%dma_wait3A_1221 : memref<80xi32, #tpu.memory_space<vmem>>)
    %dma_start3A_1227 = arith.constant 4 : i32
    %dma_start3A_1228 = arith.constant 0 : i32
    %dma_start3A_1229 = tpu.memref_slice %arg6[%dma_start3A_1227, %dma_start3A_1228] : memref<10x80xi32, #tpu.memory_space<vmem>> -> memref<1x80xi32, #tpu.memory_space<vmem>>
    %dma_start3A_1230 = tpu.memref_squeeze %dma_start3A_1229 : memref<1x80xi32, #tpu.memory_space<vmem>> -> memref<80xi32, #tpu.memory_space<vmem>>
    %dma_start3A_1231 = arith.constant 0 : i32
    %dma_start3A_1232 = arith.constant 0 : i32
    %dma_start3A_1233 = tpu.memref_slice %arg2[%dma_start3A_1231, %dma_start3A_1232] : memref<1000000x128xf32, #tpu.memory_space<hbm>> -> memref<1000000x128xf32, #tpu.memory_space<hbm>>
    tpu.enqueue_indirect_dma source(%dma_start3A_1233 : memref<1000000x128xf32, #tpu.memory_space<hbm>>) target(%arg7 : memref<80x128xf32, #tpu.memory_space<vmem>>) offsets(%dma_start3A_1230 : memref<80xi32, #tpu.memory_space<vmem>>) semaphore(%arg10 : memref<!tpu.dma_semaphore, #tpu.memory_space<semaphore_mem>>)
    %dma_wait3A_1234 = arith.constant 3 : i32
    %dma_wait3A_1235 = arith.constant 0 : i32
    %dma_wait3A_1236 = tpu.memref_slice %arg6[%dma_wait3A_1234, %dma_wait3A_1235] : memref<10x80xi32, #tpu.memory_space<vmem>> -> memref<1x80xi32, #tpu.memory_space<vmem>>
    %dma_wait3A_1237 = tpu.memref_squeeze %dma_wait3A_1236 : memref<1x80xi32, #tpu.memory_space<vmem>> -> memref<80xi32, #tpu.memory_space<vmem>>
    %dma_wait3A_1238 = arith.constant 0 : i32
    %dma_wait3A_1239 = arith.constant 0 : i32
    %dma_wait3A_1240 = tpu.memref_slice %arg2[%dma_wait3A_1238, %dma_wait3A_1239] : memref<1000000x128xf32, #tpu.memory_space<hbm>> -> memref<1000000x128xf32, #tpu.memory_space<hbm>>
    tpu.wait_indirect_dma semaphore(%arg11 : memref<!tpu.dma_semaphore, #tpu.memory_space<semaphore_mem>>) src(%dma_wait3A_1240 : memref<1000000x128xf32, #tpu.memory_space<hbm>>) dst(%arg8 : memref<80x128xf32, #tpu.memory_space<vmem>>)
    %add3A_1241 = arith.constant 240 : i32
    %add3A_1242 = arith.addi %mul3A_2, %add3A_1241 : i32
    %dma_start3A_1243 = arith.constant 0 : i32
    %dma_start3A_1244 = tpu.memref_slice %arg4[%add3A_1242, %dma_start3A_1243] : memref<25600x128xf32, #tpu.memory_space<hbm>> -> memref<80x128xf32, #tpu.memory_space<hbm>>
    %dma_start3A_1245 = arith.constant 0 : i32
    %dma_start3A_1246 = tpu.memref_slice %arg4[%add3A_1242, %dma_start3A_1245] : memref<25600x128xf32, #tpu.memory_space<hbm>> -> memref<80x128xf32, #tpu.memory_space<hbm>>
    tpu.enqueue_dma source(%arg8 : memref<80x128xf32, #tpu.memory_space<vmem>>) target(%dma_start3A_1246 : memref<80x128xf32, #tpu.memory_space<hbm>>) target_semaphore(%arg13 : memref<!tpu.dma_semaphore, #tpu.memory_space<semaphore_mem>>)
    %dma_wait3A_1247 = arith.constant 0 : i32
    %dma_wait3A_1248 = tpu.memref_slice %arg4[%add3A_1242, %dma_wait3A_1247] : memref<25600x128xf32, #tpu.memory_space<hbm>> -> memref<80x128xf32, #tpu.memory_space<hbm>>
    %dma_wait3A_1249 = arith.constant 0 : i32
    %dma_wait3A_1250 = tpu.memref_slice %arg4[%add3A_1242, %dma_wait3A_1249] : memref<25600x128xf32, #tpu.memory_space<hbm>> -> memref<80x128xf32, #tpu.memory_space<hbm>>
    tpu.wait_dma2 semaphore(%arg13 : memref<!tpu.dma_semaphore, #tpu.memory_space<semaphore_mem>>) src(%arg8 : memref<80x128xf32, #tpu.memory_space<vmem>>) dst(%dma_wait3A_1250 : memref<80x128xf32, #tpu.memory_space<hbm>>)
    %dma_wait3A_1251 = arith.constant 5 : i32
    %dma_wait3A_1252 = arith.constant 5 : i32
    %dma_wait3A_1253 = arith.constant 0 : i32
    %dma_wait3A_1254 = tpu.memref_slice %arg6[%dma_wait3A_1252, %dma_wait3A_1253] : memref<10x80xi32, #tpu.memory_space<vmem>> -> memref<1x80xi32, #tpu.memory_space<vmem>>
    %dma_wait3A_1255 = tpu.memref_squeeze %dma_wait3A_1254 : memref<1x80xi32, #tpu.memory_space<vmem>> -> memref<80xi32, #tpu.memory_space<vmem>>
    %dma_wait3A_1256 = arith.constant 0 : i32
    %dma_wait3A_1257 = tpu.memref_slice %arg5[%dma_wait3A_1251, %dma_wait3A_1256] : memref<10x80xi32, #tpu.memory_space<vmem>> -> memref<1x80xi32, #tpu.memory_space<vmem>>
    %dma_wait3A_1258 = tpu.memref_squeeze %dma_wait3A_1257 : memref<1x80xi32, #tpu.memory_space<vmem>> -> memref<80xi32, #tpu.memory_space<vmem>>
    %dma_wait3A_1259 = arith.constant 0 : i32
    %dma_wait3A_1260 = tpu.memref_slice %arg3[%dma_wait3A_1259] : memref<25600xi32, #tpu.memory_space<hbm>> -> memref<25600xi32, #tpu.memory_space<hbm>>
    tpu.wait_indirect_dma semaphore(%arg9 : memref<!tpu.dma_semaphore, #tpu.memory_space<semaphore_mem>>) src(%dma_wait3A_1260 : memref<25600xi32, #tpu.memory_space<hbm>>) dst(%dma_wait3A_1255 : memref<80xi32, #tpu.memory_space<vmem>>)
    %dma_start3A_1261 = arith.constant 5 : i32
    %dma_start3A_1262 = arith.constant 0 : i32
    %dma_start3A_1263 = tpu.memref_slice %arg6[%dma_start3A_1261, %dma_start3A_1262] : memref<10x80xi32, #tpu.memory_space<vmem>> -> memref<1x80xi32, #tpu.memory_space<vmem>>
    %dma_start3A_1264 = tpu.memref_squeeze %dma_start3A_1263 : memref<1x80xi32, #tpu.memory_space<vmem>> -> memref<80xi32, #tpu.memory_space<vmem>>
    %dma_start3A_1265 = arith.constant 0 : i32
    %dma_start3A_1266 = arith.constant 0 : i32
    %dma_start3A_1267 = tpu.memref_slice %arg2[%dma_start3A_1265, %dma_start3A_1266] : memref<1000000x128xf32, #tpu.memory_space<hbm>> -> memref<1000000x128xf32, #tpu.memory_space<hbm>>
    tpu.enqueue_indirect_dma source(%dma_start3A_1267 : memref<1000000x128xf32, #tpu.memory_space<hbm>>) target(%arg8 : memref<80x128xf32, #tpu.memory_space<vmem>>) offsets(%dma_start3A_1264 : memref<80xi32, #tpu.memory_space<vmem>>) semaphore(%arg11 : memref<!tpu.dma_semaphore, #tpu.memory_space<semaphore_mem>>)
    %dma_wait3A_1268 = arith.constant 4 : i32
    %dma_wait3A_1269 = arith.constant 0 : i32
    %dma_wait3A_1270 = tpu.memref_slice %arg6[%dma_wait3A_1268, %dma_wait3A_1269] : memref<10x80xi32, #tpu.memory_space<vmem>> -> memref<1x80xi32, #tpu.memory_space<vmem>>
    %dma_wait3A_1271 = tpu.memref_squeeze %dma_wait3A_1270 : memref<1x80xi32, #tpu.memory_space<vmem>> -> memref<80xi32, #tpu.memory_space<vmem>>
    %dma_wait3A_1272 = arith.constant 0 : i32
    %dma_wait3A_1273 = arith.constant 0 : i32
    %dma_wait3A_1274 = tpu.memref_slice %arg2[%dma_wait3A_1272, %dma_wait3A_1273] : memref<1000000x128xf32, #tpu.memory_space<hbm>> -> memref<1000000x128xf32, #tpu.memory_space<hbm>>
    tpu.wait_indirect_dma semaphore(%arg10 : memref<!tpu.dma_semaphore, #tpu.memory_space<semaphore_mem>>) src(%dma_wait3A_1274 : memref<1000000x128xf32, #tpu.memory_space<hbm>>) dst(%arg7 : memref<80x128xf32, #tpu.memory_space<vmem>>)
    %add3A_1275 = arith.constant 320 : i32
    %add3A_1276 = arith.addi %mul3A_2, %add3A_1275 : i32
    %dma_start3A_1277 = arith.constant 0 : i32
    %dma_start3A_1278 = tpu.memref_slice %arg4[%add3A_1276, %dma_start3A_1277] : memref<25600x128xf32, #tpu.memory_space<hbm>> -> memref<80x128xf32, #tpu.memory_space<hbm>>
    %dma_start3A_1279 = arith.constant 0 : i32
    %dma_start3A_1280 = tpu.memref_slice %arg4[%add3A_1276, %dma_start3A_1279] : memref<25600x128xf32, #tpu.memory_space<hbm>> -> memref<80x128xf32, #tpu.memory_space<hbm>>
    tpu.enqueue_dma source(%arg7 : memref<80x128xf32, #tpu.memory_space<vmem>>) target(%dma_start3A_1280 : memref<80x128xf32, #tpu.memory_space<hbm>>) target_semaphore(%arg12 : memref<!tpu.dma_semaphore, #tpu.memory_space<semaphore_mem>>)
    %dma_wait3A_1281 = arith.constant 0 : i32
    %dma_wait3A_1282 = tpu.memref_slice %arg4[%add3A_1276, %dma_wait3A_1281] : memref<25600x128xf32, #tpu.memory_space<hbm>> -> memref<80x128xf32, #tpu.memory_space<hbm>>
    %dma_wait3A_1283 = arith.constant 0 : i32
    %dma_wait3A_1284 = tpu.memref_slice %arg4[%add3A_1276, %dma_wait3A_1283] : memref<25600x128xf32, #tpu.memory_space<hbm>> -> memref<80x128xf32, #tpu.memory_space<hbm>>
    tpu.wait_dma2 semaphore(%arg12 : memref<!tpu.dma_semaphore, #tpu.memory_space<semaphore_mem>>) src(%arg7 : memref<80x128xf32, #tpu.memory_space<vmem>>) dst(%dma_wait3A_1284 : memref<80x128xf32, #tpu.memory_space<hbm>>)
    %dma_wait3A_1285 = arith.constant 6 : i32
    %dma_wait3A_1286 = arith.constant 6 : i32
    %dma_wait3A_1287 = arith.constant 0 : i32
    %dma_wait3A_1288 = tpu.memref_slice %arg6[%dma_wait3A_1286, %dma_wait3A_1287] : memref<10x80xi32, #tpu.memory_space<vmem>> -> memref<1x80xi32, #tpu.memory_space<vmem>>
    %dma_wait3A_1289 = tpu.memref_squeeze %dma_wait3A_1288 : memref<1x80xi32, #tpu.memory_space<vmem>> -> memref<80xi32, #tpu.memory_space<vmem>>
    %dma_wait3A_1290 = arith.constant 0 : i32
    %dma_wait3A_1291 = tpu.memref_slice %arg5[%dma_wait3A_1285, %dma_wait3A_1290] : memref<10x80xi32, #tpu.memory_space<vmem>> -> memref<1x80xi32, #tpu.memory_space<vmem>>
    %dma_wait3A_1292 = tpu.memref_squeeze %dma_wait3A_1291 : memref<1x80xi32, #tpu.memory_space<vmem>> -> memref<80xi32, #tpu.memory_space<vmem>>
    %dma_wait3A_1293 = arith.constant 0 : i32
    %dma_wait3A_1294 = tpu.memref_slice %arg3[%dma_wait3A_1293] : memref<25600xi32, #tpu.memory_space<hbm>> -> memref<25600xi32, #tpu.memory_space<hbm>>
    tpu.wait_indirect_dma semaphore(%arg9 : memref<!tpu.dma_semaphore, #tpu.memory_space<semaphore_mem>>) src(%dma_wait3A_1294 : memref<25600xi32, #tpu.memory_space<hbm>>) dst(%dma_wait3A_1289 : memref<80xi32, #tpu.memory_space<vmem>>)
    %dma_start3A_1295 = arith.constant 6 : i32
    %dma_start3A_1296 = arith.constant 0 : i32
    %dma_start3A_1297 = tpu.memref_slice %arg6[%dma_start3A_1295, %dma_start3A_1296] : memref<10x80xi32, #tpu.memory_space<vmem>> -> memref<1x80xi32, #tpu.memory_space<vmem>>
    %dma_start3A_1298 = tpu.memref_squeeze %dma_start3A_1297 : memref<1x80xi32, #tpu.memory_space<vmem>> -> memref<80xi32, #tpu.memory_space<vmem>>
    %dma_start3A_1299 = arith.constant 0 : i32
    %dma_start3A_1300 = arith.constant 0 : i32
    %dma_start3A_1301 = tpu.memref_slice %arg2[%dma_start3A_1299, %dma_start3A_1300] : memref<1000000x128xf32, #tpu.memory_space<hbm>> -> memref<1000000x128xf32, #tpu.memory_space<hbm>>
    tpu.enqueue_indirect_dma source(%dma_start3A_1301 : memref<1000000x128xf32, #tpu.memory_space<hbm>>) target(%arg7 : memref<80x128xf32, #tpu.memory_space<vmem>>) offsets(%dma_start3A_1298 : memref<80xi32, #tpu.memory_space<vmem>>) semaphore(%arg10 : memref<!tpu.dma_semaphore, #tpu.memory_space<semaphore_mem>>)
    %dma_wait3A_1302 = arith.constant 5 : i32
    %dma_wait3A_1303 = arith.constant 0 : i32
    %dma_wait3A_1304 = tpu.memref_slice %arg6[%dma_wait3A_1302, %dma_wait3A_1303] : memref<10x80xi32, #tpu.memory_space<vmem>> -> memref<1x80xi32, #tpu.memory_space<vmem>>
    %dma_wait3A_1305 = tpu.memref_squeeze %dma_wait3A_1304 : memref<1x80xi32, #tpu.memory_space<vmem>> -> memref<80xi32, #tpu.memory_space<vmem>>
    %dma_wait3A_1306 = arith.constant 0 : i32
    %dma_wait3A_1307 = arith.constant 0 : i32
    %dma_wait3A_1308 = tpu.memref_slice %arg2[%dma_wait3A_1306, %dma_wait3A_1307] : memref<1000000x128xf32, #tpu.memory_space<hbm>> -> memref<1000000x128xf32, #tpu.memory_space<hbm>>
    tpu.wait_indirect_dma semaphore(%arg11 : memref<!tpu.dma_semaphore, #tpu.memory_space<semaphore_mem>>) src(%dma_wait3A_1308 : memref<1000000x128xf32, #tpu.memory_space<hbm>>) dst(%arg8 : memref<80x128xf32, #tpu.memory_space<vmem>>)
    %add3A_1309 = arith.constant 400 : i32
    %add3A_1310 = arith.addi %mul3A_2, %add3A_1309 : i32
    %dma_start3A_1311 = arith.constant 0 : i32
    %dma_start3A_1312 = tpu.memref_slice %arg4[%add3A_1310, %dma_start3A_1311] : memref<25600x128xf32, #tpu.memory_space<hbm>> -> memref<80x128xf32, #tpu.memory_space<hbm>>
    %dma_start3A_1313 = arith.constant 0 : i32
    %dma_start3A_1314 = tpu.memref_slice %arg4[%add3A_1310, %dma_start3A_1313] : memref<25600x128xf32, #tpu.memory_space<hbm>> -> memref<80x128xf32, #tpu.memory_space<hbm>>
    tpu.enqueue_dma source(%arg8 : memref<80x128xf32, #tpu.memory_space<vmem>>) target(%dma_start3A_1314 : memref<80x128xf32, #tpu.memory_space<hbm>>) target_semaphore(%arg13 : memref<!tpu.dma_semaphore, #tpu.memory_space<semaphore_mem>>)
    %dma_wait3A_1315 = arith.constant 0 : i32
    %dma_wait3A_1316 = tpu.memref_slice %arg4[%add3A_1310, %dma_wait3A_1315] : memref<25600x128xf32, #tpu.memory_space<hbm>> -> memref<80x128xf32, #tpu.memory_space<hbm>>
    %dma_wait3A_1317 = arith.constant 0 : i32
    %dma_wait3A_1318 = tpu.memref_slice %arg4[%add3A_1310, %dma_wait3A_1317] : memref<25600x128xf32, #tpu.memory_space<hbm>> -> memref<80x128xf32, #tpu.memory_space<hbm>>
    tpu.wait_dma2 semaphore(%arg13 : memref<!tpu.dma_semaphore, #tpu.memory_space<semaphore_mem>>) src(%arg8 : memref<80x128xf32, #tpu.memory_space<vmem>>) dst(%dma_wait3A_1318 : memref<80x128xf32, #tpu.memory_space<hbm>>)
    %dma_wait3A_1319 = arith.constant 7 : i32
    %dma_wait3A_1320 = arith.constant 7 : i32
    %dma_wait3A_1321 = arith.constant 0 : i32
    %dma_wait3A_1322 = tpu.memref_slice %arg6[%dma_wait3A_1320, %dma_wait3A_1321] : memref<10x80xi32, #tpu.memory_space<vmem>> -> memref<1x80xi32, #tpu.memory_space<vmem>>
    %dma_wait3A_1323 = tpu.memref_squeeze %dma_wait3A_1322 : memref<1x80xi32, #tpu.memory_space<vmem>> -> memref<80xi32, #tpu.memory_space<vmem>>
    %dma_wait3A_1324 = arith.constant 0 : i32
    %dma_wait3A_1325 = tpu.memref_slice %arg5[%dma_wait3A_1319, %dma_wait3A_1324] : memref<10x80xi32, #tpu.memory_space<vmem>> -> memref<1x80xi32, #tpu.memory_space<vmem>>
    %dma_wait3A_1326 = tpu.memref_squeeze %dma_wait3A_1325 : memref<1x80xi32, #tpu.memory_space<vmem>> -> memref<80xi32, #tpu.memory_space<vmem>>
    %dma_wait3A_1327 = arith.constant 0 : i32
    %dma_wait3A_1328 = tpu.memref_slice %arg3[%dma_wait3A_1327] : memref<25600xi32, #tpu.memory_space<hbm>> -> memref<25600xi32, #tpu.memory_space<hbm>>
    tpu.wait_indirect_dma semaphore(%arg9 : memref<!tpu.dma_semaphore, #tpu.memory_space<semaphore_mem>>) src(%dma_wait3A_1328 : memref<25600xi32, #tpu.memory_space<hbm>>) dst(%dma_wait3A_1323 : memref<80xi32, #tpu.memory_space<vmem>>)
    %dma_start3A_1329 = arith.constant 7 : i32
    %dma_start3A_1330 = arith.constant 0 : i32
    %dma_start3A_1331 = tpu.memref_slice %arg6[%dma_start3A_1329, %dma_start3A_1330] : memref<10x80xi32, #tpu.memory_space<vmem>> -> memref<1x80xi32, #tpu.memory_space<vmem>>
    %dma_start3A_1332 = tpu.memref_squeeze %dma_start3A_1331 : memref<1x80xi32, #tpu.memory_space<vmem>> -> memref<80xi32, #tpu.memory_space<vmem>>
    %dma_start3A_1333 = arith.constant 0 : i32
    %dma_start3A_1334 = arith.constant 0 : i32
    %dma_start3A_1335 = tpu.memref_slice %arg2[%dma_start3A_1333, %dma_start3A_1334] : memref<1000000x128xf32, #tpu.memory_space<hbm>> -> memref<1000000x128xf32, #tpu.memory_space<hbm>>
    tpu.enqueue_indirect_dma source(%dma_start3A_1335 : memref<1000000x128xf32, #tpu.memory_space<hbm>>) target(%arg8 : memref<80x128xf32, #tpu.memory_space<vmem>>) offsets(%dma_start3A_1332 : memref<80xi32, #tpu.memory_space<vmem>>) semaphore(%arg11 : memref<!tpu.dma_semaphore, #tpu.memory_space<semaphore_mem>>)
    %dma_wait3A_1336 = arith.constant 6 : i32
    %dma_wait3A_1337 = arith.constant 0 : i32
    %dma_wait3A_1338 = tpu.memref_slice %arg6[%dma_wait3A_1336, %dma_wait3A_1337] : memref<10x80xi32, #tpu.memory_space<vmem>> -> memref<1x80xi32, #tpu.memory_space<vmem>>
    %dma_wait3A_1339 = tpu.memref_squeeze %dma_wait3A_1338 : memref<1x80xi32, #tpu.memory_space<vmem>> -> memref<80xi32, #tpu.memory_space<vmem>>
    %dma_wait3A_1340 = arith.constant 0 : i32
    %dma_wait3A_1341 = arith.constant 0 : i32
    %dma_wait3A_1342 = tpu.memref_slice %arg2[%dma_wait3A_1340, %dma_wait3A_1341] : memref<1000000x128xf32, #tpu.memory_space<hbm>> -> memref<1000000x128xf32, #tpu.memory_space<hbm>>
    tpu.wait_indirect_dma semaphore(%arg10 : memref<!tpu.dma_semaphore, #tpu.memory_space<semaphore_mem>>) src(%dma_wait3A_1342 : memref<1000000x128xf32, #tpu.memory_space<hbm>>) dst(%arg7 : memref<80x128xf32, #tpu.memory_space<vmem>>)
    %add3A_1343 = arith.constant 480 : i32
    %add3A_1344 = arith.addi %mul3A_2, %add3A_1343 : i32
    %dma_start3A_1345 = arith.constant 0 : i32
    %dma_start3A_1346 = tpu.memref_slice %arg4[%add3A_1344, %dma_start3A_1345] : memref<25600x128xf32, #tpu.memory_space<hbm>> -> memref<80x128xf32, #tpu.memory_space<hbm>>
    %dma_start3A_1347 = arith.constant 0 : i32
    %dma_start3A_1348 = tpu.memref_slice %arg4[%add3A_1344, %dma_start3A_1347] : memref<25600x128xf32, #tpu.memory_space<hbm>> -> memref<80x128xf32, #tpu.memory_space<hbm>>
    tpu.enqueue_dma source(%arg7 : memref<80x128xf32, #tpu.memory_space<vmem>>) target(%dma_start3A_1348 : memref<80x128xf32, #tpu.memory_space<hbm>>) target_semaphore(%arg12 : memref<!tpu.dma_semaphore, #tpu.memory_space<semaphore_mem>>)
    %dma_wait3A_1349 = arith.constant 0 : i32
    %dma_wait3A_1350 = tpu.memref_slice %arg4[%add3A_1344, %dma_wait3A_1349] : memref<25600x128xf32, #tpu.memory_space<hbm>> -> memref<80x128xf32, #tpu.memory_space<hbm>>
    %dma_wait3A_1351 = arith.constant 0 : i32
    %dma_wait3A_1352 = tpu.memref_slice %arg4[%add3A_1344, %dma_wait3A_1351] : memref<25600x128xf32, #tpu.memory_space<hbm>> -> memref<80x128xf32, #tpu.memory_space<hbm>>
    tpu.wait_dma2 semaphore(%arg12 : memref<!tpu.dma_semaphore, #tpu.memory_space<semaphore_mem>>) src(%arg7 : memref<80x128xf32, #tpu.memory_space<vmem>>) dst(%dma_wait3A_1352 : memref<80x128xf32, #tpu.memory_space<hbm>>)
    %dma_wait3A_1353 = arith.constant 8 : i32
    %dma_wait3A_1354 = arith.constant 8 : i32
    %dma_wait3A_1355 = arith.constant 0 : i32
    %dma_wait3A_1356 = tpu.memref_slice %arg6[%dma_wait3A_1354, %dma_wait3A_1355] : memref<10x80xi32, #tpu.memory_space<vmem>> -> memref<1x80xi32, #tpu.memory_space<vmem>>
    %dma_wait3A_1357 = tpu.memref_squeeze %dma_wait3A_1356 : memref<1x80xi32, #tpu.memory_space<vmem>> -> memref<80xi32, #tpu.memory_space<vmem>>
    %dma_wait3A_1358 = arith.constant 0 : i32
    %dma_wait3A_1359 = tpu.memref_slice %arg5[%dma_wait3A_1353, %dma_wait3A_1358] : memref<10x80xi32, #tpu.memory_space<vmem>> -> memref<1x80xi32, #tpu.memory_space<vmem>>
    %dma_wait3A_1360 = tpu.memref_squeeze %dma_wait3A_1359 : memref<1x80xi32, #tpu.memory_space<vmem>> -> memref<80xi32, #tpu.memory_space<vmem>>
    %dma_wait3A_1361 = arith.constant 0 : i32
    %dma_wait3A_1362 = tpu.memref_slice %arg3[%dma_wait3A_1361] : memref<25600xi32, #tpu.memory_space<hbm>> -> memref<25600xi32, #tpu.memory_space<hbm>>
    tpu.wait_indirect_dma semaphore(%arg9 : memref<!tpu.dma_semaphore, #tpu.memory_space<semaphore_mem>>) src(%dma_wait3A_1362 : memref<25600xi32, #tpu.memory_space<hbm>>) dst(%dma_wait3A_1357 : memref<80xi32, #tpu.memory_space<vmem>>)
    %dma_start3A_1363 = arith.constant 8 : i32
    %dma_start3A_1364 = arith.constant 0 : i32
    %dma_start3A_1365 = tpu.memref_slice %arg6[%dma_start3A_1363, %dma_start3A_1364] : memref<10x80xi32, #tpu.memory_space<vmem>> -> memref<1x80xi32, #tpu.memory_space<vmem>>
    %dma_start3A_1366 = tpu.memref_squeeze %dma_start3A_1365 : memref<1x80xi32, #tpu.memory_space<vmem>> -> memref<80xi32, #tpu.memory_space<vmem>>
    %dma_start3A_1367 = arith.constant 0 : i32
    %dma_start3A_1368 = arith.constant 0 : i32
    %dma_start3A_1369 = tpu.memref_slice %arg2[%dma_start3A_1367, %dma_start3A_1368] : memref<1000000x128xf32, #tpu.memory_space<hbm>> -> memref<1000000x128xf32, #tpu.memory_space<hbm>>
    tpu.enqueue_indirect_dma source(%dma_start3A_1369 : memref<1000000x128xf32, #tpu.memory_space<hbm>>) target(%arg7 : memref<80x128xf32, #tpu.memory_space<vmem>>) offsets(%dma_start3A_1366 : memref<80xi32, #tpu.memory_space<vmem>>) semaphore(%arg10 : memref<!tpu.dma_semaphore, #tpu.memory_space<semaphore_mem>>)
    %dma_wait3A_1370 = arith.constant 7 : i32
    %dma_wait3A_1371 = arith.constant 0 : i32
    %dma_wait3A_1372 = tpu.memref_slice %arg6[%dma_wait3A_1370, %dma_wait3A_1371] : memref<10x80xi32, #tpu.memory_space<vmem>> -> memref<1x80xi32, #tpu.memory_space<vmem>>
    %dma_wait3A_1373 = tpu.memref_squeeze %dma_wait3A_1372 : memref<1x80xi32, #tpu.memory_space<vmem>> -> memref<80xi32, #tpu.memory_space<vmem>>
    %dma_wait3A_1374 = arith.constant 0 : i32
    %dma_wait3A_1375 = arith.constant 0 : i32
    %dma_wait3A_1376 = tpu.memref_slice %arg2[%dma_wait3A_1374, %dma_wait3A_1375] : memref<1000000x128xf32, #tpu.memory_space<hbm>> -> memref<1000000x128xf32, #tpu.memory_space<hbm>>
    tpu.wait_indirect_dma semaphore(%arg11 : memref<!tpu.dma_semaphore, #tpu.memory_space<semaphore_mem>>) src(%dma_wait3A_1376 : memref<1000000x128xf32, #tpu.memory_space<hbm>>) dst(%arg8 : memref<80x128xf32, #tpu.memory_space<vmem>>)
    %add3A_1377 = arith.constant 560 : i32
    %add3A_1378 = arith.addi %mul3A_2, %add3A_1377 : i32
    %dma_start3A_1379 = arith.constant 0 : i32
    %dma_start3A_1380 = tpu.memref_slice %arg4[%add3A_1378, %dma_start3A_1379] : memref<25600x128xf32, #tpu.memory_space<hbm>> -> memref<80x128xf32, #tpu.memory_space<hbm>>
    %dma_start3A_1381 = arith.constant 0 : i32
    %dma_start3A_1382 = tpu.memref_slice %arg4[%add3A_1378, %dma_start3A_1381] : memref<25600x128xf32, #tpu.memory_space<hbm>> -> memref<80x128xf32, #tpu.memory_space<hbm>>
    tpu.enqueue_dma source(%arg8 : memref<80x128xf32, #tpu.memory_space<vmem>>) target(%dma_start3A_1382 : memref<80x128xf32, #tpu.memory_space<hbm>>) target_semaphore(%arg13 : memref<!tpu.dma_semaphore, #tpu.memory_space<semaphore_mem>>)
    %dma_wait3A_1383 = arith.constant 0 : i32
    %dma_wait3A_1384 = tpu.memref_slice %arg4[%add3A_1378, %dma_wait3A_1383] : memref<25600x128xf32, #tpu.memory_space<hbm>> -> memref<80x128xf32, #tpu.memory_space<hbm>>
    %dma_wait3A_1385 = arith.constant 0 : i32
    %dma_wait3A_1386 = tpu.memref_slice %arg4[%add3A_1378, %dma_wait3A_1385] : memref<25600x128xf32, #tpu.memory_space<hbm>> -> memref<80x128xf32, #tpu.memory_space<hbm>>
    tpu.wait_dma2 semaphore(%arg13 : memref<!tpu.dma_semaphore, #tpu.memory_space<semaphore_mem>>) src(%arg8 : memref<80x128xf32, #tpu.memory_space<vmem>>) dst(%dma_wait3A_1386 : memref<80x128xf32, #tpu.memory_space<hbm>>)
    %dma_wait3A_1387 = arith.constant 9 : i32
    %dma_wait3A_1388 = arith.constant 9 : i32
    %dma_wait3A_1389 = arith.constant 0 : i32
    %dma_wait3A_1390 = tpu.memref_slice %arg6[%dma_wait3A_1388, %dma_wait3A_1389] : memref<10x80xi32, #tpu.memory_space<vmem>> -> memref<1x80xi32, #tpu.memory_space<vmem>>
    %dma_wait3A_1391 = tpu.memref_squeeze %dma_wait3A_1390 : memref<1x80xi32, #tpu.memory_space<vmem>> -> memref<80xi32, #tpu.memory_space<vmem>>
    %dma_wait3A_1392 = arith.constant 0 : i32
    %dma_wait3A_1393 = tpu.memref_slice %arg5[%dma_wait3A_1387, %dma_wait3A_1392] : memref<10x80xi32, #tpu.memory_space<vmem>> -> memref<1x80xi32, #tpu.memory_space<vmem>>
    %dma_wait3A_1394 = tpu.memref_squeeze %dma_wait3A_1393 : memref<1x80xi32, #tpu.memory_space<vmem>> -> memref<80xi32, #tpu.memory_space<vmem>>
    %dma_wait3A_1395 = arith.constant 0 : i32
    %dma_wait3A_1396 = tpu.memref_slice %arg3[%dma_wait3A_1395] : memref<25600xi32, #tpu.memory_space<hbm>> -> memref<25600xi32, #tpu.memory_space<hbm>>
    tpu.wait_indirect_dma semaphore(%arg9 : memref<!tpu.dma_semaphore, #tpu.memory_space<semaphore_mem>>) src(%dma_wait3A_1396 : memref<25600xi32, #tpu.memory_space<hbm>>) dst(%dma_wait3A_1391 : memref<80xi32, #tpu.memory_space<vmem>>)
    %dma_start3A_1397 = arith.constant 9 : i32
    %dma_start3A_1398 = arith.constant 0 : i32
    %dma_start3A_1399 = tpu.memref_slice %arg6[%dma_start3A_1397, %dma_start3A_1398] : memref<10x80xi32, #tpu.memory_space<vmem>> -> memref<1x80xi32, #tpu.memory_space<vmem>>
    %dma_start3A_1400 = tpu.memref_squeeze %dma_start3A_1399 : memref<1x80xi32, #tpu.memory_space<vmem>> -> memref<80xi32, #tpu.memory_space<vmem>>
    %dma_start3A_1401 = arith.constant 0 : i32
    %dma_start3A_1402 = arith.constant 0 : i32
    %dma_start3A_1403 = tpu.memref_slice %arg2[%dma_start3A_1401, %dma_start3A_1402] : memref<1000000x128xf32, #tpu.memory_space<hbm>> -> memref<1000000x128xf32, #tpu.memory_space<hbm>>
    tpu.enqueue_indirect_dma source(%dma_start3A_1403 : memref<1000000x128xf32, #tpu.memory_space<hbm>>) target(%arg8 : memref<80x128xf32, #tpu.memory_space<vmem>>) offsets(%dma_start3A_1400 : memref<80xi32, #tpu.memory_space<vmem>>) semaphore(%arg11 : memref<!tpu.dma_semaphore, #tpu.memory_space<semaphore_mem>>)
    %dma_wait3A_1404 = arith.constant 8 : i32
    %dma_wait3A_1405 = arith.constant 0 : i32
    %dma_wait3A_1406 = tpu.memref_slice %arg6[%dma_wait3A_1404, %dma_wait3A_1405] : memref<10x80xi32, #tpu.memory_space<vmem>> -> memref<1x80xi32, #tpu.memory_space<vmem>>
    %dma_wait3A_1407 = tpu.memref_squeeze %dma_wait3A_1406 : memref<1x80xi32, #tpu.memory_space<vmem>> -> memref<80xi32, #tpu.memory_space<vmem>>
    %dma_wait3A_1408 = arith.constant 0 : i32
    %dma_wait3A_1409 = arith.constant 0 : i32
    %dma_wait3A_1410 = tpu.memref_slice %arg2[%dma_wait3A_1408, %dma_wait3A_1409] : memref<1000000x128xf32, #tpu.memory_space<hbm>> -> memref<1000000x128xf32, #tpu.memory_space<hbm>>
    tpu.wait_indirect_dma semaphore(%arg10 : memref<!tpu.dma_semaphore, #tpu.memory_space<semaphore_mem>>) src(%dma_wait3A_1410 : memref<1000000x128xf32, #tpu.memory_space<hbm>>) dst(%arg7 : memref<80x128xf32, #tpu.memory_space<vmem>>)
    %add3A_1411 = arith.constant 640 : i32
    %add3A_1412 = arith.addi %mul3A_2, %add3A_1411 : i32
    %dma_start3A_1413 = arith.constant 0 : i32
    %dma_start3A_1414 = tpu.memref_slice %arg4[%add3A_1412, %dma_start3A_1413] : memref<25600x128xf32, #tpu.memory_space<hbm>> -> memref<80x128xf32, #tpu.memory_space<hbm>>
    %dma_start3A_1415 = arith.constant 0 : i32
    %dma_start3A_1416 = tpu.memref_slice %arg4[%add3A_1412, %dma_start3A_1415] : memref<25600x128xf32, #tpu.memory_space<hbm>> -> memref<80x128xf32, #tpu.memory_space<hbm>>
    tpu.enqueue_dma source(%arg7 : memref<80x128xf32, #tpu.memory_space<vmem>>) target(%dma_start3A_1416 : memref<80x128xf32, #tpu.memory_space<hbm>>) target_semaphore(%arg12 : memref<!tpu.dma_semaphore, #tpu.memory_space<semaphore_mem>>)
    %dma_wait3A_1417 = arith.constant 9 : i32
    %dma_wait3A_1418 = arith.constant 0 : i32
    %dma_wait3A_1419 = tpu.memref_slice %arg6[%dma_wait3A_1417, %dma_wait3A_1418] : memref<10x80xi32, #tpu.memory_space<vmem>> -> memref<1x80xi32, #tpu.memory_space<vmem>>
    %dma_wait3A_1420 = tpu.memref_squeeze %dma_wait3A_1419 : memref<1x80xi32, #tpu.memory_space<vmem>> -> memref<80xi32, #tpu.memory_space<vmem>>
    %dma_wait3A_1421 = arith.constant 0 : i32
    %dma_wait3A_1422 = arith.constant 0 : i32
    %dma_wait3A_1423 = tpu.memref_slice %arg2[%dma_wait3A_1421, %dma_wait3A_1422] : memref<1000000x128xf32, #tpu.memory_space<hbm>> -> memref<1000000x128xf32, #tpu.memory_space<hbm>>
    tpu.wait_indirect_dma semaphore(%arg11 : memref<!tpu.dma_semaphore, #tpu.memory_space<semaphore_mem>>) src(%dma_wait3A_1423 : memref<1000000x128xf32, #tpu.memory_space<hbm>>) dst(%arg8 : memref<80x128xf32, #tpu.memory_space<vmem>>)
    %add3A_1424 = arith.constant 720 : i32
    %add3A_1425 = arith.addi %mul3A_2, %add3A_1424 : i32
    %dma_start3A_1426 = arith.constant 0 : i32
    %dma_start3A_1427 = tpu.memref_slice %arg4[%add3A_1425, %dma_start3A_1426] : memref<25600x128xf32, #tpu.memory_space<hbm>> -> memref<80x128xf32, #tpu.memory_space<hbm>>
    %dma_start3A_1428 = arith.constant 0 : i32
    %dma_start3A_1429 = tpu.memref_slice %arg4[%add3A_1425, %dma_start3A_1428] : memref<25600x128xf32, #tpu.memory_space<hbm>> -> memref<80x128xf32, #tpu.memory_space<hbm>>
    tpu.enqueue_dma source(%arg8 : memref<80x128xf32, #tpu.memory_space<vmem>>) target(%dma_start3A_1429 : memref<80x128xf32, #tpu.memory_space<hbm>>) target_semaphore(%arg13 : memref<!tpu.dma_semaphore, #tpu.memory_space<semaphore_mem>>)
    %dma_wait3A_1430 = arith.constant 0 : i32
    %dma_wait3A_1431 = tpu.memref_slice %arg4[%add3A_1412, %dma_wait3A_1430] : memref<25600x128xf32, #tpu.memory_space<hbm>> -> memref<80x128xf32, #tpu.memory_space<hbm>>
    %dma_wait3A_1432 = arith.constant 0 : i32
    %dma_wait3A_1433 = tpu.memref_slice %arg4[%add3A_1412, %dma_wait3A_1432] : memref<25600x128xf32, #tpu.memory_space<hbm>> -> memref<80x128xf32, #tpu.memory_space<hbm>>
    tpu.wait_dma2 semaphore(%arg12 : memref<!tpu.dma_semaphore, #tpu.memory_space<semaphore_mem>>) src(%arg7 : memref<80x128xf32, #tpu.memory_space<vmem>>) dst(%dma_wait3A_1433 : memref<80x128xf32, #tpu.memory_space<hbm>>)
    %dma_wait3A_1434 = arith.constant 0 : i32
    %dma_wait3A_1435 = tpu.memref_slice %arg4[%add3A_1425, %dma_wait3A_1434] : memref<25600x128xf32, #tpu.memory_space<hbm>> -> memref<80x128xf32, #tpu.memory_space<hbm>>
    %dma_wait3A_1436 = arith.constant 0 : i32
    %dma_wait3A_1437 = tpu.memref_slice %arg4[%add3A_1425, %dma_wait3A_1436] : memref<25600x128xf32, #tpu.memory_space<hbm>> -> memref<80x128xf32, #tpu.memory_space<hbm>>
    tpu.wait_dma2 semaphore(%arg13 : memref<!tpu.dma_semaphore, #tpu.memory_space<semaphore_mem>>) src(%arg8 : memref<80x128xf32, #tpu.memory_space<vmem>>) dst(%dma_wait3A_1437 : memref<80x128xf32, #tpu.memory_space<hbm>>)
    return
  }
}

#map = affine_map<(d0, d1) -> (0, 0)>
#map1 = affine_map<(d0, d1) -> (0)>
module attributes {stable_mosaic.version = 14 : i64} {
  func.func @k(%arg0: i32, %arg1: i32, %arg2: memref<1000000x128xf32, #tpu.memory_space<hbm>>, %arg3: memref<25600xi32, #tpu.memory_space<hbm>>, %arg4: memref<25600x128xf32, #tpu.memory_space<hbm>>, %arg5: memref<10x80xi32, #tpu.memory_space<vmem>>, %arg6: memref<10x80xi32, #tpu.memory_space<vmem>>, %arg7: memref<80x128xf32, #tpu.memory_space<vmem>>, %arg8: memref<80x128xf32, #tpu.memory_space<vmem>>, %arg9: memref<!tpu.dma_semaphore, #tpu.memory_space<semaphore_mem>>, %arg10: memref<!tpu.dma_semaphore, #tpu.memory_space<semaphore_mem>>, %arg11: memref<!tpu.dma_semaphore, #tpu.memory_space<semaphore_mem>>, %arg12: memref<!tpu.dma_semaphore, #tpu.memory_space<semaphore_mem>>, %arg13: memref<!tpu.dma_semaphore, #tpu.memory_space<semaphore_mem>>) attributes {dimension_semantics = [#tpu.dimension_semantics<core_parallel>, #tpu.dimension_semantics<subcore_parallel>], iteration_bounds = array<i64: 2, 16>, scalar_prefetch = 0 : i64, scratch_operands = 9 : i64, tpu.core_type = #tpu.core_type<sc_vector_subcore>, window_params = [{transform_indices = #map}, {transform_indices = #map1}, {transform_indices = #map}]} {
    %mul3A = arith.constant 2 : i32
    %mul3A_0 = arith.muli %arg1, %mul3A : i32
    %add3A = arith.addi %mul3A_0, %arg0 : i32
    %mul3A_1 = arith.constant 800 : i32
    %mul3A_2 = arith.muli %add3A, %mul3A_1 : i32
    %iota3A = tpu.iota {dimensions = array<i32: 0>} : vector<16xi32>
    %add3A_3 = arith.constant 0 : i32
    %add3A_4 = arith.addi %mul3A_2, %add3A_3 : i32
    %add3A_5 = vector.broadcast %add3A_4 : i32 to vector<16xi32>
    %add3A_6 = arith.addi %add3A_5, %iota3A : vector<16xi32>
    %shift_right_logical3A = arith.constant 9 : i32
    %shift_right_logical3A_7 = vector.broadcast %shift_right_logical3A : i32 to vector<16xi32>
    %shift_right_logical3A_8 = arith.shrui %add3A_6, %shift_right_logical3A_7 : vector<16xi32>
    %and3A = arith.constant 511 : i32
    %and3A_9 = vector.broadcast %and3A : i32 to vector<16xi32>
    %and3A_10 = arith.andi %add3A_6, %and3A_9 : vector<16xi32>
    %mul3A_11 = arith.constant 50 : i32
    %mul3A_12 = vector.broadcast %mul3A_11 : i32 to vector<16xi32>
    %mul3A_13 = arith.muli %and3A_10, %mul3A_12 : vector<16xi32>
    %add3A_14 = arith.addi %mul3A_13, %shift_right_logical3A_8 : vector<16xi32>
    %swap3A = arith.constant 0 : i32
    %swap3A_15 = arith.index_cast %swap3A : i32 to index
    %swap3A_16 = arith.constant 0 : index
    %swap3A_17 = tpu.vector_load %arg5[%swap3A_15, %swap3A_16] {strides = array<i32>} : memref<10x80xi32, #tpu.memory_space<vmem>>, vector<1x16xi32>,
    %swap3A_18 = vector.shape_cast %swap3A_17 : vector<1x16xi32> to vector<16xi32>
    %swap3A_19 = vector.shape_cast %add3A_14 : vector<16xi32> to vector<1x16xi32>
    tpu.vector_store %arg5[%swap3A_15, %swap3A_16], %swap3A_19 {strides = array<i32>} : memref<10x80xi32, #tpu.memory_space<vmem>>, vector<1x16xi32>,
    %add3A_20 = arith.constant 16 : i32
    %add3A_21 = arith.addi %mul3A_2, %add3A_20 : i32
    %add3A_22 = vector.broadcast %add3A_21 : i32 to vector<16xi32>
    %add3A_23 = arith.addi %add3A_22, %iota3A : vector<16xi32>
    %shift_right_logical3A_24 = arith.constant 9 : i32
    %shift_right_logical3A_25 = vector.broadcast %shift_right_logical3A_24 : i32 to vector<16xi32>
    %shift_right_logical3A_26 = arith.shrui %add3A_23, %shift_right_logical3A_25 : vector<16xi32>
    %and3A_27 = arith.constant 511 : i32
    %and3A_28 = vector.broadcast %and3A_27 : i32 to vector<16xi32>
    %and3A_29 = arith.andi %add3A_23, %and3A_28 : vector<16xi32>
    %mul3A_30 = arith.constant 50 : i32
    %mul3A_31 = vector.broadcast %mul3A_30 : i32 to vector<16xi32>
    %mul3A_32 = arith.muli %and3A_29, %mul3A_31 : vector<16xi32>
    %add3A_33 = arith.addi %mul3A_32, %shift_right_logical3A_26 : vector<16xi32>
    %swap3A_34 = arith.constant 0 : i32
    %swap3A_35 = arith.index_cast %swap3A_34 : i32 to index
    %swap3A_36 = arith.constant 16 : index
    %swap3A_37 = tpu.vector_load %arg5[%swap3A_35, %swap3A_36] {strides = array<i32>} : memref<10x80xi32, #tpu.memory_space<vmem>>, vector<1x16xi32>,
    %swap3A_38 = vector.shape_cast %swap3A_37 : vector<1x16xi32> to vector<16xi32>
    %swap3A_39 = vector.shape_cast %add3A_33 : vector<16xi32> to vector<1x16xi32>
    tpu.vector_store %arg5[%swap3A_35, %swap3A_36], %swap3A_39 {strides = array<i32>} : memref<10x80xi32, #tpu.memory_space<vmem>>, vector<1x16xi32>,
    %add3A_40 = arith.constant 32 : i32
    %add3A_41 = arith.addi %mul3A_2, %add3A_40 : i32
    %add3A_42 = vector.broadcast %add3A_41 : i32 to vector<16xi32>
    %add3A_43 = arith.addi %add3A_42, %iota3A : vector<16xi32>
    %shift_right_logical3A_44 = arith.constant 9 : i32
    %shift_right_logical3A_45 = vector.broadcast %shift_right_logical3A_44 : i32 to vector<16xi32>
    %shift_right_logical3A_46 = arith.shrui %add3A_43, %shift_right_logical3A_45 : vector<16xi32>
    %and3A_47 = arith.constant 511 : i32
    %and3A_48 = vector.broadcast %and3A_47 : i32 to vector<16xi32>
    %and3A_49 = arith.andi %add3A_43, %and3A_48 : vector<16xi32>
    %mul3A_50 = arith.constant 50 : i32
    %mul3A_51 = vector.broadcast %mul3A_50 : i32 to vector<16xi32>
    %mul3A_52 = arith.muli %and3A_49, %mul3A_51 : vector<16xi32>
    %add3A_53 = arith.addi %mul3A_52, %shift_right_logical3A_46 : vector<16xi32>
    %swap3A_54 = arith.constant 0 : i32
    %swap3A_55 = arith.index_cast %swap3A_54 : i32 to index
    %swap3A_56 = arith.constant 32 : index
    %swap3A_57 = tpu.vector_load %arg5[%swap3A_55, %swap3A_56] {strides = array<i32>} : memref<10x80xi32, #tpu.memory_space<vmem>>, vector<1x16xi32>,
    %swap3A_58 = vector.shape_cast %swap3A_57 : vector<1x16xi32> to vector<16xi32>
    %swap3A_59 = vector.shape_cast %add3A_53 : vector<16xi32> to vector<1x16xi32>
    tpu.vector_store %arg5[%swap3A_55, %swap3A_56], %swap3A_59 {strides = array<i32>} : memref<10x80xi32, #tpu.memory_space<vmem>>, vector<1x16xi32>,
    %add3A_60 = arith.constant 48 : i32
    %add3A_61 = arith.addi %mul3A_2, %add3A_60 : i32
    %add3A_62 = vector.broadcast %add3A_61 : i32 to vector<16xi32>
    %add3A_63 = arith.addi %add3A_62, %iota3A : vector<16xi32>
    %shift_right_logical3A_64 = arith.constant 9 : i32
    %shift_right_logical3A_65 = vector.broadcast %shift_right_logical3A_64 : i32 to vector<16xi32>
    %shift_right_logical3A_66 = arith.shrui %add3A_63, %shift_right_logical3A_65 : vector<16xi32>
    %and3A_67 = arith.constant 511 : i32
    %and3A_68 = vector.broadcast %and3A_67 : i32 to vector<16xi32>
    %and3A_69 = arith.andi %add3A_63, %and3A_68 : vector<16xi32>
    %mul3A_70 = arith.constant 50 : i32
    %mul3A_71 = vector.broadcast %mul3A_70 : i32 to vector<16xi32>
    %mul3A_72 = arith.muli %and3A_69, %mul3A_71 : vector<16xi32>
    %add3A_73 = arith.addi %mul3A_72, %shift_right_logical3A_66 : vector<16xi32>
    %swap3A_74 = arith.constant 0 : i32
    %swap3A_75 = arith.index_cast %swap3A_74 : i32 to index
    %swap3A_76 = arith.constant 48 : index
    %swap3A_77 = tpu.vector_load %arg5[%swap3A_75, %swap3A_76] {strides = array<i32>} : memref<10x80xi32, #tpu.memory_space<vmem>>, vector<1x16xi32>,
    %swap3A_78 = vector.shape_cast %swap3A_77 : vector<1x16xi32> to vector<16xi32>
    %swap3A_79 = vector.shape_cast %add3A_73 : vector<16xi32> to vector<1x16xi32>
    tpu.vector_store %arg5[%swap3A_75, %swap3A_76], %swap3A_79 {strides = array<i32>} : memref<10x80xi32, #tpu.memory_space<vmem>>, vector<1x16xi32>,
    %add3A_80 = arith.constant 64 : i32
    %add3A_81 = arith.addi %mul3A_2, %add3A_80 : i32
    %add3A_82 = vector.broadcast %add3A_81 : i32 to vector<16xi32>
    %add3A_83 = arith.addi %add3A_82, %iota3A : vector<16xi32>
    %shift_right_logical3A_84 = arith.constant 9 : i32
    %shift_right_logical3A_85 = vector.broadcast %shift_right_logical3A_84 : i32 to vector<16xi32>
    %shift_right_logical3A_86 = arith.shrui %add3A_83, %shift_right_logical3A_85 : vector<16xi32>
    %and3A_87 = arith.constant 511 : i32
    %and3A_88 = vector.broadcast %and3A_87 : i32 to vector<16xi32>
    %and3A_89 = arith.andi %add3A_83, %and3A_88 : vector<16xi32>
    %mul3A_90 = arith.constant 50 : i32
    %mul3A_91 = vector.broadcast %mul3A_90 : i32 to vector<16xi32>
    %mul3A_92 = arith.muli %and3A_89, %mul3A_91 : vector<16xi32>
    %add3A_93 = arith.addi %mul3A_92, %shift_right_logical3A_86 : vector<16xi32>
    %swap3A_94 = arith.constant 0 : i32
    %swap3A_95 = arith.index_cast %swap3A_94 : i32 to index
    %swap3A_96 = arith.constant 64 : index
    %swap3A_97 = tpu.vector_load %arg5[%swap3A_95, %swap3A_96] {strides = array<i32>} : memref<10x80xi32, #tpu.memory_space<vmem>>, vector<1x16xi32>,
    %swap3A_98 = vector.shape_cast %swap3A_97 : vector<1x16xi32> to vector<16xi32>
    %swap3A_99 = vector.shape_cast %add3A_93 : vector<16xi32> to vector<1x16xi32>
    tpu.vector_store %arg5[%swap3A_95, %swap3A_96], %swap3A_99 {strides = array<i32>} : memref<10x80xi32, #tpu.memory_space<vmem>>, vector<1x16xi32>,
    %add3A_100 = arith.constant 80 : i32
    %add3A_101 = arith.addi %mul3A_2, %add3A_100 : i32
    %add3A_102 = vector.broadcast %add3A_101 : i32 to vector<16xi32>
    %add3A_103 = arith.addi %add3A_102, %iota3A : vector<16xi32>
    %shift_right_logical3A_104 = arith.constant 9 : i32
    %shift_right_logical3A_105 = vector.broadcast %shift_right_logical3A_104 : i32 to vector<16xi32>
    %shift_right_logical3A_106 = arith.shrui %add3A_103, %shift_right_logical3A_105 : vector<16xi32>
    %and3A_107 = arith.constant 511 : i32
    %and3A_108 = vector.broadcast %and3A_107 : i32 to vector<16xi32>
    %and3A_109 = arith.andi %add3A_103, %and3A_108 : vector<16xi32>
    %mul3A_110 = arith.constant 50 : i32
    %mul3A_111 = vector.broadcast %mul3A_110 : i32 to vector<16xi32>
    %mul3A_112 = arith.muli %and3A_109, %mul3A_111 : vector<16xi32>
    %add3A_113 = arith.addi %mul3A_112, %shift_right_logical3A_106 : vector<16xi32>
    %swap3A_114 = arith.constant 1 : i32
    %swap3A_115 = arith.index_cast %swap3A_114 : i32 to index
    %swap3A_116 = arith.constant 0 : index
    %swap3A_117 = tpu.vector_load %arg5[%swap3A_115, %swap3A_116] {strides = array<i32>} : memref<10x80xi32, #tpu.memory_space<vmem>>, vector<1x16xi32>,
    %swap3A_118 = vector.shape_cast %swap3A_117 : vector<1x16xi32> to vector<16xi32>
    %swap3A_119 = vector.shape_cast %add3A_113 : vector<16xi32> to vector<1x16xi32>
    tpu.vector_store %arg5[%swap3A_115, %swap3A_116], %swap3A_119 {strides = array<i32>} : memref<10x80xi32, #tpu.memory_space<vmem>>, vector<1x16xi32>,
    %add3A_120 = arith.constant 96 : i32
    %add3A_121 = arith.addi %mul3A_2, %add3A_120 : i32
    %add3A_122 = vector.broadcast %add3A_121 : i32 to vector<16xi32>
    %add3A_123 = arith.addi %add3A_122, %iota3A : vector<16xi32>
    %shift_right_logical3A_124 = arith.constant 9 : i32
    %shift_right_logical3A_125 = vector.broadcast %shift_right_logical3A_124 : i32 to vector<16xi32>
    %shift_right_logical3A_126 = arith.shrui %add3A_123, %shift_right_logical3A_125 : vector<16xi32>
    %and3A_127 = arith.constant 511 : i32
    %and3A_128 = vector.broadcast %and3A_127 : i32 to vector<16xi32>
    %and3A_129 = arith.andi %add3A_123, %and3A_128 : vector<16xi32>
    %mul3A_130 = arith.constant 50 : i32
    %mul3A_131 = vector.broadcast %mul3A_130 : i32 to vector<16xi32>
    %mul3A_132 = arith.muli %and3A_129, %mul3A_131 : vector<16xi32>
    %add3A_133 = arith.addi %mul3A_132, %shift_right_logical3A_126 : vector<16xi32>
    %swap3A_134 = arith.constant 1 : i32
    %swap3A_135 = arith.index_cast %swap3A_134 : i32 to index
    %swap3A_136 = arith.constant 16 : index
    %swap3A_137 = tpu.vector_load %arg5[%swap3A_135, %swap3A_136] {strides = array<i32>} : memref<10x80xi32, #tpu.memory_space<vmem>>, vector<1x16xi32>,
    %swap3A_138 = vector.shape_cast %swap3A_137 : vector<1x16xi32> to vector<16xi32>
    %swap3A_139 = vector.shape_cast %add3A_133 : vector<16xi32> to vector<1x16xi32>
    tpu.vector_store %arg5[%swap3A_135, %swap3A_136], %swap3A_139 {strides = array<i32>} : memref<10x80xi32, #tpu.memory_space<vmem>>, vector<1x16xi32>,
    %add3A_140 = arith.constant 112 : i32
    %add3A_141 = arith.addi %mul3A_2, %add3A_140 : i32
    %add3A_142 = vector.broadcast %add3A_141 : i32 to vector<16xi32>
    %add3A_143 = arith.addi %add3A_142, %iota3A : vector<16xi32>
    %shift_right_logical3A_144 = arith.constant 9 : i32
    %shift_right_logical3A_145 = vector.broadcast %shift_right_logical3A_144 : i32 to vector<16xi32>
    %shift_right_logical3A_146 = arith.shrui %add3A_143, %shift_right_logical3A_145 : vector<16xi32>
    %and3A_147 = arith.constant 511 : i32
    %and3A_148 = vector.broadcast %and3A_147 : i32 to vector<16xi32>
    %and3A_149 = arith.andi %add3A_143, %and3A_148 : vector<16xi32>
    %mul3A_150 = arith.constant 50 : i32
    %mul3A_151 = vector.broadcast %mul3A_150 : i32 to vector<16xi32>
    %mul3A_152 = arith.muli %and3A_149, %mul3A_151 : vector<16xi32>
    %add3A_153 = arith.addi %mul3A_152, %shift_right_logical3A_146 : vector<16xi32>
    %swap3A_154 = arith.constant 1 : i32
    %swap3A_155 = arith.index_cast %swap3A_154 : i32 to index
    %swap3A_156 = arith.constant 32 : index
    %swap3A_157 = tpu.vector_load %arg5[%swap3A_155, %swap3A_156] {strides = array<i32>} : memref<10x80xi32, #tpu.memory_space<vmem>>, vector<1x16xi32>,
    %swap3A_158 = vector.shape_cast %swap3A_157 : vector<1x16xi32> to vector<16xi32>
    %swap3A_159 = vector.shape_cast %add3A_153 : vector<16xi32> to vector<1x16xi32>
    tpu.vector_store %arg5[%swap3A_155, %swap3A_156], %swap3A_159 {strides = array<i32>} : memref<10x80xi32, #tpu.memory_space<vmem>>, vector<1x16xi32>,
    %add3A_160 = arith.constant 128 : i32
    %add3A_161 = arith.addi %mul3A_2, %add3A_160 : i32
    %add3A_162 = vector.broadcast %add3A_161 : i32 to vector<16xi32>
    %add3A_163 = arith.addi %add3A_162, %iota3A : vector<16xi32>
    %shift_right_logical3A_164 = arith.constant 9 : i32
    %shift_right_logical3A_165 = vector.broadcast %shift_right_logical3A_164 : i32 to vector<16xi32>
    %shift_right_logical3A_166 = arith.shrui %add3A_163, %shift_right_logical3A_165 : vector<16xi32>
    %and3A_167 = arith.constant 511 : i32
    %and3A_168 = vector.broadcast %and3A_167 : i32 to vector<16xi32>
    %and3A_169 = arith.andi %add3A_163, %and3A_168 : vector<16xi32>
    %mul3A_170 = arith.constant 50 : i32
    %mul3A_171 = vector.broadcast %mul3A_170 : i32 to vector<16xi32>
    %mul3A_172 = arith.muli %and3A_169, %mul3A_171 : vector<16xi32>
    %add3A_173 = arith.addi %mul3A_172, %shift_right_logical3A_166 : vector<16xi32>
    %swap3A_174 = arith.constant 1 : i32
    %swap3A_175 = arith.index_cast %swap3A_174 : i32 to index
    %swap3A_176 = arith.constant 48 : index
    %swap3A_177 = tpu.vector_load %arg5[%swap3A_175, %swap3A_176] {strides = array<i32>} : memref<10x80xi32, #tpu.memory_space<vmem>>, vector<1x16xi32>,
    %swap3A_178 = vector.shape_cast %swap3A_177 : vector<1x16xi32> to vector<16xi32>
    %swap3A_179 = vector.shape_cast %add3A_173 : vector<16xi32> to vector<1x16xi32>
    tpu.vector_store %arg5[%swap3A_175, %swap3A_176], %swap3A_179 {strides = array<i32>} : memref<10x80xi32, #tpu.memory_space<vmem>>, vector<1x16xi32>,
    %add3A_180 = arith.constant 144 : i32
    %add3A_181 = arith.addi %mul3A_2, %add3A_180 : i32
    %add3A_182 = vector.broadcast %add3A_181 : i32 to vector<16xi32>
    %add3A_183 = arith.addi %add3A_182, %iota3A : vector<16xi32>
    %shift_right_logical3A_184 = arith.constant 9 : i32
    %shift_right_logical3A_185 = vector.broadcast %shift_right_logical3A_184 : i32 to vector<16xi32>
    %shift_right_logical3A_186 = arith.shrui %add3A_183, %shift_right_logical3A_185 : vector<16xi32>
    %and3A_187 = arith.constant 511 : i32
    %and3A_188 = vector.broadcast %and3A_187 : i32 to vector<16xi32>
    %and3A_189 = arith.andi %add3A_183, %and3A_188 : vector<16xi32>
    %mul3A_190 = arith.constant 50 : i32
    %mul3A_191 = vector.broadcast %mul3A_190 : i32 to vector<16xi32>
    %mul3A_192 = arith.muli %and3A_189, %mul3A_191 : vector<16xi32>
    %add3A_193 = arith.addi %mul3A_192, %shift_right_logical3A_186 : vector<16xi32>
    %swap3A_194 = arith.constant 1 : i32
    %swap3A_195 = arith.index_cast %swap3A_194 : i32 to index
    %swap3A_196 = arith.constant 64 : index
    %swap3A_197 = tpu.vector_load %arg5[%swap3A_195, %swap3A_196] {strides = array<i32>} : memref<10x80xi32, #tpu.memory_space<vmem>>, vector<1x16xi32>,
    %swap3A_198 = vector.shape_cast %swap3A_197 : vector<1x16xi32> to vector<16xi32>
    %swap3A_199 = vector.shape_cast %add3A_193 : vector<16xi32> to vector<1x16xi32>
    tpu.vector_store %arg5[%swap3A_195, %swap3A_196], %swap3A_199 {strides = array<i32>} : memref<10x80xi32, #tpu.memory_space<vmem>>, vector<1x16xi32>,
    %add3A_200 = arith.constant 160 : i32
    %add3A_201 = arith.addi %mul3A_2, %add3A_200 : i32
    %add3A_202 = vector.broadcast %add3A_201 : i32 to vector<16xi32>
    %add3A_203 = arith.addi %add3A_202, %iota3A : vector<16xi32>
    %shift_right_logical3A_204 = arith.constant 9 : i32
    %shift_right_logical3A_205 = vector.broadcast %shift_right_logical3A_204 : i32 to vector<16xi32>
    %shift_right_logical3A_206 = arith.shrui %add3A_203, %shift_right_logical3A_205 : vector<16xi32>
    %and3A_207 = arith.constant 511 : i32
    %and3A_208 = vector.broadcast %and3A_207 : i32 to vector<16xi32>
    %and3A_209 = arith.andi %add3A_203, %and3A_208 : vector<16xi32>
    %mul3A_210 = arith.constant 50 : i32
    %mul3A_211 = vector.broadcast %mul3A_210 : i32 to vector<16xi32>
    %mul3A_212 = arith.muli %and3A_209, %mul3A_211 : vector<16xi32>
    %add3A_213 = arith.addi %mul3A_212, %shift_right_logical3A_206 : vector<16xi32>
    %swap3A_214 = arith.constant 2 : i32
    %swap3A_215 = arith.index_cast %swap3A_214 : i32 to index
    %swap3A_216 = arith.constant 0 : index
    %swap3A_217 = tpu.vector_load %arg5[%swap3A_215, %swap3A_216] {strides = array<i32>} : memref<10x80xi32, #tpu.memory_space<vmem>>, vector<1x16xi32>,
    %swap3A_218 = vector.shape_cast %swap3A_217 : vector<1x16xi32> to vector<16xi32>
    %swap3A_219 = vector.shape_cast %add3A_213 : vector<16xi32> to vector<1x16xi32>
    tpu.vector_store %arg5[%swap3A_215, %swap3A_216], %swap3A_219 {strides = array<i32>} : memref<10x80xi32, #tpu.memory_space<vmem>>, vector<1x16xi32>,
    %add3A_220 = arith.constant 176 : i32
    %add3A_221 = arith.addi %mul3A_2, %add3A_220 : i32
    %add3A_222 = vector.broadcast %add3A_221 : i32 to vector<16xi32>
    %add3A_223 = arith.addi %add3A_222, %iota3A : vector<16xi32>
    %shift_right_logical3A_224 = arith.constant 9 : i32
    %shift_right_logical3A_225 = vector.broadcast %shift_right_logical3A_224 : i32 to vector<16xi32>
    %shift_right_logical3A_226 = arith.shrui %add3A_223, %shift_right_logical3A_225 : vector<16xi32>
    %and3A_227 = arith.constant 511 : i32
    %and3A_228 = vector.broadcast %and3A_227 : i32 to vector<16xi32>
    %and3A_229 = arith.andi %add3A_223, %and3A_228 : vector<16xi32>
    %mul3A_230 = arith.constant 50 : i32
    %mul3A_231 = vector.broadcast %mul3A_230 : i32 to vector<16xi32>
    %mul3A_232 = arith.muli %and3A_229, %mul3A_231 : vector<16xi32>
    %add3A_233 = arith.addi %mul3A_232, %shift_right_logical3A_226 : vector<16xi32>
    %swap3A_234 = arith.constant 2 : i32
    %swap3A_235 = arith.index_cast %swap3A_234 : i32 to index
    %swap3A_236 = arith.constant 16 : index
    %swap3A_237 = tpu.vector_load %arg5[%swap3A_235, %swap3A_236] {strides = array<i32>} : memref<10x80xi32, #tpu.memory_space<vmem>>, vector<1x16xi32>,
    %swap3A_238 = vector.shape_cast %swap3A_237 : vector<1x16xi32> to vector<16xi32>
    %swap3A_239 = vector.shape_cast %add3A_233 : vector<16xi32> to vector<1x16xi32>
    tpu.vector_store %arg5[%swap3A_235, %swap3A_236], %swap3A_239 {strides = array<i32>} : memref<10x80xi32, #tpu.memory_space<vmem>>, vector<1x16xi32>,
    %add3A_240 = arith.constant 192 : i32
    %add3A_241 = arith.addi %mul3A_2, %add3A_240 : i32
    %add3A_242 = vector.broadcast %add3A_241 : i32 to vector<16xi32>
    %add3A_243 = arith.addi %add3A_242, %iota3A : vector<16xi32>
    %shift_right_logical3A_244 = arith.constant 9 : i32
    %shift_right_logical3A_245 = vector.broadcast %shift_right_logical3A_244 : i32 to vector<16xi32>
    %shift_right_logical3A_246 = arith.shrui %add3A_243, %shift_right_logical3A_245 : vector<16xi32>
    %and3A_247 = arith.constant 511 : i32
    %and3A_248 = vector.broadcast %and3A_247 : i32 to vector<16xi32>
    %and3A_249 = arith.andi %add3A_243, %and3A_248 : vector<16xi32>
    %mul3A_250 = arith.constant 50 : i32
    %mul3A_251 = vector.broadcast %mul3A_250 : i32 to vector<16xi32>
    %mul3A_252 = arith.muli %and3A_249, %mul3A_251 : vector<16xi32>
    %add3A_253 = arith.addi %mul3A_252, %shift_right_logical3A_246 : vector<16xi32>
    %swap3A_254 = arith.constant 2 : i32
    %swap3A_255 = arith.index_cast %swap3A_254 : i32 to index
    %swap3A_256 = arith.constant 32 : index
    %swap3A_257 = tpu.vector_load %arg5[%swap3A_255, %swap3A_256] {strides = array<i32>} : memref<10x80xi32, #tpu.memory_space<vmem>>, vector<1x16xi32>,
    %swap3A_258 = vector.shape_cast %swap3A_257 : vector<1x16xi32> to vector<16xi32>
    %swap3A_259 = vector.shape_cast %add3A_253 : vector<16xi32> to vector<1x16xi32>
    tpu.vector_store %arg5[%swap3A_255, %swap3A_256], %swap3A_259 {strides = array<i32>} : memref<10x80xi32, #tpu.memory_space<vmem>>, vector<1x16xi32>,
    %add3A_260 = arith.constant 208 : i32
    %add3A_261 = arith.addi %mul3A_2, %add3A_260 : i32
    %add3A_262 = vector.broadcast %add3A_261 : i32 to vector<16xi32>
    %add3A_263 = arith.addi %add3A_262, %iota3A : vector<16xi32>
    %shift_right_logical3A_264 = arith.constant 9 : i32
    %shift_right_logical3A_265 = vector.broadcast %shift_right_logical3A_264 : i32 to vector<16xi32>
    %shift_right_logical3A_266 = arith.shrui %add3A_263, %shift_right_logical3A_265 : vector<16xi32>
    %and3A_267 = arith.constant 511 : i32
    %and3A_268 = vector.broadcast %and3A_267 : i32 to vector<16xi32>
    %and3A_269 = arith.andi %add3A_263, %and3A_268 : vector<16xi32>
    %mul3A_270 = arith.constant 50 : i32
    %mul3A_271 = vector.broadcast %mul3A_270 : i32 to vector<16xi32>
    %mul3A_272 = arith.muli %and3A_269, %mul3A_271 : vector<16xi32>
    %add3A_273 = arith.addi %mul3A_272, %shift_right_logical3A_266 : vector<16xi32>
    %swap3A_274 = arith.constant 2 : i32
    %swap3A_275 = arith.index_cast %swap3A_274 : i32 to index
    %swap3A_276 = arith.constant 48 : index
    %swap3A_277 = tpu.vector_load %arg5[%swap3A_275, %swap3A_276] {strides = array<i32>} : memref<10x80xi32, #tpu.memory_space<vmem>>, vector<1x16xi32>,
    %swap3A_278 = vector.shape_cast %swap3A_277 : vector<1x16xi32> to vector<16xi32>
    %swap3A_279 = vector.shape_cast %add3A_273 : vector<16xi32> to vector<1x16xi32>
    tpu.vector_store %arg5[%swap3A_275, %swap3A_276], %swap3A_279 {strides = array<i32>} : memref<10x80xi32, #tpu.memory_space<vmem>>, vector<1x16xi32>,
    %add3A_280 = arith.constant 224 : i32
    %add3A_281 = arith.addi %mul3A_2, %add3A_280 : i32
    %add3A_282 = vector.broadcast %add3A_281 : i32 to vector<16xi32>
    %add3A_283 = arith.addi %add3A_282, %iota3A : vector<16xi32>
    %shift_right_logical3A_284 = arith.constant 9 : i32
    %shift_right_logical3A_285 = vector.broadcast %shift_right_logical3A_284 : i32 to vector<16xi32>
    %shift_right_logical3A_286 = arith.shrui %add3A_283, %shift_right_logical3A_285 : vector<16xi32>
    %and3A_287 = arith.constant 511 : i32
    %and3A_288 = vector.broadcast %and3A_287 : i32 to vector<16xi32>
    %and3A_289 = arith.andi %add3A_283, %and3A_288 : vector<16xi32>
    %mul3A_290 = arith.constant 50 : i32
    %mul3A_291 = vector.broadcast %mul3A_290 : i32 to vector<16xi32>
    %mul3A_292 = arith.muli %and3A_289, %mul3A_291 : vector<16xi32>
    %add3A_293 = arith.addi %mul3A_292, %shift_right_logical3A_286 : vector<16xi32>
    %swap3A_294 = arith.constant 2 : i32
    %swap3A_295 = arith.index_cast %swap3A_294 : i32 to index
    %swap3A_296 = arith.constant 64 : index
    %swap3A_297 = tpu.vector_load %arg5[%swap3A_295, %swap3A_296] {strides = array<i32>} : memref<10x80xi32, #tpu.memory_space<vmem>>, vector<1x16xi32>,
    %swap3A_298 = vector.shape_cast %swap3A_297 : vector<1x16xi32> to vector<16xi32>
    %swap3A_299 = vector.shape_cast %add3A_293 : vector<16xi32> to vector<1x16xi32>
    tpu.vector_store %arg5[%swap3A_295, %swap3A_296], %swap3A_299 {strides = array<i32>} : memref<10x80xi32, #tpu.memory_space<vmem>>, vector<1x16xi32>,
    %add3A_300 = arith.constant 240 : i32
    %add3A_301 = arith.addi %mul3A_2, %add3A_300 : i32
    %add3A_302 = vector.broadcast %add3A_301 : i32 to vector<16xi32>
    %add3A_303 = arith.addi %add3A_302, %iota3A : vector<16xi32>
    %shift_right_logical3A_304 = arith.constant 9 : i32
    %shift_right_logical3A_305 = vector.broadcast %shift_right_logical3A_304 : i32 to vector<16xi32>
    %shift_right_logical3A_306 = arith.shrui %add3A_303, %shift_right_logical3A_305 : vector<16xi32>
    %and3A_307 = arith.constant 511 : i32
    %and3A_308 = vector.broadcast %and3A_307 : i32 to vector<16xi32>
    %and3A_309 = arith.andi %add3A_303, %and3A_308 : vector<16xi32>
    %mul3A_310 = arith.constant 50 : i32
    %mul3A_311 = vector.broadcast %mul3A_310 : i32 to vector<16xi32>
    %mul3A_312 = arith.muli %and3A_309, %mul3A_311 : vector<16xi32>
    %add3A_313 = arith.addi %mul3A_312, %shift_right_logical3A_306 : vector<16xi32>
    %swap3A_314 = arith.constant 3 : i32
    %swap3A_315 = arith.index_cast %swap3A_314 : i32 to index
    %swap3A_316 = arith.constant 0 : index
    %swap3A_317 = tpu.vector_load %arg5[%swap3A_315, %swap3A_316] {strides = array<i32>} : memref<10x80xi32, #tpu.memory_space<vmem>>, vector<1x16xi32>,
    %swap3A_318 = vector.shape_cast %swap3A_317 : vector<1x16xi32> to vector<16xi32>
    %swap3A_319 = vector.shape_cast %add3A_313 : vector<16xi32> to vector<1x16xi32>
    tpu.vector_store %arg5[%swap3A_315, %swap3A_316], %swap3A_319 {strides = array<i32>} : memref<10x80xi32, #tpu.memory_space<vmem>>, vector<1x16xi32>,
    %add3A_320 = arith.constant 256 : i32
    %add3A_321 = arith.addi %mul3A_2, %add3A_320 : i32
    %add3A_322 = vector.broadcast %add3A_321 : i32 to vector<16xi32>
    %add3A_323 = arith.addi %add3A_322, %iota3A : vector<16xi32>
    %shift_right_logical3A_324 = arith.constant 9 : i32
    %shift_right_logical3A_325 = vector.broadcast %shift_right_logical3A_324 : i32 to vector<16xi32>
    %shift_right_logical3A_326 = arith.shrui %add3A_323, %shift_right_logical3A_325 : vector<16xi32>
    %and3A_327 = arith.constant 511 : i32
    %and3A_328 = vector.broadcast %and3A_327 : i32 to vector<16xi32>
    %and3A_329 = arith.andi %add3A_323, %and3A_328 : vector<16xi32>
    %mul3A_330 = arith.constant 50 : i32
    %mul3A_331 = vector.broadcast %mul3A_330 : i32 to vector<16xi32>
    %mul3A_332 = arith.muli %and3A_329, %mul3A_331 : vector<16xi32>
    %add3A_333 = arith.addi %mul3A_332, %shift_right_logical3A_326 : vector<16xi32>
    %swap3A_334 = arith.constant 3 : i32
    %swap3A_335 = arith.index_cast %swap3A_334 : i32 to index
    %swap3A_336 = arith.constant 16 : index
    %swap3A_337 = tpu.vector_load %arg5[%swap3A_335, %swap3A_336] {strides = array<i32>} : memref<10x80xi32, #tpu.memory_space<vmem>>, vector<1x16xi32>,
    %swap3A_338 = vector.shape_cast %swap3A_337 : vector<1x16xi32> to vector<16xi32>
    %swap3A_339 = vector.shape_cast %add3A_333 : vector<16xi32> to vector<1x16xi32>
    tpu.vector_store %arg5[%swap3A_335, %swap3A_336], %swap3A_339 {strides = array<i32>} : memref<10x80xi32, #tpu.memory_space<vmem>>, vector<1x16xi32>,
    %add3A_340 = arith.constant 272 : i32
    %add3A_341 = arith.addi %mul3A_2, %add3A_340 : i32
    %add3A_342 = vector.broadcast %add3A_341 : i32 to vector<16xi32>
    %add3A_343 = arith.addi %add3A_342, %iota3A : vector<16xi32>
    %shift_right_logical3A_344 = arith.constant 9 : i32
    %shift_right_logical3A_345 = vector.broadcast %shift_right_logical3A_344 : i32 to vector<16xi32>
    %shift_right_logical3A_346 = arith.shrui %add3A_343, %shift_right_logical3A_345 : vector<16xi32>
    %and3A_347 = arith.constant 511 : i32
    %and3A_348 = vector.broadcast %and3A_347 : i32 to vector<16xi32>
    %and3A_349 = arith.andi %add3A_343, %and3A_348 : vector<16xi32>
    %mul3A_350 = arith.constant 50 : i32
    %mul3A_351 = vector.broadcast %mul3A_350 : i32 to vector<16xi32>
    %mul3A_352 = arith.muli %and3A_349, %mul3A_351 : vector<16xi32>
    %add3A_353 = arith.addi %mul3A_352, %shift_right_logical3A_346 : vector<16xi32>
    %swap3A_354 = arith.constant 3 : i32
    %swap3A_355 = arith.index_cast %swap3A_354 : i32 to index
    %swap3A_356 = arith.constant 32 : index
    %swap3A_357 = tpu.vector_load %arg5[%swap3A_355, %swap3A_356] {strides = array<i32>} : memref<10x80xi32, #tpu.memory_space<vmem>>, vector<1x16xi32>,
    %swap3A_358 = vector.shape_cast %swap3A_357 : vector<1x16xi32> to vector<16xi32>
    %swap3A_359 = vector.shape_cast %add3A_353 : vector<16xi32> to vector<1x16xi32>
    tpu.vector_store %arg5[%swap3A_355, %swap3A_356], %swap3A_359 {strides = array<i32>} : memref<10x80xi32, #tpu.memory_space<vmem>>, vector<1x16xi32>,
    %add3A_360 = arith.constant 288 : i32
    %add3A_361 = arith.addi %mul3A_2, %add3A_360 : i32
    %add3A_362 = vector.broadcast %add3A_361 : i32 to vector<16xi32>
    %add3A_363 = arith.addi %add3A_362, %iota3A : vector<16xi32>
    %shift_right_logical3A_364 = arith.constant 9 : i32
    %shift_right_logical3A_365 = vector.broadcast %shift_right_logical3A_364 : i32 to vector<16xi32>
    %shift_right_logical3A_366 = arith.shrui %add3A_363, %shift_right_logical3A_365 : vector<16xi32>
    %and3A_367 = arith.constant 511 : i32
    %and3A_368 = vector.broadcast %and3A_367 : i32 to vector<16xi32>
    %and3A_369 = arith.andi %add3A_363, %and3A_368 : vector<16xi32>
    %mul3A_370 = arith.constant 50 : i32
    %mul3A_371 = vector.broadcast %mul3A_370 : i32 to vector<16xi32>
    %mul3A_372 = arith.muli %and3A_369, %mul3A_371 : vector<16xi32>
    %add3A_373 = arith.addi %mul3A_372, %shift_right_logical3A_366 : vector<16xi32>
    %swap3A_374 = arith.constant 3 : i32
    %swap3A_375 = arith.index_cast %swap3A_374 : i32 to index
    %swap3A_376 = arith.constant 48 : index
    %swap3A_377 = tpu.vector_load %arg5[%swap3A_375, %swap3A_376] {strides = array<i32>} : memref<10x80xi32, #tpu.memory_space<vmem>>, vector<1x16xi32>,
    %swap3A_378 = vector.shape_cast %swap3A_377 : vector<1x16xi32> to vector<16xi32>
    %swap3A_379 = vector.shape_cast %add3A_373 : vector<16xi32> to vector<1x16xi32>
    tpu.vector_store %arg5[%swap3A_375, %swap3A_376], %swap3A_379 {strides = array<i32>} : memref<10x80xi32, #tpu.memory_space<vmem>>, vector<1x16xi32>,
    %add3A_380 = arith.constant 304 : i32
    %add3A_381 = arith.addi %mul3A_2, %add3A_380 : i32
    %add3A_382 = vector.broadcast %add3A_381 : i32 to vector<16xi32>
    %add3A_383 = arith.addi %add3A_382, %iota3A : vector<16xi32>
    %shift_right_logical3A_384 = arith.constant 9 : i32
    %shift_right_logical3A_385 = vector.broadcast %shift_right_logical3A_384 : i32 to vector<16xi32>
    %shift_right_logical3A_386 = arith.shrui %add3A_383, %shift_right_logical3A_385 : vector<16xi32>
    %and3A_387 = arith.constant 511 : i32
    %and3A_388 = vector.broadcast %and3A_387 : i32 to vector<16xi32>
    %and3A_389 = arith.andi %add3A_383, %and3A_388 : vector<16xi32>
    %mul3A_390 = arith.constant 50 : i32
    %mul3A_391 = vector.broadcast %mul3A_390 : i32 to vector<16xi32>
    %mul3A_392 = arith.muli %and3A_389, %mul3A_391 : vector<16xi32>
    %add3A_393 = arith.addi %mul3A_392, %shift_right_logical3A_386 : vector<16xi32>
    %swap3A_394 = arith.constant 3 : i32
    %swap3A_395 = arith.index_cast %swap3A_394 : i32 to index
    %swap3A_396 = arith.constant 64 : index
    %swap3A_397 = tpu.vector_load %arg5[%swap3A_395, %swap3A_396] {strides = array<i32>} : memref<10x80xi32, #tpu.memory_space<vmem>>, vector<1x16xi32>,
    %swap3A_398 = vector.shape_cast %swap3A_397 : vector<1x16xi32> to vector<16xi32>
    %swap3A_399 = vector.shape_cast %add3A_393 : vector<16xi32> to vector<1x16xi32>
    tpu.vector_store %arg5[%swap3A_395, %swap3A_396], %swap3A_399 {strides = array<i32>} : memref<10x80xi32, #tpu.memory_space<vmem>>, vector<1x16xi32>,
    %add3A_400 = arith.constant 320 : i32
    %add3A_401 = arith.addi %mul3A_2, %add3A_400 : i32
    %add3A_402 = vector.broadcast %add3A_401 : i32 to vector<16xi32>
    %add3A_403 = arith.addi %add3A_402, %iota3A : vector<16xi32>
    %shift_right_logical3A_404 = arith.constant 9 : i32
    %shift_right_logical3A_405 = vector.broadcast %shift_right_logical3A_404 : i32 to vector<16xi32>
    %shift_right_logical3A_406 = arith.shrui %add3A_403, %shift_right_logical3A_405 : vector<16xi32>
    %and3A_407 = arith.constant 511 : i32
    %and3A_408 = vector.broadcast %and3A_407 : i32 to vector<16xi32>
    %and3A_409 = arith.andi %add3A_403, %and3A_408 : vector<16xi32>
    %mul3A_410 = arith.constant 50 : i32
    %mul3A_411 = vector.broadcast %mul3A_410 : i32 to vector<16xi32>
    %mul3A_412 = arith.muli %and3A_409, %mul3A_411 : vector<16xi32>
    %add3A_413 = arith.addi %mul3A_412, %shift_right_logical3A_406 : vector<16xi32>
    %swap3A_414 = arith.constant 4 : i32
    %swap3A_415 = arith.index_cast %swap3A_414 : i32 to index
    %swap3A_416 = arith.constant 0 : index
    %swap3A_417 = tpu.vector_load %arg5[%swap3A_415, %swap3A_416] {strides = array<i32>} : memref<10x80xi32, #tpu.memory_space<vmem>>, vector<1x16xi32>,
    %swap3A_418 = vector.shape_cast %swap3A_417 : vector<1x16xi32> to vector<16xi32>
    %swap3A_419 = vector.shape_cast %add3A_413 : vector<16xi32> to vector<1x16xi32>
    tpu.vector_store %arg5[%swap3A_415, %swap3A_416], %swap3A_419 {strides = array<i32>} : memref<10x80xi32, #tpu.memory_space<vmem>>, vector<1x16xi32>,
    %add3A_420 = arith.constant 336 : i32
    %add3A_421 = arith.addi %mul3A_2, %add3A_420 : i32
    %add3A_422 = vector.broadcast %add3A_421 : i32 to vector<16xi32>
    %add3A_423 = arith.addi %add3A_422, %iota3A : vector<16xi32>
    %shift_right_logical3A_424 = arith.constant 9 : i32
    %shift_right_logical3A_425 = vector.broadcast %shift_right_logical3A_424 : i32 to vector<16xi32>
    %shift_right_logical3A_426 = arith.shrui %add3A_423, %shift_right_logical3A_425 : vector<16xi32>
    %and3A_427 = arith.constant 511 : i32
    %and3A_428 = vector.broadcast %and3A_427 : i32 to vector<16xi32>
    %and3A_429 = arith.andi %add3A_423, %and3A_428 : vector<16xi32>
    %mul3A_430 = arith.constant 50 : i32
    %mul3A_431 = vector.broadcast %mul3A_430 : i32 to vector<16xi32>
    %mul3A_432 = arith.muli %and3A_429, %mul3A_431 : vector<16xi32>
    %add3A_433 = arith.addi %mul3A_432, %shift_right_logical3A_426 : vector<16xi32>
    %swap3A_434 = arith.constant 4 : i32
    %swap3A_435 = arith.index_cast %swap3A_434 : i32 to index
    %swap3A_436 = arith.constant 16 : index
    %swap3A_437 = tpu.vector_load %arg5[%swap3A_435, %swap3A_436] {strides = array<i32>} : memref<10x80xi32, #tpu.memory_space<vmem>>, vector<1x16xi32>,
    %swap3A_438 = vector.shape_cast %swap3A_437 : vector<1x16xi32> to vector<16xi32>
    %swap3A_439 = vector.shape_cast %add3A_433 : vector<16xi32> to vector<1x16xi32>
    tpu.vector_store %arg5[%swap3A_435, %swap3A_436], %swap3A_439 {strides = array<i32>} : memref<10x80xi32, #tpu.memory_space<vmem>>, vector<1x16xi32>,
    %add3A_440 = arith.constant 352 : i32
    %add3A_441 = arith.addi %mul3A_2, %add3A_440 : i32
    %add3A_442 = vector.broadcast %add3A_441 : i32 to vector<16xi32>
    %add3A_443 = arith.addi %add3A_442, %iota3A : vector<16xi32>
    %shift_right_logical3A_444 = arith.constant 9 : i32
    %shift_right_logical3A_445 = vector.broadcast %shift_right_logical3A_444 : i32 to vector<16xi32>
    %shift_right_logical3A_446 = arith.shrui %add3A_443, %shift_right_logical3A_445 : vector<16xi32>
    %and3A_447 = arith.constant 511 : i32
    %and3A_448 = vector.broadcast %and3A_447 : i32 to vector<16xi32>
    %and3A_449 = arith.andi %add3A_443, %and3A_448 : vector<16xi32>
    %mul3A_450 = arith.constant 50 : i32
    %mul3A_451 = vector.broadcast %mul3A_450 : i32 to vector<16xi32>
    %mul3A_452 = arith.muli %and3A_449, %mul3A_451 : vector<16xi32>
    %add3A_453 = arith.addi %mul3A_452, %shift_right_logical3A_446 : vector<16xi32>
    %swap3A_454 = arith.constant 4 : i32
    %swap3A_455 = arith.index_cast %swap3A_454 : i32 to index
    %swap3A_456 = arith.constant 32 : index
    %swap3A_457 = tpu.vector_load %arg5[%swap3A_455, %swap3A_456] {strides = array<i32>} : memref<10x80xi32, #tpu.memory_space<vmem>>, vector<1x16xi32>,
    %swap3A_458 = vector.shape_cast %swap3A_457 : vector<1x16xi32> to vector<16xi32>
    %swap3A_459 = vector.shape_cast %add3A_453 : vector<16xi32> to vector<1x16xi32>
    tpu.vector_store %arg5[%swap3A_455, %swap3A_456], %swap3A_459 {strides = array<i32>} : memref<10x80xi32, #tpu.memory_space<vmem>>, vector<1x16xi32>,
    %add3A_460 = arith.constant 368 : i32
    %add3A_461 = arith.addi %mul3A_2, %add3A_460 : i32
    %add3A_462 = vector.broadcast %add3A_461 : i32 to vector<16xi32>
    %add3A_463 = arith.addi %add3A_462, %iota3A : vector<16xi32>
    %shift_right_logical3A_464 = arith.constant 9 : i32
    %shift_right_logical3A_465 = vector.broadcast %shift_right_logical3A_464 : i32 to vector<16xi32>
    %shift_right_logical3A_466 = arith.shrui %add3A_463, %shift_right_logical3A_465 : vector<16xi32>
    %and3A_467 = arith.constant 511 : i32
    %and3A_468 = vector.broadcast %and3A_467 : i32 to vector<16xi32>
    %and3A_469 = arith.andi %add3A_463, %and3A_468 : vector<16xi32>
    %mul3A_470 = arith.constant 50 : i32
    %mul3A_471 = vector.broadcast %mul3A_470 : i32 to vector<16xi32>
    %mul3A_472 = arith.muli %and3A_469, %mul3A_471 : vector<16xi32>
    %add3A_473 = arith.addi %mul3A_472, %shift_right_logical3A_466 : vector<16xi32>
    %swap3A_474 = arith.constant 4 : i32
    %swap3A_475 = arith.index_cast %swap3A_474 : i32 to index
    %swap3A_476 = arith.constant 48 : index
    %swap3A_477 = tpu.vector_load %arg5[%swap3A_475, %swap3A_476] {strides = array<i32>} : memref<10x80xi32, #tpu.memory_space<vmem>>, vector<1x16xi32>,
    %swap3A_478 = vector.shape_cast %swap3A_477 : vector<1x16xi32> to vector<16xi32>
    %swap3A_479 = vector.shape_cast %add3A_473 : vector<16xi32> to vector<1x16xi32>
    tpu.vector_store %arg5[%swap3A_475, %swap3A_476], %swap3A_479 {strides = array<i32>} : memref<10x80xi32, #tpu.memory_space<vmem>>, vector<1x16xi32>,
    %add3A_480 = arith.constant 384 : i32
    %add3A_481 = arith.addi %mul3A_2, %add3A_480 : i32
    %add3A_482 = vector.broadcast %add3A_481 : i32 to vector<16xi32>
    %add3A_483 = arith.addi %add3A_482, %iota3A : vector<16xi32>
    %shift_right_logical3A_484 = arith.constant 9 : i32
    %shift_right_logical3A_485 = vector.broadcast %shift_right_logical3A_484 : i32 to vector<16xi32>
    %shift_right_logical3A_486 = arith.shrui %add3A_483, %shift_right_logical3A_485 : vector<16xi32>
    %and3A_487 = arith.constant 511 : i32
    %and3A_488 = vector.broadcast %and3A_487 : i32 to vector<16xi32>
    %and3A_489 = arith.andi %add3A_483, %and3A_488 : vector<16xi32>
    %mul3A_490 = arith.constant 50 : i32
    %mul3A_491 = vector.broadcast %mul3A_490 : i32 to vector<16xi32>
    %mul3A_492 = arith.muli %and3A_489, %mul3A_491 : vector<16xi32>
    %add3A_493 = arith.addi %mul3A_492, %shift_right_logical3A_486 : vector<16xi32>
    %swap3A_494 = arith.constant 4 : i32
    %swap3A_495 = arith.index_cast %swap3A_494 : i32 to index
    %swap3A_496 = arith.constant 64 : index
    %swap3A_497 = tpu.vector_load %arg5[%swap3A_495, %swap3A_496] {strides = array<i32>} : memref<10x80xi32, #tpu.memory_space<vmem>>, vector<1x16xi32>,
    %swap3A_498 = vector.shape_cast %swap3A_497 : vector<1x16xi32> to vector<16xi32>
    %swap3A_499 = vector.shape_cast %add3A_493 : vector<16xi32> to vector<1x16xi32>
    tpu.vector_store %arg5[%swap3A_495, %swap3A_496], %swap3A_499 {strides = array<i32>} : memref<10x80xi32, #tpu.memory_space<vmem>>, vector<1x16xi32>,
    %add3A_500 = arith.constant 400 : i32
    %add3A_501 = arith.addi %mul3A_2, %add3A_500 : i32
    %add3A_502 = vector.broadcast %add3A_501 : i32 to vector<16xi32>
    %add3A_503 = arith.addi %add3A_502, %iota3A : vector<16xi32>
    %shift_right_logical3A_504 = arith.constant 9 : i32
    %shift_right_logical3A_505 = vector.broadcast %shift_right_logical3A_504 : i32 to vector<16xi32>
    %shift_right_logical3A_506 = arith.shrui %add3A_503, %shift_right_logical3A_505 : vector<16xi32>
    %and3A_507 = arith.constant 511 : i32
    %and3A_508 = vector.broadcast %and3A_507 : i32 to vector<16xi32>
    %and3A_509 = arith.andi %add3A_503, %and3A_508 : vector<16xi32>
    %mul3A_510 = arith.constant 50 : i32
    %mul3A_511 = vector.broadcast %mul3A_510 : i32 to vector<16xi32>
    %mul3A_512 = arith.muli %and3A_509, %mul3A_511 : vector<16xi32>
    %add3A_513 = arith.addi %mul3A_512, %shift_right_logical3A_506 : vector<16xi32>
    %swap3A_514 = arith.constant 5 : i32
    %swap3A_515 = arith.index_cast %swap3A_514 : i32 to index
    %swap3A_516 = arith.constant 0 : index
    %swap3A_517 = tpu.vector_load %arg5[%swap3A_515, %swap3A_516] {strides = array<i32>} : memref<10x80xi32, #tpu.memory_space<vmem>>, vector<1x16xi32>,
    %swap3A_518 = vector.shape_cast %swap3A_517 : vector<1x16xi32> to vector<16xi32>
    %swap3A_519 = vector.shape_cast %add3A_513 : vector<16xi32> to vector<1x16xi32>
    tpu.vector_store %arg5[%swap3A_515, %swap3A_516], %swap3A_519 {strides = array<i32>} : memref<10x80xi32, #tpu.memory_space<vmem>>, vector<1x16xi32>,
    %add3A_520 = arith.constant 416 : i32
    %add3A_521 = arith.addi %mul3A_2, %add3A_520 : i32
    %add3A_522 = vector.broadcast %add3A_521 : i32 to vector<16xi32>
    %add3A_523 = arith.addi %add3A_522, %iota3A : vector<16xi32>
    %shift_right_logical3A_524 = arith.constant 9 : i32
    %shift_right_logical3A_525 = vector.broadcast %shift_right_logical3A_524 : i32 to vector<16xi32>
    %shift_right_logical3A_526 = arith.shrui %add3A_523, %shift_right_logical3A_525 : vector<16xi32>
    %and3A_527 = arith.constant 511 : i32
    %and3A_528 = vector.broadcast %and3A_527 : i32 to vector<16xi32>
    %and3A_529 = arith.andi %add3A_523, %and3A_528 : vector<16xi32>
    %mul3A_530 = arith.constant 50 : i32
    %mul3A_531 = vector.broadcast %mul3A_530 : i32 to vector<16xi32>
    %mul3A_532 = arith.muli %and3A_529, %mul3A_531 : vector<16xi32>
    %add3A_533 = arith.addi %mul3A_532, %shift_right_logical3A_526 : vector<16xi32>
    %swap3A_534 = arith.constant 5 : i32
    %swap3A_535 = arith.index_cast %swap3A_534 : i32 to index
    %swap3A_536 = arith.constant 16 : index
    %swap3A_537 = tpu.vector_load %arg5[%swap3A_535, %swap3A_536] {strides = array<i32>} : memref<10x80xi32, #tpu.memory_space<vmem>>, vector<1x16xi32>,
    %swap3A_538 = vector.shape_cast %swap3A_537 : vector<1x16xi32> to vector<16xi32>
    %swap3A_539 = vector.shape_cast %add3A_533 : vector<16xi32> to vector<1x16xi32>
    tpu.vector_store %arg5[%swap3A_535, %swap3A_536], %swap3A_539 {strides = array<i32>} : memref<10x80xi32, #tpu.memory_space<vmem>>, vector<1x16xi32>,
    %add3A_540 = arith.constant 432 : i32
    %add3A_541 = arith.addi %mul3A_2, %add3A_540 : i32
    %add3A_542 = vector.broadcast %add3A_541 : i32 to vector<16xi32>
    %add3A_543 = arith.addi %add3A_542, %iota3A : vector<16xi32>
    %shift_right_logical3A_544 = arith.constant 9 : i32
    %shift_right_logical3A_545 = vector.broadcast %shift_right_logical3A_544 : i32 to vector<16xi32>
    %shift_right_logical3A_546 = arith.shrui %add3A_543, %shift_right_logical3A_545 : vector<16xi32>
    %and3A_547 = arith.constant 511 : i32
    %and3A_548 = vector.broadcast %and3A_547 : i32 to vector<16xi32>
    %and3A_549 = arith.andi %add3A_543, %and3A_548 : vector<16xi32>
    %mul3A_550 = arith.constant 50 : i32
    %mul3A_551 = vector.broadcast %mul3A_550 : i32 to vector<16xi32>
    %mul3A_552 = arith.muli %and3A_549, %mul3A_551 : vector<16xi32>
    %add3A_553 = arith.addi %mul3A_552, %shift_right_logical3A_546 : vector<16xi32>
    %swap3A_554 = arith.constant 5 : i32
    %swap3A_555 = arith.index_cast %swap3A_554 : i32 to index
    %swap3A_556 = arith.constant 32 : index
    %swap3A_557 = tpu.vector_load %arg5[%swap3A_555, %swap3A_556] {strides = array<i32>} : memref<10x80xi32, #tpu.memory_space<vmem>>, vector<1x16xi32>,
    %swap3A_558 = vector.shape_cast %swap3A_557 : vector<1x16xi32> to vector<16xi32>
    %swap3A_559 = vector.shape_cast %add3A_553 : vector<16xi32> to vector<1x16xi32>
    tpu.vector_store %arg5[%swap3A_555, %swap3A_556], %swap3A_559 {strides = array<i32>} : memref<10x80xi32, #tpu.memory_space<vmem>>, vector<1x16xi32>,
    %add3A_560 = arith.constant 448 : i32
    %add3A_561 = arith.addi %mul3A_2, %add3A_560 : i32
    %add3A_562 = vector.broadcast %add3A_561 : i32 to vector<16xi32>
    %add3A_563 = arith.addi %add3A_562, %iota3A : vector<16xi32>
    %shift_right_logical3A_564 = arith.constant 9 : i32
    %shift_right_logical3A_565 = vector.broadcast %shift_right_logical3A_564 : i32 to vector<16xi32>
    %shift_right_logical3A_566 = arith.shrui %add3A_563, %shift_right_logical3A_565 : vector<16xi32>
    %and3A_567 = arith.constant 511 : i32
    %and3A_568 = vector.broadcast %and3A_567 : i32 to vector<16xi32>
    %and3A_569 = arith.andi %add3A_563, %and3A_568 : vector<16xi32>
    %mul3A_570 = arith.constant 50 : i32
    %mul3A_571 = vector.broadcast %mul3A_570 : i32 to vector<16xi32>
    %mul3A_572 = arith.muli %and3A_569, %mul3A_571 : vector<16xi32>
    %add3A_573 = arith.addi %mul3A_572, %shift_right_logical3A_566 : vector<16xi32>
    %swap3A_574 = arith.constant 5 : i32
    %swap3A_575 = arith.index_cast %swap3A_574 : i32 to index
    %swap3A_576 = arith.constant 48 : index
    %swap3A_577 = tpu.vector_load %arg5[%swap3A_575, %swap3A_576] {strides = array<i32>} : memref<10x80xi32, #tpu.memory_space<vmem>>, vector<1x16xi32>,
    %swap3A_578 = vector.shape_cast %swap3A_577 : vector<1x16xi32> to vector<16xi32>
    %swap3A_579 = vector.shape_cast %add3A_573 : vector<16xi32> to vector<1x16xi32>
    tpu.vector_store %arg5[%swap3A_575, %swap3A_576], %swap3A_579 {strides = array<i32>} : memref<10x80xi32, #tpu.memory_space<vmem>>, vector<1x16xi32>,
    %add3A_580 = arith.constant 464 : i32
    %add3A_581 = arith.addi %mul3A_2, %add3A_580 : i32
    %add3A_582 = vector.broadcast %add3A_581 : i32 to vector<16xi32>
    %add3A_583 = arith.addi %add3A_582, %iota3A : vector<16xi32>
    %shift_right_logical3A_584 = arith.constant 9 : i32
    %shift_right_logical3A_585 = vector.broadcast %shift_right_logical3A_584 : i32 to vector<16xi32>
    %shift_right_logical3A_586 = arith.shrui %add3A_583, %shift_right_logical3A_585 : vector<16xi32>
    %and3A_587 = arith.constant 511 : i32
    %and3A_588 = vector.broadcast %and3A_587 : i32 to vector<16xi32>
    %and3A_589 = arith.andi %add3A_583, %and3A_588 : vector<16xi32>
    %mul3A_590 = arith.constant 50 : i32
    %mul3A_591 = vector.broadcast %mul3A_590 : i32 to vector<16xi32>
    %mul3A_592 = arith.muli %and3A_589, %mul3A_591 : vector<16xi32>
    %add3A_593 = arith.addi %mul3A_592, %shift_right_logical3A_586 : vector<16xi32>
    %swap3A_594 = arith.constant 5 : i32
    %swap3A_595 = arith.index_cast %swap3A_594 : i32 to index
    %swap3A_596 = arith.constant 64 : index
    %swap3A_597 = tpu.vector_load %arg5[%swap3A_595, %swap3A_596] {strides = array<i32>} : memref<10x80xi32, #tpu.memory_space<vmem>>, vector<1x16xi32>,
    %swap3A_598 = vector.shape_cast %swap3A_597 : vector<1x16xi32> to vector<16xi32>
    %swap3A_599 = vector.shape_cast %add3A_593 : vector<16xi32> to vector<1x16xi32>
    tpu.vector_store %arg5[%swap3A_595, %swap3A_596], %swap3A_599 {strides = array<i32>} : memref<10x80xi32, #tpu.memory_space<vmem>>, vector<1x16xi32>,
    %add3A_600 = arith.constant 480 : i32
    %add3A_601 = arith.addi %mul3A_2, %add3A_600 : i32
    %add3A_602 = vector.broadcast %add3A_601 : i32 to vector<16xi32>
    %add3A_603 = arith.addi %add3A_602, %iota3A : vector<16xi32>
    %shift_right_logical3A_604 = arith.constant 9 : i32
    %shift_right_logical3A_605 = vector.broadcast %shift_right_logical3A_604 : i32 to vector<16xi32>
    %shift_right_logical3A_606 = arith.shrui %add3A_603, %shift_right_logical3A_605 : vector<16xi32>
    %and3A_607 = arith.constant 511 : i32
    %and3A_608 = vector.broadcast %and3A_607 : i32 to vector<16xi32>
    %and3A_609 = arith.andi %add3A_603, %and3A_608 : vector<16xi32>
    %mul3A_610 = arith.constant 50 : i32
    %mul3A_611 = vector.broadcast %mul3A_610 : i32 to vector<16xi32>
    %mul3A_612 = arith.muli %and3A_609, %mul3A_611 : vector<16xi32>
    %add3A_613 = arith.addi %mul3A_612, %shift_right_logical3A_606 : vector<16xi32>
    %swap3A_614 = arith.constant 6 : i32
    %swap3A_615 = arith.index_cast %swap3A_614 : i32 to index
    %swap3A_616 = arith.constant 0 : index
    %swap3A_617 = tpu.vector_load %arg5[%swap3A_615, %swap3A_616] {strides = array<i32>} : memref<10x80xi32, #tpu.memory_space<vmem>>, vector<1x16xi32>,
    %swap3A_618 = vector.shape_cast %swap3A_617 : vector<1x16xi32> to vector<16xi32>
    %swap3A_619 = vector.shape_cast %add3A_613 : vector<16xi32> to vector<1x16xi32>
    tpu.vector_store %arg5[%swap3A_615, %swap3A_616], %swap3A_619 {strides = array<i32>} : memref<10x80xi32, #tpu.memory_space<vmem>>, vector<1x16xi32>,
    %add3A_620 = arith.constant 496 : i32
    %add3A_621 = arith.addi %mul3A_2, %add3A_620 : i32
    %add3A_622 = vector.broadcast %add3A_621 : i32 to vector<16xi32>
    %add3A_623 = arith.addi %add3A_622, %iota3A : vector<16xi32>
    %shift_right_logical3A_624 = arith.constant 9 : i32
    %shift_right_logical3A_625 = vector.broadcast %shift_right_logical3A_624 : i32 to vector<16xi32>
    %shift_right_logical3A_626 = arith.shrui %add3A_623, %shift_right_logical3A_625 : vector<16xi32>
    %and3A_627 = arith.constant 511 : i32
    %and3A_628 = vector.broadcast %and3A_627 : i32 to vector<16xi32>
    %and3A_629 = arith.andi %add3A_623, %and3A_628 : vector<16xi32>
    %mul3A_630 = arith.constant 50 : i32
    %mul3A_631 = vector.broadcast %mul3A_630 : i32 to vector<16xi32>
    %mul3A_632 = arith.muli %and3A_629, %mul3A_631 : vector<16xi32>
    %add3A_633 = arith.addi %mul3A_632, %shift_right_logical3A_626 : vector<16xi32>
    %swap3A_634 = arith.constant 6 : i32
    %swap3A_635 = arith.index_cast %swap3A_634 : i32 to index
    %swap3A_636 = arith.constant 16 : index
    %swap3A_637 = tpu.vector_load %arg5[%swap3A_635, %swap3A_636] {strides = array<i32>} : memref<10x80xi32, #tpu.memory_space<vmem>>, vector<1x16xi32>,
    %swap3A_638 = vector.shape_cast %swap3A_637 : vector<1x16xi32> to vector<16xi32>
    %swap3A_639 = vector.shape_cast %add3A_633 : vector<16xi32> to vector<1x16xi32>
    tpu.vector_store %arg5[%swap3A_635, %swap3A_636], %swap3A_639 {strides = array<i32>} : memref<10x80xi32, #tpu.memory_space<vmem>>, vector<1x16xi32>,
    %add3A_640 = arith.constant 512 : i32
    %add3A_641 = arith.addi %mul3A_2, %add3A_640 : i32
    %add3A_642 = vector.broadcast %add3A_641 : i32 to vector<16xi32>
    %add3A_643 = arith.addi %add3A_642, %iota3A : vector<16xi32>
    %shift_right_logical3A_644 = arith.constant 9 : i32
    %shift_right_logical3A_645 = vector.broadcast %shift_right_logical3A_644 : i32 to vector<16xi32>
    %shift_right_logical3A_646 = arith.shrui %add3A_643, %shift_right_logical3A_645 : vector<16xi32>
    %and3A_647 = arith.constant 511 : i32
    %and3A_648 = vector.broadcast %and3A_647 : i32 to vector<16xi32>
    %and3A_649 = arith.andi %add3A_643, %and3A_648 : vector<16xi32>
    %mul3A_650 = arith.constant 50 : i32
    %mul3A_651 = vector.broadcast %mul3A_650 : i32 to vector<16xi32>
    %mul3A_652 = arith.muli %and3A_649, %mul3A_651 : vector<16xi32>
    %add3A_653 = arith.addi %mul3A_652, %shift_right_logical3A_646 : vector<16xi32>
    %swap3A_654 = arith.constant 6 : i32
    %swap3A_655 = arith.index_cast %swap3A_654 : i32 to index
    %swap3A_656 = arith.constant 32 : index
    %swap3A_657 = tpu.vector_load %arg5[%swap3A_655, %swap3A_656] {strides = array<i32>} : memref<10x80xi32, #tpu.memory_space<vmem>>, vector<1x16xi32>,
    %swap3A_658 = vector.shape_cast %swap3A_657 : vector<1x16xi32> to vector<16xi32>
    %swap3A_659 = vector.shape_cast %add3A_653 : vector<16xi32> to vector<1x16xi32>
    tpu.vector_store %arg5[%swap3A_655, %swap3A_656], %swap3A_659 {strides = array<i32>} : memref<10x80xi32, #tpu.memory_space<vmem>>, vector<1x16xi32>,
    %add3A_660 = arith.constant 528 : i32
    %add3A_661 = arith.addi %mul3A_2, %add3A_660 : i32
    %add3A_662 = vector.broadcast %add3A_661 : i32 to vector<16xi32>
    %add3A_663 = arith.addi %add3A_662, %iota3A : vector<16xi32>
    %shift_right_logical3A_664 = arith.constant 9 : i32
    %shift_right_logical3A_665 = vector.broadcast %shift_right_logical3A_664 : i32 to vector<16xi32>
    %shift_right_logical3A_666 = arith.shrui %add3A_663, %shift_right_logical3A_665 : vector<16xi32>
    %and3A_667 = arith.constant 511 : i32
    %and3A_668 = vector.broadcast %and3A_667 : i32 to vector<16xi32>
    %and3A_669 = arith.andi %add3A_663, %and3A_668 : vector<16xi32>
    %mul3A_670 = arith.constant 50 : i32
    %mul3A_671 = vector.broadcast %mul3A_670 : i32 to vector<16xi32>
    %mul3A_672 = arith.muli %and3A_669, %mul3A_671 : vector<16xi32>
    %add3A_673 = arith.addi %mul3A_672, %shift_right_logical3A_666 : vector<16xi32>
    %swap3A_674 = arith.constant 6 : i32
    %swap3A_675 = arith.index_cast %swap3A_674 : i32 to index
    %swap3A_676 = arith.constant 48 : index
    %swap3A_677 = tpu.vector_load %arg5[%swap3A_675, %swap3A_676] {strides = array<i32>} : memref<10x80xi32, #tpu.memory_space<vmem>>, vector<1x16xi32>,
    %swap3A_678 = vector.shape_cast %swap3A_677 : vector<1x16xi32> to vector<16xi32>
    %swap3A_679 = vector.shape_cast %add3A_673 : vector<16xi32> to vector<1x16xi32>
    tpu.vector_store %arg5[%swap3A_675, %swap3A_676], %swap3A_679 {strides = array<i32>} : memref<10x80xi32, #tpu.memory_space<vmem>>, vector<1x16xi32>,
    %add3A_680 = arith.constant 544 : i32
    %add3A_681 = arith.addi %mul3A_2, %add3A_680 : i32
    %add3A_682 = vector.broadcast %add3A_681 : i32 to vector<16xi32>
    %add3A_683 = arith.addi %add3A_682, %iota3A : vector<16xi32>
    %shift_right_logical3A_684 = arith.constant 9 : i32
    %shift_right_logical3A_685 = vector.broadcast %shift_right_logical3A_684 : i32 to vector<16xi32>
    %shift_right_logical3A_686 = arith.shrui %add3A_683, %shift_right_logical3A_685 : vector<16xi32>
    %and3A_687 = arith.constant 511 : i32
    %and3A_688 = vector.broadcast %and3A_687 : i32 to vector<16xi32>
    %and3A_689 = arith.andi %add3A_683, %and3A_688 : vector<16xi32>
    %mul3A_690 = arith.constant 50 : i32
    %mul3A_691 = vector.broadcast %mul3A_690 : i32 to vector<16xi32>
    %mul3A_692 = arith.muli %and3A_689, %mul3A_691 : vector<16xi32>
    %add3A_693 = arith.addi %mul3A_692, %shift_right_logical3A_686 : vector<16xi32>
    %swap3A_694 = arith.constant 6 : i32
    %swap3A_695 = arith.index_cast %swap3A_694 : i32 to index
    %swap3A_696 = arith.constant 64 : index
    %swap3A_697 = tpu.vector_load %arg5[%swap3A_695, %swap3A_696] {strides = array<i32>} : memref<10x80xi32, #tpu.memory_space<vmem>>, vector<1x16xi32>,
    %swap3A_698 = vector.shape_cast %swap3A_697 : vector<1x16xi32> to vector<16xi32>
    %swap3A_699 = vector.shape_cast %add3A_693 : vector<16xi32> to vector<1x16xi32>
    tpu.vector_store %arg5[%swap3A_695, %swap3A_696], %swap3A_699 {strides = array<i32>} : memref<10x80xi32, #tpu.memory_space<vmem>>, vector<1x16xi32>,
    %add3A_700 = arith.constant 560 : i32
    %add3A_701 = arith.addi %mul3A_2, %add3A_700 : i32
    %add3A_702 = vector.broadcast %add3A_701 : i32 to vector<16xi32>
    %add3A_703 = arith.addi %add3A_702, %iota3A : vector<16xi32>
    %shift_right_logical3A_704 = arith.constant 9 : i32
    %shift_right_logical3A_705 = vector.broadcast %shift_right_logical3A_704 : i32 to vector<16xi32>
    %shift_right_logical3A_706 = arith.shrui %add3A_703, %shift_right_logical3A_705 : vector<16xi32>
    %and3A_707 = arith.constant 511 : i32
    %and3A_708 = vector.broadcast %and3A_707 : i32 to vector<16xi32>
    %and3A_709 = arith.andi %add3A_703, %and3A_708 : vector<16xi32>
    %mul3A_710 = arith.constant 50 : i32
    %mul3A_711 = vector.broadcast %mul3A_710 : i32 to vector<16xi32>
    %mul3A_712 = arith.muli %and3A_709, %mul3A_711 : vector<16xi32>
    %add3A_713 = arith.addi %mul3A_712, %shift_right_logical3A_706 : vector<16xi32>
    %swap3A_714 = arith.constant 7 : i32
    %swap3A_715 = arith.index_cast %swap3A_714 : i32 to index
    %swap3A_716 = arith.constant 0 : index
    %swap3A_717 = tpu.vector_load %arg5[%swap3A_715, %swap3A_716] {strides = array<i32>} : memref<10x80xi32, #tpu.memory_space<vmem>>, vector<1x16xi32>,
    %swap3A_718 = vector.shape_cast %swap3A_717 : vector<1x16xi32> to vector<16xi32>
    %swap3A_719 = vector.shape_cast %add3A_713 : vector<16xi32> to vector<1x16xi32>
    tpu.vector_store %arg5[%swap3A_715, %swap3A_716], %swap3A_719 {strides = array<i32>} : memref<10x80xi32, #tpu.memory_space<vmem>>, vector<1x16xi32>,
    %add3A_720 = arith.constant 576 : i32
    %add3A_721 = arith.addi %mul3A_2, %add3A_720 : i32
    %add3A_722 = vector.broadcast %add3A_721 : i32 to vector<16xi32>
    %add3A_723 = arith.addi %add3A_722, %iota3A : vector<16xi32>
    %shift_right_logical3A_724 = arith.constant 9 : i32
    %shift_right_logical3A_725 = vector.broadcast %shift_right_logical3A_724 : i32 to vector<16xi32>
    %shift_right_logical3A_726 = arith.shrui %add3A_723, %shift_right_logical3A_725 : vector<16xi32>
    %and3A_727 = arith.constant 511 : i32
    %and3A_728 = vector.broadcast %and3A_727 : i32 to vector<16xi32>
    %and3A_729 = arith.andi %add3A_723, %and3A_728 : vector<16xi32>
    %mul3A_730 = arith.constant 50 : i32
    %mul3A_731 = vector.broadcast %mul3A_730 : i32 to vector<16xi32>
    %mul3A_732 = arith.muli %and3A_729, %mul3A_731 : vector<16xi32>
    %add3A_733 = arith.addi %mul3A_732, %shift_right_logical3A_726 : vector<16xi32>
    %swap3A_734 = arith.constant 7 : i32
    %swap3A_735 = arith.index_cast %swap3A_734 : i32 to index
    %swap3A_736 = arith.constant 16 : index
    %swap3A_737 = tpu.vector_load %arg5[%swap3A_735, %swap3A_736] {strides = array<i32>} : memref<10x80xi32, #tpu.memory_space<vmem>>, vector<1x16xi32>,
    %swap3A_738 = vector.shape_cast %swap3A_737 : vector<1x16xi32> to vector<16xi32>
    %swap3A_739 = vector.shape_cast %add3A_733 : vector<16xi32> to vector<1x16xi32>
    tpu.vector_store %arg5[%swap3A_735, %swap3A_736], %swap3A_739 {strides = array<i32>} : memref<10x80xi32, #tpu.memory_space<vmem>>, vector<1x16xi32>,
    %add3A_740 = arith.constant 592 : i32
    %add3A_741 = arith.addi %mul3A_2, %add3A_740 : i32
    %add3A_742 = vector.broadcast %add3A_741 : i32 to vector<16xi32>
    %add3A_743 = arith.addi %add3A_742, %iota3A : vector<16xi32>
    %shift_right_logical3A_744 = arith.constant 9 : i32
    %shift_right_logical3A_745 = vector.broadcast %shift_right_logical3A_744 : i32 to vector<16xi32>
    %shift_right_logical3A_746 = arith.shrui %add3A_743, %shift_right_logical3A_745 : vector<16xi32>
    %and3A_747 = arith.constant 511 : i32
    %and3A_748 = vector.broadcast %and3A_747 : i32 to vector<16xi32>
    %and3A_749 = arith.andi %add3A_743, %and3A_748 : vector<16xi32>
    %mul3A_750 = arith.constant 50 : i32
    %mul3A_751 = vector.broadcast %mul3A_750 : i32 to vector<16xi32>
    %mul3A_752 = arith.muli %and3A_749, %mul3A_751 : vector<16xi32>
    %add3A_753 = arith.addi %mul3A_752, %shift_right_logical3A_746 : vector<16xi32>
    %swap3A_754 = arith.constant 7 : i32
    %swap3A_755 = arith.index_cast %swap3A_754 : i32 to index
    %swap3A_756 = arith.constant 32 : index
    %swap3A_757 = tpu.vector_load %arg5[%swap3A_755, %swap3A_756] {strides = array<i32>} : memref<10x80xi32, #tpu.memory_space<vmem>>, vector<1x16xi32>,
    %swap3A_758 = vector.shape_cast %swap3A_757 : vector<1x16xi32> to vector<16xi32>
    %swap3A_759 = vector.shape_cast %add3A_753 : vector<16xi32> to vector<1x16xi32>
    tpu.vector_store %arg5[%swap3A_755, %swap3A_756], %swap3A_759 {strides = array<i32>} : memref<10x80xi32, #tpu.memory_space<vmem>>, vector<1x16xi32>,
    %add3A_760 = arith.constant 608 : i32
    %add3A_761 = arith.addi %mul3A_2, %add3A_760 : i32
    %add3A_762 = vector.broadcast %add3A_761 : i32 to vector<16xi32>
    %add3A_763 = arith.addi %add3A_762, %iota3A : vector<16xi32>
    %shift_right_logical3A_764 = arith.constant 9 : i32
    %shift_right_logical3A_765 = vector.broadcast %shift_right_logical3A_764 : i32 to vector<16xi32>
    %shift_right_logical3A_766 = arith.shrui %add3A_763, %shift_right_logical3A_765 : vector<16xi32>
    %and3A_767 = arith.constant 511 : i32
    %and3A_768 = vector.broadcast %and3A_767 : i32 to vector<16xi32>
    %and3A_769 = arith.andi %add3A_763, %and3A_768 : vector<16xi32>
    %mul3A_770 = arith.constant 50 : i32
    %mul3A_771 = vector.broadcast %mul3A_770 : i32 to vector<16xi32>
    %mul3A_772 = arith.muli %and3A_769, %mul3A_771 : vector<16xi32>
    %add3A_773 = arith.addi %mul3A_772, %shift_right_logical3A_766 : vector<16xi32>
    %swap3A_774 = arith.constant 7 : i32
    %swap3A_775 = arith.index_cast %swap3A_774 : i32 to index
    %swap3A_776 = arith.constant 48 : index
    %swap3A_777 = tpu.vector_load %arg5[%swap3A_775, %swap3A_776] {strides = array<i32>} : memref<10x80xi32, #tpu.memory_space<vmem>>, vector<1x16xi32>,
    %swap3A_778 = vector.shape_cast %swap3A_777 : vector<1x16xi32> to vector<16xi32>
    %swap3A_779 = vector.shape_cast %add3A_773 : vector<16xi32> to vector<1x16xi32>
    tpu.vector_store %arg5[%swap3A_775, %swap3A_776], %swap3A_779 {strides = array<i32>} : memref<10x80xi32, #tpu.memory_space<vmem>>, vector<1x16xi32>,
    %add3A_780 = arith.constant 624 : i32
    %add3A_781 = arith.addi %mul3A_2, %add3A_780 : i32
    %add3A_782 = vector.broadcast %add3A_781 : i32 to vector<16xi32>
    %add3A_783 = arith.addi %add3A_782, %iota3A : vector<16xi32>
    %shift_right_logical3A_784 = arith.constant 9 : i32
    %shift_right_logical3A_785 = vector.broadcast %shift_right_logical3A_784 : i32 to vector<16xi32>
    %shift_right_logical3A_786 = arith.shrui %add3A_783, %shift_right_logical3A_785 : vector<16xi32>
    %and3A_787 = arith.constant 511 : i32
    %and3A_788 = vector.broadcast %and3A_787 : i32 to vector<16xi32>
    %and3A_789 = arith.andi %add3A_783, %and3A_788 : vector<16xi32>
    %mul3A_790 = arith.constant 50 : i32
    %mul3A_791 = vector.broadcast %mul3A_790 : i32 to vector<16xi32>
    %mul3A_792 = arith.muli %and3A_789, %mul3A_791 : vector<16xi32>
    %add3A_793 = arith.addi %mul3A_792, %shift_right_logical3A_786 : vector<16xi32>
    %swap3A_794 = arith.constant 7 : i32
    %swap3A_795 = arith.index_cast %swap3A_794 : i32 to index
    %swap3A_796 = arith.constant 64 : index
    %swap3A_797 = tpu.vector_load %arg5[%swap3A_795, %swap3A_796] {strides = array<i32>} : memref<10x80xi32, #tpu.memory_space<vmem>>, vector<1x16xi32>,
    %swap3A_798 = vector.shape_cast %swap3A_797 : vector<1x16xi32> to vector<16xi32>
    %swap3A_799 = vector.shape_cast %add3A_793 : vector<16xi32> to vector<1x16xi32>
    tpu.vector_store %arg5[%swap3A_795, %swap3A_796], %swap3A_799 {strides = array<i32>} : memref<10x80xi32, #tpu.memory_space<vmem>>, vector<1x16xi32>,
    %add3A_800 = arith.constant 640 : i32
    %add3A_801 = arith.addi %mul3A_2, %add3A_800 : i32
    %add3A_802 = vector.broadcast %add3A_801 : i32 to vector<16xi32>
    %add3A_803 = arith.addi %add3A_802, %iota3A : vector<16xi32>
    %shift_right_logical3A_804 = arith.constant 9 : i32
    %shift_right_logical3A_805 = vector.broadcast %shift_right_logical3A_804 : i32 to vector<16xi32>
    %shift_right_logical3A_806 = arith.shrui %add3A_803, %shift_right_logical3A_805 : vector<16xi32>
    %and3A_807 = arith.constant 511 : i32
    %and3A_808 = vector.broadcast %and3A_807 : i32 to vector<16xi32>
    %and3A_809 = arith.andi %add3A_803, %and3A_808 : vector<16xi32>
    %mul3A_810 = arith.constant 50 : i32
    %mul3A_811 = vector.broadcast %mul3A_810 : i32 to vector<16xi32>
    %mul3A_812 = arith.muli %and3A_809, %mul3A_811 : vector<16xi32>
    %add3A_813 = arith.addi %mul3A_812, %shift_right_logical3A_806 : vector<16xi32>
    %swap3A_814 = arith.constant 8 : i32
    %swap3A_815 = arith.index_cast %swap3A_814 : i32 to index
    %swap3A_816 = arith.constant 0 : index
    %swap3A_817 = tpu.vector_load %arg5[%swap3A_815, %swap3A_816] {strides = array<i32>} : memref<10x80xi32, #tpu.memory_space<vmem>>, vector<1x16xi32>,
    %swap3A_818 = vector.shape_cast %swap3A_817 : vector<1x16xi32> to vector<16xi32>
    %swap3A_819 = vector.shape_cast %add3A_813 : vector<16xi32> to vector<1x16xi32>
    tpu.vector_store %arg5[%swap3A_815, %swap3A_816], %swap3A_819 {strides = array<i32>} : memref<10x80xi32, #tpu.memory_space<vmem>>, vector<1x16xi32>,
    %add3A_820 = arith.constant 656 : i32
    %add3A_821 = arith.addi %mul3A_2, %add3A_820 : i32
    %add3A_822 = vector.broadcast %add3A_821 : i32 to vector<16xi32>
    %add3A_823 = arith.addi %add3A_822, %iota3A : vector<16xi32>
    %shift_right_logical3A_824 = arith.constant 9 : i32
    %shift_right_logical3A_825 = vector.broadcast %shift_right_logical3A_824 : i32 to vector<16xi32>
    %shift_right_logical3A_826 = arith.shrui %add3A_823, %shift_right_logical3A_825 : vector<16xi32>
    %and3A_827 = arith.constant 511 : i32
    %and3A_828 = vector.broadcast %and3A_827 : i32 to vector<16xi32>
    %and3A_829 = arith.andi %add3A_823, %and3A_828 : vector<16xi32>
    %mul3A_830 = arith.constant 50 : i32
    %mul3A_831 = vector.broadcast %mul3A_830 : i32 to vector<16xi32>
    %mul3A_832 = arith.muli %and3A_829, %mul3A_831 : vector<16xi32>
    %add3A_833 = arith.addi %mul3A_832, %shift_right_logical3A_826 : vector<16xi32>
    %swap3A_834 = arith.constant 8 : i32
    %swap3A_835 = arith.index_cast %swap3A_834 : i32 to index
    %swap3A_836 = arith.constant 16 : index
    %swap3A_837 = tpu.vector_load %arg5[%swap3A_835, %swap3A_836] {strides = array<i32>} : memref<10x80xi32, #tpu.memory_space<vmem>>, vector<1x16xi32>,
    %swap3A_838 = vector.shape_cast %swap3A_837 : vector<1x16xi32> to vector<16xi32>
    %swap3A_839 = vector.shape_cast %add3A_833 : vector<16xi32> to vector<1x16xi32>
    tpu.vector_store %arg5[%swap3A_835, %swap3A_836], %swap3A_839 {strides = array<i32>} : memref<10x80xi32, #tpu.memory_space<vmem>>, vector<1x16xi32>,
    %add3A_840 = arith.constant 672 : i32
    %add3A_841 = arith.addi %mul3A_2, %add3A_840 : i32
    %add3A_842 = vector.broadcast %add3A_841 : i32 to vector<16xi32>
    %add3A_843 = arith.addi %add3A_842, %iota3A : vector<16xi32>
    %shift_right_logical3A_844 = arith.constant 9 : i32
    %shift_right_logical3A_845 = vector.broadcast %shift_right_logical3A_844 : i32 to vector<16xi32>
    %shift_right_logical3A_846 = arith.shrui %add3A_843, %shift_right_logical3A_845 : vector<16xi32>
    %and3A_847 = arith.constant 511 : i32
    %and3A_848 = vector.broadcast %and3A_847 : i32 to vector<16xi32>
    %and3A_849 = arith.andi %add3A_843, %and3A_848 : vector<16xi32>
    %mul3A_850 = arith.constant 50 : i32
    %mul3A_851 = vector.broadcast %mul3A_850 : i32 to vector<16xi32>
    %mul3A_852 = arith.muli %and3A_849, %mul3A_851 : vector<16xi32>
    %add3A_853 = arith.addi %mul3A_852, %shift_right_logical3A_846 : vector<16xi32>
    %swap3A_854 = arith.constant 8 : i32
    %swap3A_855 = arith.index_cast %swap3A_854 : i32 to index
    %swap3A_856 = arith.constant 32 : index
    %swap3A_857 = tpu.vector_load %arg5[%swap3A_855, %swap3A_856] {strides = array<i32>} : memref<10x80xi32, #tpu.memory_space<vmem>>, vector<1x16xi32>,
    %swap3A_858 = vector.shape_cast %swap3A_857 : vector<1x16xi32> to vector<16xi32>
    %swap3A_859 = vector.shape_cast %add3A_853 : vector<16xi32> to vector<1x16xi32>
    tpu.vector_store %arg5[%swap3A_855, %swap3A_856], %swap3A_859 {strides = array<i32>} : memref<10x80xi32, #tpu.memory_space<vmem>>, vector<1x16xi32>,
    %add3A_860 = arith.constant 688 : i32
    %add3A_861 = arith.addi %mul3A_2, %add3A_860 : i32
    %add3A_862 = vector.broadcast %add3A_861 : i32 to vector<16xi32>
    %add3A_863 = arith.addi %add3A_862, %iota3A : vector<16xi32>
    %shift_right_logical3A_864 = arith.constant 9 : i32
    %shift_right_logical3A_865 = vector.broadcast %shift_right_logical3A_864 : i32 to vector<16xi32>
    %shift_right_logical3A_866 = arith.shrui %add3A_863, %shift_right_logical3A_865 : vector<16xi32>
    %and3A_867 = arith.constant 511 : i32
    %and3A_868 = vector.broadcast %and3A_867 : i32 to vector<16xi32>
    %and3A_869 = arith.andi %add3A_863, %and3A_868 : vector<16xi32>
    %mul3A_870 = arith.constant 50 : i32
    %mul3A_871 = vector.broadcast %mul3A_870 : i32 to vector<16xi32>
    %mul3A_872 = arith.muli %and3A_869, %mul3A_871 : vector<16xi32>
    %add3A_873 = arith.addi %mul3A_872, %shift_right_logical3A_866 : vector<16xi32>
    %swap3A_874 = arith.constant 8 : i32
    %swap3A_875 = arith.index_cast %swap3A_874 : i32 to index
    %swap3A_876 = arith.constant 48 : index
    %swap3A_877 = tpu.vector_load %arg5[%swap3A_875, %swap3A_876] {strides = array<i32>} : memref<10x80xi32, #tpu.memory_space<vmem>>, vector<1x16xi32>,
    %swap3A_878 = vector.shape_cast %swap3A_877 : vector<1x16xi32> to vector<16xi32>
    %swap3A_879 = vector.shape_cast %add3A_873 : vector<16xi32> to vector<1x16xi32>
    tpu.vector_store %arg5[%swap3A_875, %swap3A_876], %swap3A_879 {strides = array<i32>} : memref<10x80xi32, #tpu.memory_space<vmem>>, vector<1x16xi32>,
    %add3A_880 = arith.constant 704 : i32
    %add3A_881 = arith.addi %mul3A_2, %add3A_880 : i32
    %add3A_882 = vector.broadcast %add3A_881 : i32 to vector<16xi32>
    %add3A_883 = arith.addi %add3A_882, %iota3A : vector<16xi32>
    %shift_right_logical3A_884 = arith.constant 9 : i32
    %shift_right_logical3A_885 = vector.broadcast %shift_right_logical3A_884 : i32 to vector<16xi32>
    %shift_right_logical3A_886 = arith.shrui %add3A_883, %shift_right_logical3A_885 : vector<16xi32>
    %and3A_887 = arith.constant 511 : i32
    %and3A_888 = vector.broadcast %and3A_887 : i32 to vector<16xi32>
    %and3A_889 = arith.andi %add3A_883, %and3A_888 : vector<16xi32>
    %mul3A_890 = arith.constant 50 : i32
    %mul3A_891 = vector.broadcast %mul3A_890 : i32 to vector<16xi32>
    %mul3A_892 = arith.muli %and3A_889, %mul3A_891 : vector<16xi32>
    %add3A_893 = arith.addi %mul3A_892, %shift_right_logical3A_886 : vector<16xi32>
    %swap3A_894 = arith.constant 8 : i32
    %swap3A_895 = arith.index_cast %swap3A_894 : i32 to index
    %swap3A_896 = arith.constant 64 : index
    %swap3A_897 = tpu.vector_load %arg5[%swap3A_895, %swap3A_896] {strides = array<i32>} : memref<10x80xi32, #tpu.memory_space<vmem>>, vector<1x16xi32>,
    %swap3A_898 = vector.shape_cast %swap3A_897 : vector<1x16xi32> to vector<16xi32>
    %swap3A_899 = vector.shape_cast %add3A_893 : vector<16xi32> to vector<1x16xi32>
    tpu.vector_store %arg5[%swap3A_895, %swap3A_896], %swap3A_899 {strides = array<i32>} : memref<10x80xi32, #tpu.memory_space<vmem>>, vector<1x16xi32>,
    %add3A_900 = arith.constant 720 : i32
    %add3A_901 = arith.addi %mul3A_2, %add3A_900 : i32
    %add3A_902 = vector.broadcast %add3A_901 : i32 to vector<16xi32>
    %add3A_903 = arith.addi %add3A_902, %iota3A : vector<16xi32>
    %shift_right_logical3A_904 = arith.constant 9 : i32
    %shift_right_logical3A_905 = vector.broadcast %shift_right_logical3A_904 : i32 to vector<16xi32>
    %shift_right_logical3A_906 = arith.shrui %add3A_903, %shift_right_logical3A_905 : vector<16xi32>
    %and3A_907 = arith.constant 511 : i32
    %and3A_908 = vector.broadcast %and3A_907 : i32 to vector<16xi32>
    %and3A_909 = arith.andi %add3A_903, %and3A_908 : vector<16xi32>
    %mul3A_910 = arith.constant 50 : i32
    %mul3A_911 = vector.broadcast %mul3A_910 : i32 to vector<16xi32>
    %mul3A_912 = arith.muli %and3A_909, %mul3A_911 : vector<16xi32>
    %add3A_913 = arith.addi %mul3A_912, %shift_right_logical3A_906 : vector<16xi32>
    %swap3A_914 = arith.constant 9 : i32
    %swap3A_915 = arith.index_cast %swap3A_914 : i32 to index
    %swap3A_916 = arith.constant 0 : index
    %swap3A_917 = tpu.vector_load %arg5[%swap3A_915, %swap3A_916] {strides = array<i32>} : memref<10x80xi32, #tpu.memory_space<vmem>>, vector<1x16xi32>,
    %swap3A_918 = vector.shape_cast %swap3A_917 : vector<1x16xi32> to vector<16xi32>
    %swap3A_919 = vector.shape_cast %add3A_913 : vector<16xi32> to vector<1x16xi32>
    tpu.vector_store %arg5[%swap3A_915, %swap3A_916], %swap3A_919 {strides = array<i32>} : memref<10x80xi32, #tpu.memory_space<vmem>>, vector<1x16xi32>,
    %add3A_920 = arith.constant 736 : i32
    %add3A_921 = arith.addi %mul3A_2, %add3A_920 : i32
    %add3A_922 = vector.broadcast %add3A_921 : i32 to vector<16xi32>
    %add3A_923 = arith.addi %add3A_922, %iota3A : vector<16xi32>
    %shift_right_logical3A_924 = arith.constant 9 : i32
    %shift_right_logical3A_925 = vector.broadcast %shift_right_logical3A_924 : i32 to vector<16xi32>
    %shift_right_logical3A_926 = arith.shrui %add3A_923, %shift_right_logical3A_925 : vector<16xi32>
    %and3A_927 = arith.constant 511 : i32
    %and3A_928 = vector.broadcast %and3A_927 : i32 to vector<16xi32>
    %and3A_929 = arith.andi %add3A_923, %and3A_928 : vector<16xi32>
    %mul3A_930 = arith.constant 50 : i32
    %mul3A_931 = vector.broadcast %mul3A_930 : i32 to vector<16xi32>
    %mul3A_932 = arith.muli %and3A_929, %mul3A_931 : vector<16xi32>
    %add3A_933 = arith.addi %mul3A_932, %shift_right_logical3A_926 : vector<16xi32>
    %swap3A_934 = arith.constant 9 : i32
    %swap3A_935 = arith.index_cast %swap3A_934 : i32 to index
    %swap3A_936 = arith.constant 16 : index
    %swap3A_937 = tpu.vector_load %arg5[%swap3A_935, %swap3A_936] {strides = array<i32>} : memref<10x80xi32, #tpu.memory_space<vmem>>, vector<1x16xi32>,
    %swap3A_938 = vector.shape_cast %swap3A_937 : vector<1x16xi32> to vector<16xi32>
    %swap3A_939 = vector.shape_cast %add3A_933 : vector<16xi32> to vector<1x16xi32>
    tpu.vector_store %arg5[%swap3A_935, %swap3A_936], %swap3A_939 {strides = array<i32>} : memref<10x80xi32, #tpu.memory_space<vmem>>, vector<1x16xi32>,
    %add3A_940 = arith.constant 752 : i32
    %add3A_941 = arith.addi %mul3A_2, %add3A_940 : i32
    %add3A_942 = vector.broadcast %add3A_941 : i32 to vector<16xi32>
    %add3A_943 = arith.addi %add3A_942, %iota3A : vector<16xi32>
    %shift_right_logical3A_944 = arith.constant 9 : i32
    %shift_right_logical3A_945 = vector.broadcast %shift_right_logical3A_944 : i32 to vector<16xi32>
    %shift_right_logical3A_946 = arith.shrui %add3A_943, %shift_right_logical3A_945 : vector<16xi32>
    %and3A_947 = arith.constant 511 : i32
    %and3A_948 = vector.broadcast %and3A_947 : i32 to vector<16xi32>
    %and3A_949 = arith.andi %add3A_943, %and3A_948 : vector<16xi32>
    %mul3A_950 = arith.constant 50 : i32
    %mul3A_951 = vector.broadcast %mul3A_950 : i32 to vector<16xi32>
    %mul3A_952 = arith.muli %and3A_949, %mul3A_951 : vector<16xi32>
    %add3A_953 = arith.addi %mul3A_952, %shift_right_logical3A_946 : vector<16xi32>
    %swap3A_954 = arith.constant 9 : i32
    %swap3A_955 = arith.index_cast %swap3A_954 : i32 to index
    %swap3A_956 = arith.constant 32 : index
    %swap3A_957 = tpu.vector_load %arg5[%swap3A_955, %swap3A_956] {strides = array<i32>} : memref<10x80xi32, #tpu.memory_space<vmem>>, vector<1x16xi32>,
    %swap3A_958 = vector.shape_cast %swap3A_957 : vector<1x16xi32> to vector<16xi32>
    %swap3A_959 = vector.shape_cast %add3A_953 : vector<16xi32> to vector<1x16xi32>
    tpu.vector_store %arg5[%swap3A_955, %swap3A_956], %swap3A_959 {strides = array<i32>} : memref<10x80xi32, #tpu.memory_space<vmem>>, vector<1x16xi32>,
    %add3A_960 = arith.constant 768 : i32
    %add3A_961 = arith.addi %mul3A_2, %add3A_960 : i32
    %add3A_962 = vector.broadcast %add3A_961 : i32 to vector<16xi32>
    %add3A_963 = arith.addi %add3A_962, %iota3A : vector<16xi32>
    %shift_right_logical3A_964 = arith.constant 9 : i32
    %shift_right_logical3A_965 = vector.broadcast %shift_right_logical3A_964 : i32 to vector<16xi32>
    %shift_right_logical3A_966 = arith.shrui %add3A_963, %shift_right_logical3A_965 : vector<16xi32>
    %and3A_967 = arith.constant 511 : i32
    %and3A_968 = vector.broadcast %and3A_967 : i32 to vector<16xi32>
    %and3A_969 = arith.andi %add3A_963, %and3A_968 : vector<16xi32>
    %mul3A_970 = arith.constant 50 : i32
    %mul3A_971 = vector.broadcast %mul3A_970 : i32 to vector<16xi32>
    %mul3A_972 = arith.muli %and3A_969, %mul3A_971 : vector<16xi32>
    %add3A_973 = arith.addi %mul3A_972, %shift_right_logical3A_966 : vector<16xi32>
    %swap3A_974 = arith.constant 9 : i32
    %swap3A_975 = arith.index_cast %swap3A_974 : i32 to index
    %swap3A_976 = arith.constant 48 : index
    %swap3A_977 = tpu.vector_load %arg5[%swap3A_975, %swap3A_976] {strides = array<i32>} : memref<10x80xi32, #tpu.memory_space<vmem>>, vector<1x16xi32>,
    %swap3A_978 = vector.shape_cast %swap3A_977 : vector<1x16xi32> to vector<16xi32>
    %swap3A_979 = vector.shape_cast %add3A_973 : vector<16xi32> to vector<1x16xi32>
    tpu.vector_store %arg5[%swap3A_975, %swap3A_976], %swap3A_979 {strides = array<i32>} : memref<10x80xi32, #tpu.memory_space<vmem>>, vector<1x16xi32>,
    %add3A_980 = arith.constant 784 : i32
    %add3A_981 = arith.addi %mul3A_2, %add3A_980 : i32
    %add3A_982 = vector.broadcast %add3A_981 : i32 to vector<16xi32>
    %add3A_983 = arith.addi %add3A_982, %iota3A : vector<16xi32>
    %shift_right_logical3A_984 = arith.constant 9 : i32
    %shift_right_logical3A_985 = vector.broadcast %shift_right_logical3A_984 : i32 to vector<16xi32>
    %shift_right_logical3A_986 = arith.shrui %add3A_983, %shift_right_logical3A_985 : vector<16xi32>
    %and3A_987 = arith.constant 511 : i32
    %and3A_988 = vector.broadcast %and3A_987 : i32 to vector<16xi32>
    %and3A_989 = arith.andi %add3A_983, %and3A_988 : vector<16xi32>
    %mul3A_990 = arith.constant 50 : i32
    %mul3A_991 = vector.broadcast %mul3A_990 : i32 to vector<16xi32>
    %mul3A_992 = arith.muli %and3A_989, %mul3A_991 : vector<16xi32>
    %add3A_993 = arith.addi %mul3A_992, %shift_right_logical3A_986 : vector<16xi32>
    %swap3A_994 = arith.constant 9 : i32
    %swap3A_995 = arith.index_cast %swap3A_994 : i32 to index
    %swap3A_996 = arith.constant 64 : index
    %swap3A_997 = tpu.vector_load %arg5[%swap3A_995, %swap3A_996] {strides = array<i32>} : memref<10x80xi32, #tpu.memory_space<vmem>>, vector<1x16xi32>,
    %swap3A_998 = vector.shape_cast %swap3A_997 : vector<1x16xi32> to vector<16xi32>
    %swap3A_999 = vector.shape_cast %add3A_993 : vector<16xi32> to vector<1x16xi32>
    tpu.vector_store %arg5[%swap3A_995, %swap3A_996], %swap3A_999 {strides = array<i32>} : memref<10x80xi32, #tpu.memory_space<vmem>>, vector<1x16xi32>,
    %dma_start3A = arith.constant 0 : i32
    %dma_start3A_1000 = arith.constant 0 : i32
    %dma_start3A_1001 = arith.constant 0 : i32
    %dma_start3A_1002 = tpu.memref_slice %arg6[%dma_start3A_1000, %dma_start3A_1001] : memref<10x80xi32, #tpu.memory_space<vmem>> -> memref<1x80xi32, #tpu.memory_space<vmem>>
    %dma_start3A_1003 = tpu.memref_squeeze %dma_start3A_1002 : memref<1x80xi32, #tpu.memory_space<vmem>> -> memref<80xi32, #tpu.memory_space<vmem>>
    %dma_start3A_1004 = arith.constant 0 : i32
    %dma_start3A_1005 = tpu.memref_slice %arg5[%dma_start3A, %dma_start3A_1004] : memref<10x80xi32, #tpu.memory_space<vmem>> -> memref<1x80xi32, #tpu.memory_space<vmem>>
    %dma_start3A_1006 = tpu.memref_squeeze %dma_start3A_1005 : memref<1x80xi32, #tpu.memory_space<vmem>> -> memref<80xi32, #tpu.memory_space<vmem>>
    %dma_start3A_1007 = arith.constant 0 : i32
    %dma_start3A_1008 = tpu.memref_slice %arg3[%dma_start3A_1007] : memref<25600xi32, #tpu.memory_space<hbm>> -> memref<25600xi32, #tpu.memory_space<hbm>>
    tpu.enqueue_indirect_dma source(%dma_start3A_1008 : memref<25600xi32, #tpu.memory_space<hbm>>) target(%dma_start3A_1003 : memref<80xi32, #tpu.memory_space<vmem>>) offsets(%dma_start3A_1006 : memref<80xi32, #tpu.memory_space<vmem>>) semaphore(%arg9 : memref<!tpu.dma_semaphore, #tpu.memory_space<semaphore_mem>>)
    %dma_start3A_1009 = arith.constant 1 : i32
    %dma_start3A_1010 = arith.constant 1 : i32
    %dma_start3A_1011 = arith.constant 0 : i32
    %dma_start3A_1012 = tpu.memref_slice %arg6[%dma_start3A_1010, %dma_start3A_1011] : memref<10x80xi32, #tpu.memory_space<vmem>> -> memref<1x80xi32, #tpu.memory_space<vmem>>
    %dma_start3A_1013 = tpu.memref_squeeze %dma_start3A_1012 : memref<1x80xi32, #tpu.memory_space<vmem>> -> memref<80xi32, #tpu.memory_space<vmem>>
    %dma_start3A_1014 = arith.constant 0 : i32
    %dma_start3A_1015 = tpu.memref_slice %arg5[%dma_start3A_1009, %dma_start3A_1014] : memref<10x80xi32, #tpu.memory_space<vmem>> -> memref<1x80xi32, #tpu.memory_space<vmem>>
    %dma_start3A_1016 = tpu.memref_squeeze %dma_start3A_1015 : memref<1x80xi32, #tpu.memory_space<vmem>> -> memref<80xi32, #tpu.memory_space<vmem>>
    %dma_start3A_1017 = arith.constant 0 : i32
    %dma_start3A_1018 = tpu.memref_slice %arg3[%dma_start3A_1017] : memref<25600xi32, #tpu.memory_space<hbm>> -> memref<25600xi32, #tpu.memory_space<hbm>>
    tpu.enqueue_indirect_dma source(%dma_start3A_1018 : memref<25600xi32, #tpu.memory_space<hbm>>) target(%dma_start3A_1013 : memref<80xi32, #tpu.memory_space<vmem>>) offsets(%dma_start3A_1016 : memref<80xi32, #tpu.memory_space<vmem>>) semaphore(%arg9 : memref<!tpu.dma_semaphore, #tpu.memory_space<semaphore_mem>>)
    %dma_start3A_1019 = arith.constant 2 : i32
    %dma_start3A_1020 = arith.constant 2 : i32
    %dma_start3A_1021 = arith.constant 0 : i32
    %dma_start3A_1022 = tpu.memref_slice %arg6[%dma_start3A_1020, %dma_start3A_1021] : memref<10x80xi32, #tpu.memory_space<vmem>> -> memref<1x80xi32, #tpu.memory_space<vmem>>
    %dma_start3A_1023 = tpu.memref_squeeze %dma_start3A_1022 : memref<1x80xi32, #tpu.memory_space<vmem>> -> memref<80xi32, #tpu.memory_space<vmem>>
    %dma_start3A_1024 = arith.constant 0 : i32
    %dma_start3A_1025 = tpu.memref_slice %arg5[%dma_start3A_1019, %dma_start3A_1024] : memref<10x80xi32, #tpu.memory_space<vmem>> -> memref<1x80xi32, #tpu.memory_space<vmem>>
    %dma_start3A_1026 = tpu.memref_squeeze %dma_start3A_1025 : memref<1x80xi32, #tpu.memory_space<vmem>> -> memref<80xi32, #tpu.memory_space<vmem>>
    %dma_start3A_1027 = arith.constant 0 : i32
    %dma_start3A_1028 = tpu.memref_slice %arg3[%dma_start3A_1027] : memref<25600xi32, #tpu.memory_space<hbm>> -> memref<25600xi32, #tpu.memory_space<hbm>>
    tpu.enqueue_indirect_dma source(%dma_start3A_1028 : memref<25600xi32, #tpu.memory_space<hbm>>) target(%dma_start3A_1023 : memref<80xi32, #tpu.memory_space<vmem>>) offsets(%dma_start3A_1026 : memref<80xi32, #tpu.memory_space<vmem>>) semaphore(%arg9 : memref<!tpu.dma_semaphore, #tpu.memory_space<semaphore_mem>>)
    %dma_start3A_1029 = arith.constant 3 : i32
    %dma_start3A_1030 = arith.constant 3 : i32
    %dma_start3A_1031 = arith.constant 0 : i32
    %dma_start3A_1032 = tpu.memref_slice %arg6[%dma_start3A_1030, %dma_start3A_1031] : memref<10x80xi32, #tpu.memory_space<vmem>> -> memref<1x80xi32, #tpu.memory_space<vmem>>
    %dma_start3A_1033 = tpu.memref_squeeze %dma_start3A_1032 : memref<1x80xi32, #tpu.memory_space<vmem>> -> memref<80xi32, #tpu.memory_space<vmem>>
    %dma_start3A_1034 = arith.constant 0 : i32
    %dma_start3A_1035 = tpu.memref_slice %arg5[%dma_start3A_1029, %dma_start3A_1034] : memref<10x80xi32, #tpu.memory_space<vmem>> -> memref<1x80xi32, #tpu.memory_space<vmem>>
    %dma_start3A_1036 = tpu.memref_squeeze %dma_start3A_1035 : memref<1x80xi32, #tpu.memory_space<vmem>> -> memref<80xi32, #tpu.memory_space<vmem>>
    %dma_start3A_1037 = arith.constant 0 : i32
    %dma_start3A_1038 = tpu.memref_slice %arg3[%dma_start3A_1037] : memref<25600xi32, #tpu.memory_space<hbm>> -> memref<25600xi32, #tpu.memory_space<hbm>>
    tpu.enqueue_indirect_dma source(%dma_start3A_1038 : memref<25600xi32, #tpu.memory_space<hbm>>) target(%dma_start3A_1033 : memref<80xi32, #tpu.memory_space<vmem>>) offsets(%dma_start3A_1036 : memref<80xi32, #tpu.memory_space<vmem>>) semaphore(%arg9 : memref<!tpu.dma_semaphore, #tpu.memory_space<semaphore_mem>>)
    %dma_start3A_1039 = arith.constant 4 : i32
    %dma_start3A_1040 = arith.constant 4 : i32
    %dma_start3A_1041 = arith.constant 0 : i32
    %dma_start3A_1042 = tpu.memref_slice %arg6[%dma_start3A_1040, %dma_start3A_1041] : memref<10x80xi32, #tpu.memory_space<vmem>> -> memref<1x80xi32, #tpu.memory_space<vmem>>
    %dma_start3A_1043 = tpu.memref_squeeze %dma_start3A_1042 : memref<1x80xi32, #tpu.memory_space<vmem>> -> memref<80xi32, #tpu.memory_space<vmem>>
    %dma_start3A_1044 = arith.constant 0 : i32
    %dma_start3A_1045 = tpu.memref_slice %arg5[%dma_start3A_1039, %dma_start3A_1044] : memref<10x80xi32, #tpu.memory_space<vmem>> -> memref<1x80xi32, #tpu.memory_space<vmem>>
    %dma_start3A_1046 = tpu.memref_squeeze %dma_start3A_1045 : memref<1x80xi32, #tpu.memory_space<vmem>> -> memref<80xi32, #tpu.memory_space<vmem>>
    %dma_start3A_1047 = arith.constant 0 : i32
    %dma_start3A_1048 = tpu.memref_slice %arg3[%dma_start3A_1047] : memref<25600xi32, #tpu.memory_space<hbm>> -> memref<25600xi32, #tpu.memory_space<hbm>>
    tpu.enqueue_indirect_dma source(%dma_start3A_1048 : memref<25600xi32, #tpu.memory_space<hbm>>) target(%dma_start3A_1043 : memref<80xi32, #tpu.memory_space<vmem>>) offsets(%dma_start3A_1046 : memref<80xi32, #tpu.memory_space<vmem>>) semaphore(%arg9 : memref<!tpu.dma_semaphore, #tpu.memory_space<semaphore_mem>>)
    %dma_start3A_1049 = arith.constant 5 : i32
    %dma_start3A_1050 = arith.constant 5 : i32
    %dma_start3A_1051 = arith.constant 0 : i32
    %dma_start3A_1052 = tpu.memref_slice %arg6[%dma_start3A_1050, %dma_start3A_1051] : memref<10x80xi32, #tpu.memory_space<vmem>> -> memref<1x80xi32, #tpu.memory_space<vmem>>
    %dma_start3A_1053 = tpu.memref_squeeze %dma_start3A_1052 : memref<1x80xi32, #tpu.memory_space<vmem>> -> memref<80xi32, #tpu.memory_space<vmem>>
    %dma_start3A_1054 = arith.constant 0 : i32
    %dma_start3A_1055 = tpu.memref_slice %arg5[%dma_start3A_1049, %dma_start3A_1054] : memref<10x80xi32, #tpu.memory_space<vmem>> -> memref<1x80xi32, #tpu.memory_space<vmem>>
    %dma_start3A_1056 = tpu.memref_squeeze %dma_start3A_1055 : memref<1x80xi32, #tpu.memory_space<vmem>> -> memref<80xi32, #tpu.memory_space<vmem>>
    %dma_start3A_1057 = arith.constant 0 : i32
    %dma_start3A_1058 = tpu.memref_slice %arg3[%dma_start3A_1057] : memref<25600xi32, #tpu.memory_space<hbm>> -> memref<25600xi32, #tpu.memory_space<hbm>>
    tpu.enqueue_indirect_dma source(%dma_start3A_1058 : memref<25600xi32, #tpu.memory_space<hbm>>) target(%dma_start3A_1053 : memref<80xi32, #tpu.memory_space<vmem>>) offsets(%dma_start3A_1056 : memref<80xi32, #tpu.memory_space<vmem>>) semaphore(%arg9 : memref<!tpu.dma_semaphore, #tpu.memory_space<semaphore_mem>>)
    %dma_start3A_1059 = arith.constant 6 : i32
    %dma_start3A_1060 = arith.constant 6 : i32
    %dma_start3A_1061 = arith.constant 0 : i32
    %dma_start3A_1062 = tpu.memref_slice %arg6[%dma_start3A_1060, %dma_start3A_1061] : memref<10x80xi32, #tpu.memory_space<vmem>> -> memref<1x80xi32, #tpu.memory_space<vmem>>
    %dma_start3A_1063 = tpu.memref_squeeze %dma_start3A_1062 : memref<1x80xi32, #tpu.memory_space<vmem>> -> memref<80xi32, #tpu.memory_space<vmem>>
    %dma_start3A_1064 = arith.constant 0 : i32
    %dma_start3A_1065 = tpu.memref_slice %arg5[%dma_start3A_1059, %dma_start3A_1064] : memref<10x80xi32, #tpu.memory_space<vmem>> -> memref<1x80xi32, #tpu.memory_space<vmem>>
    %dma_start3A_1066 = tpu.memref_squeeze %dma_start3A_1065 : memref<1x80xi32, #tpu.memory_space<vmem>> -> memref<80xi32, #tpu.memory_space<vmem>>
    %dma_start3A_1067 = arith.constant 0 : i32
    %dma_start3A_1068 = tpu.memref_slice %arg3[%dma_start3A_1067] : memref<25600xi32, #tpu.memory_space<hbm>> -> memref<25600xi32, #tpu.memory_space<hbm>>
    tpu.enqueue_indirect_dma source(%dma_start3A_1068 : memref<25600xi32, #tpu.memory_space<hbm>>) target(%dma_start3A_1063 : memref<80xi32, #tpu.memory_space<vmem>>) offsets(%dma_start3A_1066 : memref<80xi32, #tpu.memory_space<vmem>>) semaphore(%arg9 : memref<!tpu.dma_semaphore, #tpu.memory_space<semaphore_mem>>)
    %dma_start3A_1069 = arith.constant 7 : i32
    %dma_start3A_1070 = arith.constant 7 : i32
    %dma_start3A_1071 = arith.constant 0 : i32
    %dma_start3A_1072 = tpu.memref_slice %arg6[%dma_start3A_1070, %dma_start3A_1071] : memref<10x80xi32, #tpu.memory_space<vmem>> -> memref<1x80xi32, #tpu.memory_space<vmem>>
    %dma_start3A_1073 = tpu.memref_squeeze %dma_start3A_1072 : memref<1x80xi32, #tpu.memory_space<vmem>> -> memref<80xi32, #tpu.memory_space<vmem>>
    %dma_start3A_1074 = arith.constant 0 : i32
    %dma_start3A_1075 = tpu.memref_slice %arg5[%dma_start3A_1069, %dma_start3A_1074] : memref<10x80xi32, #tpu.memory_space<vmem>> -> memref<1x80xi32, #tpu.memory_space<vmem>>
    %dma_start3A_1076 = tpu.memref_squeeze %dma_start3A_1075 : memref<1x80xi32, #tpu.memory_space<vmem>> -> memref<80xi32, #tpu.memory_space<vmem>>
    %dma_start3A_1077 = arith.constant 0 : i32
    %dma_start3A_1078 = tpu.memref_slice %arg3[%dma_start3A_1077] : memref<25600xi32, #tpu.memory_space<hbm>> -> memref<25600xi32, #tpu.memory_space<hbm>>
    tpu.enqueue_indirect_dma source(%dma_start3A_1078 : memref<25600xi32, #tpu.memory_space<hbm>>) target(%dma_start3A_1073 : memref<80xi32, #tpu.memory_space<vmem>>) offsets(%dma_start3A_1076 : memref<80xi32, #tpu.memory_space<vmem>>) semaphore(%arg9 : memref<!tpu.dma_semaphore, #tpu.memory_space<semaphore_mem>>)
    %dma_start3A_1079 = arith.constant 8 : i32
    %dma_start3A_1080 = arith.constant 8 : i32
    %dma_start3A_1081 = arith.constant 0 : i32
    %dma_start3A_1082 = tpu.memref_slice %arg6[%dma_start3A_1080, %dma_start3A_1081] : memref<10x80xi32, #tpu.memory_space<vmem>> -> memref<1x80xi32, #tpu.memory_space<vmem>>
    %dma_start3A_1083 = tpu.memref_squeeze %dma_start3A_1082 : memref<1x80xi32, #tpu.memory_space<vmem>> -> memref<80xi32, #tpu.memory_space<vmem>>
    %dma_start3A_1084 = arith.constant 0 : i32
    %dma_start3A_1085 = tpu.memref_slice %arg5[%dma_start3A_1079, %dma_start3A_1084] : memref<10x80xi32, #tpu.memory_space<vmem>> -> memref<1x80xi32, #tpu.memory_space<vmem>>
    %dma_start3A_1086 = tpu.memref_squeeze %dma_start3A_1085 : memref<1x80xi32, #tpu.memory_space<vmem>> -> memref<80xi32, #tpu.memory_space<vmem>>
    %dma_start3A_1087 = arith.constant 0 : i32
    %dma_start3A_1088 = tpu.memref_slice %arg3[%dma_start3A_1087] : memref<25600xi32, #tpu.memory_space<hbm>> -> memref<25600xi32, #tpu.memory_space<hbm>>
    tpu.enqueue_indirect_dma source(%dma_start3A_1088 : memref<25600xi32, #tpu.memory_space<hbm>>) target(%dma_start3A_1083 : memref<80xi32, #tpu.memory_space<vmem>>) offsets(%dma_start3A_1086 : memref<80xi32, #tpu.memory_space<vmem>>) semaphore(%arg9 : memref<!tpu.dma_semaphore, #tpu.memory_space<semaphore_mem>>)
    %dma_start3A_1089 = arith.constant 9 : i32
    %dma_start3A_1090 = arith.constant 9 : i32
    %dma_start3A_1091 = arith.constant 0 : i32
    %dma_start3A_1092 = tpu.memref_slice %arg6[%dma_start3A_1090, %dma_start3A_1091] : memref<10x80xi32, #tpu.memory_space<vmem>> -> memref<1x80xi32, #tpu.memory_space<vmem>>
    %dma_start3A_1093 = tpu.memref_squeeze %dma_start3A_1092 : memref<1x80xi32, #tpu.memory_space<vmem>> -> memref<80xi32, #tpu.memory_space<vmem>>
    %dma_start3A_1094 = arith.constant 0 : i32
    %dma_start3A_1095 = tpu.memref_slice %arg5[%dma_start3A_1089, %dma_start3A_1094] : memref<10x80xi32, #tpu.memory_space<vmem>> -> memref<1x80xi32, #tpu.memory_space<vmem>>
    %dma_start3A_1096 = tpu.memref_squeeze %dma_start3A_1095 : memref<1x80xi32, #tpu.memory_space<vmem>> -> memref<80xi32, #tpu.memory_space<vmem>>
    %dma_start3A_1097 = arith.constant 0 : i32
    %dma_start3A_1098 = tpu.memref_slice %arg3[%dma_start3A_1097] : memref<25600xi32, #tpu.memory_space<hbm>> -> memref<25600xi32, #tpu.memory_space<hbm>>
    tpu.enqueue_indirect_dma source(%dma_start3A_1098 : memref<25600xi32, #tpu.memory_space<hbm>>) target(%dma_start3A_1093 : memref<80xi32, #tpu.memory_space<vmem>>) offsets(%dma_start3A_1096 : memref<80xi32, #tpu.memory_space<vmem>>) semaphore(%arg9 : memref<!tpu.dma_semaphore, #tpu.memory_space<semaphore_mem>>)
    %dma_wait3A = arith.constant 0 : i32
    %dma_wait3A_1099 = arith.constant 0 : i32
    %dma_wait3A_1100 = arith.constant 0 : i32
    %dma_wait3A_1101 = tpu.memref_slice %arg6[%dma_wait3A_1099, %dma_wait3A_1100] : memref<10x80xi32, #tpu.memory_space<vmem>> -> memref<1x80xi32, #tpu.memory_space<vmem>>
    %dma_wait3A_1102 = tpu.memref_squeeze %dma_wait3A_1101 : memref<1x80xi32, #tpu.memory_space<vmem>> -> memref<80xi32, #tpu.memory_space<vmem>>
    %dma_wait3A_1103 = arith.constant 0 : i32
    %dma_wait3A_1104 = tpu.memref_slice %arg5[%dma_wait3A, %dma_wait3A_1103] : memref<10x80xi32, #tpu.memory_space<vmem>> -> memref<1x80xi32, #tpu.memory_space<vmem>>
    %dma_wait3A_1105 = tpu.memref_squeeze %dma_wait3A_1104 : memref<1x80xi32, #tpu.memory_space<vmem>> -> memref<80xi32, #tpu.memory_space<vmem>>
    %dma_wait3A_1106 = arith.constant 0 : i32
    %dma_wait3A_1107 = tpu.memref_slice %arg3[%dma_wait3A_1106] : memref<25600xi32, #tpu.memory_space<hbm>> -> memref<25600xi32, #tpu.memory_space<hbm>>
    tpu.wait_indirect_dma semaphore(%arg9 : memref<!tpu.dma_semaphore, #tpu.memory_space<semaphore_mem>>) src(%dma_wait3A_1107 : memref<25600xi32, #tpu.memory_space<hbm>>) dst(%dma_wait3A_1102 : memref<80xi32, #tpu.memory_space<vmem>>)
    %dma_start3A_1108 = arith.constant 0 : i32
    %dma_start3A_1109 = arith.constant 0 : i32
    %dma_start3A_1110 = tpu.memref_slice %arg6[%dma_start3A_1108, %dma_start3A_1109] : memref<10x80xi32, #tpu.memory_space<vmem>> -> memref<1x80xi32, #tpu.memory_space<vmem>>
    %dma_start3A_1111 = tpu.memref_squeeze %dma_start3A_1110 : memref<1x80xi32, #tpu.memory_space<vmem>> -> memref<80xi32, #tpu.memory_space<vmem>>
    %dma_start3A_1112 = arith.constant 0 : i32
    %dma_start3A_1113 = arith.constant 0 : i32
    %dma_start3A_1114 = tpu.memref_slice %arg2[%dma_start3A_1112, %dma_start3A_1113] : memref<1000000x128xf32, #tpu.memory_space<hbm>> -> memref<1000000x128xf32, #tpu.memory_space<hbm>>
    tpu.enqueue_indirect_dma source(%dma_start3A_1114 : memref<1000000x128xf32, #tpu.memory_space<hbm>>) target(%arg7 : memref<80x128xf32, #tpu.memory_space<vmem>>) offsets(%dma_start3A_1111 : memref<80xi32, #tpu.memory_space<vmem>>) semaphore(%arg10 : memref<!tpu.dma_semaphore, #tpu.memory_space<semaphore_mem>>)
    %dma_wait3A_1115 = arith.constant 1 : i32
    %dma_wait3A_1116 = arith.constant 1 : i32
    %dma_wait3A_1117 = arith.constant 0 : i32
    %dma_wait3A_1118 = tpu.memref_slice %arg6[%dma_wait3A_1116, %dma_wait3A_1117] : memref<10x80xi32, #tpu.memory_space<vmem>> -> memref<1x80xi32, #tpu.memory_space<vmem>>
    %dma_wait3A_1119 = tpu.memref_squeeze %dma_wait3A_1118 : memref<1x80xi32, #tpu.memory_space<vmem>> -> memref<80xi32, #tpu.memory_space<vmem>>
    %dma_wait3A_1120 = arith.constant 0 : i32
    %dma_wait3A_1121 = tpu.memref_slice %arg5[%dma_wait3A_1115, %dma_wait3A_1120] : memref<10x80xi32, #tpu.memory_space<vmem>> -> memref<1x80xi32, #tpu.memory_space<vmem>>
    %dma_wait3A_1122 = tpu.memref_squeeze %dma_wait3A_1121 : memref<1x80xi32, #tpu.memory_space<vmem>> -> memref<80xi32, #tpu.memory_space<vmem>>
    %dma_wait3A_1123 = arith.constant 0 : i32
    %dma_wait3A_1124 = tpu.memref_slice %arg3[%dma_wait3A_1123] : memref<25600xi32, #tpu.memory_space<hbm>> -> memref<25600xi32, #tpu.memory_space<hbm>>
    tpu.wait_indirect_dma semaphore(%arg9 : memref<!tpu.dma_semaphore, #tpu.memory_space<semaphore_mem>>) src(%dma_wait3A_1124 : memref<25600xi32, #tpu.memory_space<hbm>>) dst(%dma_wait3A_1119 : memref<80xi32, #tpu.memory_space<vmem>>)
    %dma_start3A_1125 = arith.constant 1 : i32
    %dma_start3A_1126 = arith.constant 0 : i32
    %dma_start3A_1127 = tpu.memref_slice %arg6[%dma_start3A_1125, %dma_start3A_1126] : memref<10x80xi32, #tpu.memory_space<vmem>> -> memref<1x80xi32, #tpu.memory_space<vmem>>
    %dma_start3A_1128 = tpu.memref_squeeze %dma_start3A_1127 : memref<1x80xi32, #tpu.memory_space<vmem>> -> memref<80xi32, #tpu.memory_space<vmem>>
    %dma_start3A_1129 = arith.constant 0 : i32
    %dma_start3A_1130 = arith.constant 0 : i32
    %dma_start3A_1131 = tpu.memref_slice %arg2[%dma_start3A_1129, %dma_start3A_1130] : memref<1000000x128xf32, #tpu.memory_space<hbm>> -> memref<1000000x128xf32, #tpu.memory_space<hbm>>
    tpu.enqueue_indirect_dma source(%dma_start3A_1131 : memref<1000000x128xf32, #tpu.memory_space<hbm>>) target(%arg8 : memref<80x128xf32, #tpu.memory_space<vmem>>) offsets(%dma_start3A_1128 : memref<80xi32, #tpu.memory_space<vmem>>) semaphore(%arg11 : memref<!tpu.dma_semaphore, #tpu.memory_space<semaphore_mem>>)
    %dma_wait3A_1132 = arith.constant 0 : i32
    %dma_wait3A_1133 = arith.constant 0 : i32
    %dma_wait3A_1134 = tpu.memref_slice %arg6[%dma_wait3A_1132, %dma_wait3A_1133] : memref<10x80xi32, #tpu.memory_space<vmem>> -> memref<1x80xi32, #tpu.memory_space<vmem>>
    %dma_wait3A_1135 = tpu.memref_squeeze %dma_wait3A_1134 : memref<1x80xi32, #tpu.memory_space<vmem>> -> memref<80xi32, #tpu.memory_space<vmem>>
    %dma_wait3A_1136 = arith.constant 0 : i32
    %dma_wait3A_1137 = arith.constant 0 : i32
    %dma_wait3A_1138 = tpu.memref_slice %arg2[%dma_wait3A_1136, %dma_wait3A_1137] : memref<1000000x128xf32, #tpu.memory_space<hbm>> -> memref<1000000x128xf32, #tpu.memory_space<hbm>>
    tpu.wait_indirect_dma semaphore(%arg10 : memref<!tpu.dma_semaphore, #tpu.memory_space<semaphore_mem>>) src(%dma_wait3A_1138 : memref<1000000x128xf32, #tpu.memory_space<hbm>>) dst(%arg7 : memref<80x128xf32, #tpu.memory_space<vmem>>)
    %add3A_1139 = arith.constant 0 : i32
    %add3A_1140 = arith.addi %mul3A_2, %add3A_1139 : i32
    %dma_start3A_1141 = arith.constant 0 : i32
    %dma_start3A_1142 = tpu.memref_slice %arg4[%add3A_1140, %dma_start3A_1141] : memref<25600x128xf32, #tpu.memory_space<hbm>> -> memref<80x128xf32, #tpu.memory_space<hbm>>
    %dma_start3A_1143 = arith.constant 0 : i32
    %dma_start3A_1144 = tpu.memref_slice %arg4[%add3A_1140, %dma_start3A_1143] : memref<25600x128xf32, #tpu.memory_space<hbm>> -> memref<80x128xf32, #tpu.memory_space<hbm>>
    tpu.enqueue_dma source(%arg7 : memref<80x128xf32, #tpu.memory_space<vmem>>) target(%dma_start3A_1144 : memref<80x128xf32, #tpu.memory_space<hbm>>) target_semaphore(%arg12 : memref<!tpu.dma_semaphore, #tpu.memory_space<semaphore_mem>>)
    %dma_wait3A_1145 = arith.constant 0 : i32
    %dma_wait3A_1146 = tpu.memref_slice %arg4[%add3A_1140, %dma_wait3A_1145] : memref<25600x128xf32, #tpu.memory_space<hbm>> -> memref<80x128xf32, #tpu.memory_space<hbm>>
    %dma_wait3A_1147 = arith.constant 0 : i32
    %dma_wait3A_1148 = tpu.memref_slice %arg4[%add3A_1140, %dma_wait3A_1147] : memref<25600x128xf32, #tpu.memory_space<hbm>> -> memref<80x128xf32, #tpu.memory_space<hbm>>
    tpu.wait_dma2 semaphore(%arg12 : memref<!tpu.dma_semaphore, #tpu.memory_space<semaphore_mem>>) src(%arg7 : memref<80x128xf32, #tpu.memory_space<vmem>>) dst(%dma_wait3A_1148 : memref<80x128xf32, #tpu.memory_space<hbm>>)
    %dma_wait3A_1149 = arith.constant 2 : i32
    %dma_wait3A_1150 = arith.constant 2 : i32
    %dma_wait3A_1151 = arith.constant 0 : i32
    %dma_wait3A_1152 = tpu.memref_slice %arg6[%dma_wait3A_1150, %dma_wait3A_1151] : memref<10x80xi32, #tpu.memory_space<vmem>> -> memref<1x80xi32, #tpu.memory_space<vmem>>
    %dma_wait3A_1153 = tpu.memref_squeeze %dma_wait3A_1152 : memref<1x80xi32, #tpu.memory_space<vmem>> -> memref<80xi32, #tpu.memory_space<vmem>>
    %dma_wait3A_1154 = arith.constant 0 : i32
    %dma_wait3A_1155 = tpu.memref_slice %arg5[%dma_wait3A_1149, %dma_wait3A_1154] : memref<10x80xi32, #tpu.memory_space<vmem>> -> memref<1x80xi32, #tpu.memory_space<vmem>>
    %dma_wait3A_1156 = tpu.memref_squeeze %dma_wait3A_1155 : memref<1x80xi32, #tpu.memory_space<vmem>> -> memref<80xi32, #tpu.memory_space<vmem>>
    %dma_wait3A_1157 = arith.constant 0 : i32
    %dma_wait3A_1158 = tpu.memref_slice %arg3[%dma_wait3A_1157] : memref<25600xi32, #tpu.memory_space<hbm>> -> memref<25600xi32, #tpu.memory_space<hbm>>
    tpu.wait_indirect_dma semaphore(%arg9 : memref<!tpu.dma_semaphore, #tpu.memory_space<semaphore_mem>>) src(%dma_wait3A_1158 : memref<25600xi32, #tpu.memory_space<hbm>>) dst(%dma_wait3A_1153 : memref<80xi32, #tpu.memory_space<vmem>>)
    %dma_start3A_1159 = arith.constant 2 : i32
    %dma_start3A_1160 = arith.constant 0 : i32
    %dma_start3A_1161 = tpu.memref_slice %arg6[%dma_start3A_1159, %dma_start3A_1160] : memref<10x80xi32, #tpu.memory_space<vmem>> -> memref<1x80xi32, #tpu.memory_space<vmem>>
    %dma_start3A_1162 = tpu.memref_squeeze %dma_start3A_1161 : memref<1x80xi32, #tpu.memory_space<vmem>> -> memref<80xi32, #tpu.memory_space<vmem>>
    %dma_start3A_1163 = arith.constant 0 : i32
    %dma_start3A_1164 = arith.constant 0 : i32
    %dma_start3A_1165 = tpu.memref_slice %arg2[%dma_start3A_1163, %dma_start3A_1164] : memref<1000000x128xf32, #tpu.memory_space<hbm>> -> memref<1000000x128xf32, #tpu.memory_space<hbm>>
    tpu.enqueue_indirect_dma source(%dma_start3A_1165 : memref<1000000x128xf32, #tpu.memory_space<hbm>>) target(%arg7 : memref<80x128xf32, #tpu.memory_space<vmem>>) offsets(%dma_start3A_1162 : memref<80xi32, #tpu.memory_space<vmem>>) semaphore(%arg10 : memref<!tpu.dma_semaphore, #tpu.memory_space<semaphore_mem>>)
    %dma_wait3A_1166 = arith.constant 1 : i32
    %dma_wait3A_1167 = arith.constant 0 : i32
    %dma_wait3A_1168 = tpu.memref_slice %arg6[%dma_wait3A_1166, %dma_wait3A_1167] : memref<10x80xi32, #tpu.memory_space<vmem>> -> memref<1x80xi32, #tpu.memory_space<vmem>>
    %dma_wait3A_1169 = tpu.memref_squeeze %dma_wait3A_1168 : memref<1x80xi32, #tpu.memory_space<vmem>> -> memref<80xi32, #tpu.memory_space<vmem>>
    %dma_wait3A_1170 = arith.constant 0 : i32
    %dma_wait3A_1171 = arith.constant 0 : i32
    %dma_wait3A_1172 = tpu.memref_slice %arg2[%dma_wait3A_1170, %dma_wait3A_1171] : memref<1000000x128xf32, #tpu.memory_space<hbm>> -> memref<1000000x128xf32, #tpu.memory_space<hbm>>
    tpu.wait_indirect_dma semaphore(%arg11 : memref<!tpu.dma_semaphore, #tpu.memory_space<semaphore_mem>>) src(%dma_wait3A_1172 : memref<1000000x128xf32, #tpu.memory_space<hbm>>) dst(%arg8 : memref<80x128xf32, #tpu.memory_space<vmem>>)
    %add3A_1173 = arith.constant 80 : i32
    %add3A_1174 = arith.addi %mul3A_2, %add3A_1173 : i32
    %dma_start3A_1175 = arith.constant 0 : i32
    %dma_start3A_1176 = tpu.memref_slice %arg4[%add3A_1174, %dma_start3A_1175] : memref<25600x128xf32, #tpu.memory_space<hbm>> -> memref<80x128xf32, #tpu.memory_space<hbm>>
    %dma_start3A_1177 = arith.constant 0 : i32
    %dma_start3A_1178 = tpu.memref_slice %arg4[%add3A_1174, %dma_start3A_1177] : memref<25600x128xf32, #tpu.memory_space<hbm>> -> memref<80x128xf32, #tpu.memory_space<hbm>>
    tpu.enqueue_dma source(%arg8 : memref<80x128xf32, #tpu.memory_space<vmem>>) target(%dma_start3A_1178 : memref<80x128xf32, #tpu.memory_space<hbm>>) target_semaphore(%arg13 : memref<!tpu.dma_semaphore, #tpu.memory_space<semaphore_mem>>)
    %dma_wait3A_1179 = arith.constant 0 : i32
    %dma_wait3A_1180 = tpu.memref_slice %arg4[%add3A_1174, %dma_wait3A_1179] : memref<25600x128xf32, #tpu.memory_space<hbm>> -> memref<80x128xf32, #tpu.memory_space<hbm>>
    %dma_wait3A_1181 = arith.constant 0 : i32
    %dma_wait3A_1182 = tpu.memref_slice %arg4[%add3A_1174, %dma_wait3A_1181] : memref<25600x128xf32, #tpu.memory_space<hbm>> -> memref<80x128xf32, #tpu.memory_space<hbm>>
    tpu.wait_dma2 semaphore(%arg13 : memref<!tpu.dma_semaphore, #tpu.memory_space<semaphore_mem>>) src(%arg8 : memref<80x128xf32, #tpu.memory_space<vmem>>) dst(%dma_wait3A_1182 : memref<80x128xf32, #tpu.memory_space<hbm>>)
    %dma_wait3A_1183 = arith.constant 3 : i32
    %dma_wait3A_1184 = arith.constant 3 : i32
    %dma_wait3A_1185 = arith.constant 0 : i32
    %dma_wait3A_1186 = tpu.memref_slice %arg6[%dma_wait3A_1184, %dma_wait3A_1185] : memref<10x80xi32, #tpu.memory_space<vmem>> -> memref<1x80xi32, #tpu.memory_space<vmem>>
    %dma_wait3A_1187 = tpu.memref_squeeze %dma_wait3A_1186 : memref<1x80xi32, #tpu.memory_space<vmem>> -> memref<80xi32, #tpu.memory_space<vmem>>
    %dma_wait3A_1188 = arith.constant 0 : i32
    %dma_wait3A_1189 = tpu.memref_slice %arg5[%dma_wait3A_1183, %dma_wait3A_1188] : memref<10x80xi32, #tpu.memory_space<vmem>> -> memref<1x80xi32, #tpu.memory_space<vmem>>
    %dma_wait3A_1190 = tpu.memref_squeeze %dma_wait3A_1189 : memref<1x80xi32, #tpu.memory_space<vmem>> -> memref<80xi32, #tpu.memory_space<vmem>>
    %dma_wait3A_1191 = arith.constant 0 : i32
    %dma_wait3A_1192 = tpu.memref_slice %arg3[%dma_wait3A_1191] : memref<25600xi32, #tpu.memory_space<hbm>> -> memref<25600xi32, #tpu.memory_space<hbm>>
    tpu.wait_indirect_dma semaphore(%arg9 : memref<!tpu.dma_semaphore, #tpu.memory_space<semaphore_mem>>) src(%dma_wait3A_1192 : memref<25600xi32, #tpu.memory_space<hbm>>) dst(%dma_wait3A_1187 : memref<80xi32, #tpu.memory_space<vmem>>)
    %dma_start3A_1193 = arith.constant 3 : i32
    %dma_start3A_1194 = arith.constant 0 : i32
    %dma_start3A_1195 = tpu.memref_slice %arg6[%dma_start3A_1193, %dma_start3A_1194] : memref<10x80xi32, #tpu.memory_space<vmem>> -> memref<1x80xi32, #tpu.memory_space<vmem>>
    %dma_start3A_1196 = tpu.memref_squeeze %dma_start3A_1195 : memref<1x80xi32, #tpu.memory_space<vmem>> -> memref<80xi32, #tpu.memory_space<vmem>>
    %dma_start3A_1197 = arith.constant 0 : i32
    %dma_start3A_1198 = arith.constant 0 : i32
    %dma_start3A_1199 = tpu.memref_slice %arg2[%dma_start3A_1197, %dma_start3A_1198] : memref<1000000x128xf32, #tpu.memory_space<hbm>> -> memref<1000000x128xf32, #tpu.memory_space<hbm>>
    tpu.enqueue_indirect_dma source(%dma_start3A_1199 : memref<1000000x128xf32, #tpu.memory_space<hbm>>) target(%arg8 : memref<80x128xf32, #tpu.memory_space<vmem>>) offsets(%dma_start3A_1196 : memref<80xi32, #tpu.memory_space<vmem>>) semaphore(%arg11 : memref<!tpu.dma_semaphore, #tpu.memory_space<semaphore_mem>>)
    %dma_wait3A_1200 = arith.constant 2 : i32
    %dma_wait3A_1201 = arith.constant 0 : i32
    %dma_wait3A_1202 = tpu.memref_slice %arg6[%dma_wait3A_1200, %dma_wait3A_1201] : memref<10x80xi32, #tpu.memory_space<vmem>> -> memref<1x80xi32, #tpu.memory_space<vmem>>
    %dma_wait3A_1203 = tpu.memref_squeeze %dma_wait3A_1202 : memref<1x80xi32, #tpu.memory_space<vmem>> -> memref<80xi32, #tpu.memory_space<vmem>>
    %dma_wait3A_1204 = arith.constant 0 : i32
    %dma_wait3A_1205 = arith.constant 0 : i32
    %dma_wait3A_1206 = tpu.memref_slice %arg2[%dma_wait3A_1204, %dma_wait3A_1205] : memref<1000000x128xf32, #tpu.memory_space<hbm>> -> memref<1000000x128xf32, #tpu.memory_space<hbm>>
    tpu.wait_indirect_dma semaphore(%arg10 : memref<!tpu.dma_semaphore, #tpu.memory_space<semaphore_mem>>) src(%dma_wait3A_1206 : memref<1000000x128xf32, #tpu.memory_space<hbm>>) dst(%arg7 : memref<80x128xf32, #tpu.memory_space<vmem>>)
    %add3A_1207 = arith.constant 160 : i32
    %add3A_1208 = arith.addi %mul3A_2, %add3A_1207 : i32
    %dma_start3A_1209 = arith.constant 0 : i32
    %dma_start3A_1210 = tpu.memref_slice %arg4[%add3A_1208, %dma_start3A_1209] : memref<25600x128xf32, #tpu.memory_space<hbm>> -> memref<80x128xf32, #tpu.memory_space<hbm>>
    %dma_start3A_1211 = arith.constant 0 : i32
    %dma_start3A_1212 = tpu.memref_slice %arg4[%add3A_1208, %dma_start3A_1211] : memref<25600x128xf32, #tpu.memory_space<hbm>> -> memref<80x128xf32, #tpu.memory_space<hbm>>
    tpu.enqueue_dma source(%arg7 : memref<80x128xf32, #tpu.memory_space<vmem>>) target(%dma_start3A_1212 : memref<80x128xf32, #tpu.memory_space<hbm>>) target_semaphore(%arg12 : memref<!tpu.dma_semaphore, #tpu.memory_space<semaphore_mem>>)
    %dma_wait3A_1213 = arith.constant 0 : i32
    %dma_wait3A_1214 = tpu.memref_slice %arg4[%add3A_1208, %dma_wait3A_1213] : memref<25600x128xf32, #tpu.memory_space<hbm>> -> memref<80x128xf32, #tpu.memory_space<hbm>>
    %dma_wait3A_1215 = arith.constant 0 : i32
    %dma_wait3A_1216 = tpu.memref_slice %arg4[%add3A_1208, %dma_wait3A_1215] : memref<25600x128xf32, #tpu.memory_space<hbm>> -> memref<80x128xf32, #tpu.memory_space<hbm>>
    tpu.wait_dma2 semaphore(%arg12 : memref<!tpu.dma_semaphore, #tpu.memory_space<semaphore_mem>>) src(%arg7 : memref<80x128xf32, #tpu.memory_space<vmem>>) dst(%dma_wait3A_1216 : memref<80x128xf32, #tpu.memory_space<hbm>>)
    %dma_wait3A_1217 = arith.constant 4 : i32
    %dma_wait3A_1218 = arith.constant 4 : i32
    %dma_wait3A_1219 = arith.constant 0 : i32
    %dma_wait3A_1220 = tpu.memref_slice %arg6[%dma_wait3A_1218, %dma_wait3A_1219] : memref<10x80xi32, #tpu.memory_space<vmem>> -> memref<1x80xi32, #tpu.memory_space<vmem>>
    %dma_wait3A_1221 = tpu.memref_squeeze %dma_wait3A_1220 : memref<1x80xi32, #tpu.memory_space<vmem>> -> memref<80xi32, #tpu.memory_space<vmem>>
    %dma_wait3A_1222 = arith.constant 0 : i32
    %dma_wait3A_1223 = tpu.memref_slice %arg5[%dma_wait3A_1217, %dma_wait3A_1222] : memref<10x80xi32, #tpu.memory_space<vmem>> -> memref<1x80xi32, #tpu.memory_space<vmem>>
    %dma_wait3A_1224 = tpu.memref_squeeze %dma_wait3A_1223 : memref<1x80xi32, #tpu.memory_space<vmem>> -> memref<80xi32, #tpu.memory_space<vmem>>
    %dma_wait3A_1225 = arith.constant 0 : i32
    %dma_wait3A_1226 = tpu.memref_slice %arg3[%dma_wait3A_1225] : memref<25600xi32, #tpu.memory_space<hbm>> -> memref<25600xi32, #tpu.memory_space<hbm>>
    tpu.wait_indirect_dma semaphore(%arg9 : memref<!tpu.dma_semaphore, #tpu.memory_space<semaphore_mem>>) src(%dma_wait3A_1226 : memref<25600xi32, #tpu.memory_space<hbm>>) dst(%dma_wait3A_1221 : memref<80xi32, #tpu.memory_space<vmem>>)
    %dma_start3A_1227 = arith.constant 4 : i32
    %dma_start3A_1228 = arith.constant 0 : i32
    %dma_start3A_1229 = tpu.memref_slice %arg6[%dma_start3A_1227, %dma_start3A_1228] : memref<10x80xi32, #tpu.memory_space<vmem>> -> memref<1x80xi32, #tpu.memory_space<vmem>>
    %dma_start3A_1230 = tpu.memref_squeeze %dma_start3A_1229 : memref<1x80xi32, #tpu.memory_space<vmem>> -> memref<80xi32, #tpu.memory_space<vmem>>
    %dma_start3A_1231 = arith.constant 0 : i32
    %dma_start3A_1232 = arith.constant 0 : i32
    %dma_start3A_1233 = tpu.memref_slice %arg2[%dma_start3A_1231, %dma_start3A_1232] : memref<1000000x128xf32, #tpu.memory_space<hbm>> -> memref<1000000x128xf32, #tpu.memory_space<hbm>>
    tpu.enqueue_indirect_dma source(%dma_start3A_1233 : memref<1000000x128xf32, #tpu.memory_space<hbm>>) target(%arg7 : memref<80x128xf32, #tpu.memory_space<vmem>>) offsets(%dma_start3A_1230 : memref<80xi32, #tpu.memory_space<vmem>>) semaphore(%arg10 : memref<!tpu.dma_semaphore, #tpu.memory_space<semaphore_mem>>)
    %dma_wait3A_1234 = arith.constant 3 : i32
    %dma_wait3A_1235 = arith.constant 0 : i32
    %dma_wait3A_1236 = tpu.memref_slice %arg6[%dma_wait3A_1234, %dma_wait3A_1235] : memref<10x80xi32, #tpu.memory_space<vmem>> -> memref<1x80xi32, #tpu.memory_space<vmem>>
    %dma_wait3A_1237 = tpu.memref_squeeze %dma_wait3A_1236 : memref<1x80xi32, #tpu.memory_space<vmem>> -> memref<80xi32, #tpu.memory_space<vmem>>
    %dma_wait3A_1238 = arith.constant 0 : i32
    %dma_wait3A_1239 = arith.constant 0 : i32
    %dma_wait3A_1240 = tpu.memref_slice %arg2[%dma_wait3A_1238, %dma_wait3A_1239] : memref<1000000x128xf32, #tpu.memory_space<hbm>> -> memref<1000000x128xf32, #tpu.memory_space<hbm>>
    tpu.wait_indirect_dma semaphore(%arg11 : memref<!tpu.dma_semaphore, #tpu.memory_space<semaphore_mem>>) src(%dma_wait3A_1240 : memref<1000000x128xf32, #tpu.memory_space<hbm>>) dst(%arg8 : memref<80x128xf32, #tpu.memory_space<vmem>>)
    %add3A_1241 = arith.constant 240 : i32
    %add3A_1242 = arith.addi %mul3A_2, %add3A_1241 : i32
    %dma_start3A_1243 = arith.constant 0 : i32
    %dma_start3A_1244 = tpu.memref_slice %arg4[%add3A_1242, %dma_start3A_1243] : memref<25600x128xf32, #tpu.memory_space<hbm>> -> memref<80x128xf32, #tpu.memory_space<hbm>>
    %dma_start3A_1245 = arith.constant 0 : i32
    %dma_start3A_1246 = tpu.memref_slice %arg4[%add3A_1242, %dma_start3A_1245] : memref<25600x128xf32, #tpu.memory_space<hbm>> -> memref<80x128xf32, #tpu.memory_space<hbm>>
    tpu.enqueue_dma source(%arg8 : memref<80x128xf32, #tpu.memory_space<vmem>>) target(%dma_start3A_1246 : memref<80x128xf32, #tpu.memory_space<hbm>>) target_semaphore(%arg13 : memref<!tpu.dma_semaphore, #tpu.memory_space<semaphore_mem>>)
    %dma_wait3A_1247 = arith.constant 0 : i32
    %dma_wait3A_1248 = tpu.memref_slice %arg4[%add3A_1242, %dma_wait3A_1247] : memref<25600x128xf32, #tpu.memory_space<hbm>> -> memref<80x128xf32, #tpu.memory_space<hbm>>
    %dma_wait3A_1249 = arith.constant 0 : i32
    %dma_wait3A_1250 = tpu.memref_slice %arg4[%add3A_1242, %dma_wait3A_1249] : memref<25600x128xf32, #tpu.memory_space<hbm>> -> memref<80x128xf32, #tpu.memory_space<hbm>>
    tpu.wait_dma2 semaphore(%arg13 : memref<!tpu.dma_semaphore, #tpu.memory_space<semaphore_mem>>) src(%arg8 : memref<80x128xf32, #tpu.memory_space<vmem>>) dst(%dma_wait3A_1250 : memref<80x128xf32, #tpu.memory_space<hbm>>)
    %dma_wait3A_1251 = arith.constant 5 : i32
    %dma_wait3A_1252 = arith.constant 5 : i32
    %dma_wait3A_1253 = arith.constant 0 : i32
    %dma_wait3A_1254 = tpu.memref_slice %arg6[%dma_wait3A_1252, %dma_wait3A_1253] : memref<10x80xi32, #tpu.memory_space<vmem>> -> memref<1x80xi32, #tpu.memory_space<vmem>>
    %dma_wait3A_1255 = tpu.memref_squeeze %dma_wait3A_1254 : memref<1x80xi32, #tpu.memory_space<vmem>> -> memref<80xi32, #tpu.memory_space<vmem>>
    %dma_wait3A_1256 = arith.constant 0 : i32
    %dma_wait3A_1257 = tpu.memref_slice %arg5[%dma_wait3A_1251, %dma_wait3A_1256] : memref<10x80xi32, #tpu.memory_space<vmem>> -> memref<1x80xi32, #tpu.memory_space<vmem>>
    %dma_wait3A_1258 = tpu.memref_squeeze %dma_wait3A_1257 : memref<1x80xi32, #tpu.memory_space<vmem>> -> memref<80xi32, #tpu.memory_space<vmem>>
    %dma_wait3A_1259 = arith.constant 0 : i32
    %dma_wait3A_1260 = tpu.memref_slice %arg3[%dma_wait3A_1259] : memref<25600xi32, #tpu.memory_space<hbm>> -> memref<25600xi32, #tpu.memory_space<hbm>>
    tpu.wait_indirect_dma semaphore(%arg9 : memref<!tpu.dma_semaphore, #tpu.memory_space<semaphore_mem>>) src(%dma_wait3A_1260 : memref<25600xi32, #tpu.memory_space<hbm>>) dst(%dma_wait3A_1255 : memref<80xi32, #tpu.memory_space<vmem>>)
    %dma_start3A_1261 = arith.constant 5 : i32
    %dma_start3A_1262 = arith.constant 0 : i32
    %dma_start3A_1263 = tpu.memref_slice %arg6[%dma_start3A_1261, %dma_start3A_1262] : memref<10x80xi32, #tpu.memory_space<vmem>> -> memref<1x80xi32, #tpu.memory_space<vmem>>
    %dma_start3A_1264 = tpu.memref_squeeze %dma_start3A_1263 : memref<1x80xi32, #tpu.memory_space<vmem>> -> memref<80xi32, #tpu.memory_space<vmem>>
    %dma_start3A_1265 = arith.constant 0 : i32
    %dma_start3A_1266 = arith.constant 0 : i32
    %dma_start3A_1267 = tpu.memref_slice %arg2[%dma_start3A_1265, %dma_start3A_1266] : memref<1000000x128xf32, #tpu.memory_space<hbm>> -> memref<1000000x128xf32, #tpu.memory_space<hbm>>
    tpu.enqueue_indirect_dma source(%dma_start3A_1267 : memref<1000000x128xf32, #tpu.memory_space<hbm>>) target(%arg8 : memref<80x128xf32, #tpu.memory_space<vmem>>) offsets(%dma_start3A_1264 : memref<80xi32, #tpu.memory_space<vmem>>) semaphore(%arg11 : memref<!tpu.dma_semaphore, #tpu.memory_space<semaphore_mem>>)
    %dma_wait3A_1268 = arith.constant 4 : i32
    %dma_wait3A_1269 = arith.constant 0 : i32
    %dma_wait3A_1270 = tpu.memref_slice %arg6[%dma_wait3A_1268, %dma_wait3A_1269] : memref<10x80xi32, #tpu.memory_space<vmem>> -> memref<1x80xi32, #tpu.memory_space<vmem>>
    %dma_wait3A_1271 = tpu.memref_squeeze %dma_wait3A_1270 : memref<1x80xi32, #tpu.memory_space<vmem>> -> memref<80xi32, #tpu.memory_space<vmem>>
    %dma_wait3A_1272 = arith.constant 0 : i32
    %dma_wait3A_1273 = arith.constant 0 : i32
    %dma_wait3A_1274 = tpu.memref_slice %arg2[%dma_wait3A_1272, %dma_wait3A_1273] : memref<1000000x128xf32, #tpu.memory_space<hbm>> -> memref<1000000x128xf32, #tpu.memory_space<hbm>>
    tpu.wait_indirect_dma semaphore(%arg10 : memref<!tpu.dma_semaphore, #tpu.memory_space<semaphore_mem>>) src(%dma_wait3A_1274 : memref<1000000x128xf32, #tpu.memory_space<hbm>>) dst(%arg7 : memref<80x128xf32, #tpu.memory_space<vmem>>)
    %add3A_1275 = arith.constant 320 : i32
    %add3A_1276 = arith.addi %mul3A_2, %add3A_1275 : i32
    %dma_start3A_1277 = arith.constant 0 : i32
    %dma_start3A_1278 = tpu.memref_slice %arg4[%add3A_1276, %dma_start3A_1277] : memref<25600x128xf32, #tpu.memory_space<hbm>> -> memref<80x128xf32, #tpu.memory_space<hbm>>
    %dma_start3A_1279 = arith.constant 0 : i32
    %dma_start3A_1280 = tpu.memref_slice %arg4[%add3A_1276, %dma_start3A_1279] : memref<25600x128xf32, #tpu.memory_space<hbm>> -> memref<80x128xf32, #tpu.memory_space<hbm>>
    tpu.enqueue_dma source(%arg7 : memref<80x128xf32, #tpu.memory_space<vmem>>) target(%dma_start3A_1280 : memref<80x128xf32, #tpu.memory_space<hbm>>) target_semaphore(%arg12 : memref<!tpu.dma_semaphore, #tpu.memory_space<semaphore_mem>>)
    %dma_wait3A_1281 = arith.constant 0 : i32
    %dma_wait3A_1282 = tpu.memref_slice %arg4[%add3A_1276, %dma_wait3A_1281] : memref<25600x128xf32, #tpu.memory_space<hbm>> -> memref<80x128xf32, #tpu.memory_space<hbm>>
    %dma_wait3A_1283 = arith.constant 0 : i32
    %dma_wait3A_1284 = tpu.memref_slice %arg4[%add3A_1276, %dma_wait3A_1283] : memref<25600x128xf32, #tpu.memory_space<hbm>> -> memref<80x128xf32, #tpu.memory_space<hbm>>
    tpu.wait_dma2 semaphore(%arg12 : memref<!tpu.dma_semaphore, #tpu.memory_space<semaphore_mem>>) src(%arg7 : memref<80x128xf32, #tpu.memory_space<vmem>>) dst(%dma_wait3A_1284 : memref<80x128xf32, #tpu.memory_space<hbm>>)
    %dma_wait3A_1285 = arith.constant 6 : i32
    %dma_wait3A_1286 = arith.constant 6 : i32
    %dma_wait3A_1287 = arith.constant 0 : i32
    %dma_wait3A_1288 = tpu.memref_slice %arg6[%dma_wait3A_1286, %dma_wait3A_1287] : memref<10x80xi32, #tpu.memory_space<vmem>> -> memref<1x80xi32, #tpu.memory_space<vmem>>
    %dma_wait3A_1289 = tpu.memref_squeeze %dma_wait3A_1288 : memref<1x80xi32, #tpu.memory_space<vmem>> -> memref<80xi32, #tpu.memory_space<vmem>>
    %dma_wait3A_1290 = arith.constant 0 : i32
    %dma_wait3A_1291 = tpu.memref_slice %arg5[%dma_wait3A_1285, %dma_wait3A_1290] : memref<10x80xi32, #tpu.memory_space<vmem>> -> memref<1x80xi32, #tpu.memory_space<vmem>>
    %dma_wait3A_1292 = tpu.memref_squeeze %dma_wait3A_1291 : memref<1x80xi32, #tpu.memory_space<vmem>> -> memref<80xi32, #tpu.memory_space<vmem>>
    %dma_wait3A_1293 = arith.constant 0 : i32
    %dma_wait3A_1294 = tpu.memref_slice %arg3[%dma_wait3A_1293] : memref<25600xi32, #tpu.memory_space<hbm>> -> memref<25600xi32, #tpu.memory_space<hbm>>
    tpu.wait_indirect_dma semaphore(%arg9 : memref<!tpu.dma_semaphore, #tpu.memory_space<semaphore_mem>>) src(%dma_wait3A_1294 : memref<25600xi32, #tpu.memory_space<hbm>>) dst(%dma_wait3A_1289 : memref<80xi32, #tpu.memory_space<vmem>>)
    %dma_start3A_1295 = arith.constant 6 : i32
    %dma_start3A_1296 = arith.constant 0 : i32
    %dma_start3A_1297 = tpu.memref_slice %arg6[%dma_start3A_1295, %dma_start3A_1296] : memref<10x80xi32, #tpu.memory_space<vmem>> -> memref<1x80xi32, #tpu.memory_space<vmem>>
    %dma_start3A_1298 = tpu.memref_squeeze %dma_start3A_1297 : memref<1x80xi32, #tpu.memory_space<vmem>> -> memref<80xi32, #tpu.memory_space<vmem>>
    %dma_start3A_1299 = arith.constant 0 : i32
    %dma_start3A_1300 = arith.constant 0 : i32
    %dma_start3A_1301 = tpu.memref_slice %arg2[%dma_start3A_1299, %dma_start3A_1300] : memref<1000000x128xf32, #tpu.memory_space<hbm>> -> memref<1000000x128xf32, #tpu.memory_space<hbm>>
    tpu.enqueue_indirect_dma source(%dma_start3A_1301 : memref<1000000x128xf32, #tpu.memory_space<hbm>>) target(%arg7 : memref<80x128xf32, #tpu.memory_space<vmem>>) offsets(%dma_start3A_1298 : memref<80xi32, #tpu.memory_space<vmem>>) semaphore(%arg10 : memref<!tpu.dma_semaphore, #tpu.memory_space<semaphore_mem>>)
    %dma_wait3A_1302 = arith.constant 5 : i32
    %dma_wait3A_1303 = arith.constant 0 : i32
    %dma_wait3A_1304 = tpu.memref_slice %arg6[%dma_wait3A_1302, %dma_wait3A_1303] : memref<10x80xi32, #tpu.memory_space<vmem>> -> memref<1x80xi32, #tpu.memory_space<vmem>>
    %dma_wait3A_1305 = tpu.memref_squeeze %dma_wait3A_1304 : memref<1x80xi32, #tpu.memory_space<vmem>> -> memref<80xi32, #tpu.memory_space<vmem>>
    %dma_wait3A_1306 = arith.constant 0 : i32
    %dma_wait3A_1307 = arith.constant 0 : i32
    %dma_wait3A_1308 = tpu.memref_slice %arg2[%dma_wait3A_1306, %dma_wait3A_1307] : memref<1000000x128xf32, #tpu.memory_space<hbm>> -> memref<1000000x128xf32, #tpu.memory_space<hbm>>
    tpu.wait_indirect_dma semaphore(%arg11 : memref<!tpu.dma_semaphore, #tpu.memory_space<semaphore_mem>>) src(%dma_wait3A_1308 : memref<1000000x128xf32, #tpu.memory_space<hbm>>) dst(%arg8 : memref<80x128xf32, #tpu.memory_space<vmem>>)
    %add3A_1309 = arith.constant 400 : i32
    %add3A_1310 = arith.addi %mul3A_2, %add3A_1309 : i32
    %dma_start3A_1311 = arith.constant 0 : i32
    %dma_start3A_1312 = tpu.memref_slice %arg4[%add3A_1310, %dma_start3A_1311] : memref<25600x128xf32, #tpu.memory_space<hbm>> -> memref<80x128xf32, #tpu.memory_space<hbm>>
    %dma_start3A_1313 = arith.constant 0 : i32
    %dma_start3A_1314 = tpu.memref_slice %arg4[%add3A_1310, %dma_start3A_1313] : memref<25600x128xf32, #tpu.memory_space<hbm>> -> memref<80x128xf32, #tpu.memory_space<hbm>>
    tpu.enqueue_dma source(%arg8 : memref<80x128xf32, #tpu.memory_space<vmem>>) target(%dma_start3A_1314 : memref<80x128xf32, #tpu.memory_space<hbm>>) target_semaphore(%arg13 : memref<!tpu.dma_semaphore, #tpu.memory_space<semaphore_mem>>)
    %dma_wait3A_1315 = arith.constant 0 : i32
    %dma_wait3A_1316 = tpu.memref_slice %arg4[%add3A_1310, %dma_wait3A_1315] : memref<25600x128xf32, #tpu.memory_space<hbm>> -> memref<80x128xf32, #tpu.memory_space<hbm>>
    %dma_wait3A_1317 = arith.constant 0 : i32
    %dma_wait3A_1318 = tpu.memref_slice %arg4[%add3A_1310, %dma_wait3A_1317] : memref<25600x128xf32, #tpu.memory_space<hbm>> -> memref<80x128xf32, #tpu.memory_space<hbm>>
    tpu.wait_dma2 semaphore(%arg13 : memref<!tpu.dma_semaphore, #tpu.memory_space<semaphore_mem>>) src(%arg8 : memref<80x128xf32, #tpu.memory_space<vmem>>) dst(%dma_wait3A_1318 : memref<80x128xf32, #tpu.memory_space<hbm>>)
    %dma_wait3A_1319 = arith.constant 7 : i32
    %dma_wait3A_1320 = arith.constant 7 : i32
    %dma_wait3A_1321 = arith.constant 0 : i32
    %dma_wait3A_1322 = tpu.memref_slice %arg6[%dma_wait3A_1320, %dma_wait3A_1321] : memref<10x80xi32, #tpu.memory_space<vmem>> -> memref<1x80xi32, #tpu.memory_space<vmem>>
    %dma_wait3A_1323 = tpu.memref_squeeze %dma_wait3A_1322 : memref<1x80xi32, #tpu.memory_space<vmem>> -> memref<80xi32, #tpu.memory_space<vmem>>
    %dma_wait3A_1324 = arith.constant 0 : i32
    %dma_wait3A_1325 = tpu.memref_slice %arg5[%dma_wait3A_1319, %dma_wait3A_1324] : memref<10x80xi32, #tpu.memory_space<vmem>> -> memref<1x80xi32, #tpu.memory_space<vmem>>
    %dma_wait3A_1326 = tpu.memref_squeeze %dma_wait3A_1325 : memref<1x80xi32, #tpu.memory_space<vmem>> -> memref<80xi32, #tpu.memory_space<vmem>>
    %dma_wait3A_1327 = arith.constant 0 : i32
    %dma_wait3A_1328 = tpu.memref_slice %arg3[%dma_wait3A_1327] : memref<25600xi32, #tpu.memory_space<hbm>> -> memref<25600xi32, #tpu.memory_space<hbm>>
    tpu.wait_indirect_dma semaphore(%arg9 : memref<!tpu.dma_semaphore, #tpu.memory_space<semaphore_mem>>) src(%dma_wait3A_1328 : memref<25600xi32, #tpu.memory_space<hbm>>) dst(%dma_wait3A_1323 : memref<80xi32, #tpu.memory_space<vmem>>)
    %dma_start3A_1329 = arith.constant 7 : i32
    %dma_start3A_1330 = arith.constant 0 : i32
    %dma_start3A_1331 = tpu.memref_slice %arg6[%dma_start3A_1329, %dma_start3A_1330] : memref<10x80xi32, #tpu.memory_space<vmem>> -> memref<1x80xi32, #tpu.memory_space<vmem>>
    %dma_start3A_1332 = tpu.memref_squeeze %dma_start3A_1331 : memref<1x80xi32, #tpu.memory_space<vmem>> -> memref<80xi32, #tpu.memory_space<vmem>>
    %dma_start3A_1333 = arith.constant 0 : i32
    %dma_start3A_1334 = arith.constant 0 : i32
    %dma_start3A_1335 = tpu.memref_slice %arg2[%dma_start3A_1333, %dma_start3A_1334] : memref<1000000x128xf32, #tpu.memory_space<hbm>> -> memref<1000000x128xf32, #tpu.memory_space<hbm>>
    tpu.enqueue_indirect_dma source(%dma_start3A_1335 : memref<1000000x128xf32, #tpu.memory_space<hbm>>) target(%arg8 : memref<80x128xf32, #tpu.memory_space<vmem>>) offsets(%dma_start3A_1332 : memref<80xi32, #tpu.memory_space<vmem>>) semaphore(%arg11 : memref<!tpu.dma_semaphore, #tpu.memory_space<semaphore_mem>>)
    %dma_wait3A_1336 = arith.constant 6 : i32
    %dma_wait3A_1337 = arith.constant 0 : i32
    %dma_wait3A_1338 = tpu.memref_slice %arg6[%dma_wait3A_1336, %dma_wait3A_1337] : memref<10x80xi32, #tpu.memory_space<vmem>> -> memref<1x80xi32, #tpu.memory_space<vmem>>
    %dma_wait3A_1339 = tpu.memref_squeeze %dma_wait3A_1338 : memref<1x80xi32, #tpu.memory_space<vmem>> -> memref<80xi32, #tpu.memory_space<vmem>>
    %dma_wait3A_1340 = arith.constant 0 : i32
    %dma_wait3A_1341 = arith.constant 0 : i32
    %dma_wait3A_1342 = tpu.memref_slice %arg2[%dma_wait3A_1340, %dma_wait3A_1341] : memref<1000000x128xf32, #tpu.memory_space<hbm>> -> memref<1000000x128xf32, #tpu.memory_space<hbm>>
    tpu.wait_indirect_dma semaphore(%arg10 : memref<!tpu.dma_semaphore, #tpu.memory_space<semaphore_mem>>) src(%dma_wait3A_1342 : memref<1000000x128xf32, #tpu.memory_space<hbm>>) dst(%arg7 : memref<80x128xf32, #tpu.memory_space<vmem>>)
    %add3A_1343 = arith.constant 480 : i32
    %add3A_1344 = arith.addi %mul3A_2, %add3A_1343 : i32
    %dma_start3A_1345 = arith.constant 0 : i32
    %dma_start3A_1346 = tpu.memref_slice %arg4[%add3A_1344, %dma_start3A_1345] : memref<25600x128xf32, #tpu.memory_space<hbm>> -> memref<80x128xf32, #tpu.memory_space<hbm>>
    %dma_start3A_1347 = arith.constant 0 : i32
    %dma_start3A_1348 = tpu.memref_slice %arg4[%add3A_1344, %dma_start3A_1347] : memref<25600x128xf32, #tpu.memory_space<hbm>> -> memref<80x128xf32, #tpu.memory_space<hbm>>
    tpu.enqueue_dma source(%arg7 : memref<80x128xf32, #tpu.memory_space<vmem>>) target(%dma_start3A_1348 : memref<80x128xf32, #tpu.memory_space<hbm>>) target_semaphore(%arg12 : memref<!tpu.dma_semaphore, #tpu.memory_space<semaphore_mem>>)
    %dma_wait3A_1349 = arith.constant 0 : i32
    %dma_wait3A_1350 = tpu.memref_slice %arg4[%add3A_1344, %dma_wait3A_1349] : memref<25600x128xf32, #tpu.memory_space<hbm>> -> memref<80x128xf32, #tpu.memory_space<hbm>>
    %dma_wait3A_1351 = arith.constant 0 : i32
    %dma_wait3A_1352 = tpu.memref_slice %arg4[%add3A_1344, %dma_wait3A_1351] : memref<25600x128xf32, #tpu.memory_space<hbm>> -> memref<80x128xf32, #tpu.memory_space<hbm>>
    tpu.wait_dma2 semaphore(%arg12 : memref<!tpu.dma_semaphore, #tpu.memory_space<semaphore_mem>>) src(%arg7 : memref<80x128xf32, #tpu.memory_space<vmem>>) dst(%dma_wait3A_1352 : memref<80x128xf32, #tpu.memory_space<hbm>>)
    %dma_wait3A_1353 = arith.constant 8 : i32
    %dma_wait3A_1354 = arith.constant 8 : i32
    %dma_wait3A_1355 = arith.constant 0 : i32
    %dma_wait3A_1356 = tpu.memref_slice %arg6[%dma_wait3A_1354, %dma_wait3A_1355] : memref<10x80xi32, #tpu.memory_space<vmem>> -> memref<1x80xi32, #tpu.memory_space<vmem>>
    %dma_wait3A_1357 = tpu.memref_squeeze %dma_wait3A_1356 : memref<1x80xi32, #tpu.memory_space<vmem>> -> memref<80xi32, #tpu.memory_space<vmem>>
    %dma_wait3A_1358 = arith.constant 0 : i32
    %dma_wait3A_1359 = tpu.memref_slice %arg5[%dma_wait3A_1353, %dma_wait3A_1358] : memref<10x80xi32, #tpu.memory_space<vmem>> -> memref<1x80xi32, #tpu.memory_space<vmem>>
    %dma_wait3A_1360 = tpu.memref_squeeze %dma_wait3A_1359 : memref<1x80xi32, #tpu.memory_space<vmem>> -> memref<80xi32, #tpu.memory_space<vmem>>
    %dma_wait3A_1361 = arith.constant 0 : i32
    %dma_wait3A_1362 = tpu.memref_slice %arg3[%dma_wait3A_1361] : memref<25600xi32, #tpu.memory_space<hbm>> -> memref<25600xi32, #tpu.memory_space<hbm>>
    tpu.wait_indirect_dma semaphore(%arg9 : memref<!tpu.dma_semaphore, #tpu.memory_space<semaphore_mem>>) src(%dma_wait3A_1362 : memref<25600xi32, #tpu.memory_space<hbm>>) dst(%dma_wait3A_1357 : memref<80xi32, #tpu.memory_space<vmem>>)
    %dma_start3A_1363 = arith.constant 8 : i32
    %dma_start3A_1364 = arith.constant 0 : i32
    %dma_start3A_1365 = tpu.memref_slice %arg6[%dma_start3A_1363, %dma_start3A_1364] : memref<10x80xi32, #tpu.memory_space<vmem>> -> memref<1x80xi32, #tpu.memory_space<vmem>>
    %dma_start3A_1366 = tpu.memref_squeeze %dma_start3A_1365 : memref<1x80xi32, #tpu.memory_space<vmem>> -> memref<80xi32, #tpu.memory_space<vmem>>
    %dma_start3A_1367 = arith.constant 0 : i32
    %dma_start3A_1368 = arith.constant 0 : i32
    %dma_start3A_1369 = tpu.memref_slice %arg2[%dma_start3A_1367, %dma_start3A_1368] : memref<1000000x128xf32, #tpu.memory_space<hbm>> -> memref<1000000x128xf32, #tpu.memory_space<hbm>>
    tpu.enqueue_indirect_dma source(%dma_start3A_1369 : memref<1000000x128xf32, #tpu.memory_space<hbm>>) target(%arg7 : memref<80x128xf32, #tpu.memory_space<vmem>>) offsets(%dma_start3A_1366 : memref<80xi32, #tpu.memory_space<vmem>>) semaphore(%arg10 : memref<!tpu.dma_semaphore, #tpu.memory_space<semaphore_mem>>)
    %dma_wait3A_1370 = arith.constant 7 : i32
    %dma_wait3A_1371 = arith.constant 0 : i32
    %dma_wait3A_1372 = tpu.memref_slice %arg6[%dma_wait3A_1370, %dma_wait3A_1371] : memref<10x80xi32, #tpu.memory_space<vmem>> -> memref<1x80xi32, #tpu.memory_space<vmem>>
    %dma_wait3A_1373 = tpu.memref_squeeze %dma_wait3A_1372 : memref<1x80xi32, #tpu.memory_space<vmem>> -> memref<80xi32, #tpu.memory_space<vmem>>
    %dma_wait3A_1374 = arith.constant 0 : i32
    %dma_wait3A_1375 = arith.constant 0 : i32
    %dma_wait3A_1376 = tpu.memref_slice %arg2[%dma_wait3A_1374, %dma_wait3A_1375] : memref<1000000x128xf32, #tpu.memory_space<hbm>> -> memref<1000000x128xf32, #tpu.memory_space<hbm>>
    tpu.wait_indirect_dma semaphore(%arg11 : memref<!tpu.dma_semaphore, #tpu.memory_space<semaphore_mem>>) src(%dma_wait3A_1376 : memref<1000000x128xf32, #tpu.memory_space<hbm>>) dst(%arg8 : memref<80x128xf32, #tpu.memory_space<vmem>>)
    %add3A_1377 = arith.constant 560 : i32
    %add3A_1378 = arith.addi %mul3A_2, %add3A_1377 : i32
    %dma_start3A_1379 = arith.constant 0 : i32
    %dma_start3A_1380 = tpu.memref_slice %arg4[%add3A_1378, %dma_start3A_1379] : memref<25600x128xf32, #tpu.memory_space<hbm>> -> memref<80x128xf32, #tpu.memory_space<hbm>>
    %dma_start3A_1381 = arith.constant 0 : i32
    %dma_start3A_1382 = tpu.memref_slice %arg4[%add3A_1378, %dma_start3A_1381] : memref<25600x128xf32, #tpu.memory_space<hbm>> -> memref<80x128xf32, #tpu.memory_space<hbm>>
    tpu.enqueue_dma source(%arg8 : memref<80x128xf32, #tpu.memory_space<vmem>>) target(%dma_start3A_1382 : memref<80x128xf32, #tpu.memory_space<hbm>>) target_semaphore(%arg13 : memref<!tpu.dma_semaphore, #tpu.memory_space<semaphore_mem>>)
    %dma_wait3A_1383 = arith.constant 0 : i32
    %dma_wait3A_1384 = tpu.memref_slice %arg4[%add3A_1378, %dma_wait3A_1383] : memref<25600x128xf32, #tpu.memory_space<hbm>> -> memref<80x128xf32, #tpu.memory_space<hbm>>
    %dma_wait3A_1385 = arith.constant 0 : i32
    %dma_wait3A_1386 = tpu.memref_slice %arg4[%add3A_1378, %dma_wait3A_1385] : memref<25600x128xf32, #tpu.memory_space<hbm>> -> memref<80x128xf32, #tpu.memory_space<hbm>>
    tpu.wait_dma2 semaphore(%arg13 : memref<!tpu.dma_semaphore, #tpu.memory_space<semaphore_mem>>) src(%arg8 : memref<80x128xf32, #tpu.memory_space<vmem>>) dst(%dma_wait3A_1386 : memref<80x128xf32, #tpu.memory_space<hbm>>)
    %dma_wait3A_1387 = arith.constant 9 : i32
    %dma_wait3A_1388 = arith.constant 9 : i32
    %dma_wait3A_1389 = arith.constant 0 : i32
    %dma_wait3A_1390 = tpu.memref_slice %arg6[%dma_wait3A_1388, %dma_wait3A_1389] : memref<10x80xi32, #tpu.memory_space<vmem>> -> memref<1x80xi32, #tpu.memory_space<vmem>>
    %dma_wait3A_1391 = tpu.memref_squeeze %dma_wait3A_1390 : memref<1x80xi32, #tpu.memory_space<vmem>> -> memref<80xi32, #tpu.memory_space<vmem>>
    %dma_wait3A_1392 = arith.constant 0 : i32
    %dma_wait3A_1393 = tpu.memref_slice %arg5[%dma_wait3A_1387, %dma_wait3A_1392] : memref<10x80xi32, #tpu.memory_space<vmem>> -> memref<1x80xi32, #tpu.memory_space<vmem>>
    %dma_wait3A_1394 = tpu.memref_squeeze %dma_wait3A_1393 : memref<1x80xi32, #tpu.memory_space<vmem>> -> memref<80xi32, #tpu.memory_space<vmem>>
    %dma_wait3A_1395 = arith.constant 0 : i32
    %dma_wait3A_1396 = tpu.memref_slice %arg3[%dma_wait3A_1395] : memref<25600xi32, #tpu.memory_space<hbm>> -> memref<25600xi32, #tpu.memory_space<hbm>>
    tpu.wait_indirect_dma semaphore(%arg9 : memref<!tpu.dma_semaphore, #tpu.memory_space<semaphore_mem>>) src(%dma_wait3A_1396 : memref<25600xi32, #tpu.memory_space<hbm>>) dst(%dma_wait3A_1391 : memref<80xi32, #tpu.memory_space<vmem>>)
    %dma_start3A_1397 = arith.constant 9 : i32
    %dma_start3A_1398 = arith.constant 0 : i32
    %dma_start3A_1399 = tpu.memref_slice %arg6[%dma_start3A_1397, %dma_start3A_1398] : memref<10x80xi32, #tpu.memory_space<vmem>> -> memref<1x80xi32, #tpu.memory_space<vmem>>
    %dma_start3A_1400 = tpu.memref_squeeze %dma_start3A_1399 : memref<1x80xi32, #tpu.memory_space<vmem>> -> memref<80xi32, #tpu.memory_space<vmem>>
    %dma_start3A_1401 = arith.constant 0 : i32
    %dma_start3A_1402 = arith.constant 0 : i32
    %dma_start3A_1403 = tpu.memref_slice %arg2[%dma_start3A_1401, %dma_start3A_1402] : memref<1000000x128xf32, #tpu.memory_space<hbm>> -> memref<1000000x128xf32, #tpu.memory_space<hbm>>
    tpu.enqueue_indirect_dma source(%dma_start3A_1403 : memref<1000000x128xf32, #tpu.memory_space<hbm>>) target(%arg8 : memref<80x128xf32, #tpu.memory_space<vmem>>) offsets(%dma_start3A_1400 : memref<80xi32, #tpu.memory_space<vmem>>) semaphore(%arg11 : memref<!tpu.dma_semaphore, #tpu.memory_space<semaphore_mem>>)
    %dma_wait3A_1404 = arith.constant 8 : i32
    %dma_wait3A_1405 = arith.constant 0 : i32
    %dma_wait3A_1406 = tpu.memref_slice %arg6[%dma_wait3A_1404, %dma_wait3A_1405] : memref<10x80xi32, #tpu.memory_space<vmem>> -> memref<1x80xi32, #tpu.memory_space<vmem>>
    %dma_wait3A_1407 = tpu.memref_squeeze %dma_wait3A_1406 : memref<1x80xi32, #tpu.memory_space<vmem>> -> memref<80xi32, #tpu.memory_space<vmem>>
    %dma_wait3A_1408 = arith.constant 0 : i32
    %dma_wait3A_1409 = arith.constant 0 : i32
    %dma_wait3A_1410 = tpu.memref_slice %arg2[%dma_wait3A_1408, %dma_wait3A_1409] : memref<1000000x128xf32, #tpu.memory_space<hbm>> -> memref<1000000x128xf32, #tpu.memory_space<hbm>>
    tpu.wait_indirect_dma semaphore(%arg10 : memref<!tpu.dma_semaphore, #tpu.memory_space<semaphore_mem>>) src(%dma_wait3A_1410 : memref<1000000x128xf32, #tpu.memory_space<hbm>>) dst(%arg7 : memref<80x128xf32, #tpu.memory_space<vmem>>)
    %add3A_1411 = arith.constant 640 : i32
    %add3A_1412 = arith.addi %mul3A_2, %add3A_1411 : i32
    %dma_start3A_1413 = arith.constant 0 : i32
    %dma_start3A_1414 = tpu.memref_slice %arg4[%add3A_1412, %dma_start3A_1413] : memref<25600x128xf32, #tpu.memory_space<hbm>> -> memref<80x128xf32, #tpu.memory_space<hbm>>
    %dma_start3A_1415 = arith.constant 0 : i32
    %dma_start3A_1416 = tpu.memref_slice %arg4[%add3A_1412, %dma_start3A_1415] : memref<25600x128xf32, #tpu.memory_space<hbm>> -> memref<80x128xf32, #tpu.memory_space<hbm>>
    tpu.enqueue_dma source(%arg7 : memref<80x128xf32, #tpu.memory_space<vmem>>) target(%dma_start3A_1416 : memref<80x128xf32, #tpu.memory_space<hbm>>) target_semaphore(%arg12 : memref<!tpu.dma_semaphore, #tpu.memory_space<semaphore_mem>>)
    %dma_wait3A_1417 = arith.constant 9 : i32
    %dma_wait3A_1418 = arith.constant 0 : i32
    %dma_wait3A_1419 = tpu.memref_slice %arg6[%dma_wait3A_1417, %dma_wait3A_1418] : memref<10x80xi32, #tpu.memory_space<vmem>> -> memref<1x80xi32, #tpu.memory_space<vmem>>
    %dma_wait3A_1420 = tpu.memref_squeeze %dma_wait3A_1419 : memref<1x80xi32, #tpu.memory_space<vmem>> -> memref<80xi32, #tpu.memory_space<vmem>>
    %dma_wait3A_1421 = arith.constant 0 : i32
    %dma_wait3A_1422 = arith.constant 0 : i32
    %dma_wait3A_1423 = tpu.memref_slice %arg2[%dma_wait3A_1421, %dma_wait3A_1422] : memref<1000000x128xf32, #tpu.memory_space<hbm>> -> memref<1000000x128xf32, #tpu.memory_space<hbm>>
    tpu.wait_indirect_dma semaphore(%arg11 : memref<!tpu.dma_semaphore, #tpu.memory_space<semaphore_mem>>) src(%dma_wait3A_1423 : memref<1000000x128xf32, #tpu.memory_space<hbm>>) dst(%arg8 : memref<80x128xf32, #tpu.memory_space<vmem>>)
    %add3A_1424 = arith.constant 720 : i32
    %add3A_1425 = arith.addi %mul3A_2, %add3A_1424 : i32
    %dma_start3A_1426 = arith.constant 0 : i32
    %dma_start3A_1427 = tpu.memref_slice %arg4[%add3A_1425, %dma_start3A_1426] : memref<25600x128xf32, #tpu.memory_space<hbm>> -> memref<80x128xf32, #tpu.memory_space<hbm>>
    %dma_start3A_1428 = arith.constant 0 : i32
    %dma_start3A_1429 = tpu.memref_slice %arg4[%add3A_1425, %dma_start3A_1428] : memref<25600x128xf32, #tpu.memory_space<hbm>> -> memref<80x128xf32, #tpu.memory_space<hbm>>
    tpu.enqueue_dma source(%arg8 : memref<80x128xf32, #tpu.memory_space<vmem>>) target(%dma_start3A_1429 : memref<80x128xf32, #tpu.memory_space<hbm>>) target_semaphore(%arg13 : memref<!tpu.dma_semaphore, #tpu.memory_space<semaphore_mem>>)
    %dma_wait3A_1430 = arith.constant 0 : i32
    %dma_wait3A_1431 = tpu.memref_slice %arg4[%add3A_1412, %dma_wait3A_1430] : memref<25600x128xf32, #tpu.memory_space<hbm>> -> memref<80x128xf32, #tpu.memory_space<hbm>>
    %dma_wait3A_1432 = arith.constant 0 : i32
    %dma_wait3A_1433 = tpu.memref_slice %arg4[%add3A_1412, %dma_wait3A_1432] : memref<25600x128xf32, #tpu.memory_space<hbm>> -> memref<80x128xf32, #tpu.memory_space<hbm>>
    tpu.wait_dma2 semaphore(%arg12 : memref<!tpu.dma_semaphore, #tpu.memory_space<semaphore_mem>>) src(%arg7 : memref<80x128xf32, #tpu.memory_space<vmem>>) dst(%dma_wait3A_1433 : memref<80x128xf32, #tpu.memory_space<hbm>>)
    %dma_wait3A_1434 = arith.constant 0 : i32
    %dma_wait3A_1435 = tpu.memref_slice %arg4[%add3A_1425, %dma_wait3A_1434] : memref<25600x128xf32, #tpu.memory_space<hbm>> -> memref<80x128xf32, #tpu.memory_space<hbm>>
    %dma_wait3A_1436 = arith.constant 0 : i32
    %dma_wait3A_1437 = tpu.memref_slice %arg4[%add3A_1425, %dma_wait3A_1436] : memref<25600x128xf32, #tpu.memory_space<hbm>> -> memref<80x128xf32, #tpu.memory_space<hbm>>
    tpu.wait_dma2 semaphore(%arg13 : memref<!tpu.dma_semaphore, #tpu.memory_space<semaphore_mem>>) src(%arg8 : memref<80x128xf32, #tpu.memory_space<vmem>>) dst(%dma_wait3A_1437 : memref<80x128xf32, #tpu.memory_space<hbm>>)
    return
  }
}

module attributes {stable_mosaic.version = 14 : i64} {
  func.func @_rnn_kernel(%arg0: memref<50x512x128xf32, #tpu.memory_space<vmem>>, %arg1: memref<128x128xf32, #tpu.memory_space<vmem>>, %arg2: memref<1x128xf32, #tpu.memory_space<vmem>>, %arg3: memref<384x128xf32, #tpu.memory_space<vmem>>, %arg4: memref<1x384xf32, #tpu.memory_space<vmem>>, %arg5: memref<384x128xf32, #tpu.memory_space<vmem>>, %arg6: memref<1x384xf32, #tpu.memory_space<vmem>>, %arg7: memref<384x128xf32, #tpu.memory_space<vmem>>, %arg8: memref<1x384xf32, #tpu.memory_space<vmem>>, %arg9: memref<384x128xf32, #tpu.memory_space<vmem>>, %arg10: memref<1x384xf32, #tpu.memory_space<vmem>>, %arg11: memref<512x256xf32, #tpu.memory_space<vmem>>, %arg12: memref<512x256xf32, #tpu.memory_space<vmem>>, %arg13: memref<512x256xf32, #tpu.memory_space<vmem>>) attributes {dimension_semantics = [], scalar_prefetch = 0 : i64, scratch_operands = 2 : i64, tpu.core_type = #tpu.core_type<tc>} {
    %get3A = arith.constant 0 : index
    %get3A_0 = arith.constant 0 : index
    %get3A_1 = vector.load %arg1[%get3A, %get3A_0] : memref<128x128xf32, #tpu.memory_space<vmem>>, vector<128x128xf32>
    %get3A_2 = arith.constant 0 : index
    %get3A_3 = arith.constant 0 : index
    %get3A_4 = vector.load %arg3[%get3A_2, %get3A_3] : memref<384x128xf32, #tpu.memory_space<vmem>>, vector<384x128xf32>
    %dot_general3A = arith.constant dense<0.000000e+00> : vector<128x384xf32>
    %dot_general3A_5 = tpu.matmul %get3A_1, %get3A_4, %dot_general3A {dimension_numbers = #tpu.dot_dimension_numbers<[0], [1], [1], [0], [0, 1, 1, 0], [], []>, transpose_lhs_hint = false} : vector<128x128xf32>, vector<384x128xf32>, vector<128x384xf32> -> vector<128x384xf32>
    %get3A_6 = arith.constant 0 : index
    %get3A_7 = arith.constant 0 : index
    %get3A_8 = vector.load %arg7[%get3A_6, %get3A_7] : memref<384x128xf32, #tpu.memory_space<vmem>>, vector<384x128xf32>
    %dot_general3A_9 = arith.constant dense<0.000000e+00> : vector<128x384xf32>
    %dot_general3A_10 = tpu.matmul %get3A_1, %get3A_8, %dot_general3A_9 {dimension_numbers = #tpu.dot_dimension_numbers<[0], [1], [1], [0], [0, 1, 1, 0], [], []>, transpose_lhs_hint = false} : vector<128x128xf32>, vector<384x128xf32>, vector<128x384xf32> -> vector<128x384xf32>
    %get3A_11 = arith.constant 0 : index
    %get3A_12 = arith.constant 0 : index
    %get3A_13 = vector.load %arg2[%get3A_11, %get3A_12] : memref<1x128xf32, #tpu.memory_space<vmem>>, vector<1x128xf32>
    %get3A_14 = arith.constant 0 : index
    %get3A_15 = arith.constant 0 : index
    %get3A_16 = vector.load %arg3[%get3A_14, %get3A_15] : memref<384x128xf32, #tpu.memory_space<vmem>>, vector<384x128xf32>
    %dot_general3A_17 = arith.constant dense<0.000000e+00> : vector<1x384xf32>
    %dot_general3A_18 = tpu.matmul %get3A_13, %get3A_16, %dot_general3A_17 {dimension_numbers = #tpu.dot_dimension_numbers<[1], [1], [0], [0], [0, 0, 1, 0], [], []>, transpose_lhs_hint = false} : vector<1x128xf32>, vector<384x128xf32>, vector<1x384xf32> -> vector<1x384xf32>
    %get3A_19 = arith.constant 0 : index
    %get3A_20 = arith.constant 0 : index
    %get3A_21 = vector.load %arg4[%get3A_19, %get3A_20] : memref<1x384xf32, #tpu.memory_space<vmem>>, vector<1x384xf32>
    %add3A = arith.addf %dot_general3A_18, %get3A_21 : vector<1x384xf32>
    %get3A_22 = arith.constant 0 : index
    %get3A_23 = arith.constant 0 : index
    %get3A_24 = vector.load %arg2[%get3A_22, %get3A_23] : memref<1x128xf32, #tpu.memory_space<vmem>>, vector<1x128xf32>
    %get3A_25 = arith.constant 0 : index
    %get3A_26 = arith.constant 0 : index
    %get3A_27 = vector.load %arg7[%get3A_25, %get3A_26] : memref<384x128xf32, #tpu.memory_space<vmem>>, vector<384x128xf32>
    %dot_general3A_28 = arith.constant dense<0.000000e+00> : vector<1x384xf32>
    %dot_general3A_29 = tpu.matmul %get3A_24, %get3A_27, %dot_general3A_28 {dimension_numbers = #tpu.dot_dimension_numbers<[1], [1], [0], [0], [0, 0, 1, 0], [], []>, transpose_lhs_hint = false} : vector<1x128xf32>, vector<384x128xf32>, vector<1x384xf32> -> vector<1x384xf32>
    %get3A_30 = arith.constant 0 : index
    %get3A_31 = arith.constant 0 : index
    %get3A_32 = vector.load %arg8[%get3A_30, %get3A_31] : memref<1x384xf32, #tpu.memory_space<vmem>>, vector<1x384xf32>
    %add3A_33 = arith.addf %dot_general3A_29, %get3A_32 : vector<1x384xf32>
    %get3A_34 = arith.constant 0 : index
    %get3A_35 = arith.constant 0 : index
    %get3A_36 = vector.load %arg5[%get3A_34, %get3A_35] : memref<384x128xf32, #tpu.memory_space<vmem>>, vector<384x128xf32>
    %transpose3A = tpu.transpose %get3A_36, [1, 0] : vector<384x128xf32> -> vector<128x384xf32>
    %get3A_37 = arith.constant 0 : index
    %get3A_38 = arith.constant 0 : index
    %get3A_39 = vector.load %arg9[%get3A_37, %get3A_38] : memref<384x128xf32, #tpu.memory_space<vmem>>, vector<384x128xf32>
    %transpose3A_40 = tpu.transpose %get3A_39, [1, 0] : vector<384x128xf32> -> vector<128x384xf32>
    %get3A_41 = arith.constant 0 : index
    %get3A_42 = arith.constant 0 : index
    %get3A_43 = vector.load %arg6[%get3A_41, %get3A_42] : memref<1x384xf32, #tpu.memory_space<vmem>>, vector<1x384xf32>
    %get3A_44 = arith.constant 0 : index
    %get3A_45 = arith.constant 0 : index
    %get3A_46 = vector.load %arg10[%get3A_44, %get3A_45] : memref<1x384xf32, #tpu.memory_space<vmem>>, vector<1x384xf32>
    %slice3A = vector.extract_strided_slice %add3A {offsets = [0, 0], sizes = [1, 256], strides = [1, 1]} : vector<1x384xf32> to vector<1x256xf32>
    %slice3A_47 = vector.extract_strided_slice %get3A_43 {offsets = [0, 0], sizes = [1, 256], strides = [1, 1]} : vector<1x384xf32> to vector<1x256xf32>
    %add3A_48 = arith.addf %slice3A, %slice3A_47 : vector<1x256xf32>
    %slice3A_49 = vector.extract_strided_slice %add3A_33 {offsets = [0, 0], sizes = [1, 256], strides = [1, 1]} : vector<1x384xf32> to vector<1x256xf32>
    %slice3A_50 = vector.extract_strided_slice %get3A_46 {offsets = [0, 0], sizes = [1, 256], strides = [1, 1]} : vector<1x384xf32> to vector<1x256xf32>
    %add3A_51 = arith.addf %slice3A_49, %slice3A_50 : vector<1x256xf32>
    %slice3A_52 = vector.extract_strided_slice %add3A {offsets = [0, 256], sizes = [1, 128], strides = [1, 1]} : vector<1x384xf32> to vector<1x128xf32>
    %slice3A_53 = vector.extract_strided_slice %add3A_33 {offsets = [0, 256], sizes = [1, 128], strides = [1, 1]} : vector<1x384xf32> to vector<1x128xf32>
    %slice3A_54 = vector.extract_strided_slice %get3A_43 {offsets = [0, 256], sizes = [1, 128], strides = [1, 1]} : vector<1x384xf32> to vector<1x128xf32>
    %slice3A_55 = vector.extract_strided_slice %get3A_46 {offsets = [0, 256], sizes = [1, 128], strides = [1, 1]} : vector<1x384xf32> to vector<1x128xf32>
    %broadcast_in_dim3A = arith.constant 0.000000e+00 : f32
    %broadcast_in_dim3A_56 = vector.broadcast %broadcast_in_dim3A : f32 to vector<512x256xf32>
    %swap3A = arith.constant 0 : index
    %swap3A_57 = arith.constant 0 : index
    %swap3A_58 = vector.load %arg12[%swap3A, %swap3A_57] : memref<512x256xf32, #tpu.memory_space<vmem>>, vector<512x256xf32>
    tpu.vector_store %arg12[%swap3A, %swap3A_57], %broadcast_in_dim3A_56 {strides = array<i32>} : memref<512x256xf32, #tpu.memory_space<vmem>>, vector<512x256xf32>,
    %broadcast_in_dim3A_59 = arith.constant 0xFF800000 : f32
    %broadcast_in_dim3A_60 = vector.broadcast %broadcast_in_dim3A_59 : f32 to vector<512x256xf32>
    %swap3A_61 = arith.constant 0 : index
    %swap3A_62 = arith.constant 0 : index
    %swap3A_63 = vector.load %arg13[%swap3A_61, %swap3A_62] : memref<512x256xf32, #tpu.memory_space<vmem>>, vector<512x256xf32>
    tpu.vector_store %arg13[%swap3A_61, %swap3A_62], %broadcast_in_dim3A_60 {strides = array<i32>} : memref<512x256xf32, #tpu.memory_space<vmem>>, vector<512x256xf32>,
    %scan3A = arith.constant 0 : i32
    %scan3A_64 = arith.constant 25 : i32
    %scan3A_65 = arith.addi %scan3A, %scan3A_64 : i32
    %scan3A_66 = arith.constant 1 : i32
    scf.for %scan3A_74 = %scan3A to %scan3A_65 step %scan3A_66  : i32 {
      %mul3A = arith.constant 2 : i32
      %mul3A_75 = arith.muli %mul3A, %scan3A_74 : i32
      %get3A_76 = arith.index_cast %mul3A_75 : i32 to index
      %get3A_77 = arith.constant 0 : index
      %get3A_78 = arith.constant 0 : index
      %get3A_79 = vector.load %arg0[%get3A_76, %get3A_77, %get3A_78] : memref<50x512x128xf32, #tpu.memory_space<vmem>>, vector<1x512x128xf32>
      %get3A_80 = vector.shape_cast %get3A_79 : vector<1x512x128xf32> to vector<512x128xf32>
      %dot_general3A_81 = arith.constant dense<0.000000e+00> : vector<512x384xf32>
      %dot_general3A_82 = tpu.matmul %get3A_80, %dot_general3A_5, %dot_general3A_81 {dimension_numbers = #tpu.dot_dimension_numbers<[1], [0], [0], [1], [0, 0, 1, 1], [], []>, transpose_lhs_hint = false} : vector<512x128xf32>, vector<128x384xf32>, vector<512x384xf32> -> vector<512x384xf32>
      %sub3A = arith.constant 49 : i32
      %sub3A_83 = arith.subi %sub3A, %mul3A_75 : i32
      %get3A_84 = arith.index_cast %sub3A_83 : i32 to index
      %get3A_85 = arith.constant 0 : index
      %get3A_86 = arith.constant 0 : index
      %get3A_87 = vector.load %arg0[%get3A_84, %get3A_85, %get3A_86] : memref<50x512x128xf32, #tpu.memory_space<vmem>>, vector<1x512x128xf32>
      %get3A_88 = vector.shape_cast %get3A_87 : vector<1x512x128xf32> to vector<512x128xf32>
      %dot_general3A_89 = arith.constant dense<0.000000e+00> : vector<512x384xf32>
      %dot_general3A_90 = tpu.matmul %get3A_88, %dot_general3A_10, %dot_general3A_89 {dimension_numbers = #tpu.dot_dimension_numbers<[1], [0], [0], [1], [0, 0, 1, 1], [], []>, transpose_lhs_hint = false} : vector<512x128xf32>, vector<128x384xf32>, vector<512x384xf32> -> vector<512x384xf32>
      %get3A_91 = arith.constant 0 : index
      %get3A_92 = arith.constant 0 : index
      %get3A_93 = vector.load %arg12[%get3A_91, %get3A_92] : memref<512x256xf32, #tpu.memory_space<vmem>>, vector<512x256xf32>
      %slice3A_94 = vector.extract_strided_slice %get3A_93 {offsets = [0, 0], sizes = [512, 128], strides = [1, 1]} : vector<512x256xf32> to vector<512x128xf32>
      %dot_general3A_95 = arith.constant dense<0.000000e+00> : vector<512x384xf32>
      %dot_general3A_96 = tpu.matmul %slice3A_94, %transpose3A, %dot_general3A_95 {dimension_numbers = #tpu.dot_dimension_numbers<[1], [0], [0], [1], [0, 0, 1, 1], [], []>, transpose_lhs_hint = false} : vector<512x128xf32>, vector<128x384xf32>, vector<512x384xf32> -> vector<512x384xf32>
      %slice3A_97 = vector.extract_strided_slice %get3A_93 {offsets = [0, 128], sizes = [512, 128], strides = [1, 1]} : vector<512x256xf32> to vector<512x128xf32>
      %dot_general3A_98 = arith.constant dense<0.000000e+00> : vector<512x384xf32>
      %dot_general3A_99 = tpu.matmul %slice3A_97, %transpose3A_40, %dot_general3A_98 {dimension_numbers = #tpu.dot_dimension_numbers<[1], [0], [0], [1], [0, 0, 1, 1], [], []>, transpose_lhs_hint = false} : vector<512x128xf32>, vector<128x384xf32>, vector<512x384xf32> -> vector<512x384xf32>
      %slice3A_100 = vector.extract_strided_slice %get3A_93 {offsets = [0, 0], sizes = [512, 128], strides = [1, 1]} : vector<512x256xf32> to vector<512x128xf32>
      %slice3A_101 = vector.extract_strided_slice %dot_general3A_82 {offsets = [0, 0], sizes = [512, 256], strides = [1, 1]} : vector<512x384xf32> to vector<512x256xf32>
      %slice3A_102 = vector.extract_strided_slice %dot_general3A_96 {offsets = [0, 0], sizes = [512, 256], strides = [1, 1]} : vector<512x384xf32> to vector<512x256xf32>
      %add3A_103 = arith.addf %slice3A_101, %slice3A_102 : vector<512x256xf32>
      %add3A_104 = vector.broadcast %add3A_48 : vector<1x256xf32> to vector<512x256xf32>
      %add3A_105 = arith.addf %add3A_103, %add3A_104 : vector<512x256xf32>
      %slice3A_106 = vector.extract_strided_slice %add3A_105 {offsets = [0, 0], sizes = [512, 128], strides = [1, 1]} : vector<512x256xf32> to vector<512x128xf32>
      %mul3A_107 = arith.constant 5.000000e-01 : f32
      %mul3A_108 = vector.broadcast %mul3A_107 : f32 to vector<512x128xf32>
      %mul3A_109 = arith.mulf %mul3A_108, %slice3A_106 : vector<512x128xf32>
      %tanh3A = math.tanh %mul3A_109 : vector<512x128xf32>
      %mul3A_110 = arith.constant 5.000000e-01 : f32
      %mul3A_111 = vector.broadcast %mul3A_110 : f32 to vector<512x128xf32>
      %mul3A_112 = arith.mulf %mul3A_111, %tanh3A : vector<512x128xf32>
      %add3A_113 = arith.constant 5.000000e-01 : f32
      %add3A_114 = vector.broadcast %add3A_113 : f32 to vector<512x128xf32>
      %add3A_115 = arith.addf %mul3A_112, %add3A_114 : vector<512x128xf32>
      %slice3A_116 = vector.extract_strided_slice %add3A_105 {offsets = [0, 128], sizes = [512, 128], strides = [1, 1]} : vector<512x256xf32> to vector<512x128xf32>
      %mul3A_117 = arith.constant 5.000000e-01 : f32
      %mul3A_118 = vector.broadcast %mul3A_117 : f32 to vector<512x128xf32>
      %mul3A_119 = arith.mulf %mul3A_118, %slice3A_116 : vector<512x128xf32>
      %tanh3A_120 = math.tanh %mul3A_119 : vector<512x128xf32>
      %mul3A_121 = arith.constant 5.000000e-01 : f32
      %mul3A_122 = vector.broadcast %mul3A_121 : f32 to vector<512x128xf32>
      %mul3A_123 = arith.mulf %mul3A_122, %tanh3A_120 : vector<512x128xf32>
      %add3A_124 = arith.constant 5.000000e-01 : f32
      %add3A_125 = vector.broadcast %add3A_124 : f32 to vector<512x128xf32>
      %add3A_126 = arith.addf %mul3A_123, %add3A_125 : vector<512x128xf32>
      %slice3A_127 = vector.extract_strided_slice %dot_general3A_82 {offsets = [0, 256], sizes = [512, 128], strides = [1, 1]} : vector<512x384xf32> to vector<512x128xf32>
      %add3A_128 = vector.broadcast %slice3A_52 : vector<1x128xf32> to vector<512x128xf32>
      %add3A_129 = arith.addf %slice3A_127, %add3A_128 : vector<512x128xf32>
      %slice3A_130 = vector.extract_strided_slice %dot_general3A_96 {offsets = [0, 256], sizes = [512, 128], strides = [1, 1]} : vector<512x384xf32> to vector<512x128xf32>
      %add3A_131 = vector.broadcast %slice3A_54 : vector<1x128xf32> to vector<512x128xf32>
      %add3A_132 = arith.addf %slice3A_130, %add3A_131 : vector<512x128xf32>
      %mul3A_133 = arith.mulf %add3A_115, %add3A_132 : vector<512x128xf32>
      %add3A_134 = arith.addf %add3A_129, %mul3A_133 : vector<512x128xf32>
      %tanh3A_135 = math.tanh %add3A_134 : vector<512x128xf32>
      %sub3A_136 = arith.subf %slice3A_100, %tanh3A_135 : vector<512x128xf32>
      %mul3A_137 = arith.mulf %add3A_126, %sub3A_136 : vector<512x128xf32>
      %add3A_138 = arith.addf %tanh3A_135, %mul3A_137 : vector<512x128xf32>
      %slice3A_139 = vector.extract_strided_slice %get3A_93 {offsets = [0, 128], sizes = [512, 128], strides = [1, 1]} : vector<512x256xf32> to vector<512x128xf32>
      %slice3A_140 = vector.extract_strided_slice %dot_general3A_90 {offsets = [0, 0], sizes = [512, 256], strides = [1, 1]} : vector<512x384xf32> to vector<512x256xf32>
      %slice3A_141 = vector.extract_strided_slice %dot_general3A_99 {offsets = [0, 0], sizes = [512, 256], strides = [1, 1]} : vector<512x384xf32> to vector<512x256xf32>
      %add3A_142 = arith.addf %slice3A_140, %slice3A_141 : vector<512x256xf32>
      %add3A_143 = vector.broadcast %add3A_51 : vector<1x256xf32> to vector<512x256xf32>
      %add3A_144 = arith.addf %add3A_142, %add3A_143 : vector<512x256xf32>
      %slice3A_145 = vector.extract_strided_slice %add3A_144 {offsets = [0, 0], sizes = [512, 128], strides = [1, 1]} : vector<512x256xf32> to vector<512x128xf32>
      %mul3A_146 = arith.constant 5.000000e-01 : f32
      %mul3A_147 = vector.broadcast %mul3A_146 : f32 to vector<512x128xf32>
      %mul3A_148 = arith.mulf %mul3A_147, %slice3A_145 : vector<512x128xf32>
      %tanh3A_149 = math.tanh %mul3A_148 : vector<512x128xf32>
      %mul3A_150 = arith.constant 5.000000e-01 : f32
      %mul3A_151 = vector.broadcast %mul3A_150 : f32 to vector<512x128xf32>
      %mul3A_152 = arith.mulf %mul3A_151, %tanh3A_149 : vector<512x128xf32>
      %add3A_153 = arith.constant 5.000000e-01 : f32
      %add3A_154 = vector.broadcast %add3A_153 : f32 to vector<512x128xf32>
      %add3A_155 = arith.addf %mul3A_152, %add3A_154 : vector<512x128xf32>
      %slice3A_156 = vector.extract_strided_slice %add3A_144 {offsets = [0, 128], sizes = [512, 128], strides = [1, 1]} : vector<512x256xf32> to vector<512x128xf32>
      %mul3A_157 = arith.constant 5.000000e-01 : f32
      %mul3A_158 = vector.broadcast %mul3A_157 : f32 to vector<512x128xf32>
      %mul3A_159 = arith.mulf %mul3A_158, %slice3A_156 : vector<512x128xf32>
      %tanh3A_160 = math.tanh %mul3A_159 : vector<512x128xf32>
      %mul3A_161 = arith.constant 5.000000e-01 : f32
      %mul3A_162 = vector.broadcast %mul3A_161 : f32 to vector<512x128xf32>
      %mul3A_163 = arith.mulf %mul3A_162, %tanh3A_160 : vector<512x128xf32>
      %add3A_164 = arith.constant 5.000000e-01 : f32
      %add3A_165 = vector.broadcast %add3A_164 : f32 to vector<512x128xf32>
      %add3A_166 = arith.addf %mul3A_163, %add3A_165 : vector<512x128xf32>
      %slice3A_167 = vector.extract_strided_slice %dot_general3A_90 {offsets = [0, 256], sizes = [512, 128], strides = [1, 1]} : vector<512x384xf32> to vector<512x128xf32>
      %add3A_168 = vector.broadcast %slice3A_53 : vector<1x128xf32> to vector<512x128xf32>
      %add3A_169 = arith.addf %slice3A_167, %add3A_168 : vector<512x128xf32>
      %slice3A_170 = vector.extract_strided_slice %dot_general3A_99 {offsets = [0, 256], sizes = [512, 128], strides = [1, 1]} : vector<512x384xf32> to vector<512x128xf32>
      %add3A_171 = vector.broadcast %slice3A_55 : vector<1x128xf32> to vector<512x128xf32>
      %add3A_172 = arith.addf %slice3A_170, %add3A_171 : vector<512x128xf32>
      %mul3A_173 = arith.mulf %add3A_155, %add3A_172 : vector<512x128xf32>
      %add3A_174 = arith.addf %add3A_169, %mul3A_173 : vector<512x128xf32>
      %tanh3A_175 = math.tanh %add3A_174 : vector<512x128xf32>
      %sub3A_176 = arith.subf %slice3A_139, %tanh3A_175 : vector<512x128xf32>
      %mul3A_177 = arith.mulf %add3A_166, %sub3A_176 : vector<512x128xf32>
      %add3A_178 = arith.addf %tanh3A_175, %mul3A_177 : vector<512x128xf32>
      %swap3A_179 = arith.constant 0 : index
      %swap3A_180 = arith.constant 0 : index
      %swap3A_181 = vector.load %arg12[%swap3A_179, %swap3A_180] : memref<512x256xf32, #tpu.memory_space<vmem>>, vector<512x128xf32>
      tpu.vector_store %arg12[%swap3A_179, %swap3A_180], %add3A_138 {strides = array<i32>} : memref<512x256xf32, #tpu.memory_space<vmem>>, vector<512x128xf32>,
      %swap3A_182 = arith.constant 0 : index
      %swap3A_183 = arith.constant 128 : index
      %swap3A_184 = vector.load %arg12[%swap3A_182, %swap3A_183] : memref<512x256xf32, #tpu.memory_space<vmem>>, vector<512x128xf32>
      tpu.vector_store %arg12[%swap3A_182, %swap3A_183], %add3A_178 {strides = array<i32>} : memref<512x256xf32, #tpu.memory_space<vmem>>, vector<512x128xf32>,
      %get3A_185 = arith.constant 0 : index
      %get3A_186 = arith.constant 0 : index
      %get3A_187 = vector.load %arg13[%get3A_185, %get3A_186] : memref<512x256xf32, #tpu.memory_space<vmem>>, vector<512x128xf32>
      %max3A = arith.maximumf %get3A_187, %add3A_138 : vector<512x128xf32>
      %swap3A_188 = arith.constant 0 : index
      %swap3A_189 = arith.constant 0 : index
      %swap3A_190 = vector.load %arg13[%swap3A_188, %swap3A_189] : memref<512x256xf32, #tpu.memory_space<vmem>>, vector<512x128xf32>
      tpu.vector_store %arg13[%swap3A_188, %swap3A_189], %max3A {strides = array<i32>} : memref<512x256xf32, #tpu.memory_space<vmem>>, vector<512x128xf32>,
      %get3A_191 = arith.constant 0 : index
      %get3A_192 = arith.constant 128 : index
      %get3A_193 = vector.load %arg13[%get3A_191, %get3A_192] : memref<512x256xf32, #tpu.memory_space<vmem>>, vector<512x128xf32>
      %max3A_194 = arith.maximumf %get3A_193, %add3A_178 : vector<512x128xf32>
      %swap3A_195 = arith.constant 0 : index
      %swap3A_196 = arith.constant 128 : index
      %swap3A_197 = vector.load %arg13[%swap3A_195, %swap3A_196] : memref<512x256xf32, #tpu.memory_space<vmem>>, vector<512x128xf32>
      tpu.vector_store %arg13[%swap3A_195, %swap3A_196], %max3A_194 {strides = array<i32>} : memref<512x256xf32, #tpu.memory_space<vmem>>, vector<512x128xf32>,
      %mul3A_198 = arith.constant 2 : i32
      %mul3A_199 = arith.muli %mul3A_198, %scan3A_74 : i32
      %add3A_200 = arith.constant 1 : i32
      %add3A_201 = arith.addi %mul3A_199, %add3A_200 : i32
      %get3A_202 = arith.index_cast %add3A_201 : i32 to index
      %get3A_203 = arith.constant 0 : index
      %get3A_204 = arith.constant 0 : index
      %get3A_205 = vector.load %arg0[%get3A_202, %get3A_203, %get3A_204] : memref<50x512x128xf32, #tpu.memory_space<vmem>>, vector<1x512x128xf32>
      %get3A_206 = vector.shape_cast %get3A_205 : vector<1x512x128xf32> to vector<512x128xf32>
      %dot_general3A_207 = arith.constant dense<0.000000e+00> : vector<512x384xf32>
      %dot_general3A_208 = tpu.matmul %get3A_206, %dot_general3A_5, %dot_general3A_207 {dimension_numbers = #tpu.dot_dimension_numbers<[1], [0], [0], [1], [0, 0, 1, 1], [], []>, transpose_lhs_hint = false} : vector<512x128xf32>, vector<128x384xf32>, vector<512x384xf32> -> vector<512x384xf32>
      %sub3A_209 = arith.constant 49 : i32
      %sub3A_210 = arith.subi %sub3A_209, %add3A_201 : i32
      %get3A_211 = arith.index_cast %sub3A_210 : i32 to index
      %get3A_212 = arith.constant 0 : index
      %get3A_213 = arith.constant 0 : index
      %get3A_214 = vector.load %arg0[%get3A_211, %get3A_212, %get3A_213] : memref<50x512x128xf32, #tpu.memory_space<vmem>>, vector<1x512x128xf32>
      %get3A_215 = vector.shape_cast %get3A_214 : vector<1x512x128xf32> to vector<512x128xf32>
      %dot_general3A_216 = arith.constant dense<0.000000e+00> : vector<512x384xf32>
      %dot_general3A_217 = tpu.matmul %get3A_215, %dot_general3A_10, %dot_general3A_216 {dimension_numbers = #tpu.dot_dimension_numbers<[1], [0], [0], [1], [0, 0, 1, 1], [], []>, transpose_lhs_hint = false} : vector<512x128xf32>, vector<128x384xf32>, vector<512x384xf32> -> vector<512x384xf32>
      %get3A_218 = arith.constant 0 : index
      %get3A_219 = arith.constant 0 : index
      %get3A_220 = vector.load %arg12[%get3A_218, %get3A_219] : memref<512x256xf32, #tpu.memory_space<vmem>>, vector<512x256xf32>
      %slice3A_221 = vector.extract_strided_slice %get3A_220 {offsets = [0, 0], sizes = [512, 128], strides = [1, 1]} : vector<512x256xf32> to vector<512x128xf32>
      %dot_general3A_222 = arith.constant dense<0.000000e+00> : vector<512x384xf32>
      %dot_general3A_223 = tpu.matmul %slice3A_221, %transpose3A, %dot_general3A_222 {dimension_numbers = #tpu.dot_dimension_numbers<[1], [0], [0], [1], [0, 0, 1, 1], [], []>, transpose_lhs_hint = false} : vector<512x128xf32>, vector<128x384xf32>, vector<512x384xf32> -> vector<512x384xf32>
      %slice3A_224 = vector.extract_strided_slice %get3A_220 {offsets = [0, 128], sizes = [512, 128], strides = [1, 1]} : vector<512x256xf32> to vector<512x128xf32>
      %dot_general3A_225 = arith.constant dense<0.000000e+00> : vector<512x384xf32>
      %dot_general3A_226 = tpu.matmul %slice3A_224, %transpose3A_40, %dot_general3A_225 {dimension_numbers = #tpu.dot_dimension_numbers<[1], [0], [0], [1], [0, 0, 1, 1], [], []>, transpose_lhs_hint = false} : vector<512x128xf32>, vector<128x384xf32>, vector<512x384xf32> -> vector<512x384xf32>
      %slice3A_227 = vector.extract_strided_slice %get3A_220 {offsets = [0, 0], sizes = [512, 128], strides = [1, 1]} : vector<512x256xf32> to vector<512x128xf32>
      %slice3A_228 = vector.extract_strided_slice %dot_general3A_208 {offsets = [0, 0], sizes = [512, 256], strides = [1, 1]} : vector<512x384xf32> to vector<512x256xf32>
      %slice3A_229 = vector.extract_strided_slice %dot_general3A_223 {offsets = [0, 0], sizes = [512, 256], strides = [1, 1]} : vector<512x384xf32> to vector<512x256xf32>
      %add3A_230 = arith.addf %slice3A_228, %slice3A_229 : vector<512x256xf32>
      %add3A_231 = vector.broadcast %add3A_48 : vector<1x256xf32> to vector<512x256xf32>
      %add3A_232 = arith.addf %add3A_230, %add3A_231 : vector<512x256xf32>
      %slice3A_233 = vector.extract_strided_slice %add3A_232 {offsets = [0, 0], sizes = [512, 128], strides = [1, 1]} : vector<512x256xf32> to vector<512x128xf32>
      %mul3A_234 = arith.constant 5.000000e-01 : f32
      %mul3A_235 = vector.broadcast %mul3A_234 : f32 to vector<512x128xf32>
      %mul3A_236 = arith.mulf %mul3A_235, %slice3A_233 : vector<512x128xf32>
      %tanh3A_237 = math.tanh %mul3A_236 : vector<512x128xf32>
      %mul3A_238 = arith.constant 5.000000e-01 : f32
      %mul3A_239 = vector.broadcast %mul3A_238 : f32 to vector<512x128xf32>
      %mul3A_240 = arith.mulf %mul3A_239, %tanh3A_237 : vector<512x128xf32>
      %add3A_241 = arith.constant 5.000000e-01 : f32
      %add3A_242 = vector.broadcast %add3A_241 : f32 to vector<512x128xf32>
      %add3A_243 = arith.addf %mul3A_240, %add3A_242 : vector<512x128xf32>
      %slice3A_244 = vector.extract_strided_slice %add3A_232 {offsets = [0, 128], sizes = [512, 128], strides = [1, 1]} : vector<512x256xf32> to vector<512x128xf32>
      %mul3A_245 = arith.constant 5.000000e-01 : f32
      %mul3A_246 = vector.broadcast %mul3A_245 : f32 to vector<512x128xf32>
      %mul3A_247 = arith.mulf %mul3A_246, %slice3A_244 : vector<512x128xf32>
      %tanh3A_248 = math.tanh %mul3A_247 : vector<512x128xf32>
      %mul3A_249 = arith.constant 5.000000e-01 : f32
      %mul3A_250 = vector.broadcast %mul3A_249 : f32 to vector<512x128xf32>
      %mul3A_251 = arith.mulf %mul3A_250, %tanh3A_248 : vector<512x128xf32>
      %add3A_252 = arith.constant 5.000000e-01 : f32
      %add3A_253 = vector.broadcast %add3A_252 : f32 to vector<512x128xf32>
      %add3A_254 = arith.addf %mul3A_251, %add3A_253 : vector<512x128xf32>
      %slice3A_255 = vector.extract_strided_slice %dot_general3A_208 {offsets = [0, 256], sizes = [512, 128], strides = [1, 1]} : vector<512x384xf32> to vector<512x128xf32>
      %add3A_256 = vector.broadcast %slice3A_52 : vector<1x128xf32> to vector<512x128xf32>
      %add3A_257 = arith.addf %slice3A_255, %add3A_256 : vector<512x128xf32>
      %slice3A_258 = vector.extract_strided_slice %dot_general3A_223 {offsets = [0, 256], sizes = [512, 128], strides = [1, 1]} : vector<512x384xf32> to vector<512x128xf32>
      %add3A_259 = vector.broadcast %slice3A_54 : vector<1x128xf32> to vector<512x128xf32>
      %add3A_260 = arith.addf %slice3A_258, %add3A_259 : vector<512x128xf32>
      %mul3A_261 = arith.mulf %add3A_243, %add3A_260 : vector<512x128xf32>
      %add3A_262 = arith.addf %add3A_257, %mul3A_261 : vector<512x128xf32>
      %tanh3A_263 = math.tanh %add3A_262 : vector<512x128xf32>
      %sub3A_264 = arith.subf %slice3A_227, %tanh3A_263 : vector<512x128xf32>
      %mul3A_265 = arith.mulf %add3A_254, %sub3A_264 : vector<512x128xf32>
      %add3A_266 = arith.addf %tanh3A_263, %mul3A_265 : vector<512x128xf32>
      %slice3A_267 = vector.extract_strided_slice %get3A_220 {offsets = [0, 128], sizes = [512, 128], strides = [1, 1]} : vector<512x256xf32> to vector<512x128xf32>
      %slice3A_268 = vector.extract_strided_slice %dot_general3A_217 {offsets = [0, 0], sizes = [512, 256], strides = [1, 1]} : vector<512x384xf32> to vector<512x256xf32>
      %slice3A_269 = vector.extract_strided_slice %dot_general3A_226 {offsets = [0, 0], sizes = [512, 256], strides = [1, 1]} : vector<512x384xf32> to vector<512x256xf32>
      %add3A_270 = arith.addf %slice3A_268, %slice3A_269 : vector<512x256xf32>
      %add3A_271 = vector.broadcast %add3A_51 : vector<1x256xf32> to vector<512x256xf32>
      %add3A_272 = arith.addf %add3A_270, %add3A_271 : vector<512x256xf32>
      %slice3A_273 = vector.extract_strided_slice %add3A_272 {offsets = [0, 0], sizes = [512, 128], strides = [1, 1]} : vector<512x256xf32> to vector<512x128xf32>
      %mul3A_274 = arith.constant 5.000000e-01 : f32
      %mul3A_275 = vector.broadcast %mul3A_274 : f32 to vector<512x128xf32>
      %mul3A_276 = arith.mulf %mul3A_275, %slice3A_273 : vector<512x128xf32>
      %tanh3A_277 = math.tanh %mul3A_276 : vector<512x128xf32>
      %mul3A_278 = arith.constant 5.000000e-01 : f32
      %mul3A_279 = vector.broadcast %mul3A_278 : f32 to vector<512x128xf32>
      %mul3A_280 = arith.mulf %mul3A_279, %tanh3A_277 : vector<512x128xf32>
      %add3A_281 = arith.constant 5.000000e-01 : f32
      %add3A_282 = vector.broadcast %add3A_281 : f32 to vector<512x128xf32>
      %add3A_283 = arith.addf %mul3A_280, %add3A_282 : vector<512x128xf32>
      %slice3A_284 = vector.extract_strided_slice %add3A_272 {offsets = [0, 128], sizes = [512, 128], strides = [1, 1]} : vector<512x256xf32> to vector<512x128xf32>
      %mul3A_285 = arith.constant 5.000000e-01 : f32
      %mul3A_286 = vector.broadcast %mul3A_285 : f32 to vector<512x128xf32>
      %mul3A_287 = arith.mulf %mul3A_286, %slice3A_284 : vector<512x128xf32>
      %tanh3A_288 = math.tanh %mul3A_287 : vector<512x128xf32>
      %mul3A_289 = arith.constant 5.000000e-01 : f32
      %mul3A_290 = vector.broadcast %mul3A_289 : f32 to vector<512x128xf32>
      %mul3A_291 = arith.mulf %mul3A_290, %tanh3A_288 : vector<512x128xf32>
      %add3A_292 = arith.constant 5.000000e-01 : f32
      %add3A_293 = vector.broadcast %add3A_292 : f32 to vector<512x128xf32>
      %add3A_294 = arith.addf %mul3A_291, %add3A_293 : vector<512x128xf32>
      %slice3A_295 = vector.extract_strided_slice %dot_general3A_217 {offsets = [0, 256], sizes = [512, 128], strides = [1, 1]} : vector<512x384xf32> to vector<512x128xf32>
      %add3A_296 = vector.broadcast %slice3A_53 : vector<1x128xf32> to vector<512x128xf32>
      %add3A_297 = arith.addf %slice3A_295, %add3A_296 : vector<512x128xf32>
      %slice3A_298 = vector.extract_strided_slice %dot_general3A_226 {offsets = [0, 256], sizes = [512, 128], strides = [1, 1]} : vector<512x384xf32> to vector<512x128xf32>
      %add3A_299 = vector.broadcast %slice3A_55 : vector<1x128xf32> to vector<512x128xf32>
      %add3A_300 = arith.addf %slice3A_298, %add3A_299 : vector<512x128xf32>
      %mul3A_301 = arith.mulf %add3A_283, %add3A_300 : vector<512x128xf32>
      %add3A_302 = arith.addf %add3A_297, %mul3A_301 : vector<512x128xf32>
      %tanh3A_303 = math.tanh %add3A_302 : vector<512x128xf32>
      %sub3A_304 = arith.subf %slice3A_267, %tanh3A_303 : vector<512x128xf32>
      %mul3A_305 = arith.mulf %add3A_294, %sub3A_304 : vector<512x128xf32>
      %add3A_306 = arith.addf %tanh3A_303, %mul3A_305 : vector<512x128xf32>
      %swap3A_307 = arith.constant 0 : index
      %swap3A_308 = arith.constant 0 : index
      %swap3A_309 = vector.load %arg12[%swap3A_307, %swap3A_308] : memref<512x256xf32, #tpu.memory_space<vmem>>, vector<512x128xf32>
      tpu.vector_store %arg12[%swap3A_307, %swap3A_308], %add3A_266 {strides = array<i32>} : memref<512x256xf32, #tpu.memory_space<vmem>>, vector<512x128xf32>,
      %swap3A_310 = arith.constant 0 : index
      %swap3A_311 = arith.constant 128 : index
      %swap3A_312 = vector.load %arg12[%swap3A_310, %swap3A_311] : memref<512x256xf32, #tpu.memory_space<vmem>>, vector<512x128xf32>
      tpu.vector_store %arg12[%swap3A_310, %swap3A_311], %add3A_306 {strides = array<i32>} : memref<512x256xf32, #tpu.memory_space<vmem>>, vector<512x128xf32>,
      %get3A_313 = arith.constant 0 : index
      %get3A_314 = arith.constant 0 : index
      %get3A_315 = vector.load %arg13[%get3A_313, %get3A_314] : memref<512x256xf32, #tpu.memory_space<vmem>>, vector<512x128xf32>
      %max3A_316 = arith.maximumf %get3A_315, %add3A_266 : vector<512x128xf32>
      %swap3A_317 = arith.constant 0 : index
      %swap3A_318 = arith.constant 0 : index
      %swap3A_319 = vector.load %arg13[%swap3A_317, %swap3A_318] : memref<512x256xf32, #tpu.memory_space<vmem>>, vector<512x128xf32>
      tpu.vector_store %arg13[%swap3A_317, %swap3A_318], %max3A_316 {strides = array<i32>} : memref<512x256xf32, #tpu.memory_space<vmem>>, vector<512x128xf32>,
      %get3A_320 = arith.constant 0 : index
      %get3A_321 = arith.constant 128 : index
      %get3A_322 = vector.load %arg13[%get3A_320, %get3A_321] : memref<512x256xf32, #tpu.memory_space<vmem>>, vector<512x128xf32>
      %max3A_323 = arith.maximumf %get3A_322, %add3A_306 : vector<512x128xf32>
      %swap3A_324 = arith.constant 0 : index
      %swap3A_325 = arith.constant 128 : index
      %swap3A_326 = vector.load %arg13[%swap3A_324, %swap3A_325] : memref<512x256xf32, #tpu.memory_space<vmem>>, vector<512x128xf32>
      tpu.vector_store %arg13[%swap3A_324, %swap3A_325], %max3A_323 {strides = array<i32>} : memref<512x256xf32, #tpu.memory_space<vmem>>, vector<512x128xf32>,
    }
    %scan3A_67 = arith.constant 25 : i32
    %get3A_68 = arith.constant 0 : index
    %get3A_69 = arith.constant 0 : index
    %get3A_70 = vector.load %arg13[%get3A_68, %get3A_69] : memref<512x256xf32, #tpu.memory_space<vmem>>, vector<512x256xf32>
    %swap3A_71 = arith.constant 0 : index
    %swap3A_72 = arith.constant 0 : index
    %swap3A_73 = vector.load %arg11[%swap3A_71, %swap3A_72] : memref<512x256xf32, #tpu.memory_space<vmem>>, vector<512x256xf32>
    tpu.vector_store %arg11[%swap3A_71, %swap3A_72], %get3A_70 {strides = array<i32>} : memref<512x256xf32, #tpu.memory_space<vmem>>, vector<512x256xf32>,
    return
  }
}

</mosaic_0001>

<sc_bundles>
// kernel: kernel.6.cloned.1.call-start
scs
__scs_entry_jumppad:
0x0: {  	(pc) =	sbr.rel $0x88, $3  }
0x1: {  	(tag) =	ssettag $0x0;
	lr =	simm.s32 $0x1  }
0x2: {  	[smem:$0x3F95] =	sst lr;
	_ =	strace $0xD0000000  }
0x3: {  	_ = 	snop  }
0x4: {  	_ = 	snop  }
0x5: {  	_ = 	snop  }
0x6: {  	_ = 	snop  }
0x7: {  	_ = 	snop  }
__scs_overlays_trampoline_lowered:
0x8: {  	[smem:$0x3FA4] =	sst s0  }
0x9: {  	[smem:$0x3FA5] =	sst s1  }
0xa: {  	[smem:$0x3FA6] =	sst s2  }
0xb: {  	[smem:$0x3FA7] =	sst s3  }
0xc: {  	[smem:$0x3FA8] =	sst s4  }
0xd: {  	[smem:$0x3FA9] =	sst s5  }
0xe: {  	[smem:$0x3FAA] =	sst s6  }
0xf: {  	[smem:$0x3FAB] =	sst s7  }
0x10: {  	[smem:$0x3FAC] =	sst s8  }
0x11: {  	[smem:$0x3FAD] =	sst s9;
	s0 =	simm.s32 @!p0 $0x0  }
0x12: {  	s1 =	sld [smem:$0x3F93];
	s0 =	simm.s32 @p0 $0x1  }
0x13: {  	[smem:$0x3FAE] =	sst s0;
	s0 =	simm.s32 @!p1 $0x0  }
0x14: {  	s2 =	sld [smem:$0x3F92];
	s0 =	simm.s32 @p1 $0x1  }
0x15: {  	[smem:$0x3FAF] =	sst s0;
	s0 =	simm.s32 @!p2 $0x0  }
0x16: {  	s3 =	sld [smem:$0x3FDB];
	s0 =	simm.s32 @p2 $0x1  }
0x17: {  	s4 =	simm.s32 $0x1BF5;
	[smem:$0x3FB1] =	sst s0  }
0x18: {  	s0 =	sld [smem:$0x3F94];
	_ =	swait.ge [sflag:s4], $0x0  }
0x19: {  	s7 =	sld [smem:$0x3F95]  }
0x1a: {  	s8 =	sadd.s32 $0xFFFFE003, lr  }
0x1b: {  	s9 =	sadd.s32 $0xFFFFFEF7, lr;
	s5 =	simm.s32 $0xFFFFFFFF;
	p2 =	slt.u32 s8, $0xFFFFF086  }
0x1c: {  	p1 =	slt.u32 s9, $0xF7A;
	s5 =	simm.s32 @!p2 $0x0  }
0x1d: {  	s5 =	simm.s32 @p1 $0x1;
	p0 =	seq.s32 s7, s2  }
0x1e: {  	s7 =	smul.u32 @!p0 $0xF7A, s2;
	p2 =	seq.s32 @!p0 s5, $0x0  }
0x1f: {  	s9 =	smul.u32 $0xF7A, s1;
	s8 =	simm.s32 @!p0 $0x1BF5;
	p2 =	por !p2, p0  }
0x20: {  	[sflag:s8] =	ssyncset.s32 @!p0 $0xFFFFF086;
	s6 =	sadd.s32 @!p0 s3, s7;
	s7 =	simm.s32 @!p0 $0x108  }
0x21: {  	s3 =	sadd.s32 s3, s9;
	s6 =	sadd.s32 @!p0 $0x88, s6;
	s7 =	simm.s32 @p2 $0x1082  }
0x22: {  	[simem:s7], [sflag:s8] =	dma.local @!p0 [hbm:s6], $0xF7A  }
0x23: {  	s9 =	sor.u32 $0xD0000000, s2;
	s6 =	simm.s32 $0x108;
	_ =	swait.ge @!p0 [sflag:s8], $0x0  }
0x24: {  	s3 =	sadd.s32 $0x88, s3;
	s6 =	simm.s32 @!p1 $0x1082;
	[sflag:s4] =	ssyncset.s32 $0xFFFFF086  }
0x25: {  	[simem:s6], [sflag:s4] =	dma.local [hbm:s3], $0xF7A  }
0x26: {  	[smem:$0x3F95] =	sst s1;
	(tag) =	ssettag s2;
	_ =	strace s9  }
0x27: {  	s1 =	sld [smem:$0x3FA5]  }
0x28: {  	s2 =	sld [smem:$0x3FA6]  }
0x29: {  	s4 =	sld [smem:$0x3FA8]  }
0x2a: {  	p0 =	seq.s32 s5, $0x0;
	s5 =	sld [smem:$0x3FA9]  }
0x2b: {  	s6 =	sld [smem:$0x3FAA]  }
0x2c: {  	s7 =	sld [smem:$0x3FAB]  }
0x2d: {  	s3 =	simm.s32 $0x108;
	s8 =	sld [smem:$0x3FAC]  }
0x2e: {  	s3 =	simm.s32 @!p0 $0x1082;
	s9 =	sld [smem:$0x3FAD]  }
0x2f: {  	lr =	sadd.s32 s0, s3;
	s0 =	sld [smem:$0x3FA4]  }
0x30: {  	s3 =	sld [smem:$0x3FA7]  }
0x31: {  	[smem:$0x3FB0] =	sst s10  }
0x32: {  	s10 =	sld [smem:$0x3FAE];
	_ =	sdelay $0x3  }
0x33: {  	p0 =	seq.s32 s10, $0x1;
	s10 =	sld [smem:$0x3FB0];
	_ =	sdelay $0x3  }
0x34: {  	[smem:$0x3FB0] =	sst s10  }
0x35: {  	s10 =	sld [smem:$0x3FAF];
	_ =	sdelay $0x3  }
0x36: {  	p1 =	seq.s32 s10, $0x1;
	s10 =	sld [smem:$0x3FB0];
	_ =	sdelay $0x3  }
0x37: {  	[smem:$0x3FB0] =	sst s10  }
0x38: {  	s10 =	sld [smem:$0x3FB1]  }
0x39: {  	_ = 	snop;
	(pc) =	sbr.ind lr, $3  }
0x3a: {  	_ = 	snop  }
0x3b: {  	_ = 	snop  }
0x3c: {  	p2 =	seq.s32 s10, $0x1;
	s10 =	sld [smem:$0x3FB0]  }
0x3d: {  	_ =	shalt  }
0x3e: {  	_ =	shalt  }
0x3f: {  	_ =	shalt  }
0x40: {  	_ =	shalt  }
0x41: {  	_ =	shalt  }
0x42: {  	_ =	shalt  }
0x43: {  	_ =	shalt  }
0x44: {  	_ =	shalt  }
0x45: {  	_ =	shalt  }
0x46: {  	_ =	shalt  }
0x47: {  	_ =	shalt  }
0x48: {  	_ =	shalt  }
0x49: {  	_ =	shalt  }
0x4a: {  	_ =	shalt  }
0x4b: {  	_ =	shalt  }
0x4c: {  	_ =	shalt  }
0x4d: {  	_ =	shalt  }
0x4e: {  	_ =	shalt  }
0x4f: {  	_ =	shalt  }
0x50: {  	_ =	shalt  }
0x51: {  	_ =	shalt  }
0x52: {  	_ =	shalt  }
0x53: {  	_ =	shalt  }
0x54: {  	_ =	shalt  }
0x55: {  	_ =	shalt  }
0x56: {  	_ =	shalt  }
0x57: {  	_ =	shalt  }
0x58: {  	_ =	shalt  }
0x59: {  	_ =	shalt  }
0x5a: {  	_ =	shalt  }
0x5b: {  	_ =	shalt  }
0x5c: {  	_ =	shalt  }
0x5d: {  	_ =	shalt  }
0x5e: {  	_ =	shalt  }
0x5f: {  	_ =	shalt  }
0x60: {  	_ =	shalt  }
0x61: {  	_ =	shalt  }
0x62: {  	_ =	shalt  }
0x63: {  	_ =	shalt  }
0x64: {  	_ =	shalt  }
0x65: {  	_ =	shalt  }
0x66: {  	_ =	shalt  }
0x67: {  	_ =	shalt  }
0x68: {  	_ =	shalt  }
0x69: {  	_ =	shalt  }
0x6a: {  	_ =	shalt  }
0x6b: {  	_ =	shalt  }
0x6c: {  	_ =	shalt  }
0x6d: {  	_ =	shalt  }
0x6e: {  	_ =	shalt  }
0x6f: {  	_ =	shalt  }
0x70: {  	_ =	shalt  }
0x71: {  	_ =	shalt  }
0x72: {  	_ =	shalt  }
0x73: {  	_ =	shalt  }
0x74: {  	_ =	shalt  }
0x75: {  	_ =	shalt  }
0x76: {  	_ =	shalt  }
0x77: {  	_ =	shalt  }
0x78: {  	_ =	shalt  }
0x79: {  	_ =	shalt  }
0x7a: {  	_ =	shalt  }
0x7b: {  	_ =	shalt  }
0x7c: {  	_ =	shalt  }
0x7d: {  	_ =	shalt  }
0x7e: {  	_ =	shalt  }
0x7f: {  	_ =	shalt  }
0x80: {  	_ =	shalt  }
0x81: {  	_ =	shalt  }
0x82: {  	_ =	shalt  }
0x83: {  	_ =	shalt  }
0x84: {  	_ =	shalt  }
0x85: {  	_ =	shalt  }
0x86: {  	_ =	shalt  }
0x87: {  	_ =	shalt  }
.Lfunc_end0:
.L_simem_size_0:
called_computation_lowered:
.L_overlay_start_0:
0x88: {  	s2 =	sld [smem:$0x3FD9]  }
0x89: {  	s3 =	sld [smem:$0x3FFE];
	_ =	sdelay $0x1  }
0x8a: {  	s1 =	srdreg.scid  }
0x8b: {  	s0 =	sand.u32 $0x1, s1  }
0x8c: {  	s17 =	sshll.u32 s0, $0xA;
	s2 =	sadd.s32 s3, s2  }
0x8d: {  	s2 =	sadd.s32 s2, s17  }
0x8e: {  	[smem:$0x3FBC] =	sst s2  }
0x8f: {  	_ = 	snop  }
0x90: {  	s18 =	sld [smem:$0x3FC8]  }
0x91: {  	s4 =	sld [smem:$0x3FD0];
	(tm) =	ssettm $0x1  }
0x92: {  	s19 =	sld [smem:$0x3FFB];
	_ =	sdelay $0x3  }
0x93: {  	_ =	strace s19  }
0x94: {  	s2 =	sld [smem:$0x3FFC];
	_ =	sdelay $0x3  }
0x95: {  	_ =	strace s2  }
0x96: {  	s2 =	sld [smem:$0x3FFD];
	_ =	sdelay $0x3  }
0x97: {  	_ =	strace s2  }
0x98: {  	_ =	strace $0x8FFFFFFF  }
0x99: {  	s20 =	sld [smem:$0x3FDB];
	_ =	sdelay $0x1  }
0x9a: {  	s5 =	simm.s32 $_scs_section_size  }
0x9b: {  	s6 =	simm.s32 $_size__tile_overlayer_lowered;
	s7 =	simm.s32 $_tile_overlayer_lowered  }
0x9c: {  	s8 =	simm.s32 $0x1BFF;
	s21 =	sshll.u32 s7, $0x1;
	s5 =	sadd.s32 s5, s20  }
0x9d: {  	s22 =	simm.s32 $0x0;
	s6 =	sshll.u32 s6, $0x1;
	s7 =	sadd.s32 s21, s5  }
0x9e: {  	[timem:s22], [sflag:s8] =	dma.local [hbm:s7], s6  }
0x9f: {  	_ =	swait.ge [sflag:s8], s6  }
0xa0: {  	s6 =	ssub.s32 $0x0, s6;
	[sflag:s8] =	ssyncset.done $0x0  }
0xa1: {  	[sflag:s8] =	ssyncadd.s32 s6;
	_ =	sdelay $0x1  }
0xa2: {  	s23 =	simm.s32 $0x1B8B  }
0xa3: {  	_ =	swait.ge [sflag:s23], $0x1  }
0xa4: {  	[sflag:s23] =	ssyncset.done $0x0  }
0xa5: {  	[sflag:s23] =	ssyncadd.s32 $0xFFFFFFFF  }
0xa6: {  	s6 =	sld [smem:$0x0]  }
0xa7: {  	s7 =	sand.u32 $0xFFFFFFFE, s1  }
0xa8: {  	p0 =	sne.s32 s1, s7  }
0xa9: {  	s7 =	sshll.u32 @p0 s7, $0xE  }
0xaa: {  	s7 =	sadd.s32 @p0 $0x11B8D, s7;
	s8 =	sshll.u32 @p0 s6, $0x11  }
0xab: {  	s7 =	sor.u32 @p0 s8, s7  }
0xac: {  	[sflag:s7] =	ssyncadd.remote.s32 @p0 $0x1;
	_ =	sdelay $0x1  }
0xad: {  	s7 =	simm.s32 @p0 $0x1B8D  }
0xae: {  	_ =	swait.eq @p0 [sflag:s7], $0x1  }
0xaf: {  	[sflag:s7] =	ssyncadd.s32 @p0 $0xFFFFFFFF  }
0xb0: {  	s8 =	sshll.u32 @!p0 s1, $0xE  }
0xb1: {  	s8 =	sor.u32 @!p0 $0x4000, s8;
	s7 =	simm.s32 @!p0 $0x1B8D  }
0xb2: {  	s6 =	sshll.u32 @!p0 s6, $0x11;
	s8 =	sadd.s32 @!p0 $0x11B8D, s8;
	_ =	swait.eq @!p0 [sflag:s7], $0x1  }
0xb3: {  	s6 =	sor.u32 @!p0 s6, s8;
	[sflag:s7] =	ssyncadd.s32 @!p0 $0xFFFFFFFF  }
0xb4: {  	s25 =	simm.s32 $0x1B8E;
	s24 =	sld [smem:$0x3FFE];
	[sflag:s6] =	ssyncadd.remote.s32 @!p0 $0x1  }
0xb5: {  	s26 =	simm.s32 $execute0_lowered;
	[smem:$0x3FD2] =	sst s25  }
0xb6: {  	s7 =	sshll.u32 s26, $0x1;
	_ =	strace $0x80000049;
	[dreg:$0x1] =	wrdreg $0xFFFFFFFF  }
0xb7: {  	s28 =	simm.s32 $_size_execute0_lowered;
	s5 =	sadd.s32 s5, s7;
	[dreg:$0x0] =	wrdreg $0x0  }
0xb8: {  	s7 =	sshll.u32 s28, $0x1;
	[dreg:$0x2] =	wrdreg s5  }
0xb9: {  	[dreg:$0x3] =	wrdreg s7  }
0xba: {  	[dreg:$0x4] =	wrdreg $0xC0  }
0xbb: {  	_ =	task [dreg:s22], $0x5FFFF  }
0xbc: {  	[dreg:$0x1] =	wrdreg $0xFFFFFFFF  }
0xbd: {  	[dreg:$0x0] =	wrdreg $0x60  }
0xbe: {  	[dreg:$0x2] =	wrdreg s18  }
0xbf: {  	[dreg:$0x3] =	wrdreg s4  }
0xc0: {  	[dreg:$0x4] =	wrdreg s24  }
0xc1: {  	[dreg:$0x5] =	wrdreg $0x9  }
0xc2: {  	_ =	task.clear_ibuf [dreg:s22], $0x6FFFF;
	_ =	strace $0x90000049  }
0xc3: {  	s29 =	simm.s32 $0x9;
	_ =	strace $0x8000004B  }
0xc4: {  	_ =	swait.ge [sflag:s29], $0x1  }
0xc5: {  	[sflag:s29] =	ssyncadd.s32 $0xFFFFFFFF  }
0xc6: {  	_ =	strace $0x9000004B  }
0xc7: {  	_ =	sfence  }
0xc8: {  	s30 =	sld [smem:$0x0];
	_ =	sdelay $0x2  }
0xc9: {  	s31 =	sshll.u32 s1, $0xD;
	s1 =	sshrl.u32 s1, $0x2  }
0xca: {  	s4 =	sand.u32 $0x4000, s31;
	s1 =	sadd.s32 s1, s30  }
0xcb: {  	s0 =	sor.u32 s4, s0;
	s1 =	sshll.u32 s1, $0x11  }
0xcc: {  	s0 =	sor.u32 s1, s0  }
0xcd: {  	s0 =	sadd.s32 $0x8F2B, s0  }
0xce: {  	[sflag:s0] =	ssyncadd.remote.s32 $0x1  }
0xcf: {  	_ =	sfence.sel $0xFFFF  }
0xd0: {  	[dreg:$0x0] =	wrdreg $0xFFFFFFFF;
	(pc) =	sbr.abs _section_cstart, $3  }
0xd1: {  	[dreg:$0x1] =	wrdreg $0xFFFFFFFF  }
0xd2: {  	_ =	task.clear_ibuf [dreg:s22], $0x2FFFF;
	_ =	strace $0x9FFFFFFF  }
0xd3: {  	(tm) =	ssettm $0x7FFFFFFF  }
tec
execute0_lowered:
.L_overlay_start_1:
0x0: {  	(tag) =	ssettag $0x1  }
0x1: {  	s1 =	srdreg.scid;
	s0 =	stileid.u32  }
0x2: {  	s5 =	sand.u32 $0x1, s1;
	s7 =	sshll.u32 s0, $0x1  }
0x3: {  	s6 =	sor.u32 s5, s7  }
0x4: {  	s9 =	smul.u32 $0x320, s6  }
0x5: {  	v36 =	vlaneseq.u32  }
0x6: {  	v0 =	vor.u32 s9, v36  }
0x7: {  	v1 =	vmov s9;
	s8 =	sadd.s32 $0x20, s9;
	v0 =	vand.u32 $0x1EF, v0  }
0x8: {  	s10 =	sadd.s32 $0x30, s9;
	s2 =	sadd.s32 $0x40, s9;
	v1 =	vshrl.u32 v1, $0x9;
	v2 =	vmov s8;
	v3 =	vor.u32 s8, v36  }
0x9: {  	s11 =	sadd.s32 $0x60, s9;
	s12 =	sadd.s32 $0x70, s9;
	s13 =	sadd.s32 $0x80, s9;
	v4 =	vor.u32 s2, v36;
	v5 =	vmov s10;
	v6 =	vmov s2  }
0xa: {  	s14 =	sadd.s32 $0x90, s9;
	s16 =	sadd.s32 $0xC0, s9;
	s17 =	sadd.s32 $0xD0, s9;
	v7 =	vmov s11;
	v8 =	vor.u32 s12, v36;
	v9 =	vor.u32 s13, v36  }
0xb: {  	s18 =	sadd.s32 $0xE0, s9;
	s19 =	sadd.s32 $0x100, s9;
	v11 =	vmov s14;
	v13 =	vmov s16;
	v14 =	vor.u32 s17, v36  }
0xc: {  	s21 =	sadd.s32 $0x120, s9;
	s22 =	sadd.s32 $0x130, s9;
	s24 =	sadd.s32 $0x160, s9;
	v15 =	vor.u32 s18, v36;
	v16 =	vor.u32 s19, v36;
	v18 =	vmov s19  }
0xd: {  	s23 =	sadd.s32 $0x150, s9;
	v19 =	vmov s21;
	v20 =	vor.u32 s22, v36;
	v22 =	vor.u32 s24, v36  }
0xe: {  	s4 =	sadd.s32 $0x180, s9;
	s0 =	sadd.s32 $0x290, s9;
	v23 =	vmov s23;
	v24 =	vmov s24;
	v0 =	vmul.u32 $0x32, v0  }
0xf: {  	s3 =	sor.u32 $0x10, s9;
	v25 =	vmov s4;
	v30 =	vor.u32 s0, v36;
	v31 =	vmov s0  }
0x10: {  	s8 =	sadd.s32 $0xA0, s9;
	v4 =	vand.u32 $0x1EF, v4;
	v0 =	vadd.s32 v1, v0;
	v1 =	vor.u32 s3, v36  }
0x11: {  	v10 =	vor.u32 s8, v36;
	v12 =	vmov s8;
	v48 =	vand.u32 $0x1FF, v1  }
0x12: {  	v1 =	vshrl.u32 v2, $0x9;
	v2 =	vand.u32 $0x1EF, v3;
	v3 =	vor.u32 s10, v36  }
0x13: {  	v16 =	vand.u32 $0x1EF, v16;
	v2 =	vmul.u32 $0x32, v2;
	v3 =	vand.u32 $0x1FF, v3  }
0x14: {  	v22 =	vand.u32 $0x1EF, v22;
	v4 =	vmul.u32 $0x32, v4;
	v3 =	vmul.u32 $0x32, v3  }
0x15: {  	s7 =	sadd.s32 $0x50, s9;
	v1 =	vadd.s32 v1, v2;
	v2 =	vshrl.u32 v5, $0x9;
	v5 =	vshrl.u32 v6, $0x9  }
0x16: {  	s19 =	sadd.s32 $0x1F0, s9;
	v2 =	vadd.s32 v2, v3;
	v3 =	vadd.s32 v5, v4;
	v4 =	vor.u32 s7, v36  }
0x17: {  	v42 =	vor.u32 s19, v36;
	v6 =	vor.u32 s11, v36;
	v4 =	vand.u32 $0x1FF, v4  }
0x18: {  	s24 =	sadd.s32 $0x250, s9;
	v5 =	vmov s7;
	v6 =	vand.u32 $0x1EF, v6;
	v4 =	vmul.u32 $0x32, v4  }
0x19: {  	v38 =	vor.u32 s24, v36;
	v5 =	vshrl.u32 v5, $0x9;
	v6 =	vmul.u32 $0x32, v6  }
0x1a: {  	v4 =	vadd.s32 v5, v4;
	v5 =	vshrl.u32 v7, $0x9;
	v7 =	vand.u32 $0x1FF, v8  }
0x1b: {  	s0 =	sadd.s32 $0x310, s9;
	v5 =	vadd.s32 v5, v6;
	v6 =	vmov s12;
	v7 =	vmul.u32 $0x32, v7  }
0x1c: {  	v31 =	vshrl.u32 v31, $0x9;
	v55 =	vor.u32 s0, v36;
	v6 =	vshrl.u32 v6, $0x9  }
0x1d: {  	v50 =	vmov s0;
	v8 =	vmov s13;
	v6 =	vadd.s32 v6, v7  }
0x1e: {  	v7 =	vshrl.u32 v8, $0x9;
	v8 =	vand.u32 $0x1EF, v9;
	v9 =	vor.u32 s14, v36  }
0x1f: {  	v10 =	vand.u32 $0x1EF, v10;
	v8 =	vmul.u32 $0x32, v8;
	v9 =	vand.u32 $0x1FF, v9  }
0x20: {  	v16 =	vmul.u32 $0x32, v16;
	v10 =	vmul.u32 $0x32, v10;
	v9 =	vmul.u32 $0x32, v9  }
0x21: {  	s15 =	sadd.s32 $0xB0, s9;
	v7 =	vadd.s32 v7, v8;
	v8 =	vshrl.u32 v11, $0x9;
	v11 =	vshrl.u32 v12, $0x9  }
0x22: {  	v8 =	vadd.s32 v8, v9;
	v9 =	vadd.s32 v11, v10;
	v10 =	vor.u32 s15, v36  }
0x23: {  	v22 =	vmul.u32 $0x32, v22;
	v12 =	vor.u32 s16, v36;
	v10 =	vand.u32 $0x1FF, v10  }
0x24: {  	v11 =	vmov s15;
	v12 =	vand.u32 $0x1EF, v12;
	v10 =	vmul.u32 $0x32, v10  }
0x25: {  	v50 =	vshrl.u32 v50, $0x9;
	v11 =	vshrl.u32 v11, $0x9;
	v12 =	vmul.u32 $0x32, v12  }
0x26: {  	v10 =	vadd.s32 v11, v10;
	v11 =	vshrl.u32 v13, $0x9;
	v13 =	vand.u32 $0x1FF, v14  }
0x27: {  	s0 =	sadd.s32 $0x270, s9;
	s10 =	sadd.s32 $0xF0, s9;
	v11 =	vadd.s32 v11, v12;
	v12 =	vmov s17;
	v13 =	vmul.u32 $0x32, v13  }
0x28: {  	v60 =	vor.u32 s0, v36;
	v17 =	vmov s10;
	s11 =	sadd.s32 $0x140, s9;
	v12 =	vshrl.u32 v12, $0x9  }
0x29: {  	v21 =	vor.u32 s11, v36;
	v14 =	vmov s18;
	v12 =	vadd.s32 v12, v13  }
0x2a: {  	s13 =	sadd.s32 $0x1A0, s9;
	v13 =	vshrl.u32 v14, $0x9;
	v14 =	vand.u32 $0x1EF, v15;
	v15 =	vor.u32 s10, v36  }
0x2b: {  	v26 =	vor.u32 s13, v36;
	s12 =	sadd.s32 $0x190, s9;
	s14 =	sadd.s32 $0x200, s9;
	v14 =	vmul.u32 $0x32, v14;
	v15 =	vand.u32 $0x1FF, v15  }
0x2c: {  	v46 =	vor.u32 s12, v36;
	v27 =	vor.u32 s14, v36;
	v15 =	vmul.u32 $0x32, v15  }
0x2d: {  	s20 =	sadd.s32 $0x110, s9;
	v13 =	vadd.s32 v13, v14;
	v14 =	vshrl.u32 v17, $0x9;
	v17 =	vshrl.u32 v18, $0x9  }
0x2e: {  	v14 =	vadd.s32 v14, v15;
	v15 =	vadd.s32 v17, v16;
	v16 =	vor.u32 s20, v36  }
0x2f: {  	v27 =	vand.u32 $0x1EF, v27;
	v18 =	vor.u32 s21, v36;
	v16 =	vand.u32 $0x1FF, v16  }
0x30: {  	v17 =	vmov s20;
	v18 =	vand.u32 $0x1EF, v18;
	v16 =	vmul.u32 $0x32, v16  }
0x31: {  	v27 =	vmul.u32 $0x32, v27;
	v17 =	vshrl.u32 v17, $0x9;
	v18 =	vmul.u32 $0x32, v18  }
0x32: {  	v16 =	vadd.s32 v17, v16;
	v17 =	vshrl.u32 v19, $0x9;
	v19 =	vand.u32 $0x1FF, v20  }
0x33: {  	s18 =	sadd.s32 $0x260, s9;
	v17 =	vadd.s32 v17, v18;
	v18 =	vmov s22;
	v19 =	vmul.u32 $0x32, v19  }
0x34: {  	v29 =	vor.u32 s18, v36;
	v20 =	vmov s11;
	v18 =	vshrl.u32 v18, $0x9  }
0x35: {  	v18 =	vadd.s32 v18, v19;
	v19 =	vshrl.u32 v20, $0x9;
	v20 =	vand.u32 $0x1EF, v21  }
0x36: {  	s17 =	sadd.s32 $0x1C0, s9;
	v29 =	vand.u32 $0x1EF, v29;
	v21 =	vor.u32 s23, v36;
	v20 =	vmul.u32 $0x32, v20  }
0x37: {  	v44 =	vor.u32 s17, v36;
	v29 =	vmul.u32 $0x32, v29;
	s21 =	sadd.s32 $0x220, s9;
	v21 =	vand.u32 $0x1FF, v21  }
0x38: {  	s1 =	rddreg [dreg:$0x0];
	v40 =	vor.u32 s21, v36;
	v21 =	vmul.u32 $0x32, v21;
	v19 =	vadd.s32 v19, v20  }
0x39: {  	s2 =	rddreg [dreg:$0x1];
	s22 =	sadd.s32 $0x2C0, s9;
	v20 =	vshrl.u32 v23, $0x9;
	v23 =	vshrl.u32 v24, $0x9;
	v24 =	vor.u32 s4, v36;
	s4 =	simm.s32 $0x0  }
0x3a: {  	s25 =	sadd.s32 $0x170, s9;
	v32 =	vmov s22;
	v20 =	vadd.s32 v20, v21;
	v21 =	vadd.s32 v23, v22;
	[smem:$0x7FF] =	sst s4  }
0x3b: {  	s16 =	rddreg [dreg:$0x2];
	v22 =	vor.u32 s25, v36;
	v23 =	vmov s25;
	v24 =	vand.u32 $0x1EF, v24;
	_ =	strace $0x8000004A;
	[tilespmem:$0x20] =	vst v1  }
0x3c: {  	s25 =	sadd.s32 $0x2A0, s9;
	v22 =	vand.u32 $0x1FF, v22;
	v23 =	vshrl.u32 v23, $0x9;
	v24 =	vmul.u32 $0x32, v24;
	[tilespmem:$0x30] =	vst v2  }
0x3d: {  	[tilespmem:$0x40] =	vst v3;
	v37 =	vmov s25;
	v39 =	vor.u32 s25, v36;
	s25 =	sadd.s32 $0x2E0, s9;
	v22 =	vmul.u32 $0x32, v22  }
0x3e: {  	[tilespmem:$0x80] =	vst v4;
	v35 =	vmov s25;
	v33 =	vor.u32 s25, v36;
	s25 =	sadd.s32 $0x2F0, s9;
	v39 =	vand.u32 $0x1EF, v39  }
0x3f: {  	[tilespmem:$0x90] =	vst v5;
	v37 =	vshrl.u32 v37, $0x9;
	v51 =	vor.u32 s25, v36;
	v56 =	vmov s25  }
0x40: {  	[tilespmem:$0xA0] =	vst v6;
	v52 =	vand.u32 $0x1EF, v33;
	v35 =	vshrl.u32 v35, $0x9;
	v39 =	vmul.u32 $0x32, v39  }
0x41: {  	s26 =	sadd.s32 $0x1D0, s9;
	[tilespmem:$0xB0] =	vst v7;
	v22 =	vadd.s32 v23, v22;
	v23 =	vshrl.u32 v25, $0x9;
	v25 =	vand.u32 $0x1EF, v26  }
0x42: {  	[tilespmem:$0xC0] =	vst v8;
	v26 =	vor.u32 s26, v36;
	v51 =	vand.u32 $0x1FF, v51;
	v52 =	vmul.u32 $0x32, v52  }
0x43: {  	[tilespmem:$0x100] =	vst v9;
	v58 =	vshrl.u32 v56, $0x9;
	v56 =	vmov s0;
	v23 =	vadd.s32 v23, v24  }
0x44: {  	[tilespmem:$0x110] =	vst v10;
	v24 =	vmov s13;
	v25 =	vmul.u32 $0x32, v25;
	v26 =	vand.u32 $0x1FF, v26  }
0x45: {  	s15 =	sadd.s32 $0x1B0, s9;
	[tilespmem:$0x120] =	vst v11;
	v51 =	vmul.u32 $0x32, v51;
	v37 =	vadd.s32 v37, v39;
	v24 =	vshrl.u32 v24, $0x9  }
0x46: {  	s20 =	sadd.s32 $0x210, s9;
	[tilespmem:$0x130] =	vst v12;
	v39 =	vshrl.u32 v56, $0x9;
	v24 =	vadd.s32 v24, v25;
	v25 =	vor.u32 s15, v36  }
0x47: {  	[tilespmem:$0x140] =	vst v13;
	v56 =	vmov s20;
	v47 =	vand.u32 $0x1FF, v25;
	v25 =	vmov s26  }
0x48: {  	[tilespmem:$0x180] =	vst v14;
	v26 =	vmul.u32 $0x32, v26;
	v35 =	vadd.s32 v35, v52;
	s26 =	sadd.s32 $0x300, s9;
	v25 =	vshrl.u32 v25, $0x9  }
0x49: {  	[tilespmem:$0x190] =	vst v15;
	s13 =	sadd.s32 $0x1E0, s9;
	v34 =	vor.u32 s26, v36;
	v49 =	vmov s26;
	v47 =	vmul.u32 $0x32, v47  }
0x4a: {  	[tilespmem:$0x1A0] =	vst v16;
	s26 =	sadd.s32 $0x2B0, s9;
	v25 =	vadd.s32 v25, v26;
	v26 =	vor.u32 s13, v36;
	v34 =	vand.u32 $0x1EF, v34  }
0x4b: {  	[tilespmem:$0x1B0] =	vst v17;
	v49 =	vshrl.u32 v49, $0x9;
	v57 =	vmov s26;
	v59 =	vor.u32 s26, v36  }
0x4c: {  	[tilespmem:$0x1C0] =	vst v18;
	v45 =	vand.u32 $0x1EF, v26;
	v26 =	vmov s14;
	s14 =	sadd.s32 $0x230, s9;
	v54 =	vmul.u32 $0x32, v34  }
0x4d: {  	[tilespmem:$0x200] =	vst v19;
	v34 =	vand.u32 $0x1FF, v55;
	v26 =	vshrl.u32 v26, $0x9;
	v28 =	vor.u32 s14, v36  }
0x4e: {  	[tilespmem:$0x210] =	vst v20;
	v34 =	vmul.u32 $0x32, v34;
	v26 =	vadd.s32 v26, v27;
	v27 =	vor.u32 s20, v36  }
0x4f: {  	[tilespmem:$0x220] =	vst v21;
	v45 =	vmul.u32 $0x32, v45;
	v28 =	vand.u32 $0x1FF, v28;
	v43 =	vand.u32 $0x1FF, v27  }
0x50: {  	[tilespmem:$0x0] =	vst v0;
	v27 =	vmov s14;
	v28 =	vmul.u32 $0x32, v28;
	v33 =	vadd.s32 v50, v34  }
0x51: {  	[tilespmem:$0x230] =	vst v22;
	v34 =	vadd.s32 v58, v51;
	v51 =	vand.u32 $0x1FF, v60;
	v50 =	vshrl.u32 v57, $0x9  }
0x52: {  	s23 =	sadd.s32 $0x240, s9;
	[tilespmem:$0x240] =	vst v23;
	v57 =	vand.u32 $0x1FF, v38;
	v58 =	vmov s24;
	v27 =	vshrl.u32 v27, $0x9  }
0x53: {  	[tilespmem:$0x420] =	vst v37;
	v51 =	vmul.u32 $0x32, v51;
	v27 =	vadd.s32 v27, v28;
	v28 =	vor.u32 s23, v36  }
0x54: {  	[tilespmem:$0x490] =	vst v35;
	v60 =	vmov s23;
	v43 =	vmul.u32 $0x32, v43;
	v41 =	vand.u32 $0x1EF, v28  }
0x55: {  	[tilespmem:$0x290] =	vst v24;
	v28 =	vmov s18;
	v39 =	vadd.s32 v39, v51;
	v51 =	vshrl.u32 v60, $0x9  }
0x56: {  	[tilespmem:$0x2C0] =	vst v25;
	v60 =	vmov s13;
	v28 =	vshrl.u32 v28, $0x9;
	v41 =	vmul.u32 $0x32, v41  }
0x57: {  	[tilespmem:$0x320] =	vst v26;
	s18 =	sadd.s32 $0x2D0, s9;
	v28 =	vadd.s32 v28, v29;
	v29 =	vand.u32 $0x1FF, v30;
	v30 =	vor.u32 s22, v36  }
0x58: {  	[tilespmem:$0x4C0] =	vst v33;
	v53 =	vmov s18;
	s22 =	sadd.s32 $0x280, s9;
	v29 =	vmul.u32 $0x32, v29;
	v30 =	vand.u32 $0x1EF, v30  }
0x59: {  	[tilespmem:$0x4A0] =	vst v34;
	v62 =	vmov s22;
	v41 =	vadd.s32 v51, v41;
	v30 =	vmul.u32 $0x32, v30  }
0x5a: {  	[tilespmem:$0x380] =	vst v27;
	v51 =	vshrl.u32 v56, $0x9;
	v29 =	vadd.s32 v31, v29;
	v31 =	vshrl.u32 v32, $0x9  }
0x5b: {  	[tilespmem:$0x3C0] =	vst v39;
	v56 =	vmov s15;
	v30 =	vadd.s32 v31, v30;
	v31 =	vor.u32 s18, v36  }
0x5c: {  	[tilespmem:$0x3B0] =	vst v28;
	v43 =	vadd.s32 v51, v43;
	v51 =	vshrl.u32 v60, $0x9;
	v31 =	vand.u32 $0x1FF, v31  }
0x5d: {  	[tilespmem:$0x390] =	vst v41;
	v60 =	vmov s3;
	v32 =	vshrl.u32 v53, $0x9;
	v31 =	vmul.u32 $0x32, v31  }
0x5e: {  	[tilespmem:$0x330] =	vst v43;
	v45 =	vadd.s32 v51, v45;
	v51 =	vshrl.u32 v56, $0x9;
	v36 =	vor.u32 s22, v36  }
0x5f: {  	[tilespmem:$0x410] =	vst v29;
	v31 =	vadd.s32 v32, v31;
	v32 =	vadd.s32 v49, v54;
	v49 =	vand.u32 $0x1FF, v59  }
0x60: {  	[tilespmem:$0x300] =	vst v45;
	v47 =	vadd.s32 v51, v47;
	v61 =	vand.u32 $0x1EF, v36;
	v49 =	vmul.u32 $0x32, v49  }
0x61: {  	[tilespmem:$0x440] =	vst v30;
	v63 =	vmul.u32 $0x32, v61;
	v61 =	vand.u32 $0x1EF, v40;
	v59 =	vmul.u32 $0x32, v57  }
0x62: {  	[tilespmem:$0x2A0] =	vst v47;
	v57 =	vand.u32 $0x1FF, v42;
	v36 =	vadd.s32 v50, v49;
	v49 =	vshrl.u32 v62, $0x9  }
0x63: {  	[tilespmem:$0x4B0] =	vst v32;
	v62 =	vmov s21;
	v38 =	vadd.s32 v49, v63;
	v49 =	vshrl.u32 v58, $0x9  }
0x64: {  	s6 =	smul.u32 $0x3200, s6;
	s7 =	sshll.u32 s7, $0x4;
	s20 =	simm.s32 $0x80;
	[tilespmem:$0x480] =	vst v31;
	v63 =	vmul.u32 $0x32, v61;
	v58 =	vmov s19;
	v61 =	vand.u32 $0x1EF, v44  }
0x65: {  	s0 =	sshll.u32 s8, $0x4;
	s8 =	sshll.u32 s10, $0x4;
	[dreg:$0xe] =	wrdreg s20;
	[tilespmem:$0x430] =	vst v36;
	v40 =	vadd.s32 v49, v59;
	v49 =	vshrl.u32 v62, $0x9;
	v59 =	vmul.u32 $0x32, v57  }
0x66: {  	s10 =	sshll.u32 s11, $0x4;
	s20 =	simm.s32 $0xB80;
	s23 =	rddreg [dreg:$0xe];
	[tilespmem:$0x400] =	vst v38;
	v62 =	vmov s17;
	v57 =	vand.u32 $0x1FF, v46;
	v42 =	vadd.s32 v49, v63  }
0x67: {  	s15 =	sshll.u32 s12, $0x4;
	s25 =	sshll.u32 s22, $0x4;
	s22 =	simm.s32 $0xC00;
	[tilespmem:$0x3A0] =	vst v40;
	v49 =	vshrl.u32 v58, $0x9;
	v63 =	vmul.u32 $0x32, v61;
	v58 =	vmov s12  }
0x68: {  	s21 =	sshll.u32 s14, $0x4;
	s14 =	simm.s32 $0xA00;
	s19 =	sadd.s32 $0x67200, s16;
	[tilespmem:$0x340] =	vst v42;
	v44 =	vadd.s32 v49, v59;
	v49 =	vshrl.u32 v62, $0x9;
	v59 =	vmul.u32 $0x32, v57  }
0x69: {  	s6 =	sadd.s32 s19, s6;
	s26 =	sadd.s32 s19, s7;
	s7 =	sadd.s32 s19, s0;
	v61 =	vmul.u32 $0x32, v48;
	v62 =	vshrl.u32 v58, $0x9;
	[tilespmem:$0x310] =	vst v44;
	v46 =	vadd.s32 v49, v63  }
0x6a: {  	s9 =	sadd.s32 s19, s8;
	s11 =	sadd.s32 s19, s10;
	s16 =	sadd.s32 s19, s15;
	v63 =	vshrl.u32 v60, $0x9;
	[tilespmem:$0x2B0] =	vst v46;
	v48 =	vadd.s32 v62, v59  }
0x6b: {  	s17 =	sshll.u32 s13, $0x4;
	s24 =	sadd.s32 s19, s21;
	[dreg:$0x4] =	wrdreg s6;
	v49 =	vadd.s32 v63, v61;
	[tilespmem:$0x280] =	vst v48  }
0x6c: {  	[dreg:$0x6] =	wrdreg s7;
	s6 =	simm.s32 $0x50;
	s7 =	simm.s32 $0x800;
	[tilespmem:$0x10] =	vst v49  }
0x6d: {  	[tilespmem:s7], [sflag:$0x1] =	stream.indirect.gather [hbm4b:s2+s6], $0x1, s4, s6, $0xb8;
	[tilespmem:$0x6000] =	vst v63  }
0x6e: {  	s8 =	simm.s32 $0x880;
	s10 =	simm.s32 $0x900;
	[dreg:$0x5] =	wrdreg s26  }
0x6f: {  	[tilespmem:s8], [sflag:$0x1] =	stream.indirect.gather [hbm4b:s2+s6], $0x1, s23, s6, $0xb8;
	[tilespmem:$0x6000] =	vst v63  }
0x70: {  	s13 =	simm.s32 $0x200;
	[dreg:$0x7] =	wrdreg s9;
	s9 =	simm.s32 $0x100  }
0x71: {  	[tilespmem:s10], [sflag:$0x1] =	stream.indirect.gather [hbm4b:s2+s6], $0x1, s9, s6, $0xb8;
	[tilespmem:$0x6000] =	vst v63  }
0x72: {  	[dreg:$0x8] =	wrdreg s11;
	s11 =	simm.s32 $0x180;
	s12 =	simm.s32 $0x980  }
0x73: {  	[tilespmem:s12], [sflag:$0x1] =	stream.indirect.gather [hbm4b:s2+s6], $0x1, s11, s6, $0xb8;
	[tilespmem:$0x6000] =	vst v63  }
0x74: {  	s15 =	simm.s32 $0x280;
	[dreg:$0x9] =	wrdreg s16;
	s3 =	sadd.s32 s19, s17  }
0x75: {  	[tilespmem:s14], [sflag:$0x1] =	stream.indirect.gather [hbm4b:s2+s6], $0x1, s13, s6, $0xb8;
	[tilespmem:$0x6000] =	vst v63  }
0x76: {  	s16 =	simm.s32 $0xA80;
	s26 =	sshll.u32 s18, $0x4;
	s17 =	simm.s32 $0x300  }
0x77: {  	[tilespmem:s16], [sflag:$0x1] =	stream.indirect.gather [hbm4b:s2+s6], $0x1, s15, s6, $0xb8;
	[tilespmem:$0x6000] =	vst v63  }
0x78: {  	s18 =	simm.s32 $0xB00;
	[dreg:$0xa] =	wrdreg s3;
	s3 =	sadd.s32 s19, s25  }
0x79: {  	[tilespmem:s18], [sflag:$0x1] =	stream.indirect.gather [hbm4b:s2+s6], $0x1, s17, s6, $0xb8;
	[tilespmem:$0x6000] =	vst v63  }
0x7a: {  	[dreg:$0xc] =	wrdreg s3;
	s3 =	sadd.s32 s19, s26;
	s19 =	simm.s32 $0x380  }
0x7b: {  	[tilespmem:s20], [sflag:$0x1] =	stream.indirect.gather [hbm4b:s2+s6], $0x1, s19, s6, $0xb8;
	[tilespmem:$0x6000] =	vst v63  }
0x7c: {  	s21 =	simm.s32 $0x400;
	[dreg:$0xb] =	wrdreg s24;
	s24 =	simm.s32 $0xC80  }
0x7d: {  	[tilespmem:s22], [sflag:$0x1] =	stream.indirect.gather [hbm4b:s2+s6], $0x1, s21, s6, $0xb8;
	[tilespmem:$0x6000] =	vst v63  }
0x7e: {  	s25 =	simm.s32 $0x1;
	[dreg:$0xd] =	wrdreg s3;
	s23 =	simm.s32 $0x480  }
0x7f: {  	[tilespmem:s24], [sflag:$0x1] =	stream.indirect.gather [hbm4b:s2+s6], $0x1, s23, s6, $0xb8;
	[tilespmem:$0x6000] =	vst v63  }
0x80: {  	_ =	swait.ge [sflag:s25], $0x50  }
0x81: {  	[sflag:s25] =	ssyncset.done $0x0  }
0x82: {  	s26 =	simm.s32 $0x1000;
	[sflag:s25] =	ssyncadd.s32 $0xFFFFFFB0  }
0x83: {  	[tilespmem:s26], [sflag:$0x2] =	stream.indirect.gather [hbm4b:s1+s6], $0x80, s7, s6, $0xb8;
	[tilespmem:$0x6000] =	vst v63  }
0x84: {  	_ =	swait.ge [sflag:s25], $0x50  }
0x85: {  	[sflag:s25] =	ssyncset.done $0x0  }
0x86: {  	s28 =	simm.s32 $0x3800;
	s29 =	simm.s32 $0x2;
	[sflag:s25] =	ssyncadd.s32 $0xFFFFFFB0  }
0x87: {  	[tilespmem:s28], [sflag:$0x3] =	stream.indirect.gather [hbm4b:s1+s6], $0x80, s8, s6, $0xb8;
	[tilespmem:$0x6000] =	vst v63  }
0x88: {  	_ =	swait.ge [sflag:s29], $0x2800  }
0x89: {  	[sflag:s29] =	ssyncset.done $0x0  }
0x8a: {  	s30 =	simm.s32 $0x4;
	s0 =	rddreg [dreg:$0x4];
	[sflag:s29] =	ssyncadd.s32 $0xFFFFD800  }
0x8b: {  	[hbm4b:s0+s4] =	stream.linear.scatter [tilespmem:s26], [sflag:$0x4], $0x2800, $0x38;
	[tilespmem:$0x6000] =	vst v63  }
0x8c: {  	_ =	swait.ge [sflag:s30], $0x2800  }
0x8d: {  	[sflag:s30] =	ssyncset.done $0x0  }
0x8e: {  	[sflag:s30] =	ssyncadd.s32 $0xFFFFD800  }
0x8f: {  	_ =	swait.ge [sflag:s25], $0x50  }
0x90: {  	[sflag:s25] =	ssyncset.done $0x0  }
0x91: {  	s31 =	simm.s32 $0x3;
	[sflag:s25] =	ssyncadd.s32 $0xFFFFFFB0  }
0x92: {  	[tilespmem:s26], [sflag:$0x2] =	stream.indirect.gather [hbm4b:s1+s6], $0x80, s10, s6, $0xb8;
	[tilespmem:$0x6000] =	vst v63  }
0x93: {  	_ =	swait.ge [sflag:s31], $0x2800  }
0x94: {  	[sflag:s31] =	ssyncset.done $0x0  }
0x95: {  	s3 =	simm.s32 $0x5;
	s0 =	rddreg [dreg:$0x5];
	[sflag:s31] =	ssyncadd.s32 $0xFFFFD800  }
0x96: {  	[hbm4b:s0+s4] =	stream.linear.scatter [tilespmem:s28], [sflag:$0x5], $0x2800, $0x38;
	[tilespmem:$0x6000] =	vst v63  }
0x97: {  	_ =	swait.ge [sflag:s3], $0x2800  }
0x98: {  	[sflag:s3] =	ssyncset.done $0x0  }
0x99: {  	[sflag:s3] =	ssyncadd.s32 $0xFFFFD800  }
0x9a: {  	_ =	swait.ge [sflag:s25], $0x50  }
0x9b: {  	[sflag:s25] =	ssyncset.done $0x0  }
0x9c: {  	[sflag:s25] =	ssyncadd.s32 $0xFFFFFFB0  }
0x9d: {  	[tilespmem:s28], [sflag:$0x3] =	stream.indirect.gather [hbm4b:s1+s6], $0x80, s12, s6, $0xb8;
	[tilespmem:$0x6000] =	vst v63  }
0x9e: {  	_ =	swait.ge [sflag:s29], $0x2800  }
0x9f: {  	[sflag:s29] =	ssyncset.done $0x0  }
0xa0: {  	s0 =	rddreg [dreg:$0x6];
	[sflag:s29] =	ssyncadd.s32 $0xFFFFD800  }
0xa1: {  	[hbm4b:s0+s4] =	stream.linear.scatter [tilespmem:s26], [sflag:$0x4], $0x2800, $0x38;
	[tilespmem:$0x6000] =	vst v63  }
0xa2: {  	_ =	swait.ge [sflag:s30], $0x2800  }
0xa3: {  	[sflag:s30] =	ssyncset.done $0x0  }
0xa4: {  	[sflag:s30] =	ssyncadd.s32 $0xFFFFD800  }
0xa5: {  	_ =	swait.ge [sflag:s25], $0x50  }
0xa6: {  	[sflag:s25] =	ssyncset.done $0x0  }
0xa7: {  	[sflag:s25] =	ssyncadd.s32 $0xFFFFFFB0  }
0xa8: {  	[tilespmem:s26], [sflag:$0x2] =	stream.indirect.gather [hbm4b:s1+s6], $0x80, s14, s6, $0xb8;
	[tilespmem:$0x6000] =	vst v63  }
0xa9: {  	_ =	swait.ge [sflag:s31], $0x2800  }
0xaa: {  	[sflag:s31] =	ssyncset.done $0x0  }
0xab: {  	s0 =	rddreg [dreg:$0x7];
	[sflag:s31] =	ssyncadd.s32 $0xFFFFD800  }
0xac: {  	[hbm4b:s0+s4] =	stream.linear.scatter [tilespmem:s28], [sflag:$0x5], $0x2800, $0x38;
	[tilespmem:$0x6000] =	vst v63  }
0xad: {  	_ =	swait.ge [sflag:s3], $0x2800  }
0xae: {  	[sflag:s3] =	ssyncset.done $0x0  }
0xaf: {  	[sflag:s3] =	ssyncadd.s32 $0xFFFFD800  }
0xb0: {  	_ =	swait.ge [sflag:s25], $0x50  }
0xb1: {  	[sflag:s25] =	ssyncset.done $0x0  }
0xb2: {  	[sflag:s25] =	ssyncadd.s32 $0xFFFFFFB0  }
0xb3: {  	[tilespmem:s28], [sflag:$0x3] =	stream.indirect.gather [hbm4b:s1+s6], $0x80, s16, s6, $0xb8;
	[tilespmem:$0x6000] =	vst v63  }
0xb4: {  	_ =	swait.ge [sflag:s29], $0x2800  }
0xb5: {  	[sflag:s29] =	ssyncset.done $0x0  }
0xb6: {  	s0 =	rddreg [dreg:$0x8];
	[sflag:s29] =	ssyncadd.s32 $0xFFFFD800  }
0xb7: {  	[hbm4b:s0+s4] =	stream.linear.scatter [tilespmem:s26], [sflag:$0x4], $0x2800, $0x38;
	[tilespmem:$0x6000] =	vst v63  }
0xb8: {  	_ =	swait.ge [sflag:s30], $0x2800  }
0xb9: {  	[sflag:s30] =	ssyncset.done $0x0  }
0xba: {  	[sflag:s30] =	ssyncadd.s32 $0xFFFFD800  }
0xbb: {  	_ =	swait.ge [sflag:s25], $0x50  }
0xbc: {  	[sflag:s25] =	ssyncset.done $0x0  }
0xbd: {  	[sflag:s25] =	ssyncadd.s32 $0xFFFFFFB0  }
0xbe: {  	[tilespmem:s26], [sflag:$0x2] =	stream.indirect.gather [hbm4b:s1+s6], $0x80, s18, s6, $0xb8;
	[tilespmem:$0x6000] =	vst v63  }
0xbf: {  	_ =	swait.ge [sflag:s31], $0x2800  }
0xc0: {  	[sflag:s31] =	ssyncset.done $0x0  }
0xc1: {  	s0 =	rddreg [dreg:$0x9];
	[sflag:s31] =	ssyncadd.s32 $0xFFFFD800  }
0xc2: {  	[hbm4b:s0+s4] =	stream.linear.scatter [tilespmem:s28], [sflag:$0x5], $0x2800, $0x38;
	[tilespmem:$0x6000] =	vst v63  }
0xc3: {  	_ =	swait.ge [sflag:s3], $0x2800  }
0xc4: {  	[sflag:s3] =	ssyncset.done $0x0  }
0xc5: {  	[sflag:s3] =	ssyncadd.s32 $0xFFFFD800  }
0xc6: {  	_ =	swait.ge [sflag:s25], $0x50  }
0xc7: {  	[sflag:s25] =	ssyncset.done $0x0  }
0xc8: {  	[sflag:s25] =	ssyncadd.s32 $0xFFFFFFB0  }
0xc9: {  	[tilespmem:s28], [sflag:$0x3] =	stream.indirect.gather [hbm4b:s1+s6], $0x80, s20, s6, $0xb8;
	[tilespmem:$0x6000] =	vst v63  }
0xca: {  	_ =	swait.ge [sflag:s29], $0x2800  }
0xcb: {  	[sflag:s29] =	ssyncset.done $0x0  }
0xcc: {  	s0 =	rddreg [dreg:$0xa];
	[sflag:s29] =	ssyncadd.s32 $0xFFFFD800  }
0xcd: {  	[hbm4b:s0+s4] =	stream.linear.scatter [tilespmem:s26], [sflag:$0x4], $0x2800, $0x38;
	[tilespmem:$0x6000] =	vst v63  }
0xce: {  	_ =	swait.ge [sflag:s30], $0x2800  }
0xcf: {  	[sflag:s30] =	ssyncset.done $0x0  }
0xd0: {  	[sflag:s30] =	ssyncadd.s32 $0xFFFFD800  }
0xd1: {  	_ =	swait.ge [sflag:s25], $0x50  }
0xd2: {  	[sflag:s25] =	ssyncset.done $0x0  }
0xd3: {  	[sflag:s25] =	ssyncadd.s32 $0xFFFFFFB0  }
0xd4: {  	[tilespmem:s26], [sflag:$0x2] =	stream.indirect.gather [hbm4b:s1+s6], $0x80, s22, s6, $0xb8;
	[tilespmem:$0x6000] =	vst v63  }
0xd5: {  	_ =	swait.ge [sflag:s31], $0x2800  }
0xd6: {  	[sflag:s31] =	ssyncset.done $0x0  }
0xd7: {  	s0 =	rddreg [dreg:$0xb];
	[sflag:s31] =	ssyncadd.s32 $0xFFFFD800  }
0xd8: {  	[hbm4b:s0+s4] =	stream.linear.scatter [tilespmem:s28], [sflag:$0x5], $0x2800, $0x38;
	[tilespmem:$0x6000] =	vst v63  }
0xd9: {  	_ =	swait.ge [sflag:s3], $0x2800  }
0xda: {  	[sflag:s3] =	ssyncset.done $0x0  }
0xdb: {  	[sflag:s3] =	ssyncadd.s32 $0xFFFFD800  }
0xdc: {  	_ =	swait.ge [sflag:s25], $0x50  }
0xdd: {  	[sflag:s25] =	ssyncset.done $0x0  }
0xde: {  	[sflag:s25] =	ssyncadd.s32 $0xFFFFFFB0  }
0xdf: {  	[tilespmem:s28], [sflag:$0x3] =	stream.indirect.gather [hbm4b:s1+s6], $0x80, s24, s6, $0xb8;
	[tilespmem:$0x6000] =	vst v63  }
0xe0: {  	_ =	swait.ge [sflag:s29], $0x2800  }
0xe1: {  	[sflag:s29] =	ssyncset.done $0x0  }
0xe2: {  	s0 =	rddreg [dreg:$0xc];
	[sflag:s29] =	ssyncadd.s32 $0xFFFFD800  }
0xe3: {  	[hbm4b:s0+s4] =	stream.linear.scatter [tilespmem:s26], [sflag:$0x4], $0x2800, $0x38;
	[tilespmem:$0x6000] =	vst v63  }
0xe4: {  	_ =	swait.ge [sflag:s31], $0x2800  }
0xe5: {  	[sflag:s31] =	ssyncset.done $0x0  }
0xe6: {  	s0 =	rddreg [dreg:$0xd];
	[sflag:s31] =	ssyncadd.s32 $0xFFFFD800  }
0xe7: {  	[hbm4b:s0+s4] =	stream.linear.scatter [tilespmem:s28], [sflag:$0x5], $0x2800, $0x38;
	[tilespmem:$0x6000] =	vst v63  }
0xe8: {  	s0 =	ssub.s32 $0x2, s5  }
0xe9: {  	s5 =	sshrl.u32 s0, $0x1  }
0xea: {  	s0 =	ssub.s32 s0, s5  }
0xeb: {  	s0 =	smax.u32 s0, $0x1  }
0xec: {  	p0 =	sne.s32 s0, $0x1  }
.Ltmp0:
0xed: {  	_ =	swait.ge [sflag:s30], $0x2800;
	(pc) =	sbr.rel @!p0 .LBB2_2-.Ltmp0, $4  }
0xee: {  	[sflag:s30] =	ssyncset.done $0x0  }
0xef: {  	[sflag:s30] =	ssyncadd.s32 $0xFFFFD800  }
0xf0: {  	_ =	swait.ge [sflag:s3], $0x2800  }
0xf1: {  	s5 =	sadd.s32 $0xFFFFFFFF, s0;
	[sflag:s3] =	ssyncset.done $0x0  }
.LBB2_1:
0xf2: {  	[sflag:s3] =	ssyncadd.s32 $0xFFFFD800  }
0xf3: {  	[tilespmem:$0x20] =	vst v1  }
0xf4: {  	[tilespmem:$0x30] =	vst v2  }
0xf5: {  	[tilespmem:$0x40] =	vst v3  }
0xf6: {  	[tilespmem:$0x80] =	vst v4  }
0xf7: {  	[tilespmem:$0x90] =	vst v5  }
0xf8: {  	[tilespmem:$0xA0] =	vst v6  }
0xf9: {  	[tilespmem:$0xB0] =	vst v7  }
0xfa: {  	[tilespmem:$0xC0] =	vst v8  }
0xfb: {  	[tilespmem:$0x100] =	vst v9  }
0xfc: {  	[tilespmem:$0x110] =	vst v10  }
0xfd: {  	[tilespmem:$0x120] =	vst v11  }
0xfe: {  	[tilespmem:$0x130] =	vst v12  }
0xff: {  	[tilespmem:$0x140] =	vst v13  }
0x100: {  	[tilespmem:$0x180] =	vst v14  }
0x101: {  	[tilespmem:$0x190] =	vst v15  }
0x102: {  	[tilespmem:$0x1A0] =	vst v16  }
0x103: {  	[tilespmem:$0x1B0] =	vst v17  }
0x104: {  	[tilespmem:$0x1C0] =	vst v18  }
0x105: {  	[tilespmem:$0x200] =	vst v19  }
0x106: {  	[tilespmem:$0x210] =	vst v20  }
0x107: {  	[tilespmem:$0x220] =	vst v21  }
0x108: {  	[tilespmem:$0x230] =	vst v22  }
0x109: {  	[tilespmem:$0x240] =	vst v23  }
0x10a: {  	[tilespmem:$0x0] =	vst v0  }
0x10b: {  	[tilespmem:$0x4C0] =	vst v33  }
0x10c: {  	[tilespmem:$0x4B0] =	vst v32  }
0x10d: {  	[tilespmem:$0x4A0] =	vst v34  }
0x10e: {  	[tilespmem:$0x490] =	vst v35  }
0x10f: {  	[tilespmem:$0x480] =	vst v31  }
0x110: {  	[tilespmem:$0x440] =	vst v30  }
0x111: {  	[tilespmem:$0x430] =	vst v36  }
0x112: {  	[tilespmem:$0x420] =	vst v37  }
0x113: {  	[tilespmem:$0x410] =	vst v29  }
0x114: {  	[tilespmem:$0x400] =	vst v38  }
0x115: {  	[tilespmem:$0x3C0] =	vst v39  }
0x116: {  	[tilespmem:$0x3B0] =	vst v28  }
0x117: {  	[tilespmem:$0x3A0] =	vst v40  }
0x118: {  	[tilespmem:$0x390] =	vst v41  }
0x119: {  	[tilespmem:$0x380] =	vst v27  }
0x11a: {  	[tilespmem:$0x340] =	vst v42  }
0x11b: {  	[tilespmem:$0x330] =	vst v43  }
0x11c: {  	[tilespmem:$0x320] =	vst v26  }
0x11d: {  	[tilespmem:$0x310] =	vst v44  }
0x11e: {  	[tilespmem:$0x300] =	vst v45  }
0x11f: {  	[tilespmem:$0x2C0] =	vst v25  }
0x120: {  	[tilespmem:$0x2B0] =	vst v46  }
0x121: {  	[tilespmem:$0x2A0] =	vst v47  }
0x122: {  	[tilespmem:$0x290] =	vst v24  }
0x123: {  	[tilespmem:$0x280] =	vst v48  }
0x124: {  	[tilespmem:$0x10] =	vst v49  }
0x125: {  	[tilespmem:s7], [sflag:$0x1] =	stream.indirect.gather [hbm4b:s2+s6], $0x1, s4, s6, $0xb8;
	[tilespmem:$0x6000] =	vst v63  }
0x126: {  	s0 =	rddreg [dreg:$0xe]  }
0x127: {  	[tilespmem:s8], [sflag:$0x1] =	stream.indirect.gather [hbm4b:s2+s6], $0x1, s0, s6, $0xb8;
	[tilespmem:$0x6000] =	vst v63  }
0x128: {  	_ = 	snop  }
0x129: {  	[tilespmem:s10], [sflag:$0x1] =	stream.indirect.gather [hbm4b:s2+s6], $0x1, s9, s6, $0xb8;
	[tilespmem:$0x6000] =	vst v63  }
0x12a: {  	_ = 	snop  }
0x12b: {  	[tilespmem:s12], [sflag:$0x1] =	stream.indirect.gather [hbm4b:s2+s6], $0x1, s11, s6, $0xb8;
	[tilespmem:$0x6000] =	vst v63  }
0x12c: {  	_ = 	snop  }
0x12d: {  	[tilespmem:s14], [sflag:$0x1] =	stream.indirect.gather [hbm4b:s2+s6], $0x1, s13, s6, $0xb8;
	[tilespmem:$0x6000] =	vst v63  }
0x12e: {  	_ = 	snop  }
0x12f: {  	[tilespmem:s16], [sflag:$0x1] =	stream.indirect.gather [hbm4b:s2+s6], $0x1, s15, s6, $0xb8;
	[tilespmem:$0x6000] =	vst v63  }
0x130: {  	_ = 	snop  }
0x131: {  	[tilespmem:s18], [sflag:$0x1] =	stream.indirect.gather [hbm4b:s2+s6], $0x1, s17, s6, $0xb8;
	[tilespmem:$0x6000] =	vst v63  }
0x132: {  	_ = 	snop  }
0x133: {  	[tilespmem:s20], [sflag:$0x1] =	stream.indirect.gather [hbm4b:s2+s6], $0x1, s19, s6, $0xb8;
	[tilespmem:$0x6000] =	vst v63  }
0x134: {  	_ = 	snop  }
0x135: {  	[tilespmem:s22], [sflag:$0x1] =	stream.indirect.gather [hbm4b:s2+s6], $0x1, s21, s6, $0xb8;
	[tilespmem:$0x6000] =	vst v63  }
0x136: {  	_ = 	snop  }
0x137: {  	[tilespmem:s24], [sflag:$0x1] =	stream.indirect.gather [hbm4b:s2+s6], $0x1, s23, s6, $0xb8;
	[tilespmem:$0x6000] =	vst v63  }
0x138: {  	_ =	swait.ge [sflag:s25], $0x50  }
0x139: {  	[sflag:s25] =	ssyncset.done $0x0  }
0x13a: {  	[sflag:s25] =	ssyncadd.s32 $0xFFFFFFB0  }
0x13b: {  	[tilespmem:s26], [sflag:$0x2] =	stream.indirect.gather [hbm4b:s1+s6], $0x80, s7, s6, $0xb8;
	[tilespmem:$0x6000] =	vst v63  }
0x13c: {  	_ =	swait.ge [sflag:s25], $0x50  }
0x13d: {  	[sflag:s25] =	ssyncset.done $0x0  }
0x13e: {  	[sflag:s25] =	ssyncadd.s32 $0xFFFFFFB0  }
0x13f: {  	[tilespmem:s28], [sflag:$0x3] =	stream.indirect.gather [hbm4b:s1+s6], $0x80, s8, s6, $0xb8;
	[tilespmem:$0x6000] =	vst v63  }
0x140: {  	_ =	swait.ge [sflag:s29], $0x2800  }
0x141: {  	[sflag:s29] =	ssyncset.done $0x0  }
0x142: {  	s0 =	rddreg [dreg:$0x4];
	[sflag:s29] =	ssyncadd.s32 $0xFFFFD800  }
0x143: {  	[hbm4b:s0+s4] =	stream.linear.scatter [tilespmem:s26], [sflag:$0x4], $0x2800, $0x38;
	[tilespmem:$0x6000] =	vst v63  }
0x144: {  	_ =	swait.ge [sflag:s30], $0x2800  }
0x145: {  	[sflag:s30] =	ssyncset.done $0x0  }
0x146: {  	[sflag:s30] =	ssyncadd.s32 $0xFFFFD800  }
0x147: {  	_ =	swait.ge [sflag:s25], $0x50  }
0x148: {  	[sflag:s25] =	ssyncset.done $0x0  }
0x149: {  	[sflag:s25] =	ssyncadd.s32 $0xFFFFFFB0  }
0x14a: {  	[tilespmem:s26], [sflag:$0x2] =	stream.indirect.gather [hbm4b:s1+s6], $0x80, s10, s6, $0xb8;
	[tilespmem:$0x6000] =	vst v63  }
0x14b: {  	_ =	swait.ge [sflag:s31], $0x2800  }
0x14c: {  	[sflag:s31] =	ssyncset.done $0x0  }
0x14d: {  	s0 =	rddreg [dreg:$0x5];
	[sflag:s31] =	ssyncadd.s32 $0xFFFFD800  }
0x14e: {  	[hbm4b:s0+s4] =	stream.linear.scatter [tilespmem:s28], [sflag:$0x5], $0x2800, $0x38;
	[tilespmem:$0x6000] =	vst v63  }
0x14f: {  	_ =	swait.ge [sflag:s3], $0x2800  }
0x150: {  	[sflag:s3] =	ssyncset.done $0x0  }
0x151: {  	[sflag:s3] =	ssyncadd.s32 $0xFFFFD800  }
0x152: {  	_ =	swait.ge [sflag:s25], $0x50  }
0x153: {  	[sflag:s25] =	ssyncset.done $0x0  }
0x154: {  	[sflag:s25] =	ssyncadd.s32 $0xFFFFFFB0  }
0x155: {  	[tilespmem:s28], [sflag:$0x3] =	stream.indirect.gather [hbm4b:s1+s6], $0x80, s12, s6, $0xb8;
	[tilespmem:$0x6000] =	vst v63  }
0x156: {  	_ =	swait.ge [sflag:s29], $0x2800  }
0x157: {  	[sflag:s29] =	ssyncset.done $0x0  }
0x158: {  	s0 =	rddreg [dreg:$0x6];
	[sflag:s29] =	ssyncadd.s32 $0xFFFFD800  }
0x159: {  	[hbm4b:s0+s4] =	stream.linear.scatter [tilespmem:s26], [sflag:$0x4], $0x2800, $0x38;
	[tilespmem:$0x6000] =	vst v63  }
0x15a: {  	_ =	swait.ge [sflag:s30], $0x2800  }
0x15b: {  	[sflag:s30] =	ssyncset.done $0x0  }
0x15c: {  	[sflag:s30] =	ssyncadd.s32 $0xFFFFD800  }
0x15d: {  	_ =	swait.ge [sflag:s25], $0x50  }
0x15e: {  	[sflag:s25] =	ssyncset.done $0x0  }
0x15f: {  	[sflag:s25] =	ssyncadd.s32 $0xFFFFFFB0  }
0x160: {  	[tilespmem:s26], [sflag:$0x2] =	stream.indirect.gather [hbm4b:s1+s6], $0x80, s14, s6, $0xb8;
	[tilespmem:$0x6000] =	vst v63  }
0x161: {  	_ =	swait.ge [sflag:s31], $0x2800  }
0x162: {  	[sflag:s31] =	ssyncset.done $0x0  }
0x163: {  	s0 =	rddreg [dreg:$0x7];
	[sflag:s31] =	ssyncadd.s32 $0xFFFFD800  }
0x164: {  	[hbm4b:s0+s4] =	stream.linear.scatter [tilespmem:s28], [sflag:$0x5], $0x2800, $0x38;
	[tilespmem:$0x6000] =	vst v63  }
0x165: {  	_ =	swait.ge [sflag:s3], $0x2800  }
0x166: {  	[sflag:s3] =	ssyncset.done $0x0  }
0x167: {  	[sflag:s3] =	ssyncadd.s32 $0xFFFFD800  }
0x168: {  	_ =	swait.ge [sflag:s25], $0x50  }
0x169: {  	[sflag:s25] =	ssyncset.done $0x0  }
0x16a: {  	[sflag:s25] =	ssyncadd.s32 $0xFFFFFFB0  }
0x16b: {  	[tilespmem:s28], [sflag:$0x3] =	stream.indirect.gather [hbm4b:s1+s6], $0x80, s16, s6, $0xb8;
	[tilespmem:$0x6000] =	vst v63  }
0x16c: {  	_ =	swait.ge [sflag:s29], $0x2800  }
0x16d: {  	[sflag:s29] =	ssyncset.done $0x0  }
0x16e: {  	s0 =	rddreg [dreg:$0x8];
	[sflag:s29] =	ssyncadd.s32 $0xFFFFD800  }
0x16f: {  	[hbm4b:s0+s4] =	stream.linear.scatter [tilespmem:s26], [sflag:$0x4], $0x2800, $0x38;
	[tilespmem:$0x6000] =	vst v63  }
0x170: {  	_ =	swait.ge [sflag:s30], $0x2800  }
0x171: {  	[sflag:s30] =	ssyncset.done $0x0  }
0x172: {  	[sflag:s30] =	ssyncadd.s32 $0xFFFFD800  }
0x173: {  	_ =	swait.ge [sflag:s25], $0x50  }
0x174: {  	[sflag:s25] =	ssyncset.done $0x0  }
0x175: {  	[sflag:s25] =	ssyncadd.s32 $0xFFFFFFB0  }
0x176: {  	[tilespmem:s26], [sflag:$0x2] =	stream.indirect.gather [hbm4b:s1+s6], $0x80, s18, s6, $0xb8;
	[tilespmem:$0x6000] =	vst v63  }
0x177: {  	_ =	swait.ge [sflag:s31], $0x2800  }
0x178: {  	[sflag:s31] =	ssyncset.done $0x0  }
0x179: {  	s0 =	rddreg [dreg:$0x9];
	[sflag:s31] =	ssyncadd.s32 $0xFFFFD800  }
0x17a: {  	[hbm4b:s0+s4] =	stream.linear.scatter [tilespmem:s28], [sflag:$0x5], $0x2800, $0x38;
	[tilespmem:$0x6000] =	vst v63  }
0x17b: {  	_ =	swait.ge [sflag:s3], $0x2800  }
0x17c: {  	[sflag:s3] =	ssyncset.done $0x0  }
0x17d: {  	[sflag:s3] =	ssyncadd.s32 $0xFFFFD800  }
0x17e: {  	_ =	swait.ge [sflag:s25], $0x50  }
0x17f: {  	[sflag:s25] =	ssyncset.done $0x0  }
0x180: {  	[sflag:s25] =	ssyncadd.s32 $0xFFFFFFB0  }
0x181: {  	[tilespmem:s28], [sflag:$0x3] =	stream.indirect.gather [hbm4b:s1+s6], $0x80, s20, s6, $0xb8;
	[tilespmem:$0x6000] =	vst v63  }
0x182: {  	_ =	swait.ge [sflag:s29], $0x2800  }
0x183: {  	[sflag:s29] =	ssyncset.done $0x0  }
0x184: {  	s0 =	rddreg [dreg:$0xa];
	[sflag:s29] =	ssyncadd.s32 $0xFFFFD800  }
0x185: {  	[hbm4b:s0+s4] =	stream.linear.scatter [tilespmem:s26], [sflag:$0x4], $0x2800, $0x38;
	[tilespmem:$0x6000] =	vst v63  }
0x186: {  	_ =	swait.ge [sflag:s30], $0x2800  }
0x187: {  	[sflag:s30] =	ssyncset.done $0x0  }
0x188: {  	[sflag:s30] =	ssyncadd.s32 $0xFFFFD800  }
0x189: {  	_ =	swait.ge [sflag:s25], $0x50  }
0x18a: {  	[sflag:s25] =	ssyncset.done $0x0  }
0x18b: {  	[sflag:s25] =	ssyncadd.s32 $0xFFFFFFB0  }
0x18c: {  	[tilespmem:s26], [sflag:$0x2] =	stream.indirect.gather [hbm4b:s1+s6], $0x80, s22, s6, $0xb8;
	[tilespmem:$0x6000] =	vst v63  }
0x18d: {  	_ =	swait.ge [sflag:s31], $0x2800  }
0x18e: {  	[sflag:s31] =	ssyncset.done $0x0  }
0x18f: {  	s0 =	rddreg [dreg:$0xb];
	[sflag:s31] =	ssyncadd.s32 $0xFFFFD800  }
0x190: {  	[hbm4b:s0+s4] =	stream.linear.scatter [tilespmem:s28], [sflag:$0x5], $0x2800, $0x38;
	[tilespmem:$0x6000] =	vst v63  }
0x191: {  	_ =	swait.ge [sflag:s3], $0x2800  }
0x192: {  	[sflag:s3] =	ssyncset.done $0x0  }
0x193: {  	[sflag:s3] =	ssyncadd.s32 $0xFFFFD800  }
0x194: {  	_ =	swait.ge [sflag:s25], $0x50  }
0x195: {  	[sflag:s25] =	ssyncset.done $0x0  }
0x196: {  	[sflag:s25] =	ssyncadd.s32 $0xFFFFFFB0  }
0x197: {  	[tilespmem:s28], [sflag:$0x3] =	stream.indirect.gather [hbm4b:s1+s6], $0x80, s24, s6, $0xb8;
	[tilespmem:$0x6000] =	vst v63  }
0x198: {  	_ =	swait.ge [sflag:s29], $0x2800  }
0x199: {  	[sflag:s29] =	ssyncset.done $0x0  }
0x19a: {  	s0 =	rddreg [dreg:$0xc];
	[sflag:s29] =	ssyncadd.s32 $0xFFFFD800  }
0x19b: {  	[hbm4b:s0+s4] =	stream.linear.scatter [tilespmem:s26], [sflag:$0x4], $0x2800, $0x38;
	[tilespmem:$0x6000] =	vst v63  }
0x19c: {  	_ =	swait.ge [sflag:s31], $0x2800  }
0x19d: {  	[sflag:s31] =	ssyncset.done $0x0  }
0x19e: {  	p0 =	sne.s32 s5, $0x1;
	s0 =	rddreg [dreg:$0xd];
	[sflag:s31] =	ssyncadd.s32 $0xFFFFD800  }
0x19f: {  	[hbm4b:s0+s4] =	stream.linear.scatter [tilespmem:s28], [sflag:$0x5], $0x2800, $0x38;
	[tilespmem:$0x6000] =	vst v63  }
.Ltmp1:
0x1a0: {  	_ =	swait.ge [sflag:s30], $0x2800;
	(pc) =	sbr.rel @p0 .LBB2_1-.Ltmp1, $4  }
0x1a1: {  	[sflag:s30] =	ssyncset.done $0x0  }
0x1a2: {  	[sflag:s30] =	ssyncadd.s32 $0xFFFFD800  }
0x1a3: {  	_ =	swait.ge [sflag:s3], $0x2800  }
0x1a4: {  	s5 =	sadd.s32 $0xFFFFFFFF, s5;
	[sflag:s3] =	ssyncset.done $0x0  }
.LBB2_2:
0x1a5: {  	[sflag:s3] =	ssyncadd.s32 $0xFFFFD800  }
0x1a6: {  	_ =	sfence.sel $0x180000  }
0x1a7: {  	[bflag:$0x0] =	sbarrier.arrive $0xFFFF  }
0x1a8: {  	_ =	strace $0x9000004A  }
0x1a9: {  	s0 =	stileid.u32;
	[bflag:$0x2] =	sbarrier.arrive $0xFFFF  }
0x1aa: {  	p0 =	sne.s32 s0, $0x0;
	s0 =	rddreg [dreg:$0x3]  }
0x1ab: {  	s0 =	sadd.s32 @!p0 $0x100000, s0  }
0x1ac: {  	[sflag:s0] =	ssyncadd.tile.s32 @!p0 $0x1;
	_ =	shalt  }
.Lfunc_end2:
_tile_overlayer_lowered:
.L_overlay_start_2:
0x1ad: {  	(tag) =	ssettag $0x2  }
0x1ae: {  	s0 =	rddreg [dreg:$0x0];
	s2 =	stileid.u32  }
0x1af: {  	s1 =	rddreg [dreg:$0x1];
	p0 =	sne.s32 s2, $0x0  }
0x1b0: {  	s3 =	rddreg [dreg:$0x2];
	[bflag:$0x3] =	sbarrier.arrive $0xFFFF;
	s2 =	simm.s32 @!p0 $0x1C06  }
0x1b1: {  	[timem:s3], [sflag:s2] =	dma.local @!p0 [hbm:s0], s1  }
0x1b2: {  	s0 =	simm.s32 @!p0 $0x6  }
0x1b3: {  	_ =	swait.ge @!p0 [sflag:s0], s1  }
0x1b4: {  	s1 =	ssub.s32 @!p0 $0x0, s1;
	[sflag:s0] =	ssyncset.done @!p0 $0x0  }
0x1b5: {  	[sflag:s0] =	ssyncadd.s32 @!p0 s1  }
0x1b6: {  	[bflag:$0x3] =	sbarrier.arrive $0xFFFF  }
0x1b7: {  	_ =	shalt  }

// kernel: kernel.9.cloned.1.call-start
scs
__scs_entry_jumppad:
0x0: {  	(pc) =	sbr.rel $0x88, $3  }
0x1: {  	(tag) =	ssettag $0x0;
	lr =	simm.s32 $0x1  }
0x2: {  	[smem:$0x3F95] =	sst lr;
	_ =	strace $0xD0000000  }
0x3: {  	_ = 	snop  }
0x4: {  	_ = 	snop  }
0x5: {  	_ = 	snop  }
0x6: {  	_ = 	snop  }
0x7: {  	_ = 	snop  }
__scs_overlays_trampoline_lowered:
0x8: {  	[smem:$0x3FA4] =	sst s0  }
0x9: {  	[smem:$0x3FA5] =	sst s1  }
0xa: {  	[smem:$0x3FA6] =	sst s2  }
0xb: {  	[smem:$0x3FA7] =	sst s3  }
0xc: {  	[smem:$0x3FA8] =	sst s4  }
0xd: {  	[smem:$0x3FA9] =	sst s5  }
0xe: {  	[smem:$0x3FAA] =	sst s6  }
0xf: {  	[smem:$0x3FAB] =	sst s7  }
0x10: {  	[smem:$0x3FAC] =	sst s8  }
0x11: {  	[smem:$0x3FAD] =	sst s9;
	s0 =	simm.s32 @!p0 $0x0  }
0x12: {  	s1 =	sld [smem:$0x3F93];
	s0 =	simm.s32 @p0 $0x1  }
0x13: {  	[smem:$0x3FAE] =	sst s0;
	s0 =	simm.s32 @!p1 $0x0  }
0x14: {  	s2 =	sld [smem:$0x3F92];
	s0 =	simm.s32 @p1 $0x1  }
0x15: {  	[smem:$0x3FAF] =	sst s0;
	s0 =	simm.s32 @!p2 $0x0  }
0x16: {  	s3 =	sld [smem:$0x3FDB];
	s0 =	simm.s32 @p2 $0x1  }
0x17: {  	s4 =	simm.s32 $0x1BF5;
	[smem:$0x3FB1] =	sst s0  }
0x18: {  	s0 =	sld [smem:$0x3F94];
	_ =	swait.ge [sflag:s4], $0x0  }
0x19: {  	s7 =	sld [smem:$0x3F95]  }
0x1a: {  	s8 =	sadd.s32 $0xFFFFE003, lr  }
0x1b: {  	s9 =	sadd.s32 $0xFFFFFEF7, lr;
	s5 =	simm.s32 $0xFFFFFFFF;
	p2 =	slt.u32 s8, $0xFFFFF086  }
0x1c: {  	p1 =	slt.u32 s9, $0xF7A;
	s5 =	simm.s32 @!p2 $0x0  }
0x1d: {  	s5 =	simm.s32 @p1 $0x1;
	p0 =	seq.s32 s7, s2  }
0x1e: {  	s7 =	smul.u32 @!p0 $0xF7A, s2;
	p2 =	seq.s32 @!p0 s5, $0x0  }
0x1f: {  	s9 =	smul.u32 $0xF7A, s1;
	s8 =	simm.s32 @!p0 $0x1BF5;
	p2 =	por !p2, p0  }
0x20: {  	[sflag:s8] =	ssyncset.s32 @!p0 $0xFFFFF086;
	s6 =	sadd.s32 @!p0 s3, s7;
	s7 =	simm.s32 @!p0 $0x108  }
0x21: {  	s3 =	sadd.s32 s3, s9;
	s6 =	sadd.s32 @!p0 $0x88, s6;
	s7 =	simm.s32 @p2 $0x1082  }
0x22: {  	[simem:s7], [sflag:s8] =	dma.local @!p0 [hbm:s6], $0xF7A  }
0x23: {  	s9 =	sor.u32 $0xD0000000, s2;
	s6 =	simm.s32 $0x108;
	_ =	swait.ge @!p0 [sflag:s8], $0x0  }
0x24: {  	s3 =	sadd.s32 $0x88, s3;
	s6 =	simm.s32 @!p1 $0x1082;
	[sflag:s4] =	ssyncset.s32 $0xFFFFF086  }
0x25: {  	[simem:s6], [sflag:s4] =	dma.local [hbm:s3], $0xF7A  }
0x26: {  	[smem:$0x3F95] =	sst s1;
	(tag) =	ssettag s2;
	_ =	strace s9  }
0x27: {  	s1 =	sld [smem:$0x3FA5]  }
0x28: {  	s2 =	sld [smem:$0x3FA6]  }
0x29: {  	s4 =	sld [smem:$0x3FA8]  }
0x2a: {  	p0 =	seq.s32 s5, $0x0;
	s5 =	sld [smem:$0x3FA9]  }
0x2b: {  	s6 =	sld [smem:$0x3FAA]  }
0x2c: {  	s7 =	sld [smem:$0x3FAB]  }
0x2d: {  	s3 =	simm.s32 $0x108;
	s8 =	sld [smem:$0x3FAC]  }
0x2e: {  	s3 =	simm.s32 @!p0 $0x1082;
	s9 =	sld [smem:$0x3FAD]  }
0x2f: {  	lr =	sadd.s32 s0, s3;
	s0 =	sld [smem:$0x3FA4]  }
0x30: {  	s3 =	sld [smem:$0x3FA7]  }
0x31: {  	[smem:$0x3FB0] =	sst s10  }
0x32: {  	s10 =	sld [smem:$0x3FAE];
	_ =	sdelay $0x3  }
0x33: {  	p0 =	seq.s32 s10, $0x1;
	s10 =	sld [smem:$0x3FB0];
	_ =	sdelay $0x3  }
0x34: {  	[smem:$0x3FB0] =	sst s10  }
0x35: {  	s10 =	sld [smem:$0x3FAF];
	_ =	sdelay $0x3  }
0x36: {  	p1 =	seq.s32 s10, $0x1;
	s10 =	sld [smem:$0x3FB0];
	_ =	sdelay $0x3  }
0x37: {  	[smem:$0x3FB0] =	sst s10  }
0x38: {  	s10 =	sld [smem:$0x3FB1]  }
0x39: {  	_ = 	snop;
	(pc) =	sbr.ind lr, $3  }
0x3a: {  	_ = 	snop  }
0x3b: {  	_ = 	snop  }
0x3c: {  	p2 =	seq.s32 s10, $0x1;
	s10 =	sld [smem:$0x3FB0]  }
0x3d: {  	_ =	shalt  }
0x3e: {  	_ =	shalt  }
0x3f: {  	_ =	shalt  }
0x40: {  	_ =	shalt  }
0x41: {  	_ =	shalt  }
0x42: {  	_ =	shalt  }
0x43: {  	_ =	shalt  }
0x44: {  	_ =	shalt  }
0x45: {  	_ =	shalt  }
0x46: {  	_ =	shalt  }
0x47: {  	_ =	shalt  }
0x48: {  	_ =	shalt  }
0x49: {  	_ =	shalt  }
0x4a: {  	_ =	shalt  }
0x4b: {  	_ =	shalt  }
0x4c: {  	_ =	shalt  }
0x4d: {  	_ =	shalt  }
0x4e: {  	_ =	shalt  }
0x4f: {  	_ =	shalt  }
0x50: {  	_ =	shalt  }
0x51: {  	_ =	shalt  }
0x52: {  	_ =	shalt  }
0x53: {  	_ =	shalt  }
0x54: {  	_ =	shalt  }
0x55: {  	_ =	shalt  }
0x56: {  	_ =	shalt  }
0x57: {  	_ =	shalt  }
0x58: {  	_ =	shalt  }
0x59: {  	_ =	shalt  }
0x5a: {  	_ =	shalt  }
0x5b: {  	_ =	shalt  }
0x5c: {  	_ =	shalt  }
0x5d: {  	_ =	shalt  }
0x5e: {  	_ =	shalt  }
0x5f: {  	_ =	shalt  }
0x60: {  	_ =	shalt  }
0x61: {  	_ =	shalt  }
0x62: {  	_ =	shalt  }
0x63: {  	_ =	shalt  }
0x64: {  	_ =	shalt  }
0x65: {  	_ =	shalt  }
0x66: {  	_ =	shalt  }
0x67: {  	_ =	shalt  }
0x68: {  	_ =	shalt  }
0x69: {  	_ =	shalt  }
0x6a: {  	_ =	shalt  }
0x6b: {  	_ =	shalt  }
0x6c: {  	_ =	shalt  }
0x6d: {  	_ =	shalt  }
0x6e: {  	_ =	shalt  }
0x6f: {  	_ =	shalt  }
0x70: {  	_ =	shalt  }
0x71: {  	_ =	shalt  }
0x72: {  	_ =	shalt  }
0x73: {  	_ =	shalt  }
0x74: {  	_ =	shalt  }
0x75: {  	_ =	shalt  }
0x76: {  	_ =	shalt  }
0x77: {  	_ =	shalt  }
0x78: {  	_ =	shalt  }
0x79: {  	_ =	shalt  }
0x7a: {  	_ =	shalt  }
0x7b: {  	_ =	shalt  }
0x7c: {  	_ =	shalt  }
0x7d: {  	_ =	shalt  }
0x7e: {  	_ =	shalt  }
0x7f: {  	_ =	shalt  }
0x80: {  	_ =	shalt  }
0x81: {  	_ =	shalt  }
0x82: {  	_ =	shalt  }
0x83: {  	_ =	shalt  }
0x84: {  	_ =	shalt  }
0x85: {  	_ =	shalt  }
0x86: {  	_ =	shalt  }
0x87: {  	_ =	shalt  }
.Lfunc_end0:
.L_simem_size_0:
called_computation.1_lowered:
.L_overlay_start_0:
0x88: {  	s2 =	sld [smem:$0x3FD9]  }
0x89: {  	s3 =	sld [smem:$0x3FFE];
	_ =	sdelay $0x1  }
0x8a: {  	s1 =	srdreg.scid  }
0x8b: {  	s0 =	sand.u32 $0x1, s1  }
0x8c: {  	s17 =	sshll.u32 s0, $0xA;
	s2 =	sadd.s32 s3, s2  }
0x8d: {  	s2 =	sadd.s32 s2, s17  }
0x8e: {  	[smem:$0x3FBC] =	sst s2  }
0x8f: {  	_ = 	snop  }
0x90: {  	s2 =	sld [smem:$0x3FC8];
	(tm) =	ssettm $0x1  }
0x91: {  	s18 =	sld [smem:$0x3FFB];
	_ =	sdelay $0x3  }
0x92: {  	_ =	strace s18  }
0x93: {  	s3 =	sld [smem:$0x3FFC];
	_ =	sdelay $0x3  }
0x94: {  	_ =	strace s3  }
0x95: {  	s3 =	sld [smem:$0x3FFD];
	_ =	sdelay $0x3  }
0x96: {  	_ =	strace s3  }
0x97: {  	_ =	strace $0x8FFFFFFF  }
0x98: {  	s19 =	sld [smem:$0x3FDB];
	_ =	sdelay $0x1  }
0x99: {  	s4 =	simm.s32 $_scs_section_size  }
0x9a: {  	s5 =	simm.s32 $_size__tile_overlayer_lowered;
	s6 =	simm.s32 $_tile_overlayer_lowered  }
0x9b: {  	s22 =	simm.s32 $0x1BFF;
	s21 =	sshll.u32 s6, $0x1;
	s3 =	sadd.s32 s4, s19  }
0x9c: {  	s7 =	simm.s32 $0x0;
	s20 =	sshll.u32 s5, $0x1;
	s5 =	sadd.s32 s21, s3  }
0x9d: {  	[timem:s7], [sflag:s22] =	dma.local [hbm:s5], s20  }
0x9e: {  	_ =	swait.ge [sflag:s22], s20  }
0x9f: {  	s4 =	ssub.s32 $0x0, s20;
	[sflag:s22] =	ssyncset.done $0x0  }
0xa0: {  	[sflag:s22] =	ssyncadd.s32 s4;
	_ =	sdelay $0x1  }
0xa1: {  	s23 =	simm.s32 $0x1B8B  }
0xa2: {  	_ =	swait.ge [sflag:s23], $0x1  }
0xa3: {  	[sflag:s23] =	ssyncset.done $0x0  }
0xa4: {  	s25 =	simm.s32 $0x1B8E;
	s24 =	sld [smem:$0x3FFE];
	[sflag:s23] =	ssyncadd.s32 $0xFFFFFFFF  }
0xa5: {  	s26 =	simm.s32 $execute0_lowered;
	[smem:$0x3FD2] =	sst s25  }
0xa6: {  	s5 =	sshll.u32 s26, $0x1;
	_ =	strace $0x80000046;
	[dreg:$0x1] =	wrdreg $0xFFFFFFFF  }
0xa7: {  	s28 =	simm.s32 $_size_execute0_lowered;
	s3 =	sadd.s32 s3, s5;
	[dreg:$0x0] =	wrdreg $0x0  }
0xa8: {  	s5 =	sshll.u32 s28, $0x1;
	[dreg:$0x2] =	wrdreg s3  }
0xa9: {  	[dreg:$0x3] =	wrdreg s5  }
0xaa: {  	[dreg:$0x4] =	wrdreg $0xC0  }
0xab: {  	_ =	task [dreg:s7], $0x5FFFF  }
0xac: {  	[dreg:$0x1] =	wrdreg $0xFFFFFFFF  }
0xad: {  	[dreg:$0x0] =	wrdreg $0x60  }
0xae: {  	[dreg:$0x2] =	wrdreg s2  }
0xaf: {  	[dreg:$0x3] =	wrdreg s24  }
0xb0: {  	[dreg:$0x4] =	wrdreg $0xA  }
0xb1: {  	_ =	task.clear_ibuf [dreg:s7], $0x5FFFF;
	_ =	strace $0x90000046  }
0xb2: {  	s29 =	simm.s32 $0xA;
	_ =	strace $0x80000048  }
0xb3: {  	_ =	swait.ge [sflag:s29], $0x1  }
0xb4: {  	[sflag:s29] =	ssyncadd.s32 $0xFFFFFFFF  }
0xb5: {  	_ =	strace $0x90000048  }
0xb6: {  	_ =	sfence  }
0xb7: {  	s30 =	sld [smem:$0x0];
	_ =	sdelay $0x2  }
0xb8: {  	s31 =	sshll.u32 s1, $0xD;
	s1 =	sshrl.u32 s1, $0x2  }
0xb9: {  	s3 =	sand.u32 $0x4000, s31;
	s1 =	sadd.s32 s1, s30  }
0xba: {  	s0 =	sor.u32 s3, s0;
	s1 =	sshll.u32 s1, $0x11  }
0xbb: {  	s0 =	sor.u32 s1, s0  }
0xbc: {  	s0 =	sadd.s32 $0x8F2B, s0  }
0xbd: {  	[sflag:s0] =	ssyncadd.remote.s32 $0x1  }
0xbe: {  	_ =	sfence.sel $0xFFFF  }
0xbf: {  	[dreg:$0x0] =	wrdreg $0xFFFFFFFF;
	(pc) =	sbr.abs _section_cstart, $3  }
0xc0: {  	[dreg:$0x1] =	wrdreg $0xFFFFFFFF  }
0xc1: {  	_ =	task.clear_ibuf [dreg:s7], $0x2FFFF;
	_ =	strace $0x9FFFFFFF  }
0xc2: {  	(tm) =	ssettm $0x7FFFFFFF  }
0xc3: {  	_ =	shalt  }
tec
execute0_lowered:
.L_overlay_start_1:
0x0: {  	(tag) =	ssettag $0x1  }
0x1: {  	s1 =	srdreg.scid;
	s0 =	stileid.u32  }
0x2: {  	s4 =	sand.u32 $0x1, s1;
	s2 =	sshll.u32 s0, $0x1  }
0x3: {  	s5 =	sor.u32 s4, s2  }
0x4: {  	s8 =	smul.u32 $0x320, s5  }
0x5: {  	v35 =	vlaneseq.u32  }
0x6: {  	v0 =	vor.u32 s8, v35  }
0x7: {  	v1 =	vmov s8;
	s3 =	sadd.s32 $0x20, s8;
	v0 =	vand.u32 $0x1EF, v0  }
0x8: {  	s6 =	sadd.s32 $0x30, s8;
	s7 =	sadd.s32 $0x60, s8;
	s9 =	sadd.s32 $0x70, s8;
	v1 =	vshrl.u32 v1, $0x9;
	v2 =	vmov s3;
	v3 =	vor.u32 s3, v35  }
0x9: {  	s10 =	sadd.s32 $0x80, s8;
	s11 =	sadd.s32 $0x90, s8;
	s13 =	sadd.s32 $0xC0, s8;
	v5 =	vmov s6;
	v7 =	vmov s7;
	v8 =	vor.u32 s9, v35  }
0xa: {  	s14 =	sadd.s32 $0xD0, s8;
	s15 =	sadd.s32 $0xE0, s8;
	s16 =	sadd.s32 $0x100, s8;
	v9 =	vor.u32 s10, v35;
	v11 =	vmov s11;
	v13 =	vmov s13  }
0xb: {  	s18 =	sadd.s32 $0x120, s8;
	s19 =	sadd.s32 $0x130, s8;
	v14 =	vor.u32 s14, v35;
	v15 =	vor.u32 s15, v35;
	v16 =	vor.u32 s16, v35  }
0xc: {  	s20 =	sadd.s32 $0x150, s8;
	s21 =	sadd.s32 $0x160, s8;
	v18 =	vmov s16;
	v19 =	vmov s18;
	v20 =	vor.u32 s19, v35  }
0xd: {  	s23 =	sadd.s32 $0x180, s8;
	s26 =	sadd.s32 $0x2B0, s8;
	v22 =	vor.u32 s21, v35;
	v23 =	vmov s20;
	v24 =	vmov s21  }
0xe: {  	s0 =	sadd.s32 $0x2E0, s8;
	v25 =	vmov s23;
	v36 =	vmov s26;
	v37 =	vor.u32 s26, v35  }
0xf: {  	s3 =	sadd.s32 $0x40, s8;
	v32 =	vor.u32 s0, v35;
	v33 =	vmov s0;
	v0 =	vmul.u32 $0x32, v0  }
0x10: {  	s16 =	sadd.s32 $0x1C0, s8;
	s21 =	sadd.s32 $0x220, s8;
	v4 =	vor.u32 s3, v35;
	v6 =	vmov s3;
	v16 =	vand.u32 $0x1EF, v16  }
0x11: {  	s26 =	sadd.s32 $0x300, s8;
	s0 =	sadd.s32 $0x310, s8;
	v22 =	vand.u32 $0x1EF, v22;
	v44 =	vor.u32 s16, v35;
	v40 =	vor.u32 s21, v35  }
0x12: {  	s2 =	sor.u32 $0x10, s8;
	v32 =	vand.u32 $0x1EF, v32;
	v49 =	vor.u32 s26, v35;
	v61 =	vor.u32 s0, v35  }
0x13: {  	v50 =	vmov s26;
	v0 =	vadd.s32 v1, v0;
	v1 =	vor.u32 s2, v35  }
0x14: {  	v51 =	vmov s0;
	v37 =	vand.u32 $0x1FF, v37;
	v48 =	vand.u32 $0x1FF, v1  }
0x15: {  	v1 =	vshrl.u32 v2, $0x9;
	v2 =	vand.u32 $0x1EF, v3;
	v3 =	vor.u32 s6, v35  }
0x16: {  	v4 =	vand.u32 $0x1EF, v4;
	v2 =	vmul.u32 $0x32, v2;
	v3 =	vand.u32 $0x1FF, v3  }
0x17: {  	v36 =	vshrl.u32 v36, $0x9;
	v4 =	vmul.u32 $0x32, v4;
	v3 =	vmul.u32 $0x32, v3  }
0x18: {  	s6 =	sadd.s32 $0x50, s8;
	v1 =	vadd.s32 v1, v2;
	v2 =	vshrl.u32 v5, $0x9;
	v5 =	vshrl.u32 v6, $0x9  }
0x19: {  	v2 =	vadd.s32 v2, v3;
	v3 =	vadd.s32 v5, v4;
	v4 =	vor.u32 s6, v35  }
0x1a: {  	v16 =	vmul.u32 $0x32, v16;
	v6 =	vor.u32 s7, v35;
	v4 =	vand.u32 $0x1FF, v4  }
0x1b: {  	v5 =	vmov s6;
	v6 =	vand.u32 $0x1EF, v6;
	v4 =	vmul.u32 $0x32, v4  }
0x1c: {  	v22 =	vmul.u32 $0x32, v22;
	v5 =	vshrl.u32 v5, $0x9;
	v6 =	vmul.u32 $0x32, v6  }
0x1d: {  	v4 =	vadd.s32 v5, v4;
	v5 =	vshrl.u32 v7, $0x9;
	v7 =	vand.u32 $0x1FF, v8  }
0x1e: {  	v5 =	vadd.s32 v5, v6;
	v6 =	vmov s9;
	v7 =	vmul.u32 $0x32, v7  }
0x1f: {  	v32 =	vmul.u32 $0x32, v32;
	v60 =	vand.u32 $0x1EF, v49;
	s7 =	sadd.s32 $0xA0, s8;
	v6 =	vshrl.u32 v6, $0x9  }
0x20: {  	v10 =	vor.u32 s7, v35;
	v8 =	vmov s10;
	v6 =	vadd.s32 v6, v7  }
0x21: {  	v7 =	vshrl.u32 v8, $0x9;
	v8 =	vand.u32 $0x1EF, v9;
	v9 =	vor.u32 s11, v35  }
0x22: {  	v10 =	vand.u32 $0x1EF, v10;
	v8 =	vmul.u32 $0x32, v8;
	v9 =	vand.u32 $0x1FF, v9  }
0x23: {  	v12 =	vmov s7;
	v10 =	vmul.u32 $0x32, v10;
	v9 =	vmul.u32 $0x32, v9  }
0x24: {  	s12 =	sadd.s32 $0xB0, s8;
	v7 =	vadd.s32 v7, v8;
	v8 =	vshrl.u32 v11, $0x9;
	v11 =	vshrl.u32 v12, $0x9  }
0x25: {  	v8 =	vadd.s32 v8, v9;
	v9 =	vadd.s32 v11, v10;
	v10 =	vor.u32 s12, v35  }
0x26: {  	v49 =	vand.u32 $0x1FF, v61;
	v12 =	vor.u32 s13, v35;
	v10 =	vand.u32 $0x1FF, v10  }
0x27: {  	v11 =	vmov s12;
	v12 =	vand.u32 $0x1EF, v12;
	v10 =	vmul.u32 $0x32, v10  }
0x28: {  	v50 =	vshrl.u32 v50, $0x9;
	v11 =	vshrl.u32 v11, $0x9;
	v12 =	vmul.u32 $0x32, v12  }
0x29: {  	v10 =	vadd.s32 v11, v10;
	v11 =	vshrl.u32 v13, $0x9;
	v13 =	vand.u32 $0x1FF, v14  }
0x2a: {  	v11 =	vadd.s32 v11, v12;
	v12 =	vmov s14;
	v13 =	vmul.u32 $0x32, v13  }
0x2b: {  	v62 =	vshrl.u32 v51, $0x9;
	v37 =	vmul.u32 $0x32, v37;
	v12 =	vshrl.u32 v12, $0x9  }
0x2c: {  	v49 =	vmul.u32 $0x32, v49;
	s9 =	sadd.s32 $0xF0, s8;
	v14 =	vmov s15;
	v12 =	vadd.s32 v12, v13  }
0x2d: {  	v13 =	vshrl.u32 v14, $0x9;
	v14 =	vand.u32 $0x1EF, v15;
	v15 =	vor.u32 s9, v35  }
0x2e: {  	v36 =	vadd.s32 v36, v37;
	s10 =	sadd.s32 $0x140, s8;
	v14 =	vmul.u32 $0x32, v14;
	v15 =	vand.u32 $0x1FF, v15  }
0x2f: {  	v21 =	vor.u32 s10, v35;
	v17 =	vmov s9;
	v15 =	vmul.u32 $0x32, v15  }
0x30: {  	s17 =	sadd.s32 $0x110, s8;
	v13 =	vadd.s32 v13, v14;
	v14 =	vshrl.u32 v17, $0x9;
	v17 =	vshrl.u32 v18, $0x9  }
0x31: {  	s13 =	sadd.s32 $0x1A0, s8;
	v14 =	vadd.s32 v14, v15;
	v15 =	vadd.s32 v17, v16;
	v16 =	vor.u32 s17, v35  }
0x32: {  	v26 =	vor.u32 s13, v35;
	v18 =	vor.u32 s18, v35;
	v16 =	vand.u32 $0x1FF, v16  }
0x33: {  	s14 =	sadd.s32 $0x200, s8;
	v17 =	vmov s17;
	v18 =	vand.u32 $0x1EF, v18;
	v16 =	vmul.u32 $0x32, v16  }
0x34: {  	v27 =	vor.u32 s14, v35;
	v17 =	vshrl.u32 v17, $0x9;
	v18 =	vmul.u32 $0x32, v18  }
0x35: {  	v16 =	vadd.s32 v17, v16;
	v17 =	vshrl.u32 v19, $0x9;
	v19 =	vand.u32 $0x1FF, v20  }
0x36: {  	s12 =	sadd.s32 $0x190, s8;
	v17 =	vadd.s32 v17, v18;
	v18 =	vmov s19;
	v19 =	vmul.u32 $0x32, v19  }
0x37: {  	v46 =	vor.u32 s12, v35;
	v27 =	vand.u32 $0x1EF, v27;
	v18 =	vshrl.u32 v18, $0x9  }
0x38: {  	v27 =	vmul.u32 $0x32, v27;
	v20 =	vmov s10;
	v18 =	vadd.s32 v18, v19  }
0x39: {  	s1 =	rddreg [dreg:$0x0];
	s3 =	simm.s32 $0x0;
	s18 =	sadd.s32 $0x260, s8;
	v19 =	vshrl.u32 v20, $0x9;
	v20 =	vand.u32 $0x1EF, v21;
	v21 =	vor.u32 s20, v35  }
0x3a: {  	[smem:$0x7FF] =	sst s3;
	s17 =	sadd.s32 $0x1F0, s8;
	v30 =	vmov s18;
	v20 =	vmul.u32 $0x32, v20;
	v21 =	vand.u32 $0x1FF, v21  }
0x3b: {  	s11 =	rddreg [dreg:$0x1];
	_ =	strace $0x80000047;
	[tilespmem:$0x20] =	vst v1;
	v42 =	vor.u32 s17, v35;
	v30 =	vshrl.u32 v30, $0x9;
	v21 =	vmul.u32 $0x32, v21  }
0x3c: {  	s22 =	sadd.s32 $0x170, s8;
	[tilespmem:$0x30] =	vst v2;
	v19 =	vadd.s32 v19, v20;
	v20 =	vshrl.u32 v23, $0x9;
	v23 =	vshrl.u32 v24, $0x9  }
0x3d: {  	[tilespmem:$0x40] =	vst v3;
	s20 =	sadd.s32 $0x290, s8;
	v20 =	vadd.s32 v20, v21;
	v21 =	vadd.s32 v23, v22;
	v22 =	vor.u32 s22, v35  }
0x3e: {  	[tilespmem:$0x80] =	vst v4;
	v31 =	vmov s20;
	v24 =	vor.u32 s23, v35;
	v22 =	vand.u32 $0x1FF, v22  }
0x3f: {  	[tilespmem:$0x90] =	vst v5;
	v23 =	vmov s22;
	v24 =	vand.u32 $0x1EF, v24;
	v22 =	vmul.u32 $0x32, v22  }
0x40: {  	[tilespmem:$0x0] =	vst v0;
	v31 =	vshrl.u32 v31, $0x9;
	v23 =	vshrl.u32 v23, $0x9;
	v24 =	vmul.u32 $0x32, v24  }
0x41: {  	[tilespmem:$0x430] =	vst v36;
	v22 =	vadd.s32 v23, v22;
	v23 =	vshrl.u32 v25, $0x9;
	v25 =	vand.u32 $0x1EF, v26  }
0x42: {  	s24 =	sadd.s32 $0x1D0, s8;
	[tilespmem:$0xA0] =	vst v6;
	s22 =	sadd.s32 $0x240, s8;
	v23 =	vadd.s32 v23, v24;
	v24 =	vmov s13;
	v25 =	vmul.u32 $0x32, v25  }
0x43: {  	[tilespmem:$0xB0] =	vst v7;
	s15 =	sadd.s32 $0x1B0, s8;
	v29 =	vor.u32 s22, v35;
	v26 =	vor.u32 s24, v35;
	v24 =	vshrl.u32 v24, $0x9  }
0x44: {  	[tilespmem:$0xC0] =	vst v8;
	v26 =	vand.u32 $0x1FF, v26;
	v24 =	vadd.s32 v24, v25;
	v25 =	vor.u32 s15, v35  }
0x45: {  	[tilespmem:$0x100] =	vst v9;
	s23 =	sadd.s32 $0x250, s8;
	v26 =	vmul.u32 $0x32, v26;
	v47 =	vand.u32 $0x1FF, v25;
	v25 =	vmov s24  }
0x46: {  	[tilespmem:$0x110] =	vst v10;
	v38 =	vor.u32 s23, v35;
	v41 =	vand.u32 $0x1EF, v29;
	s13 =	sadd.s32 $0x1E0, s8;
	v25 =	vshrl.u32 v25, $0x9  }
0x47: {  	[tilespmem:$0x120] =	vst v11;
	v29 =	vor.u32 s20, v35;
	v25 =	vadd.s32 v25, v26;
	v26 =	vor.u32 s13, v35  }
0x48: {  	[tilespmem:$0x130] =	vst v12;
	v29 =	vand.u32 $0x1FF, v29;
	v45 =	vand.u32 $0x1EF, v26;
	v26 =	vmov s14;
	s14 =	sadd.s32 $0x230, s8  }
0x49: {  	[tilespmem:$0x140] =	vst v13;
	s19 =	sadd.s32 $0x210, s8;
	v29 =	vmul.u32 $0x32, v29;
	v26 =	vshrl.u32 v26, $0x9;
	v28 =	vor.u32 s14, v35  }
0x4a: {  	[tilespmem:$0x180] =	vst v14;
	v26 =	vadd.s32 v26, v27;
	v27 =	vor.u32 s19, v35;
	v28 =	vand.u32 $0x1FF, v28  }
0x4b: {  	[tilespmem:$0x190] =	vst v15;
	v43 =	vand.u32 $0x1FF, v27;
	v27 =	vmov s14;
	v28 =	vmul.u32 $0x32, v28  }
0x4c: {  	s25 =	sadd.s32 $0x2C0, s8;
	[tilespmem:$0x1A0] =	vst v16;
	v41 =	vmul.u32 $0x32, v41;
	v29 =	vadd.s32 v31, v29;
	v27 =	vshrl.u32 v27, $0x9  }
0x4d: {  	[tilespmem:$0x1B0] =	vst v17;
	v31 =	vmov s25;
	v27 =	vadd.s32 v27, v28;
	v28 =	vor.u32 s18, v35  }
0x4e: {  	[tilespmem:$0x1C0] =	vst v18;
	v31 =	vshrl.u32 v31, $0x9;
	v47 =	vmul.u32 $0x32, v47;
	s18 =	sadd.s32 $0x2D0, s8;
	v28 =	vand.u32 $0x1EF, v28  }
0x4f: {  	[tilespmem:$0x200] =	vst v19;
	v45 =	vmul.u32 $0x32, v45;
	v63 =	vor.u32 s18, v35;
	v28 =	vmul.u32 $0x32, v28  }
0x50: {  	[tilespmem:$0x210] =	vst v20;
	s24 =	sadd.s32 $0x270, s8;
	v43 =	vmul.u32 $0x32, v43;
	v58 =	vmov s18;
	v57 =	vand.u32 $0x1FF, v63  }
0x51: {  	[tilespmem:$0x220] =	vst v21;
	v51 =	vshrl.u32 v58, $0x9;
	v28 =	vadd.s32 v30, v28;
	v30 =	vor.u32 s24, v35  }
0x52: {  	[tilespmem:$0x230] =	vst v22;
	v63 =	vmov s24;
	v39 =	vand.u32 $0x1FF, v30;
	v30 =	vor.u32 s25, v35;
	s25 =	sadd.s32 $0x2F0, s8  }
0x53: {  	[tilespmem:$0x240] =	vst v23;
	v58 =	vmov s23;
	v30 =	vand.u32 $0x1EF, v30;
	v34 =	vmov s25  }
0x54: {  	[tilespmem:$0x410] =	vst v29;
	v59 =	vor.u32 s25, v35;
	s25 =	sadd.s32 $0x280, s8;
	s8 =	sadd.s32 $0x2A0, s8;
	v39 =	vmul.u32 $0x32, v39;
	v30 =	vmul.u32 $0x32, v30  }
0x55: {  	[tilespmem:$0x290] =	vst v24;
	v56 =	vor.u32 s25, v35;
	v34 =	vshrl.u32 v34, $0x9;
	v35 =	vor.u32 s8, v35  }
0x56: {  	[tilespmem:$0x2C0] =	vst v25;
	v30 =	vadd.s32 v31, v30;
	v31 =	vshrl.u32 v33, $0x9;
	v33 =	vand.u32 $0x1FF, v59  }
0x57: {  	[tilespmem:$0x320] =	vst v26;
	v59 =	vand.u32 $0x1EF, v35;
	v31 =	vadd.s32 v31, v32;
	v32 =	vmul.u32 $0x32, v60  }
0x58: {  	[tilespmem:$0x380] =	vst v27;
	v52 =	vmul.u32 $0x32, v33;
	v33 =	vadd.s32 v62, v49;
	v60 =	vmov s8  }
0x59: {  	[tilespmem:$0x3B0] =	vst v28;
	v61 =	vmul.u32 $0x32, v59;
	v49 =	vand.u32 $0x1EF, v56;
	v62 =	vmov s25  }
0x5a: {  	[tilespmem:$0x440] =	vst v30;
	v49 =	vmul.u32 $0x32, v49;
	v56 =	vshrl.u32 v62, $0x9;
	v62 =	vmov s21  }
0x5b: {  	[tilespmem:$0x4C0] =	vst v33;
	v32 =	vadd.s32 v50, v32;
	v50 =	vmul.u32 $0x32, v57;
	v57 =	vand.u32 $0x1FF, v38  }
0x5c: {  	[tilespmem:$0x490] =	vst v31;
	v34 =	vadd.s32 v34, v52;
	v38 =	vadd.s32 v56, v49;
	v59 =	vmul.u32 $0x32, v57  }
0x5d: {  	[tilespmem:$0x4B0] =	vst v32;
	v49 =	vshrl.u32 v58, $0x9;
	v56 =	vmov s19;
	v57 =	vand.u32 $0x1FF, v42  }
0x5e: {  	[tilespmem:$0x4A0] =	vst v34;
	v58 =	vmov s17;
	v35 =	vadd.s32 v51, v50;
	v50 =	vshrl.u32 v60, $0x9  }
0x5f: {  	[tilespmem:$0x400] =	vst v38;
	v60 =	vmov s22;
	v37 =	vadd.s32 v50, v61;
	v50 =	vshrl.u32 v63, $0x9  }
0x60: {  	[tilespmem:$0x480] =	vst v35;
	v61 =	vand.u32 $0x1EF, v40;
	v40 =	vadd.s32 v49, v59;
	v49 =	vshrl.u32 v62, $0x9  }
0x61: {  	v59 =	vmul.u32 $0x32, v57;
	v62 =	vmov s16;
	v57 =	vand.u32 $0x1FF, v46;
	[tilespmem:$0x420] =	vst v37  }
0x62: {  	v39 =	vadd.s32 v50, v39;
	v50 =	vshrl.u32 v60, $0x9;
	v63 =	vmul.u32 $0x32, v61;
	[tilespmem:$0x3A0] =	vst v40  }
0x63: {  	s5 =	smul.u32 $0x3200, s5;
	v60 =	vmov s13;
	v61 =	vand.u32 $0x1EF, v44;
	[tilespmem:$0x3C0] =	vst v39;
	v41 =	vadd.s32 v50, v41  }
0x64: {  	s6 =	sshll.u32 s6, $0x4;
	s0 =	sshll.u32 s7, $0x4;
	s10 =	sshll.u32 s10, $0x4;
	v50 =	vshrl.u32 v56, $0x9;
	v56 =	vmov s15;
	[tilespmem:$0x390] =	vst v41;
	v42 =	vadd.s32 v49, v63  }
0x65: {  	s20 =	simm.s32 $0xB80;
	s8 =	sshll.u32 s9, $0x4;
	s21 =	simm.s32 $0x80;
	v43 =	vadd.s32 v50, v43;
	v49 =	vshrl.u32 v58, $0x9;
	v50 =	vshrl.u32 v60, $0x9;
	[tilespmem:$0x340] =	vst v42  }
0x66: {  	s25 =	sshll.u32 s25, $0x4;
	[dreg:$0xd] =	wrdreg s21;
	s21 =	simm.s32 $0x400;
	v63 =	vmul.u32 $0x32, v61;
	v58 =	vmov s12;
	[tilespmem:$0x330] =	vst v43;
	v44 =	vadd.s32 v49, v59  }
0x67: {  	s19 =	sadd.s32 $0x3200, s11;
	s17 =	sshll.u32 s13, $0x4;
	s23 =	rddreg [dreg:$0xd];
	v60 =	vmov s2;
	v45 =	vadd.s32 v50, v45;
	v49 =	vshrl.u32 v62, $0x9;
	[tilespmem:$0x310] =	vst v44  }
0x68: {  	s5 =	sadd.s32 s19, s5;
	s26 =	sadd.s32 s19, s6;
	s7 =	sadd.s32 s19, s0;
	v50 =	vshrl.u32 v56, $0x9;
	v59 =	vmul.u32 $0x32, v57;
	[tilespmem:$0x300] =	vst v45;
	v46 =	vadd.s32 v49, v63  }
0x69: {  	s9 =	sadd.s32 s19, s8;
	s6 =	sadd.s32 s19, s10;
	[dreg:$0x3] =	wrdreg s5;
	v61 =	vmul.u32 $0x32, v48;
	v62 =	vshrl.u32 v58, $0x9;
	v47 =	vadd.s32 v50, v47;
	[tilespmem:$0x2B0] =	vst v46  }
0x6a: {  	s22 =	sshll.u32 s14, $0x4;
	s8 =	simm.s32 $0x880;
	[dreg:$0x4] =	wrdreg s26;
	v63 =	vshrl.u32 v60, $0x9;
	[tilespmem:$0x2A0] =	vst v47;
	v48 =	vadd.s32 v62, v59  }
0x6b: {  	s10 =	simm.s32 $0x900;
	[dreg:$0x5] =	wrdreg s7;
	s5 =	sadd.s32 $0x2400, s11;
	v49 =	vadd.s32 v63, v61;
	[tilespmem:$0x280] =	vst v48  }
0x6c: {  	[dreg:$0x7] =	wrdreg s6;
	s6 =	simm.s32 $0x50;
	s7 =	simm.s32 $0x800;
	[tilespmem:$0x10] =	vst v49  }
0x6d: {  	[tilespmem:s7], [sflag:$0x1] =	stream.indirect.gather [hbm4b:s5+s6], $0x1, s3, s6, $0xb8;
	[tilespmem:$0x6000] =	vst v63  }
0x6e: {  	s14 =	simm.s32 $0xA00;
	[dreg:$0x6] =	wrdreg s9;
	s24 =	sadd.s32 s19, s22  }
0x6f: {  	[tilespmem:s8], [sflag:$0x1] =	stream.indirect.gather [hbm4b:s5+s6], $0x1, s23, s6, $0xb8;
	[tilespmem:$0x6000] =	vst v63  }
0x70: {  	s9 =	simm.s32 $0x100;
	s11 =	simm.s32 $0x180;
	s26 =	sshll.u32 s18, $0x4  }
0x71: {  	[tilespmem:s10], [sflag:$0x1] =	stream.indirect.gather [hbm4b:s5+s6], $0x1, s9, s6, $0xb8;
	[tilespmem:$0x6000] =	vst v63  }
0x72: {  	s18 =	simm.s32 $0xB00;
	s15 =	sshll.u32 s12, $0x4;
	s12 =	simm.s32 $0x980  }
0x73: {  	[tilespmem:s12], [sflag:$0x1] =	stream.indirect.gather [hbm4b:s5+s6], $0x1, s11, s6, $0xb8;
	[tilespmem:$0x6000] =	vst v63  }
0x74: {  	s13 =	simm.s32 $0x200;
	s16 =	sadd.s32 s19, s15;
	s2 =	sadd.s32 s19, s17  }
0x75: {  	[tilespmem:s14], [sflag:$0x1] =	stream.indirect.gather [hbm4b:s5+s6], $0x1, s13, s6, $0xb8;
	[tilespmem:$0x6000] =	vst v63  }
0x76: {  	s15 =	simm.s32 $0x280;
	[dreg:$0x8] =	wrdreg s16;
	s16 =	simm.s32 $0xA80  }
0x77: {  	[tilespmem:s16], [sflag:$0x1] =	stream.indirect.gather [hbm4b:s5+s6], $0x1, s15, s6, $0xb8;
	[tilespmem:$0x6000] =	vst v63  }
0x78: {  	s17 =	simm.s32 $0x300;
	[dreg:$0x9] =	wrdreg s2;
	s2 =	sadd.s32 s19, s25  }
0x79: {  	[tilespmem:s18], [sflag:$0x1] =	stream.indirect.gather [hbm4b:s5+s6], $0x1, s17, s6, $0xb8;
	[tilespmem:$0x6000] =	vst v63  }
0x7a: {  	[dreg:$0xb] =	wrdreg s2;
	s2 =	sadd.s32 s19, s26;
	s19 =	simm.s32 $0x380  }
0x7b: {  	[tilespmem:s20], [sflag:$0x1] =	stream.indirect.gather [hbm4b:s5+s6], $0x1, s19, s6, $0xb8;
	[tilespmem:$0x6000] =	vst v63  }
0x7c: {  	s22 =	simm.s32 $0xC00;
	[dreg:$0xa] =	wrdreg s24;
	s24 =	simm.s32 $0xC80  }
0x7d: {  	[tilespmem:s22], [sflag:$0x1] =	stream.indirect.gather [hbm4b:s5+s6], $0x1, s21, s6, $0xb8;
	[tilespmem:$0x6000] =	vst v63  }
0x7e: {  	s25 =	simm.s32 $0x1;
	[dreg:$0xc] =	wrdreg s2;
	s23 =	simm.s32 $0x480  }
0x7f: {  	[tilespmem:s24], [sflag:$0x1] =	stream.indirect.gather [hbm4b:s5+s6], $0x1, s23, s6, $0xb8;
	[tilespmem:$0x6000] =	vst v63  }
0x80: {  	_ =	swait.ge [sflag:s25], $0x50  }
0x81: {  	[sflag:s25] =	ssyncset.done $0x0  }
0x82: {  	s26 =	simm.s32 $0x1000;
	[sflag:s25] =	ssyncadd.s32 $0xFFFFFFB0  }
0x83: {  	[tilespmem:s26], [sflag:$0x2] =	stream.indirect.gather [hbm4b:s1+s6], $0x80, s7, s6, $0xb8;
	[tilespmem:$0x6000] =	vst v63  }
0x84: {  	_ =	swait.ge [sflag:s25], $0x50  }
0x85: {  	[sflag:s25] =	ssyncset.done $0x0  }
0x86: {  	s28 =	simm.s32 $0x3800;
	s29 =	simm.s32 $0x2;
	[sflag:s25] =	ssyncadd.s32 $0xFFFFFFB0  }
0x87: {  	[tilespmem:s28], [sflag:$0x3] =	stream.indirect.gather [hbm4b:s1+s6], $0x80, s8, s6, $0xb8;
	[tilespmem:$0x6000] =	vst v63  }
0x88: {  	_ =	swait.ge [sflag:s29], $0x2800  }
0x89: {  	[sflag:s29] =	ssyncset.done $0x0  }
0x8a: {  	s30 =	simm.s32 $0x4;
	s0 =	rddreg [dreg:$0x3];
	[sflag:s29] =	ssyncadd.s32 $0xFFFFD800  }
0x8b: {  	[hbm4b:s0+s3] =	stream.linear.scatter [tilespmem:s26], [sflag:$0x4], $0x2800, $0x38;
	[tilespmem:$0x6000] =	vst v63  }
0x8c: {  	_ =	swait.ge [sflag:s30], $0x2800  }
0x8d: {  	[sflag:s30] =	ssyncset.done $0x0  }
0x8e: {  	[sflag:s30] =	ssyncadd.s32 $0xFFFFD800  }
0x8f: {  	_ =	swait.ge [sflag:s25], $0x50  }
0x90: {  	[sflag:s25] =	ssyncset.done $0x0  }
0x91: {  	s31 =	simm.s32 $0x3;
	[sflag:s25] =	ssyncadd.s32 $0xFFFFFFB0  }
0x92: {  	[tilespmem:s26], [sflag:$0x2] =	stream.indirect.gather [hbm4b:s1+s6], $0x80, s10, s6, $0xb8;
	[tilespmem:$0x6000] =	vst v63  }
0x93: {  	_ =	swait.ge [sflag:s31], $0x2800  }
0x94: {  	[sflag:s31] =	ssyncset.done $0x0  }
0x95: {  	s2 =	simm.s32 $0x5;
	s0 =	rddreg [dreg:$0x4];
	[sflag:s31] =	ssyncadd.s32 $0xFFFFD800  }
0x96: {  	[hbm4b:s0+s3] =	stream.linear.scatter [tilespmem:s28], [sflag:$0x5], $0x2800, $0x38;
	[tilespmem:$0x6000] =	vst v63  }
0x97: {  	_ =	swait.ge [sflag:s2], $0x2800  }
0x98: {  	[sflag:s2] =	ssyncset.done $0x0  }
0x99: {  	[sflag:s2] =	ssyncadd.s32 $0xFFFFD800  }
0x9a: {  	_ =	swait.ge [sflag:s25], $0x50  }
0x9b: {  	[sflag:s25] =	ssyncset.done $0x0  }
0x9c: {  	[sflag:s25] =	ssyncadd.s32 $0xFFFFFFB0  }
0x9d: {  	[tilespmem:s28], [sflag:$0x3] =	stream.indirect.gather [hbm4b:s1+s6], $0x80, s12, s6, $0xb8;
	[tilespmem:$0x6000] =	vst v63  }
0x9e: {  	_ =	swait.ge [sflag:s29], $0x2800  }
0x9f: {  	[sflag:s29] =	ssyncset.done $0x0  }
0xa0: {  	s0 =	rddreg [dreg:$0x5];
	[sflag:s29] =	ssyncadd.s32 $0xFFFFD800  }
0xa1: {  	[hbm4b:s0+s3] =	stream.linear.scatter [tilespmem:s26], [sflag:$0x4], $0x2800, $0x38;
	[tilespmem:$0x6000] =	vst v63  }
0xa2: {  	_ =	swait.ge [sflag:s30], $0x2800  }
0xa3: {  	[sflag:s30] =	ssyncset.done $0x0  }
0xa4: {  	[sflag:s30] =	ssyncadd.s32 $0xFFFFD800  }
0xa5: {  	_ =	swait.ge [sflag:s25], $0x50  }
0xa6: {  	[sflag:s25] =	ssyncset.done $0x0  }
0xa7: {  	[sflag:s25] =	ssyncadd.s32 $0xFFFFFFB0  }
0xa8: {  	[tilespmem:s26], [sflag:$0x2] =	stream.indirect.gather [hbm4b:s1+s6], $0x80, s14, s6, $0xb8;
	[tilespmem:$0x6000] =	vst v63  }
0xa9: {  	_ =	swait.ge [sflag:s31], $0x2800  }
0xaa: {  	[sflag:s31] =	ssyncset.done $0x0  }
0xab: {  	s0 =	rddreg [dreg:$0x6];
	[sflag:s31] =	ssyncadd.s32 $0xFFFFD800  }
0xac: {  	[hbm4b:s0+s3] =	stream.linear.scatter [tilespmem:s28], [sflag:$0x5], $0x2800, $0x38;
	[tilespmem:$0x6000] =	vst v63  }
0xad: {  	_ =	swait.ge [sflag:s2], $0x2800  }
0xae: {  	[sflag:s2] =	ssyncset.done $0x0  }
0xaf: {  	[sflag:s2] =	ssyncadd.s32 $0xFFFFD800  }
0xb0: {  	_ =	swait.ge [sflag:s25], $0x50  }
0xb1: {  	[sflag:s25] =	ssyncset.done $0x0  }
0xb2: {  	[sflag:s25] =	ssyncadd.s32 $0xFFFFFFB0  }
0xb3: {  	[tilespmem:s28], [sflag:$0x3] =	stream.indirect.gather [hbm4b:s1+s6], $0x80, s16, s6, $0xb8;
	[tilespmem:$0x6000] =	vst v63  }
0xb4: {  	_ =	swait.ge [sflag:s29], $0x2800  }
0xb5: {  	[sflag:s29] =	ssyncset.done $0x0  }
0xb6: {  	s0 =	rddreg [dreg:$0x7];
	[sflag:s29] =	ssyncadd.s32 $0xFFFFD800  }
0xb7: {  	[hbm4b:s0+s3] =	stream.linear.scatter [tilespmem:s26], [sflag:$0x4], $0x2800, $0x38;
	[tilespmem:$0x6000] =	vst v63  }
0xb8: {  	_ =	swait.ge [sflag:s30], $0x2800  }
0xb9: {  	[sflag:s30] =	ssyncset.done $0x0  }
0xba: {  	[sflag:s30] =	ssyncadd.s32 $0xFFFFD800  }
0xbb: {  	_ =	swait.ge [sflag:s25], $0x50  }
0xbc: {  	[sflag:s25] =	ssyncset.done $0x0  }
0xbd: {  	[sflag:s25] =	ssyncadd.s32 $0xFFFFFFB0  }
0xbe: {  	[tilespmem:s26], [sflag:$0x2] =	stream.indirect.gather [hbm4b:s1+s6], $0x80, s18, s6, $0xb8;
	[tilespmem:$0x6000] =	vst v63  }
0xbf: {  	_ =	swait.ge [sflag:s31], $0x2800  }
0xc0: {  	[sflag:s31] =	ssyncset.done $0x0  }
0xc1: {  	s0 =	rddreg [dreg:$0x8];
	[sflag:s31] =	ssyncadd.s32 $0xFFFFD800  }
0xc2: {  	[hbm4b:s0+s3] =	stream.linear.scatter [tilespmem:s28], [sflag:$0x5], $0x2800, $0x38;
	[tilespmem:$0x6000] =	vst v63  }
0xc3: {  	_ =	swait.ge [sflag:s2], $0x2800  }
0xc4: {  	[sflag:s2] =	ssyncset.done $0x0  }
0xc5: {  	[sflag:s2] =	ssyncadd.s32 $0xFFFFD800  }
0xc6: {  	_ =	swait.ge [sflag:s25], $0x50  }
0xc7: {  	[sflag:s25] =	ssyncset.done $0x0  }
0xc8: {  	[sflag:s25] =	ssyncadd.s32 $0xFFFFFFB0  }
0xc9: {  	[tilespmem:s28], [sflag:$0x3] =	stream.indirect.gather [hbm4b:s1+s6], $0x80, s20, s6, $0xb8;
	[tilespmem:$0x6000] =	vst v63  }
0xca: {  	_ =	swait.ge [sflag:s29], $0x2800  }
0xcb: {  	[sflag:s29] =	ssyncset.done $0x0  }
0xcc: {  	s0 =	rddreg [dreg:$0x9];
	[sflag:s29] =	ssyncadd.s32 $0xFFFFD800  }
0xcd: {  	[hbm4b:s0+s3] =	stream.linear.scatter [tilespmem:s26], [sflag:$0x4], $0x2800, $0x38;
	[tilespmem:$0x6000] =	vst v63  }
0xce: {  	_ =	swait.ge [sflag:s30], $0x2800  }
0xcf: {  	[sflag:s30] =	ssyncset.done $0x0  }
0xd0: {  	[sflag:s30] =	ssyncadd.s32 $0xFFFFD800  }
0xd1: {  	_ =	swait.ge [sflag:s25], $0x50  }
0xd2: {  	[sflag:s25] =	ssyncset.done $0x0  }
0xd3: {  	[sflag:s25] =	ssyncadd.s32 $0xFFFFFFB0  }
0xd4: {  	[tilespmem:s26], [sflag:$0x2] =	stream.indirect.gather [hbm4b:s1+s6], $0x80, s22, s6, $0xb8;
	[tilespmem:$0x6000] =	vst v63  }
0xd5: {  	_ =	swait.ge [sflag:s31], $0x2800  }
0xd6: {  	[sflag:s31] =	ssyncset.done $0x0  }
0xd7: {  	s0 =	rddreg [dreg:$0xa];
	[sflag:s31] =	ssyncadd.s32 $0xFFFFD800  }
0xd8: {  	[hbm4b:s0+s3] =	stream.linear.scatter [tilespmem:s28], [sflag:$0x5], $0x2800, $0x38;
	[tilespmem:$0x6000] =	vst v63  }
0xd9: {  	_ =	swait.ge [sflag:s2], $0x2800  }
0xda: {  	[sflag:s2] =	ssyncset.done $0x0  }
0xdb: {  	[sflag:s2] =	ssyncadd.s32 $0xFFFFD800  }
0xdc: {  	_ =	swait.ge [sflag:s25], $0x50  }
0xdd: {  	[sflag:s25] =	ssyncset.done $0x0  }
0xde: {  	[sflag:s25] =	ssyncadd.s32 $0xFFFFFFB0  }
0xdf: {  	[tilespmem:s28], [sflag:$0x3] =	stream.indirect.gather [hbm4b:s1+s6], $0x80, s24, s6, $0xb8;
	[tilespmem:$0x6000] =	vst v63  }
0xe0: {  	_ =	swait.ge [sflag:s29], $0x2800  }
0xe1: {  	[sflag:s29] =	ssyncset.done $0x0  }
0xe2: {  	s0 =	rddreg [dreg:$0xb];
	[sflag:s29] =	ssyncadd.s32 $0xFFFFD800  }
0xe3: {  	[hbm4b:s0+s3] =	stream.linear.scatter [tilespmem:s26], [sflag:$0x4], $0x2800, $0x38;
	[tilespmem:$0x6000] =	vst v63  }
0xe4: {  	_ =	swait.ge [sflag:s31], $0x2800  }
0xe5: {  	[sflag:s31] =	ssyncset.done $0x0  }
0xe6: {  	s0 =	rddreg [dreg:$0xc];
	[sflag:s31] =	ssyncadd.s32 $0xFFFFD800  }
0xe7: {  	[hbm4b:s0+s3] =	stream.linear.scatter [tilespmem:s28], [sflag:$0x5], $0x2800, $0x38;
	[tilespmem:$0x6000] =	vst v63  }
0xe8: {  	s0 =	ssub.s32 $0x2, s4  }
0xe9: {  	s4 =	sshrl.u32 s0, $0x1  }
0xea: {  	s0 =	ssub.s32 s0, s4  }
0xeb: {  	s0 =	smax.u32 s0, $0x1  }
0xec: {  	p0 =	sne.s32 s0, $0x1  }
.Ltmp0:
0xed: {  	_ =	swait.ge [sflag:s30], $0x2800;
	(pc) =	sbr.rel @!p0 .LBB2_2-.Ltmp0, $4  }
0xee: {  	[sflag:s30] =	ssyncset.done $0x0  }
0xef: {  	[sflag:s30] =	ssyncadd.s32 $0xFFFFD800  }
0xf0: {  	_ =	swait.ge [sflag:s2], $0x2800  }
0xf1: {  	s4 =	sadd.s32 $0xFFFFFFFF, s0;
	[sflag:s2] =	ssyncset.done $0x0  }
.LBB2_1:
0xf2: {  	[sflag:s2] =	ssyncadd.s32 $0xFFFFD800  }
0xf3: {  	[tilespmem:$0x20] =	vst v1  }
0xf4: {  	[tilespmem:$0x30] =	vst v2  }
0xf5: {  	[tilespmem:$0x40] =	vst v3  }
0xf6: {  	[tilespmem:$0x80] =	vst v4  }
0xf7: {  	[tilespmem:$0x90] =	vst v5  }
0xf8: {  	[tilespmem:$0xA0] =	vst v6  }
0xf9: {  	[tilespmem:$0xB0] =	vst v7  }
0xfa: {  	[tilespmem:$0xC0] =	vst v8  }
0xfb: {  	[tilespmem:$0x100] =	vst v9  }
0xfc: {  	[tilespmem:$0x110] =	vst v10  }
0xfd: {  	[tilespmem:$0x120] =	vst v11  }
0xfe: {  	[tilespmem:$0x130] =	vst v12  }
0xff: {  	[tilespmem:$0x140] =	vst v13  }
0x100: {  	[tilespmem:$0x180] =	vst v14  }
0x101: {  	[tilespmem:$0x190] =	vst v15  }
0x102: {  	[tilespmem:$0x1A0] =	vst v16  }
0x103: {  	[tilespmem:$0x1B0] =	vst v17  }
0x104: {  	[tilespmem:$0x1C0] =	vst v18  }
0x105: {  	[tilespmem:$0x200] =	vst v19  }
0x106: {  	[tilespmem:$0x210] =	vst v20  }
0x107: {  	[tilespmem:$0x220] =	vst v21  }
0x108: {  	[tilespmem:$0x230] =	vst v22  }
0x109: {  	[tilespmem:$0x240] =	vst v23  }
0x10a: {  	[tilespmem:$0x0] =	vst v0  }
0x10b: {  	[tilespmem:$0x4C0] =	vst v33  }
0x10c: {  	[tilespmem:$0x4B0] =	vst v32  }
0x10d: {  	[tilespmem:$0x4A0] =	vst v34  }
0x10e: {  	[tilespmem:$0x490] =	vst v31  }
0x10f: {  	[tilespmem:$0x480] =	vst v35  }
0x110: {  	[tilespmem:$0x440] =	vst v30  }
0x111: {  	[tilespmem:$0x430] =	vst v36  }
0x112: {  	[tilespmem:$0x420] =	vst v37  }
0x113: {  	[tilespmem:$0x410] =	vst v29  }
0x114: {  	[tilespmem:$0x400] =	vst v38  }
0x115: {  	[tilespmem:$0x3C0] =	vst v39  }
0x116: {  	[tilespmem:$0x3B0] =	vst v28  }
0x117: {  	[tilespmem:$0x3A0] =	vst v40  }
0x118: {  	[tilespmem:$0x390] =	vst v41  }
0x119: {  	[tilespmem:$0x380] =	vst v27  }
0x11a: {  	[tilespmem:$0x340] =	vst v42  }
0x11b: {  	[tilespmem:$0x330] =	vst v43  }
0x11c: {  	[tilespmem:$0x320] =	vst v26  }
0x11d: {  	[tilespmem:$0x310] =	vst v44  }
0x11e: {  	[tilespmem:$0x300] =	vst v45  }
0x11f: {  	[tilespmem:$0x2C0] =	vst v25  }
0x120: {  	[tilespmem:$0x2B0] =	vst v46  }
0x121: {  	[tilespmem:$0x2A0] =	vst v47  }
0x122: {  	[tilespmem:$0x290] =	vst v24  }
0x123: {  	[tilespmem:$0x280] =	vst v48  }
0x124: {  	[tilespmem:$0x10] =	vst v49  }
0x125: {  	[tilespmem:s7], [sflag:$0x1] =	stream.indirect.gather [hbm4b:s5+s6], $0x1, s3, s6, $0xb8;
	[tilespmem:$0x6000] =	vst v63  }
0x126: {  	s0 =	rddreg [dreg:$0xd]  }
0x127: {  	[tilespmem:s8], [sflag:$0x1] =	stream.indirect.gather [hbm4b:s5+s6], $0x1, s0, s6, $0xb8;
	[tilespmem:$0x6000] =	vst v63  }
0x128: {  	_ = 	snop  }
0x129: {  	[tilespmem:s10], [sflag:$0x1] =	stream.indirect.gather [hbm4b:s5+s6], $0x1, s9, s6, $0xb8;
	[tilespmem:$0x6000] =	vst v63  }
0x12a: {  	_ = 	snop  }
0x12b: {  	[tilespmem:s12], [sflag:$0x1] =	stream.indirect.gather [hbm4b:s5+s6], $0x1, s11, s6, $0xb8;
	[tilespmem:$0x6000] =	vst v63  }
0x12c: {  	_ = 	snop  }
0x12d: {  	[tilespmem:s14], [sflag:$0x1] =	stream.indirect.gather [hbm4b:s5+s6], $0x1, s13, s6, $0xb8;
	[tilespmem:$0x6000] =	vst v63  }
0x12e: {  	_ = 	snop  }
0x12f: {  	[tilespmem:s16], [sflag:$0x1] =	stream.indirect.gather [hbm4b:s5+s6], $0x1, s15, s6, $0xb8;
	[tilespmem:$0x6000] =	vst v63  }
0x130: {  	_ = 	snop  }
0x131: {  	[tilespmem:s18], [sflag:$0x1] =	stream.indirect.gather [hbm4b:s5+s6], $0x1, s17, s6, $0xb8;
	[tilespmem:$0x6000] =	vst v63  }
0x132: {  	_ = 	snop  }
0x133: {  	[tilespmem:s20], [sflag:$0x1] =	stream.indirect.gather [hbm4b:s5+s6], $0x1, s19, s6, $0xb8;
	[tilespmem:$0x6000] =	vst v63  }
0x134: {  	_ = 	snop  }
0x135: {  	[tilespmem:s22], [sflag:$0x1] =	stream.indirect.gather [hbm4b:s5+s6], $0x1, s21, s6, $0xb8;
	[tilespmem:$0x6000] =	vst v63  }
0x136: {  	_ = 	snop  }
0x137: {  	[tilespmem:s24], [sflag:$0x1] =	stream.indirect.gather [hbm4b:s5+s6], $0x1, s23, s6, $0xb8;
	[tilespmem:$0x6000] =	vst v63  }
0x138: {  	_ =	swait.ge [sflag:s25], $0x50  }
0x139: {  	[sflag:s25] =	ssyncset.done $0x0  }
0x13a: {  	[sflag:s25] =	ssyncadd.s32 $0xFFFFFFB0  }
0x13b: {  	[tilespmem:s26], [sflag:$0x2] =	stream.indirect.gather [hbm4b:s1+s6], $0x80, s7, s6, $0xb8;
	[tilespmem:$0x6000] =	vst v63  }
0x13c: {  	_ =	swait.ge [sflag:s25], $0x50  }
0x13d: {  	[sflag:s25] =	ssyncset.done $0x0  }
0x13e: {  	[sflag:s25] =	ssyncadd.s32 $0xFFFFFFB0  }
0x13f: {  	[tilespmem:s28], [sflag:$0x3] =	stream.indirect.gather [hbm4b:s1+s6], $0x80, s8, s6, $0xb8;
	[tilespmem:$0x6000] =	vst v63  }
0x140: {  	_ =	swait.ge [sflag:s29], $0x2800  }
0x141: {  	[sflag:s29] =	ssyncset.done $0x0  }
0x142: {  	s0 =	rddreg [dreg:$0x3];
	[sflag:s29] =	ssyncadd.s32 $0xFFFFD800  }
0x143: {  	[hbm4b:s0+s3] =	stream.linear.scatter [tilespmem:s26], [sflag:$0x4], $0x2800, $0x38;
	[tilespmem:$0x6000] =	vst v63  }
0x144: {  	_ =	swait.ge [sflag:s30], $0x2800  }
0x145: {  	[sflag:s30] =	ssyncset.done $0x0  }
0x146: {  	[sflag:s30] =	ssyncadd.s32 $0xFFFFD800  }
0x147: {  	_ =	swait.ge [sflag:s25], $0x50  }
0x148: {  	[sflag:s25] =	ssyncset.done $0x0  }
0x149: {  	[sflag:s25] =	ssyncadd.s32 $0xFFFFFFB0  }
0x14a: {  	[tilespmem:s26], [sflag:$0x2] =	stream.indirect.gather [hbm4b:s1+s6], $0x80, s10, s6, $0xb8;
	[tilespmem:$0x6000] =	vst v63  }
0x14b: {  	_ =	swait.ge [sflag:s31], $0x2800  }
0x14c: {  	[sflag:s31] =	ssyncset.done $0x0  }
0x14d: {  	s0 =	rddreg [dreg:$0x4];
	[sflag:s31] =	ssyncadd.s32 $0xFFFFD800  }
0x14e: {  	[hbm4b:s0+s3] =	stream.linear.scatter [tilespmem:s28], [sflag:$0x5], $0x2800, $0x38;
	[tilespmem:$0x6000] =	vst v63  }
0x14f: {  	_ =	swait.ge [sflag:s2], $0x2800  }
0x150: {  	[sflag:s2] =	ssyncset.done $0x0  }
0x151: {  	[sflag:s2] =	ssyncadd.s32 $0xFFFFD800  }
0x152: {  	_ =	swait.ge [sflag:s25], $0x50  }
0x153: {  	[sflag:s25] =	ssyncset.done $0x0  }
0x154: {  	[sflag:s25] =	ssyncadd.s32 $0xFFFFFFB0  }
0x155: {  	[tilespmem:s28], [sflag:$0x3] =	stream.indirect.gather [hbm4b:s1+s6], $0x80, s12, s6, $0xb8;
	[tilespmem:$0x6000] =	vst v63  }
0x156: {  	_ =	swait.ge [sflag:s29], $0x2800  }
0x157: {  	[sflag:s29] =	ssyncset.done $0x0  }
0x158: {  	s0 =	rddreg [dreg:$0x5];
	[sflag:s29] =	ssyncadd.s32 $0xFFFFD800  }
0x159: {  	[hbm4b:s0+s3] =	stream.linear.scatter [tilespmem:s26], [sflag:$0x4], $0x2800, $0x38;
	[tilespmem:$0x6000] =	vst v63  }
0x15a: {  	_ =	swait.ge [sflag:s30], $0x2800  }
0x15b: {  	[sflag:s30] =	ssyncset.done $0x0  }
0x15c: {  	[sflag:s30] =	ssyncadd.s32 $0xFFFFD800  }
0x15d: {  	_ =	swait.ge [sflag:s25], $0x50  }
0x15e: {  	[sflag:s25] =	ssyncset.done $0x0  }
0x15f: {  	[sflag:s25] =	ssyncadd.s32 $0xFFFFFFB0  }
0x160: {  	[tilespmem:s26], [sflag:$0x2] =	stream.indirect.gather [hbm4b:s1+s6], $0x80, s14, s6, $0xb8;
	[tilespmem:$0x6000] =	vst v63  }
0x161: {  	_ =	swait.ge [sflag:s31], $0x2800  }
0x162: {  	[sflag:s31] =	ssyncset.done $0x0  }
0x163: {  	s0 =	rddreg [dreg:$0x6];
	[sflag:s31] =	ssyncadd.s32 $0xFFFFD800  }
0x164: {  	[hbm4b:s0+s3] =	stream.linear.scatter [tilespmem:s28], [sflag:$0x5], $0x2800, $0x38;
	[tilespmem:$0x6000] =	vst v63  }
0x165: {  	_ =	swait.ge [sflag:s2], $0x2800  }
0x166: {  	[sflag:s2] =	ssyncset.done $0x0  }
0x167: {  	[sflag:s2] =	ssyncadd.s32 $0xFFFFD800  }
0x168: {  	_ =	swait.ge [sflag:s25], $0x50  }
0x169: {  	[sflag:s25] =	ssyncset.done $0x0  }
0x16a: {  	[sflag:s25] =	ssyncadd.s32 $0xFFFFFFB0  }
0x16b: {  	[tilespmem:s28], [sflag:$0x3] =	stream.indirect.gather [hbm4b:s1+s6], $0x80, s16, s6, $0xb8;
	[tilespmem:$0x6000] =	vst v63  }
0x16c: {  	_ =	swait.ge [sflag:s29], $0x2800  }
0x16d: {  	[sflag:s29] =	ssyncset.done $0x0  }
0x16e: {  	s0 =	rddreg [dreg:$0x7];
	[sflag:s29] =	ssyncadd.s32 $0xFFFFD800  }
0x16f: {  	[hbm4b:s0+s3] =	stream.linear.scatter [tilespmem:s26], [sflag:$0x4], $0x2800, $0x38;
	[tilespmem:$0x6000] =	vst v63  }
0x170: {  	_ =	swait.ge [sflag:s30], $0x2800  }
0x171: {  	[sflag:s30] =	ssyncset.done $0x0  }
0x172: {  	[sflag:s30] =	ssyncadd.s32 $0xFFFFD800  }
0x173: {  	_ =	swait.ge [sflag:s25], $0x50  }
0x174: {  	[sflag:s25] =	ssyncset.done $0x0  }
0x175: {  	[sflag:s25] =	ssyncadd.s32 $0xFFFFFFB0  }
0x176: {  	[tilespmem:s26], [sflag:$0x2] =	stream.indirect.gather [hbm4b:s1+s6], $0x80, s18, s6, $0xb8;
	[tilespmem:$0x6000] =	vst v63  }
0x177: {  	_ =	swait.ge [sflag:s31], $0x2800  }
0x178: {  	[sflag:s31] =	ssyncset.done $0x0  }
0x179: {  	s0 =	rddreg [dreg:$0x8];
	[sflag:s31] =	ssyncadd.s32 $0xFFFFD800  }
0x17a: {  	[hbm4b:s0+s3] =	stream.linear.scatter [tilespmem:s28], [sflag:$0x5], $0x2800, $0x38;
	[tilespmem:$0x6000] =	vst v63  }
0x17b: {  	_ =	swait.ge [sflag:s2], $0x2800  }
0x17c: {  	[sflag:s2] =	ssyncset.done $0x0  }
0x17d: {  	[sflag:s2] =	ssyncadd.s32 $0xFFFFD800  }
0x17e: {  	_ =	swait.ge [sflag:s25], $0x50  }
0x17f: {  	[sflag:s25] =	ssyncset.done $0x0  }
0x180: {  	[sflag:s25] =	ssyncadd.s32 $0xFFFFFFB0  }
0x181: {  	[tilespmem:s28], [sflag:$0x3] =	stream.indirect.gather [hbm4b:s1+s6], $0x80, s20, s6, $0xb8;
	[tilespmem:$0x6000] =	vst v63  }
0x182: {  	_ =	swait.ge [sflag:s29], $0x2800  }
0x183: {  	[sflag:s29] =	ssyncset.done $0x0  }
0x184: {  	s0 =	rddreg [dreg:$0x9];
	[sflag:s29] =	ssyncadd.s32 $0xFFFFD800  }
0x185: {  	[hbm4b:s0+s3] =	stream.linear.scatter [tilespmem:s26], [sflag:$0x4], $0x2800, $0x38;
	[tilespmem:$0x6000] =	vst v63  }
0x186: {  	_ =	swait.ge [sflag:s30], $0x2800  }
0x187: {  	[sflag:s30] =	ssyncset.done $0x0  }
0x188: {  	[sflag:s30] =	ssyncadd.s32 $0xFFFFD800  }
0x189: {  	_ =	swait.ge [sflag:s25], $0x50  }
0x18a: {  	[sflag:s25] =	ssyncset.done $0x0  }
0x18b: {  	[sflag:s25] =	ssyncadd.s32 $0xFFFFFFB0  }
0x18c: {  	[tilespmem:s26], [sflag:$0x2] =	stream.indirect.gather [hbm4b:s1+s6], $0x80, s22, s6, $0xb8;
	[tilespmem:$0x6000] =	vst v63  }
0x18d: {  	_ =	swait.ge [sflag:s31], $0x2800  }
0x18e: {  	[sflag:s31] =	ssyncset.done $0x0  }
0x18f: {  	s0 =	rddreg [dreg:$0xa];
	[sflag:s31] =	ssyncadd.s32 $0xFFFFD800  }
0x190: {  	[hbm4b:s0+s3] =	stream.linear.scatter [tilespmem:s28], [sflag:$0x5], $0x2800, $0x38;
	[tilespmem:$0x6000] =	vst v63  }
0x191: {  	_ =	swait.ge [sflag:s2], $0x2800  }
0x192: {  	[sflag:s2] =	ssyncset.done $0x0  }
0x193: {  	[sflag:s2] =	ssyncadd.s32 $0xFFFFD800  }
0x194: {  	_ =	swait.ge [sflag:s25], $0x50  }
0x195: {  	[sflag:s25] =	ssyncset.done $0x0  }
0x196: {  	[sflag:s25] =	ssyncadd.s32 $0xFFFFFFB0  }
0x197: {  	[tilespmem:s28], [sflag:$0x3] =	stream.indirect.gather [hbm4b:s1+s6], $0x80, s24, s6, $0xb8;
	[tilespmem:$0x6000] =	vst v63  }
0x198: {  	_ =	swait.ge [sflag:s29], $0x2800  }
0x199: {  	[sflag:s29] =	ssyncset.done $0x0  }
0x19a: {  	s0 =	rddreg [dreg:$0xb];
	[sflag:s29] =	ssyncadd.s32 $0xFFFFD800  }
0x19b: {  	[hbm4b:s0+s3] =	stream.linear.scatter [tilespmem:s26], [sflag:$0x4], $0x2800, $0x38;
	[tilespmem:$0x6000] =	vst v63  }
0x19c: {  	_ =	swait.ge [sflag:s31], $0x2800  }
0x19d: {  	[sflag:s31] =	ssyncset.done $0x0  }
0x19e: {  	p0 =	sne.s32 s4, $0x1;
	s0 =	rddreg [dreg:$0xc];
	[sflag:s31] =	ssyncadd.s32 $0xFFFFD800  }
0x19f: {  	[hbm4b:s0+s3] =	stream.linear.scatter [tilespmem:s28], [sflag:$0x5], $0x2800, $0x38;
	[tilespmem:$0x6000] =	vst v63  }
.Ltmp1:
0x1a0: {  	_ =	swait.ge [sflag:s30], $0x2800;
	(pc) =	sbr.rel @p0 .LBB2_1-.Ltmp1, $4  }
0x1a1: {  	[sflag:s30] =	ssyncset.done $0x0  }
0x1a2: {  	[sflag:s30] =	ssyncadd.s32 $0xFFFFD800  }
0x1a3: {  	_ =	swait.ge [sflag:s2], $0x2800  }
0x1a4: {  	s4 =	sadd.s32 $0xFFFFFFFF, s4;
	[sflag:s2] =	ssyncset.done $0x0  }
.LBB2_2:
0x1a5: {  	[sflag:s2] =	ssyncadd.s32 $0xFFFFD800  }
0x1a6: {  	_ =	sfence.sel $0x180000  }
0x1a7: {  	[bflag:$0x0] =	sbarrier.arrive $0xFFFF  }
0x1a8: {  	_ =	strace $0x90000047  }
0x1a9: {  	s0 =	stileid.u32;
	[bflag:$0x2] =	sbarrier.arrive $0xFFFF  }
0x1aa: {  	p0 =	sne.s32 s0, $0x0;
	s0 =	rddreg [dreg:$0x2]  }
0x1ab: {  	s0 =	sadd.s32 @!p0 $0x100000, s0  }
0x1ac: {  	[sflag:s0] =	ssyncadd.tile.s32 @!p0 $0x1;
	_ =	shalt  }
.Lfunc_end2:
_tile_overlayer_lowered:
.L_overlay_start_2:
0x1ad: {  	(tag) =	ssettag $0x2  }
0x1ae: {  	s0 =	rddreg [dreg:$0x0];
	s2 =	stileid.u32  }
0x1af: {  	s1 =	rddreg [dreg:$0x1];
	p0 =	sne.s32 s2, $0x0  }
0x1b0: {  	s3 =	rddreg [dreg:$0x2];
	[bflag:$0x3] =	sbarrier.arrive $0xFFFF;
	s2 =	simm.s32 @!p0 $0x1C06  }
0x1b1: {  	[timem:s3], [sflag:s2] =	dma.local @!p0 [hbm:s0], s1  }
0x1b2: {  	s0 =	simm.s32 @!p0 $0x6  }
0x1b3: {  	_ =	swait.ge @!p0 [sflag:s0], s1  }
0x1b4: {  	s1 =	ssub.s32 @!p0 $0x0, s1;
	[sflag:s0] =	ssyncset.done @!p0 $0x0  }
0x1b5: {  	[sflag:s0] =	ssyncadd.s32 @!p0 s1  }
0x1b6: {  	[bflag:$0x3] =	sbarrier.arrive $0xFFFF  }
0x1b7: {  	_ =	shalt  }

</sc_bundles>
